<compile_context>
chip_gen: v7x
topology: tpu7x:2x2x1
jax: 0.10.2.dev20260603
libtpu: 0.0.44.dev20260713+nightly
codegen_flags: <defaults>
</compile_context>

<pallas_src>
import jax
import jax.numpy as jnp
from jax import lax
from jax.experimental import pallas as pl
from jax.experimental.pallas import tpu as pltpu
from jax.experimental.pallas import tpu_sc as plsc

_NC = 2
_NS = 16
_NW = _NC * _NS
_D = 64
_TC = 10
_BPW = 32
_Q = 4
_QROWS = _BPW * _TC // _Q


def _build(B, T):
    nchunk = T // _TC
    qtot = nchunk * _Q
    rows = _BPW * _TC
    mesh = plsc.VectorSubcoreMesh(
        core_axis_name="c", subcore_axis_name="s",
        num_cores=_NC, num_subcores=_NS)

    def body(idx_hbm, tok_hbm, pos_hbm, out_hbm,
             idx_v, p0, p1, g0, g1, o0, o1, gs0, gs1, os0, os1):
        w = lax.axis_index("s") * _NC + lax.axis_index("c")
        b0 = w * _BPW
        pltpu.sync_copy(idx_hbm.at[w], idx_v)

        gbuf = (g0, g1)
        obuf = (o0, o1)
        pbuf = (p0, p1)
        gsem = (gs0, gs1)
        osem = (os0, os1)

        def start_gather(ct, h):
            for q in range(_Q):
                pltpu.async_copy(
                    tok_hbm.at[idx_v.at[ct * _Q + q]],
                    gbuf[h].at[pl.ds(q * _QROWS, _QROWS)], gsem[h])
            pltpu.async_copy(pos_hbm.at[pl.ds(ct * _TC, _TC)], pbuf[h],
                             gsem[h])

        def wait_gather(ct, h):
            for q in range(_Q):
                pltpu.make_async_copy(
                    tok_hbm.at[idx_v.at[ct * _Q + q]],
                    gbuf[h].at[pl.ds(q * _QROWS, _QROWS)], gsem[h]).wait()
            pltpu.make_async_copy(pos_hbm.at[pl.ds(0, _TC)], pbuf[h],
                                  gsem[h]).wait()

        def start_out(ct, h):
            pltpu.async_copy(
                obuf[h],
                out_hbm.at[pl.ds(ct * _TC, _TC), slice(None), pl.ds(b0, _BPW)],
                osem[h])

        def wait_out(h):
            pltpu.make_async_copy(
                obuf[h],
                out_hbm.at[pl.ds(0, _TC), slice(None), pl.ds(b0, _BPW)],
                osem[h]).wait()

        def compute(ct, h):
            src = gbuf[h]
            dst = obuf[h]
            pv = pbuf[h]
            lanes = lax.iota(jnp.int32, 16)
            for tt in range(_TC):
                r0 = lanes * _TC + tt
                r1 = r0 + 16 * _TC

                @plsc.parallel_loop(0, _D, unroll=4)
                def dloop(d):
                    cols = lax.broadcast_in_dim(d, (16,), ())
                    p = pv[tt, d, pl.ds(0, 16)]
                    dst[tt, d, pl.ds(0, 16)] = p + plsc.load_gather(
                        src, [r0, cols])
                    dst[tt, d, pl.ds(16, 16)] = p + plsc.load_gather(
                        src, [r1, cols])

        start_gather(0, 0)
        start_gather(1, 1)

        def step(g, carry):
            for h in range(2):
                ct = 2 * g + h
                wait_gather(ct, h)

                @pl.when(g >= 1)
                def _():
                    wait_out(h)

                compute(ct, h)

                @pl.when(g < nchunk // 2 - 1)
                def _():
                    start_gather(ct + 2, h)

                start_out(ct, h)
            return carry

        lax.fori_loop(0, nchunk // 2, step, 0)
        wait_out(0)
        wait_out(1)

    return pl.kernel(
        body,
        out_type=jax.ShapeDtypeStruct((T, _D, B), jnp.float32),
        mesh=mesh,
        compiler_params=pltpu.CompilerParams(
            use_tc_tiling_on_sc=False, needs_layout_passes=False),
        scratch_types=[
            pltpu.VMEM((qtot, _QROWS), jnp.int32),
            pltpu.VMEM((_TC, _D, 16), jnp.float32),
            pltpu.VMEM((_TC, _D, 16), jnp.float32),
            pltpu.VMEM((rows, _D), jnp.float32),
            pltpu.VMEM((rows, _D), jnp.float32),
            pltpu.VMEM((_TC, _D, _BPW), jnp.float32),
            pltpu.VMEM((_TC, _D, _BPW), jnp.float32),
            pltpu.SemaphoreType.DMA,
            pltpu.SemaphoreType.DMA,
            pltpu.SemaphoreType.DMA,
            pltpu.SemaphoreType.DMA,
        ],
    )


def kernel(x, token_table, pos_table):
    B, T = x.shape
    _, D = token_table.shape
    xr = (x.astype(jnp.int32)
          .reshape(_NW, _BPW, T // _TC, _TC)
          .transpose(0, 2, 1, 3)
          .reshape(_NW, T // _TC * _Q, _QROWS))
    pos16 = jnp.broadcast_to(pos_table[:, :, None], (T, D, 16))
    out = _build(B, T)(xr, token_table, pos16)
    return out.transpose(2, 0, 1)

# --- scband reference (transcript-rebuilt; emitter-appended) ---
"""Pipeline reference for scband-input-embeddings-12068858102015 (READ-ONLY COPY).

The authoritative reference and input builder live on the scoring server;
editing this copy changes nothing except your own understanding.
"""

import jax, jax.numpy as jnp
import numpy as np

VOCAB = 1000000
EMB = 64
MAX_LEN = 200
B = 1024
T = 200

def setup_inputs(seed: int = 0) -> dict:
    key = jax.random.key(seed)
    k1, k2, k3 = jax.random.split(key, 3)
    x = jax.random.randint(k1, (B, T), 0, VOCAB, dtype=jnp.int64) if jax.config.jax_enable_x64 else jax.random.randint(k1, (B, T), 0, VOCAB, dtype=jnp.int32)
    token_table = jax.random.normal(k2, (VOCAB, EMB), dtype=jnp.float32)
    pos_table = jax.random.normal(k3, (MAX_LEN, EMB), dtype=jnp.float32)
    return {"x": x, "token_table": token_table, "pos_table": pos_table}

def reference(x, token_table, pos_table):
    Bv, Tv = x.shape
    tok_embd = jnp.take(token_table, x, axis=0)          # [B, T, EMB]
    pos_idx = jnp.arange(MAX_LEN)[:Tv]                    # pos_emb_index[:T]
    pos_embd = jnp.take(pos_table, pos_idx, axis=0)       # [T, EMB]
    return tok_embd + pos_embd[None, :, :]

if __name__ == "__main__":
    import jax
    _d = setup_inputs()
    print(jax.jit(kernel)(*tuple(_d.values())))

</pallas_src>

<mosaic_0001>
#map = affine_map<(d0, d1) -> (0, 0, 0)>
#map1 = affine_map<(d0, d1) -> (0, 0)>
module attributes {stable_mosaic.version = 14 : i64} {
  func.func @body(%arg0: i32, %arg1: i32, %arg2: memref<32x80x80xi32, #tpu.memory_space<hbm>>, %arg3: memref<1000000x64xf32, #tpu.memory_space<hbm>>, %arg4: memref<200x64x16xf32, #tpu.memory_space<hbm>>, %arg5: memref<200x64x1024xf32, #tpu.memory_space<hbm>>, %arg6: memref<80x80xi32, #tpu.memory_space<vmem>>, %arg7: memref<10x64x16xf32, #tpu.memory_space<vmem>>, %arg8: memref<10x64x16xf32, #tpu.memory_space<vmem>>, %arg9: memref<320x64xf32, #tpu.memory_space<vmem>>, %arg10: memref<320x64xf32, #tpu.memory_space<vmem>>, %arg11: memref<10x64x32xf32, #tpu.memory_space<vmem>>, %arg12: memref<10x64x32xf32, #tpu.memory_space<vmem>>, %arg13: memref<!tpu.dma_semaphore, #tpu.memory_space<semaphore_mem>>, %arg14: memref<!tpu.dma_semaphore, #tpu.memory_space<semaphore_mem>>, %arg15: memref<!tpu.dma_semaphore, #tpu.memory_space<semaphore_mem>>, %arg16: memref<!tpu.dma_semaphore, #tpu.memory_space<semaphore_mem>>) attributes {dimension_semantics = [#tpu.dimension_semantics<core_parallel>, #tpu.dimension_semantics<subcore_parallel>], iteration_bounds = array<i64: 2, 16>, scalar_prefetch = 0 : i64, scratch_operands = 11 : i64, tpu.core_type = #tpu.core_type<sc_vector_subcore>, window_params = [{transform_indices = #map}, {transform_indices = #map1}, {transform_indices = #map}, {transform_indices = #map}]} {
    %mul3A = arith.constant 2 : i32
    %mul3A_0 = arith.muli %arg1, %mul3A : i32
    %add3A = arith.addi %mul3A_0, %arg0 : i32
    %mul3A_1 = arith.constant 32 : i32
    %mul3A_2 = arith.muli %add3A, %mul3A_1 : i32
    "tpu.region"() ({
      %run_scoped3A = tpu.sem_alloc : memref<!tpu.dma_semaphore, #tpu.memory_space<semaphore_mem>>
      %dma_start3A_114 = arith.constant 0 : i32
      %dma_start3A_115 = arith.constant 0 : i32
      %dma_start3A_116 = tpu.memref_slice %arg2[%add3A, %dma_start3A_114, %dma_start3A_115] : memref<32x80x80xi32, #tpu.memory_space<hbm>> -> memref<1x80x80xi32, #tpu.memory_space<hbm>>
      %dma_start3A_117 = tpu.memref_squeeze %dma_start3A_116 : memref<1x80x80xi32, #tpu.memory_space<hbm>> -> memref<80x80xi32, #tpu.memory_space<hbm>>
      %dma_start3A_118 = arith.constant 0 : i32
      %dma_start3A_119 = arith.constant 0 : i32
      %dma_start3A_120 = tpu.memref_slice %arg2[%add3A, %dma_start3A_118, %dma_start3A_119] : memref<32x80x80xi32, #tpu.memory_space<hbm>> -> memref<1x80x80xi32, #tpu.memory_space<hbm>>
      %dma_start3A_121 = tpu.memref_squeeze %dma_start3A_120 : memref<1x80x80xi32, #tpu.memory_space<hbm>> -> memref<80x80xi32, #tpu.memory_space<hbm>>
      tpu.enqueue_dma source(%dma_start3A_121 : memref<80x80xi32, #tpu.memory_space<hbm>>) target(%arg6 : memref<80x80xi32, #tpu.memory_space<vmem>>) target_semaphore(%run_scoped3A : memref<!tpu.dma_semaphore, #tpu.memory_space<semaphore_mem>>)
      %dma_wait3A_122 = arith.constant 0 : i32
      %dma_wait3A_123 = arith.constant 0 : i32
      %dma_wait3A_124 = tpu.memref_slice %arg2[%add3A, %dma_wait3A_122, %dma_wait3A_123] : memref<32x80x80xi32, #tpu.memory_space<hbm>> -> memref<1x80x80xi32, #tpu.memory_space<hbm>>
      %dma_wait3A_125 = tpu.memref_squeeze %dma_wait3A_124 : memref<1x80x80xi32, #tpu.memory_space<hbm>> -> memref<80x80xi32, #tpu.memory_space<hbm>>
      %dma_wait3A_126 = arith.constant 0 : i32
      %dma_wait3A_127 = arith.constant 0 : i32
      %dma_wait3A_128 = tpu.memref_slice %arg2[%add3A, %dma_wait3A_126, %dma_wait3A_127] : memref<32x80x80xi32, #tpu.memory_space<hbm>> -> memref<1x80x80xi32, #tpu.memory_space<hbm>>
      %dma_wait3A_129 = tpu.memref_squeeze %dma_wait3A_128 : memref<1x80x80xi32, #tpu.memory_space<hbm>> -> memref<80x80xi32, #tpu.memory_space<hbm>>
      tpu.wait_dma2 semaphore(%run_scoped3A : memref<!tpu.dma_semaphore, #tpu.memory_space<semaphore_mem>>) src(%dma_wait3A_129 : memref<80x80xi32, #tpu.memory_space<hbm>>) dst(%arg6 : memref<80x80xi32, #tpu.memory_space<vmem>>)
      tpu.yield
    }) : () -> ()
    %dma_start3A = arith.constant 0 : i32
    %dma_start3A_3 = arith.constant 0 : i32
    %dma_start3A_4 = arith.constant 0 : i32
    %dma_start3A_5 = tpu.memref_slice %arg9[%dma_start3A_3, %dma_start3A_4] : memref<320x64xf32, #tpu.memory_space<vmem>> -> memref<80x64xf32, #tpu.memory_space<vmem>>
    %dma_start3A_6 = arith.constant 0 : i32
    %dma_start3A_7 = tpu.memref_slice %arg6[%dma_start3A, %dma_start3A_6] : memref<80x80xi32, #tpu.memory_space<vmem>> -> memref<1x80xi32, #tpu.memory_space<vmem>>
    %dma_start3A_8 = tpu.memref_squeeze %dma_start3A_7 : memref<1x80xi32, #tpu.memory_space<vmem>> -> memref<80xi32, #tpu.memory_space<vmem>>
    %dma_start3A_9 = arith.constant 0 : i32
    %dma_start3A_10 = arith.constant 0 : i32
    %dma_start3A_11 = tpu.memref_slice %arg3[%dma_start3A_9, %dma_start3A_10] : memref<1000000x64xf32, #tpu.memory_space<hbm>> -> memref<1000000x64xf32, #tpu.memory_space<hbm>>
    tpu.enqueue_indirect_dma source(%dma_start3A_11 : memref<1000000x64xf32, #tpu.memory_space<hbm>>) target(%dma_start3A_5 : memref<80x64xf32, #tpu.memory_space<vmem>>) offsets(%dma_start3A_8 : memref<80xi32, #tpu.memory_space<vmem>>) semaphore(%arg13 : memref<!tpu.dma_semaphore, #tpu.memory_space<semaphore_mem>>)
    %dma_start3A_12 = arith.constant 1 : i32
    %dma_start3A_13 = arith.constant 80 : i32
    %dma_start3A_14 = arith.constant 0 : i32
    %dma_start3A_15 = tpu.memref_slice %arg9[%dma_start3A_13, %dma_start3A_14] : memref<320x64xf32, #tpu.memory_space<vmem>> -> memref<80x64xf32, #tpu.memory_space<vmem>>
    %dma_start3A_16 = arith.constant 0 : i32
    %dma_start3A_17 = tpu.memref_slice %arg6[%dma_start3A_12, %dma_start3A_16] : memref<80x80xi32, #tpu.memory_space<vmem>> -> memref<1x80xi32, #tpu.memory_space<vmem>>
    %dma_start3A_18 = tpu.memref_squeeze %dma_start3A_17 : memref<1x80xi32, #tpu.memory_space<vmem>> -> memref<80xi32, #tpu.memory_space<vmem>>
    %dma_start3A_19 = arith.constant 0 : i32
    %dma_start3A_20 = arith.constant 0 : i32
    %dma_start3A_21 = tpu.memref_slice %arg3[%dma_start3A_19, %dma_start3A_20] : memref<1000000x64xf32, #tpu.memory_space<hbm>> -> memref<1000000x64xf32, #tpu.memory_space<hbm>>
    tpu.enqueue_indirect_dma source(%dma_start3A_21 : memref<1000000x64xf32, #tpu.memory_space<hbm>>) target(%dma_start3A_15 : memref<80x64xf32, #tpu.memory_space<vmem>>) offsets(%dma_start3A_18 : memref<80xi32, #tpu.memory_space<vmem>>) semaphore(%arg13 : memref<!tpu.dma_semaphore, #tpu.memory_space<semaphore_mem>>)
    %dma_start3A_22 = arith.constant 2 : i32
    %dma_start3A_23 = arith.constant 160 : i32
    %dma_start3A_24 = arith.constant 0 : i32
    %dma_start3A_25 = tpu.memref_slice %arg9[%dma_start3A_23, %dma_start3A_24] : memref<320x64xf32, #tpu.memory_space<vmem>> -> memref<80x64xf32, #tpu.memory_space<vmem>>
    %dma_start3A_26 = arith.constant 0 : i32
    %dma_start3A_27 = tpu.memref_slice %arg6[%dma_start3A_22, %dma_start3A_26] : memref<80x80xi32, #tpu.memory_space<vmem>> -> memref<1x80xi32, #tpu.memory_space<vmem>>
    %dma_start3A_28 = tpu.memref_squeeze %dma_start3A_27 : memref<1x80xi32, #tpu.memory_space<vmem>> -> memref<80xi32, #tpu.memory_space<vmem>>
    %dma_start3A_29 = arith.constant 0 : i32
    %dma_start3A_30 = arith.constant 0 : i32
    %dma_start3A_31 = tpu.memref_slice %arg3[%dma_start3A_29, %dma_start3A_30] : memref<1000000x64xf32, #tpu.memory_space<hbm>> -> memref<1000000x64xf32, #tpu.memory_space<hbm>>
    tpu.enqueue_indirect_dma source(%dma_start3A_31 : memref<1000000x64xf32, #tpu.memory_space<hbm>>) target(%dma_start3A_25 : memref<80x64xf32, #tpu.memory_space<vmem>>) offsets(%dma_start3A_28 : memref<80xi32, #tpu.memory_space<vmem>>) semaphore(%arg13 : memref<!tpu.dma_semaphore, #tpu.memory_space<semaphore_mem>>)
    %dma_start3A_32 = arith.constant 3 : i32
    %dma_start3A_33 = arith.constant 240 : i32
    %dma_start3A_34 = arith.constant 0 : i32
    %dma_start3A_35 = tpu.memref_slice %arg9[%dma_start3A_33, %dma_start3A_34] : memref<320x64xf32, #tpu.memory_space<vmem>> -> memref<80x64xf32, #tpu.memory_space<vmem>>
    %dma_start3A_36 = arith.constant 0 : i32
    %dma_start3A_37 = tpu.memref_slice %arg6[%dma_start3A_32, %dma_start3A_36] : memref<80x80xi32, #tpu.memory_space<vmem>> -> memref<1x80xi32, #tpu.memory_space<vmem>>
    %dma_start3A_38 = tpu.memref_squeeze %dma_start3A_37 : memref<1x80xi32, #tpu.memory_space<vmem>> -> memref<80xi32, #tpu.memory_space<vmem>>
    %dma_start3A_39 = arith.constant 0 : i32
    %dma_start3A_40 = arith.constant 0 : i32
    %dma_start3A_41 = tpu.memref_slice %arg3[%dma_start3A_39, %dma_start3A_40] : memref<1000000x64xf32, #tpu.memory_space<hbm>> -> memref<1000000x64xf32, #tpu.memory_space<hbm>>
    tpu.enqueue_indirect_dma source(%dma_start3A_41 : memref<1000000x64xf32, #tpu.memory_space<hbm>>) target(%dma_start3A_35 : memref<80x64xf32, #tpu.memory_space<vmem>>) offsets(%dma_start3A_38 : memref<80xi32, #tpu.memory_space<vmem>>) semaphore(%arg13 : memref<!tpu.dma_semaphore, #tpu.memory_space<semaphore_mem>>)
    %dma_start3A_42 = arith.constant 0 : i32
    %dma_start3A_43 = arith.constant 0 : i32
    %dma_start3A_44 = arith.constant 0 : i32
    %dma_start3A_45 = tpu.memref_slice %arg4[%dma_start3A_42, %dma_start3A_43, %dma_start3A_44] : memref<200x64x16xf32, #tpu.memory_space<hbm>> -> memref<10x64x16xf32, #tpu.memory_space<hbm>>
    %dma_start3A_46 = arith.constant 0 : i32
    %dma_start3A_47 = arith.constant 0 : i32
    %dma_start3A_48 = arith.constant 0 : i32
    %dma_start3A_49 = tpu.memref_slice %arg4[%dma_start3A_46, %dma_start3A_47, %dma_start3A_48] : memref<200x64x16xf32, #tpu.memory_space<hbm>> -> memref<10x64x16xf32, #tpu.memory_space<hbm>>
    tpu.enqueue_dma source(%dma_start3A_49 : memref<10x64x16xf32, #tpu.memory_space<hbm>>) target(%arg7 : memref<10x64x16xf32, #tpu.memory_space<vmem>>) target_semaphore(%arg13 : memref<!tpu.dma_semaphore, #tpu.memory_space<semaphore_mem>>)
    %dma_start3A_50 = arith.constant 4 : i32
    %dma_start3A_51 = arith.constant 0 : i32
    %dma_start3A_52 = arith.constant 0 : i32
    %dma_start3A_53 = tpu.memref_slice %arg10[%dma_start3A_51, %dma_start3A_52] : memref<320x64xf32, #tpu.memory_space<vmem>> -> memref<80x64xf32, #tpu.memory_space<vmem>>
    %dma_start3A_54 = arith.constant 0 : i32
    %dma_start3A_55 = tpu.memref_slice %arg6[%dma_start3A_50, %dma_start3A_54] : memref<80x80xi32, #tpu.memory_space<vmem>> -> memref<1x80xi32, #tpu.memory_space<vmem>>
    %dma_start3A_56 = tpu.memref_squeeze %dma_start3A_55 : memref<1x80xi32, #tpu.memory_space<vmem>> -> memref<80xi32, #tpu.memory_space<vmem>>
    %dma_start3A_57 = arith.constant 0 : i32
    %dma_start3A_58 = arith.constant 0 : i32
    %dma_start3A_59 = tpu.memref_slice %arg3[%dma_start3A_57, %dma_start3A_58] : memref<1000000x64xf32, #tpu.memory_space<hbm>> -> memref<1000000x64xf32, #tpu.memory_space<hbm>>
    tpu.enqueue_indirect_dma source(%dma_start3A_59 : memref<1000000x64xf32, #tpu.memory_space<hbm>>) target(%dma_start3A_53 : memref<80x64xf32, #tpu.memory_space<vmem>>) offsets(%dma_start3A_56 : memref<80xi32, #tpu.memory_space<vmem>>) semaphore(%arg14 : memref<!tpu.dma_semaphore, #tpu.memory_space<semaphore_mem>>)
    %dma_start3A_60 = arith.constant 5 : i32
    %dma_start3A_61 = arith.constant 80 : i32
    %dma_start3A_62 = arith.constant 0 : i32
    %dma_start3A_63 = tpu.memref_slice %arg10[%dma_start3A_61, %dma_start3A_62] : memref<320x64xf32, #tpu.memory_space<vmem>> -> memref<80x64xf32, #tpu.memory_space<vmem>>
    %dma_start3A_64 = arith.constant 0 : i32
    %dma_start3A_65 = tpu.memref_slice %arg6[%dma_start3A_60, %dma_start3A_64] : memref<80x80xi32, #tpu.memory_space<vmem>> -> memref<1x80xi32, #tpu.memory_space<vmem>>
    %dma_start3A_66 = tpu.memref_squeeze %dma_start3A_65 : memref<1x80xi32, #tpu.memory_space<vmem>> -> memref<80xi32, #tpu.memory_space<vmem>>
    %dma_start3A_67 = arith.constant 0 : i32
    %dma_start3A_68 = arith.constant 0 : i32
    %dma_start3A_69 = tpu.memref_slice %arg3[%dma_start3A_67, %dma_start3A_68] : memref<1000000x64xf32, #tpu.memory_space<hbm>> -> memref<1000000x64xf32, #tpu.memory_space<hbm>>
    tpu.enqueue_indirect_dma source(%dma_start3A_69 : memref<1000000x64xf32, #tpu.memory_space<hbm>>) target(%dma_start3A_63 : memref<80x64xf32, #tpu.memory_space<vmem>>) offsets(%dma_start3A_66 : memref<80xi32, #tpu.memory_space<vmem>>) semaphore(%arg14 : memref<!tpu.dma_semaphore, #tpu.memory_space<semaphore_mem>>)
    %dma_start3A_70 = arith.constant 6 : i32
    %dma_start3A_71 = arith.constant 160 : i32
    %dma_start3A_72 = arith.constant 0 : i32
    %dma_start3A_73 = tpu.memref_slice %arg10[%dma_start3A_71, %dma_start3A_72] : memref<320x64xf32, #tpu.memory_space<vmem>> -> memref<80x64xf32, #tpu.memory_space<vmem>>
    %dma_start3A_74 = arith.constant 0 : i32
    %dma_start3A_75 = tpu.memref_slice %arg6[%dma_start3A_70, %dma_start3A_74] : memref<80x80xi32, #tpu.memory_space<vmem>> -> memref<1x80xi32, #tpu.memory_space<vmem>>
    %dma_start3A_76 = tpu.memref_squeeze %dma_start3A_75 : memref<1x80xi32, #tpu.memory_space<vmem>> -> memref<80xi32, #tpu.memory_space<vmem>>
    %dma_start3A_77 = arith.constant 0 : i32
    %dma_start3A_78 = arith.constant 0 : i32
    %dma_start3A_79 = tpu.memref_slice %arg3[%dma_start3A_77, %dma_start3A_78] : memref<1000000x64xf32, #tpu.memory_space<hbm>> -> memref<1000000x64xf32, #tpu.memory_space<hbm>>
    tpu.enqueue_indirect_dma source(%dma_start3A_79 : memref<1000000x64xf32, #tpu.memory_space<hbm>>) target(%dma_start3A_73 : memref<80x64xf32, #tpu.memory_space<vmem>>) offsets(%dma_start3A_76 : memref<80xi32, #tpu.memory_space<vmem>>) semaphore(%arg14 : memref<!tpu.dma_semaphore, #tpu.memory_space<semaphore_mem>>)
    %dma_start3A_80 = arith.constant 7 : i32
    %dma_start3A_81 = arith.constant 240 : i32
    %dma_start3A_82 = arith.constant 0 : i32
    %dma_start3A_83 = tpu.memref_slice %arg10[%dma_start3A_81, %dma_start3A_82] : memref<320x64xf32, #tpu.memory_space<vmem>> -> memref<80x64xf32, #tpu.memory_space<vmem>>
    %dma_start3A_84 = arith.constant 0 : i32
    %dma_start3A_85 = tpu.memref_slice %arg6[%dma_start3A_80, %dma_start3A_84] : memref<80x80xi32, #tpu.memory_space<vmem>> -> memref<1x80xi32, #tpu.memory_space<vmem>>
    %dma_start3A_86 = tpu.memref_squeeze %dma_start3A_85 : memref<1x80xi32, #tpu.memory_space<vmem>> -> memref<80xi32, #tpu.memory_space<vmem>>
    %dma_start3A_87 = arith.constant 0 : i32
    %dma_start3A_88 = arith.constant 0 : i32
    %dma_start3A_89 = tpu.memref_slice %arg3[%dma_start3A_87, %dma_start3A_88] : memref<1000000x64xf32, #tpu.memory_space<hbm>> -> memref<1000000x64xf32, #tpu.memory_space<hbm>>
    tpu.enqueue_indirect_dma source(%dma_start3A_89 : memref<1000000x64xf32, #tpu.memory_space<hbm>>) target(%dma_start3A_83 : memref<80x64xf32, #tpu.memory_space<vmem>>) offsets(%dma_start3A_86 : memref<80xi32, #tpu.memory_space<vmem>>) semaphore(%arg14 : memref<!tpu.dma_semaphore, #tpu.memory_space<semaphore_mem>>)
    %dma_start3A_90 = arith.constant 10 : i32
    %dma_start3A_91 = arith.constant 0 : i32
    %dma_start3A_92 = arith.constant 0 : i32
    %dma_start3A_93 = tpu.memref_slice %arg4[%dma_start3A_90, %dma_start3A_91, %dma_start3A_92] : memref<200x64x16xf32, #tpu.memory_space<hbm>> -> memref<10x64x16xf32, #tpu.memory_space<hbm>>
    %dma_start3A_94 = arith.constant 10 : i32
    %dma_start3A_95 = arith.constant 0 : i32
    %dma_start3A_96 = arith.constant 0 : i32
    %dma_start3A_97 = tpu.memref_slice %arg4[%dma_start3A_94, %dma_start3A_95, %dma_start3A_96] : memref<200x64x16xf32, #tpu.memory_space<hbm>> -> memref<10x64x16xf32, #tpu.memory_space<hbm>>
    tpu.enqueue_dma source(%dma_start3A_97 : memref<10x64x16xf32, #tpu.memory_space<hbm>>) target(%arg8 : memref<10x64x16xf32, #tpu.memory_space<vmem>>) target_semaphore(%arg14 : memref<!tpu.dma_semaphore, #tpu.memory_space<semaphore_mem>>)
    %scan3A = arith.constant 0 : i32
    %scan3A_98 = arith.constant 0 : i32
    %scan3A_99 = arith.constant 10 : i32
    %scan3A_100 = arith.addi %scan3A_98, %scan3A_99 : i32
    %scan3A_101 = arith.constant 1 : i32
    scf.for %scan3A_114 = %scan3A_98 to %scan3A_100 step %scan3A_101  : i32 {
      %mul3A_115 = arith.constant 2 : i32
      %mul3A_116 = arith.muli %mul3A_115, %scan3A_114 : i32
      %add3A_117 = arith.constant 0 : i32
      %add3A_118 = arith.addi %mul3A_116, %add3A_117 : i32
      %mul3A_119 = arith.constant 4 : i32
      %mul3A_120 = arith.muli %add3A_118, %mul3A_119 : i32
      %add3A_121 = arith.constant 0 : i32
      %add3A_122 = arith.addi %mul3A_120, %add3A_121 : i32
      %dma_wait3A_123 = arith.constant 0 : i32
      %dma_wait3A_124 = arith.constant 0 : i32
      %dma_wait3A_125 = tpu.memref_slice %arg9[%dma_wait3A_123, %dma_wait3A_124] : memref<320x64xf32, #tpu.memory_space<vmem>> -> memref<80x64xf32, #tpu.memory_space<vmem>>
      %dma_wait3A_126 = arith.constant 0 : i32
      %dma_wait3A_127 = tpu.memref_slice %arg6[%add3A_122, %dma_wait3A_126] : memref<80x80xi32, #tpu.memory_space<vmem>> -> memref<1x80xi32, #tpu.memory_space<vmem>>
      %dma_wait3A_128 = tpu.memref_squeeze %dma_wait3A_127 : memref<1x80xi32, #tpu.memory_space<vmem>> -> memref<80xi32, #tpu.memory_space<vmem>>
      %dma_wait3A_129 = arith.constant 0 : i32
      %dma_wait3A_130 = arith.constant 0 : i32
      %dma_wait3A_131 = tpu.memref_slice %arg3[%dma_wait3A_129, %dma_wait3A_130] : memref<1000000x64xf32, #tpu.memory_space<hbm>> -> memref<1000000x64xf32, #tpu.memory_space<hbm>>
      tpu.wait_indirect_dma semaphore(%arg13 : memref<!tpu.dma_semaphore, #tpu.memory_space<semaphore_mem>>) src(%dma_wait3A_131 : memref<1000000x64xf32, #tpu.memory_space<hbm>>) dst(%dma_wait3A_125 : memref<80x64xf32, #tpu.memory_space<vmem>>)
      %mul3A_132 = arith.constant 4 : i32
      %mul3A_133 = arith.muli %add3A_118, %mul3A_132 : i32
      %add3A_134 = arith.constant 1 : i32
      %add3A_135 = arith.addi %mul3A_133, %add3A_134 : i32
      %dma_wait3A_136 = arith.constant 80 : i32
      %dma_wait3A_137 = arith.constant 0 : i32
      %dma_wait3A_138 = tpu.memref_slice %arg9[%dma_wait3A_136, %dma_wait3A_137] : memref<320x64xf32, #tpu.memory_space<vmem>> -> memref<80x64xf32, #tpu.memory_space<vmem>>
      %dma_wait3A_139 = arith.constant 0 : i32
      %dma_wait3A_140 = tpu.memref_slice %arg6[%add3A_135, %dma_wait3A_139] : memref<80x80xi32, #tpu.memory_space<vmem>> -> memref<1x80xi32, #tpu.memory_space<vmem>>
      %dma_wait3A_141 = tpu.memref_squeeze %dma_wait3A_140 : memref<1x80xi32, #tpu.memory_space<vmem>> -> memref<80xi32, #tpu.memory_space<vmem>>
      %dma_wait3A_142 = arith.constant 0 : i32
      %dma_wait3A_143 = arith.constant 0 : i32
      %dma_wait3A_144 = tpu.memref_slice %arg3[%dma_wait3A_142, %dma_wait3A_143] : memref<1000000x64xf32, #tpu.memory_space<hbm>> -> memref<1000000x64xf32, #tpu.memory_space<hbm>>
      tpu.wait_indirect_dma semaphore(%arg13 : memref<!tpu.dma_semaphore, #tpu.memory_space<semaphore_mem>>) src(%dma_wait3A_144 : memref<1000000x64xf32, #tpu.memory_space<hbm>>) dst(%dma_wait3A_138 : memref<80x64xf32, #tpu.memory_space<vmem>>)
      %mul3A_145 = arith.constant 4 : i32
      %mul3A_146 = arith.muli %add3A_118, %mul3A_145 : i32
      %add3A_147 = arith.constant 2 : i32
      %add3A_148 = arith.addi %mul3A_146, %add3A_147 : i32
      %dma_wait3A_149 = arith.constant 160 : i32
      %dma_wait3A_150 = arith.constant 0 : i32
      %dma_wait3A_151 = tpu.memref_slice %arg9[%dma_wait3A_149, %dma_wait3A_150] : memref<320x64xf32, #tpu.memory_space<vmem>> -> memref<80x64xf32, #tpu.memory_space<vmem>>
      %dma_wait3A_152 = arith.constant 0 : i32
      %dma_wait3A_153 = tpu.memref_slice %arg6[%add3A_148, %dma_wait3A_152] : memref<80x80xi32, #tpu.memory_space<vmem>> -> memref<1x80xi32, #tpu.memory_space<vmem>>
      %dma_wait3A_154 = tpu.memref_squeeze %dma_wait3A_153 : memref<1x80xi32, #tpu.memory_space<vmem>> -> memref<80xi32, #tpu.memory_space<vmem>>
      %dma_wait3A_155 = arith.constant 0 : i32
      %dma_wait3A_156 = arith.constant 0 : i32
      %dma_wait3A_157 = tpu.memref_slice %arg3[%dma_wait3A_155, %dma_wait3A_156] : memref<1000000x64xf32, #tpu.memory_space<hbm>> -> memref<1000000x64xf32, #tpu.memory_space<hbm>>
      tpu.wait_indirect_dma semaphore(%arg13 : memref<!tpu.dma_semaphore, #tpu.memory_space<semaphore_mem>>) src(%dma_wait3A_157 : memref<1000000x64xf32, #tpu.memory_space<hbm>>) dst(%dma_wait3A_151 : memref<80x64xf32, #tpu.memory_space<vmem>>)
      %mul3A_158 = arith.constant 4 : i32
      %mul3A_159 = arith.muli %add3A_118, %mul3A_158 : i32
      %add3A_160 = arith.constant 3 : i32
      %add3A_161 = arith.addi %mul3A_159, %add3A_160 : i32
      %dma_wait3A_162 = arith.constant 240 : i32
      %dma_wait3A_163 = arith.constant 0 : i32
      %dma_wait3A_164 = tpu.memref_slice %arg9[%dma_wait3A_162, %dma_wait3A_163] : memref<320x64xf32, #tpu.memory_space<vmem>> -> memref<80x64xf32, #tpu.memory_space<vmem>>
      %dma_wait3A_165 = arith.constant 0 : i32
      %dma_wait3A_166 = tpu.memref_slice %arg6[%add3A_161, %dma_wait3A_165] : memref<80x80xi32, #tpu.memory_space<vmem>> -> memref<1x80xi32, #tpu.memory_space<vmem>>
      %dma_wait3A_167 = tpu.memref_squeeze %dma_wait3A_166 : memref<1x80xi32, #tpu.memory_space<vmem>> -> memref<80xi32, #tpu.memory_space<vmem>>
      %dma_wait3A_168 = arith.constant 0 : i32
      %dma_wait3A_169 = arith.constant 0 : i32
      %dma_wait3A_170 = tpu.memref_slice %arg3[%dma_wait3A_168, %dma_wait3A_169] : memref<1000000x64xf32, #tpu.memory_space<hbm>> -> memref<1000000x64xf32, #tpu.memory_space<hbm>>
      tpu.wait_indirect_dma semaphore(%arg13 : memref<!tpu.dma_semaphore, #tpu.memory_space<semaphore_mem>>) src(%dma_wait3A_170 : memref<1000000x64xf32, #tpu.memory_space<hbm>>) dst(%dma_wait3A_164 : memref<80x64xf32, #tpu.memory_space<vmem>>)
      %dma_wait3A_171 = arith.constant 0 : i32
      %dma_wait3A_172 = arith.constant 0 : i32
      %dma_wait3A_173 = arith.constant 0 : i32
      %dma_wait3A_174 = tpu.memref_slice %arg4[%dma_wait3A_171, %dma_wait3A_172, %dma_wait3A_173] : memref<200x64x16xf32, #tpu.memory_space<hbm>> -> memref<10x64x16xf32, #tpu.memory_space<hbm>>
      %dma_wait3A_175 = arith.constant 0 : i32
      %dma_wait3A_176 = arith.constant 0 : i32
      %dma_wait3A_177 = arith.constant 0 : i32
      %dma_wait3A_178 = tpu.memref_slice %arg4[%dma_wait3A_175, %dma_wait3A_176, %dma_wait3A_177] : memref<200x64x16xf32, #tpu.memory_space<hbm>> -> memref<10x64x16xf32, #tpu.memory_space<hbm>>
      tpu.wait_dma2 semaphore(%arg13 : memref<!tpu.dma_semaphore, #tpu.memory_space<semaphore_mem>>) src(%dma_wait3A_178 : memref<10x64x16xf32, #tpu.memory_space<hbm>>) dst(%arg7 : memref<10x64x16xf32, #tpu.memory_space<vmem>>)
      %ge3A = arith.constant 1 : i32
      %ge3A_179 = arith.cmpi sge, %scan3A_114, %ge3A : i32
      %convert_element_type3A = arith.extui %ge3A_179 : i1 to i32
      %cond3A = arith.constant 0 : i32
      %cond3A_180 = arith.cmpi ne, %convert_element_type3A, %cond3A : i32
      scf.if %cond3A_180 {
        %dma_wait3A_511 = arith.constant 0 : i32
        %dma_wait3A_512 = arith.constant 0 : i32
        %dma_wait3A_513 = tpu.memref_slice %arg5[%dma_wait3A_511, %dma_wait3A_512, %mul3A_2] : memref<200x64x1024xf32, #tpu.memory_space<hbm>> -> memref<10x64x32xf32, #tpu.memory_space<hbm>>
        %dma_wait3A_514 = arith.constant 0 : i32
        %dma_wait3A_515 = arith.constant 0 : i32
        %dma_wait3A_516 = tpu.memref_slice %arg5[%dma_wait3A_514, %dma_wait3A_515, %mul3A_2] : memref<200x64x1024xf32, #tpu.memory_space<hbm>> -> memref<10x64x32xf32, #tpu.memory_space<hbm>>
        tpu.wait_dma2 semaphore(%arg15 : memref<!tpu.dma_semaphore, #tpu.memory_space<semaphore_mem>>) src(%arg11 : memref<10x64x32xf32, #tpu.memory_space<vmem>>) dst(%dma_wait3A_516 : memref<10x64x32xf32, #tpu.memory_space<hbm>>)
      } else {
      }
      %iota3A = tpu.iota {dimensions = array<i32: 0>} : vector<16xi32>
      %mul3A_181 = arith.constant 10 : i32
      %mul3A_182 = vector.broadcast %mul3A_181 : i32 to vector<16xi32>
      %mul3A_183 = arith.muli %iota3A, %mul3A_182 : vector<16xi32>
      %add3A_184 = arith.constant 0 : i32
      %add3A_185 = vector.broadcast %add3A_184 : i32 to vector<16xi32>
      %add3A_186 = arith.addi %mul3A_183, %add3A_185 : vector<16xi32>
      %add3A_187 = arith.constant 160 : i32
      %add3A_188 = vector.broadcast %add3A_187 : i32 to vector<16xi32>
      %add3A_189 = arith.addi %add3A_186, %add3A_188 : vector<16xi32>
      %parallel_loop3A = arith.constant 0 : i32
      %parallel_loop3A_190 = arith.constant 64 : i32
      %parallel_loop3A_191 = arith.constant 1 : i32
      scf.for %parallel_loop3A_511 = %parallel_loop3A to %parallel_loop3A_190 step %parallel_loop3A_191  : i32 {
        %parallel_loop3A_512 = vector.broadcast %parallel_loop3A_511 : i32 to vector<16xi32>
        %parallel_loop3A_513 = arith.constant 0 : i32
        %parallel_loop3A_514 = arith.index_cast %parallel_loop3A_513 : i32 to index
        %parallel_loop3A_515 = arith.index_cast %parallel_loop3A_511 : i32 to index
        %parallel_loop3A_516 = arith.constant 0 : index
        %parallel_loop3A_517 = tpu.vector_load %arg7[%parallel_loop3A_514, %parallel_loop3A_515, %parallel_loop3A_516] {strides = array<i32>} : memref<10x64x16xf32, #tpu.memory_space<vmem>>, vector<16xf32>,
        %parallel_loop3A_518 = tpu.vector_load_idx %arg9[%add3A_186, %parallel_loop3A_512] : memref<320x64xf32, #tpu.memory_space<vmem>>[vector<16xi32>, vector<16xi32>], vector<16xf32>,
        %parallel_loop3A_519 = arith.addf %parallel_loop3A_517, %parallel_loop3A_518 : vector<16xf32>
        %parallel_loop3A_520 = arith.constant 0 : i32
        %parallel_loop3A_521 = arith.index_cast %parallel_loop3A_520 : i32 to index
        %parallel_loop3A_522 = arith.index_cast %parallel_loop3A_511 : i32 to index
        %parallel_loop3A_523 = arith.constant 0 : index
        %parallel_loop3A_524 = tpu.vector_load %arg11[%parallel_loop3A_521, %parallel_loop3A_522, %parallel_loop3A_523] {strides = array<i32>} : memref<10x64x32xf32, #tpu.memory_space<vmem>>, vector<16xf32>,
        tpu.vector_store %arg11[%parallel_loop3A_521, %parallel_loop3A_522, %parallel_loop3A_523], %parallel_loop3A_519 {strides = array<i32>} : memref<10x64x32xf32, #tpu.memory_space<vmem>>, vector<16xf32>,
        %parallel_loop3A_525 = tpu.vector_load_idx %arg9[%add3A_189, %parallel_loop3A_512] : memref<320x64xf32, #tpu.memory_space<vmem>>[vector<16xi32>, vector<16xi32>], vector<16xf32>,
        %parallel_loop3A_526 = arith.addf %parallel_loop3A_517, %parallel_loop3A_525 : vector<16xf32>
        %parallel_loop3A_527 = arith.constant 0 : i32
        %parallel_loop3A_528 = arith.index_cast %parallel_loop3A_527 : i32 to index
        %parallel_loop3A_529 = arith.index_cast %parallel_loop3A_511 : i32 to index
        %parallel_loop3A_530 = arith.constant 16 : index
        %parallel_loop3A_531 = tpu.vector_load %arg11[%parallel_loop3A_528, %parallel_loop3A_529, %parallel_loop3A_530] {strides = array<i32>} : memref<10x64x32xf32, #tpu.memory_space<vmem>>, vector<16xf32>,
        tpu.vector_store %arg11[%parallel_loop3A_528, %parallel_loop3A_529, %parallel_loop3A_530], %parallel_loop3A_526 {strides = array<i32>} : memref<10x64x32xf32, #tpu.memory_space<vmem>>, vector<16xf32>,
      } {sc.loop_unroll_factor = 4 : i64, sc.parallel_access}
      %mul3A_192 = arith.constant 10 : i32
      %mul3A_193 = vector.broadcast %mul3A_192 : i32 to vector<16xi32>
      %mul3A_194 = arith.muli %iota3A, %mul3A_193 : vector<16xi32>
      %add3A_195 = arith.constant 1 : i32
      %add3A_196 = vector.broadcast %add3A_195 : i32 to vector<16xi32>
      %add3A_197 = arith.addi %mul3A_194, %add3A_196 : vector<16xi32>
      %add3A_198 = arith.constant 160 : i32
      %add3A_199 = vector.broadcast %add3A_198 : i32 to vector<16xi32>
      %add3A_200 = arith.addi %add3A_197, %add3A_199 : vector<16xi32>
      %parallel_loop3A_201 = arith.constant 0 : i32
      %parallel_loop3A_202 = arith.constant 64 : i32
      %parallel_loop3A_203 = arith.constant 1 : i32
      scf.for %parallel_loop3A_511 = %parallel_loop3A_201 to %parallel_loop3A_202 step %parallel_loop3A_203  : i32 {
        %parallel_loop3A_512 = vector.broadcast %parallel_loop3A_511 : i32 to vector<16xi32>
        %parallel_loop3A_513 = arith.constant 1 : i32
        %parallel_loop3A_514 = arith.index_cast %parallel_loop3A_513 : i32 to index
        %parallel_loop3A_515 = arith.index_cast %parallel_loop3A_511 : i32 to index
        %parallel_loop3A_516 = arith.constant 0 : index
        %parallel_loop3A_517 = tpu.vector_load %arg7[%parallel_loop3A_514, %parallel_loop3A_515, %parallel_loop3A_516] {strides = array<i32>} : memref<10x64x16xf32, #tpu.memory_space<vmem>>, vector<16xf32>,
        %parallel_loop3A_518 = tpu.vector_load_idx %arg9[%add3A_197, %parallel_loop3A_512] : memref<320x64xf32, #tpu.memory_space<vmem>>[vector<16xi32>, vector<16xi32>], vector<16xf32>,
        %parallel_loop3A_519 = arith.addf %parallel_loop3A_517, %parallel_loop3A_518 : vector<16xf32>
        %parallel_loop3A_520 = arith.constant 1 : i32
        %parallel_loop3A_521 = arith.index_cast %parallel_loop3A_520 : i32 to index
        %parallel_loop3A_522 = arith.index_cast %parallel_loop3A_511 : i32 to index
        %parallel_loop3A_523 = arith.constant 0 : index
        %parallel_loop3A_524 = tpu.vector_load %arg11[%parallel_loop3A_521, %parallel_loop3A_522, %parallel_loop3A_523] {strides = array<i32>} : memref<10x64x32xf32, #tpu.memory_space<vmem>>, vector<16xf32>,
        tpu.vector_store %arg11[%parallel_loop3A_521, %parallel_loop3A_522, %parallel_loop3A_523], %parallel_loop3A_519 {strides = array<i32>} : memref<10x64x32xf32, #tpu.memory_space<vmem>>, vector<16xf32>,
        %parallel_loop3A_525 = tpu.vector_load_idx %arg9[%add3A_200, %parallel_loop3A_512] : memref<320x64xf32, #tpu.memory_space<vmem>>[vector<16xi32>, vector<16xi32>], vector<16xf32>,
        %parallel_loop3A_526 = arith.addf %parallel_loop3A_517, %parallel_loop3A_525 : vector<16xf32>
        %parallel_loop3A_527 = arith.constant 1 : i32
        %parallel_loop3A_528 = arith.index_cast %parallel_loop3A_527 : i32 to index
        %parallel_loop3A_529 = arith.index_cast %parallel_loop3A_511 : i32 to index
        %parallel_loop3A_530 = arith.constant 16 : index
        %parallel_loop3A_531 = tpu.vector_load %arg11[%parallel_loop3A_528, %parallel_loop3A_529, %parallel_loop3A_530] {strides = array<i32>} : memref<10x64x32xf32, #tpu.memory_space<vmem>>, vector<16xf32>,
        tpu.vector_store %arg11[%parallel_loop3A_528, %parallel_loop3A_529, %parallel_loop3A_530], %parallel_loop3A_526 {strides = array<i32>} : memref<10x64x32xf32, #tpu.memory_space<vmem>>, vector<16xf32>,
      } {sc.loop_unroll_factor = 4 : i64, sc.parallel_access}
      %mul3A_204 = arith.constant 10 : i32
      %mul3A_205 = vector.broadcast %mul3A_204 : i32 to vector<16xi32>
      %mul3A_206 = arith.muli %iota3A, %mul3A_205 : vector<16xi32>
      %add3A_207 = arith.constant 2 : i32
      %add3A_208 = vector.broadcast %add3A_207 : i32 to vector<16xi32>
      %add3A_209 = arith.addi %mul3A_206, %add3A_208 : vector<16xi32>
      %add3A_210 = arith.constant 160 : i32
      %add3A_211 = vector.broadcast %add3A_210 : i32 to vector<16xi32>
      %add3A_212 = arith.addi %add3A_209, %add3A_211 : vector<16xi32>
      %parallel_loop3A_213 = arith.constant 0 : i32
      %parallel_loop3A_214 = arith.constant 64 : i32
      %parallel_loop3A_215 = arith.constant 1 : i32
      scf.for %parallel_loop3A_511 = %parallel_loop3A_213 to %parallel_loop3A_214 step %parallel_loop3A_215  : i32 {
        %parallel_loop3A_512 = vector.broadcast %parallel_loop3A_511 : i32 to vector<16xi32>
        %parallel_loop3A_513 = arith.constant 2 : i32
        %parallel_loop3A_514 = arith.index_cast %parallel_loop3A_513 : i32 to index
        %parallel_loop3A_515 = arith.index_cast %parallel_loop3A_511 : i32 to index
        %parallel_loop3A_516 = arith.constant 0 : index
        %parallel_loop3A_517 = tpu.vector_load %arg7[%parallel_loop3A_514, %parallel_loop3A_515, %parallel_loop3A_516] {strides = array<i32>} : memref<10x64x16xf32, #tpu.memory_space<vmem>>, vector<16xf32>,
        %parallel_loop3A_518 = tpu.vector_load_idx %arg9[%add3A_209, %parallel_loop3A_512] : memref<320x64xf32, #tpu.memory_space<vmem>>[vector<16xi32>, vector<16xi32>], vector<16xf32>,
        %parallel_loop3A_519 = arith.addf %parallel_loop3A_517, %parallel_loop3A_518 : vector<16xf32>
        %parallel_loop3A_520 = arith.constant 2 : i32
        %parallel_loop3A_521 = arith.index_cast %parallel_loop3A_520 : i32 to index
        %parallel_loop3A_522 = arith.index_cast %parallel_loop3A_511 : i32 to index
        %parallel_loop3A_523 = arith.constant 0 : index
        %parallel_loop3A_524 = tpu.vector_load %arg11[%parallel_loop3A_521, %parallel_loop3A_522, %parallel_loop3A_523] {strides = array<i32>} : memref<10x64x32xf32, #tpu.memory_space<vmem>>, vector<16xf32>,
        tpu.vector_store %arg11[%parallel_loop3A_521, %parallel_loop3A_522, %parallel_loop3A_523], %parallel_loop3A_519 {strides = array<i32>} : memref<10x64x32xf32, #tpu.memory_space<vmem>>, vector<16xf32>,
        %parallel_loop3A_525 = tpu.vector_load_idx %arg9[%add3A_212, %parallel_loop3A_512] : memref<320x64xf32, #tpu.memory_space<vmem>>[vector<16xi32>, vector<16xi32>], vector<16xf32>,
        %parallel_loop3A_526 = arith.addf %parallel_loop3A_517, %parallel_loop3A_525 : vector<16xf32>
        %parallel_loop3A_527 = arith.constant 2 : i32
        %parallel_loop3A_528 = arith.index_cast %parallel_loop3A_527 : i32 to index
        %parallel_loop3A_529 = arith.index_cast %parallel_loop3A_511 : i32 to index
        %parallel_loop3A_530 = arith.constant 16 : index
        %parallel_loop3A_531 = tpu.vector_load %arg11[%parallel_loop3A_528, %parallel_loop3A_529, %parallel_loop3A_530] {strides = array<i32>} : memref<10x64x32xf32, #tpu.memory_space<vmem>>, vector<16xf32>,
        tpu.vector_store %arg11[%parallel_loop3A_528, %parallel_loop3A_529, %parallel_loop3A_530], %parallel_loop3A_526 {strides = array<i32>} : memref<10x64x32xf32, #tpu.memory_space<vmem>>, vector<16xf32>,
      } {sc.loop_unroll_factor = 4 : i64, sc.parallel_access}
      %mul3A_216 = arith.constant 10 : i32
      %mul3A_217 = vector.broadcast %mul3A_216 : i32 to vector<16xi32>
      %mul3A_218 = arith.muli %iota3A, %mul3A_217 : vector<16xi32>
      %add3A_219 = arith.constant 3 : i32
      %add3A_220 = vector.broadcast %add3A_219 : i32 to vector<16xi32>
      %add3A_221 = arith.addi %mul3A_218, %add3A_220 : vector<16xi32>
      %add3A_222 = arith.constant 160 : i32
      %add3A_223 = vector.broadcast %add3A_222 : i32 to vector<16xi32>
      %add3A_224 = arith.addi %add3A_221, %add3A_223 : vector<16xi32>
      %parallel_loop3A_225 = arith.constant 0 : i32
      %parallel_loop3A_226 = arith.constant 64 : i32
      %parallel_loop3A_227 = arith.constant 1 : i32
      scf.for %parallel_loop3A_511 = %parallel_loop3A_225 to %parallel_loop3A_226 step %parallel_loop3A_227  : i32 {
        %parallel_loop3A_512 = vector.broadcast %parallel_loop3A_511 : i32 to vector<16xi32>
        %parallel_loop3A_513 = arith.constant 3 : i32
        %parallel_loop3A_514 = arith.index_cast %parallel_loop3A_513 : i32 to index
        %parallel_loop3A_515 = arith.index_cast %parallel_loop3A_511 : i32 to index
        %parallel_loop3A_516 = arith.constant 0 : index
        %parallel_loop3A_517 = tpu.vector_load %arg7[%parallel_loop3A_514, %parallel_loop3A_515, %parallel_loop3A_516] {strides = array<i32>} : memref<10x64x16xf32, #tpu.memory_space<vmem>>, vector<16xf32>,
        %parallel_loop3A_518 = tpu.vector_load_idx %arg9[%add3A_221, %parallel_loop3A_512] : memref<320x64xf32, #tpu.memory_space<vmem>>[vector<16xi32>, vector<16xi32>], vector<16xf32>,
        %parallel_loop3A_519 = arith.addf %parallel_loop3A_517, %parallel_loop3A_518 : vector<16xf32>
        %parallel_loop3A_520 = arith.constant 3 : i32
        %parallel_loop3A_521 = arith.index_cast %parallel_loop3A_520 : i32 to index
        %parallel_loop3A_522 = arith.index_cast %parallel_loop3A_511 : i32 to index
        %parallel_loop3A_523 = arith.constant 0 : index
        %parallel_loop3A_524 = tpu.vector_load %arg11[%parallel_loop3A_521, %parallel_loop3A_522, %parallel_loop3A_523] {strides = array<i32>} : memref<10x64x32xf32, #tpu.memory_space<vmem>>, vector<16xf32>,
        tpu.vector_store %arg11[%parallel_loop3A_521, %parallel_loop3A_522, %parallel_loop3A_523], %parallel_loop3A_519 {strides = array<i32>} : memref<10x64x32xf32, #tpu.memory_space<vmem>>, vector<16xf32>,
        %parallel_loop3A_525 = tpu.vector_load_idx %arg9[%add3A_224, %parallel_loop3A_512] : memref<320x64xf32, #tpu.memory_space<vmem>>[vector<16xi32>, vector<16xi32>], vector<16xf32>,
        %parallel_loop3A_526 = arith.addf %parallel_loop3A_517, %parallel_loop3A_525 : vector<16xf32>
        %parallel_loop3A_527 = arith.constant 3 : i32
        %parallel_loop3A_528 = arith.index_cast %parallel_loop3A_527 : i32 to index
        %parallel_loop3A_529 = arith.index_cast %parallel_loop3A_511 : i32 to index
        %parallel_loop3A_530 = arith.constant 16 : index
        %parallel_loop3A_531 = tpu.vector_load %arg11[%parallel_loop3A_528, %parallel_loop3A_529, %parallel_loop3A_530] {strides = array<i32>} : memref<10x64x32xf32, #tpu.memory_space<vmem>>, vector<16xf32>,
        tpu.vector_store %arg11[%parallel_loop3A_528, %parallel_loop3A_529, %parallel_loop3A_530], %parallel_loop3A_526 {strides = array<i32>} : memref<10x64x32xf32, #tpu.memory_space<vmem>>, vector<16xf32>,
      } {sc.loop_unroll_factor = 4 : i64, sc.parallel_access}
      %mul3A_228 = arith.constant 10 : i32
      %mul3A_229 = vector.broadcast %mul3A_228 : i32 to vector<16xi32>
      %mul3A_230 = arith.muli %iota3A, %mul3A_229 : vector<16xi32>
      %add3A_231 = arith.constant 4 : i32
      %add3A_232 = vector.broadcast %add3A_231 : i32 to vector<16xi32>
      %add3A_233 = arith.addi %mul3A_230, %add3A_232 : vector<16xi32>
      %add3A_234 = arith.constant 160 : i32
      %add3A_235 = vector.broadcast %add3A_234 : i32 to vector<16xi32>
      %add3A_236 = arith.addi %add3A_233, %add3A_235 : vector<16xi32>
      %parallel_loop3A_237 = arith.constant 0 : i32
      %parallel_loop3A_238 = arith.constant 64 : i32
      %parallel_loop3A_239 = arith.constant 1 : i32
      scf.for %parallel_loop3A_511 = %parallel_loop3A_237 to %parallel_loop3A_238 step %parallel_loop3A_239  : i32 {
        %parallel_loop3A_512 = vector.broadcast %parallel_loop3A_511 : i32 to vector<16xi32>
        %parallel_loop3A_513 = arith.constant 4 : i32
        %parallel_loop3A_514 = arith.index_cast %parallel_loop3A_513 : i32 to index
        %parallel_loop3A_515 = arith.index_cast %parallel_loop3A_511 : i32 to index
        %parallel_loop3A_516 = arith.constant 0 : index
        %parallel_loop3A_517 = tpu.vector_load %arg7[%parallel_loop3A_514, %parallel_loop3A_515, %parallel_loop3A_516] {strides = array<i32>} : memref<10x64x16xf32, #tpu.memory_space<vmem>>, vector<16xf32>,
        %parallel_loop3A_518 = tpu.vector_load_idx %arg9[%add3A_233, %parallel_loop3A_512] : memref<320x64xf32, #tpu.memory_space<vmem>>[vector<16xi32>, vector<16xi32>], vector<16xf32>,
        %parallel_loop3A_519 = arith.addf %parallel_loop3A_517, %parallel_loop3A_518 : vector<16xf32>
        %parallel_loop3A_520 = arith.constant 4 : i32
        %parallel_loop3A_521 = arith.index_cast %parallel_loop3A_520 : i32 to index
        %parallel_loop3A_522 = arith.index_cast %parallel_loop3A_511 : i32 to index
        %parallel_loop3A_523 = arith.constant 0 : index
        %parallel_loop3A_524 = tpu.vector_load %arg11[%parallel_loop3A_521, %parallel_loop3A_522, %parallel_loop3A_523] {strides = array<i32>} : memref<10x64x32xf32, #tpu.memory_space<vmem>>, vector<16xf32>,
        tpu.vector_store %arg11[%parallel_loop3A_521, %parallel_loop3A_522, %parallel_loop3A_523], %parallel_loop3A_519 {strides = array<i32>} : memref<10x64x32xf32, #tpu.memory_space<vmem>>, vector<16xf32>,
        %parallel_loop3A_525 = tpu.vector_load_idx %arg9[%add3A_236, %parallel_loop3A_512] : memref<320x64xf32, #tpu.memory_space<vmem>>[vector<16xi32>, vector<16xi32>], vector<16xf32>,
        %parallel_loop3A_526 = arith.addf %parallel_loop3A_517, %parallel_loop3A_525 : vector<16xf32>
        %parallel_loop3A_527 = arith.constant 4 : i32
        %parallel_loop3A_528 = arith.index_cast %parallel_loop3A_527 : i32 to index
        %parallel_loop3A_529 = arith.index_cast %parallel_loop3A_511 : i32 to index
        %parallel_loop3A_530 = arith.constant 16 : index
        %parallel_loop3A_531 = tpu.vector_load %arg11[%parallel_loop3A_528, %parallel_loop3A_529, %parallel_loop3A_530] {strides = array<i32>} : memref<10x64x32xf32, #tpu.memory_space<vmem>>, vector<16xf32>,
        tpu.vector_store %arg11[%parallel_loop3A_528, %parallel_loop3A_529, %parallel_loop3A_530], %parallel_loop3A_526 {strides = array<i32>} : memref<10x64x32xf32, #tpu.memory_space<vmem>>, vector<16xf32>,
      } {sc.loop_unroll_factor = 4 : i64, sc.parallel_access}
      %mul3A_240 = arith.constant 10 : i32
      %mul3A_241 = vector.broadcast %mul3A_240 : i32 to vector<16xi32>
      %mul3A_242 = arith.muli %iota3A, %mul3A_241 : vector<16xi32>
      %add3A_243 = arith.constant 5 : i32
      %add3A_244 = vector.broadcast %add3A_243 : i32 to vector<16xi32>
      %add3A_245 = arith.addi %mul3A_242, %add3A_244 : vector<16xi32>
      %add3A_246 = arith.constant 160 : i32
      %add3A_247 = vector.broadcast %add3A_246 : i32 to vector<16xi32>
      %add3A_248 = arith.addi %add3A_245, %add3A_247 : vector<16xi32>
      %parallel_loop3A_249 = arith.constant 0 : i32
      %parallel_loop3A_250 = arith.constant 64 : i32
      %parallel_loop3A_251 = arith.constant 1 : i32
      scf.for %parallel_loop3A_511 = %parallel_loop3A_249 to %parallel_loop3A_250 step %parallel_loop3A_251  : i32 {
        %parallel_loop3A_512 = vector.broadcast %parallel_loop3A_511 : i32 to vector<16xi32>
        %parallel_loop3A_513 = arith.constant 5 : i32
        %parallel_loop3A_514 = arith.index_cast %parallel_loop3A_513 : i32 to index
        %parallel_loop3A_515 = arith.index_cast %parallel_loop3A_511 : i32 to index
        %parallel_loop3A_516 = arith.constant 0 : index
        %parallel_loop3A_517 = tpu.vector_load %arg7[%parallel_loop3A_514, %parallel_loop3A_515, %parallel_loop3A_516] {strides = array<i32>} : memref<10x64x16xf32, #tpu.memory_space<vmem>>, vector<16xf32>,
        %parallel_loop3A_518 = tpu.vector_load_idx %arg9[%add3A_245, %parallel_loop3A_512] : memref<320x64xf32, #tpu.memory_space<vmem>>[vector<16xi32>, vector<16xi32>], vector<16xf32>,
        %parallel_loop3A_519 = arith.addf %parallel_loop3A_517, %parallel_loop3A_518 : vector<16xf32>
        %parallel_loop3A_520 = arith.constant 5 : i32
        %parallel_loop3A_521 = arith.index_cast %parallel_loop3A_520 : i32 to index
        %parallel_loop3A_522 = arith.index_cast %parallel_loop3A_511 : i32 to index
        %parallel_loop3A_523 = arith.constant 0 : index
        %parallel_loop3A_524 = tpu.vector_load %arg11[%parallel_loop3A_521, %parallel_loop3A_522, %parallel_loop3A_523] {strides = array<i32>} : memref<10x64x32xf32, #tpu.memory_space<vmem>>, vector<16xf32>,
        tpu.vector_store %arg11[%parallel_loop3A_521, %parallel_loop3A_522, %parallel_loop3A_523], %parallel_loop3A_519 {strides = array<i32>} : memref<10x64x32xf32, #tpu.memory_space<vmem>>, vector<16xf32>,
        %parallel_loop3A_525 = tpu.vector_load_idx %arg9[%add3A_248, %parallel_loop3A_512] : memref<320x64xf32, #tpu.memory_space<vmem>>[vector<16xi32>, vector<16xi32>], vector<16xf32>,
        %parallel_loop3A_526 = arith.addf %parallel_loop3A_517, %parallel_loop3A_525 : vector<16xf32>
        %parallel_loop3A_527 = arith.constant 5 : i32
        %parallel_loop3A_528 = arith.index_cast %parallel_loop3A_527 : i32 to index
        %parallel_loop3A_529 = arith.index_cast %parallel_loop3A_511 : i32 to index
        %parallel_loop3A_530 = arith.constant 16 : index
        %parallel_loop3A_531 = tpu.vector_load %arg11[%parallel_loop3A_528, %parallel_loop3A_529, %parallel_loop3A_530] {strides = array<i32>} : memref<10x64x32xf32, #tpu.memory_space<vmem>>, vector<16xf32>,
        tpu.vector_store %arg11[%parallel_loop3A_528, %parallel_loop3A_529, %parallel_loop3A_530], %parallel_loop3A_526 {strides = array<i32>} : memref<10x64x32xf32, #tpu.memory_space<vmem>>, vector<16xf32>,
      } {sc.loop_unroll_factor = 4 : i64, sc.parallel_access}
      %mul3A_252 = arith.constant 10 : i32
      %mul3A_253 = vector.broadcast %mul3A_252 : i32 to vector<16xi32>
      %mul3A_254 = arith.muli %iota3A, %mul3A_253 : vector<16xi32>
      %add3A_255 = arith.constant 6 : i32
      %add3A_256 = vector.broadcast %add3A_255 : i32 to vector<16xi32>
      %add3A_257 = arith.addi %mul3A_254, %add3A_256 : vector<16xi32>
      %add3A_258 = arith.constant 160 : i32
      %add3A_259 = vector.broadcast %add3A_258 : i32 to vector<16xi32>
      %add3A_260 = arith.addi %add3A_257, %add3A_259 : vector<16xi32>
      %parallel_loop3A_261 = arith.constant 0 : i32
      %parallel_loop3A_262 = arith.constant 64 : i32
      %parallel_loop3A_263 = arith.constant 1 : i32
      scf.for %parallel_loop3A_511 = %parallel_loop3A_261 to %parallel_loop3A_262 step %parallel_loop3A_263  : i32 {
        %parallel_loop3A_512 = vector.broadcast %parallel_loop3A_511 : i32 to vector<16xi32>
        %parallel_loop3A_513 = arith.constant 6 : i32
        %parallel_loop3A_514 = arith.index_cast %parallel_loop3A_513 : i32 to index
        %parallel_loop3A_515 = arith.index_cast %parallel_loop3A_511 : i32 to index
        %parallel_loop3A_516 = arith.constant 0 : index
        %parallel_loop3A_517 = tpu.vector_load %arg7[%parallel_loop3A_514, %parallel_loop3A_515, %parallel_loop3A_516] {strides = array<i32>} : memref<10x64x16xf32, #tpu.memory_space<vmem>>, vector<16xf32>,
        %parallel_loop3A_518 = tpu.vector_load_idx %arg9[%add3A_257, %parallel_loop3A_512] : memref<320x64xf32, #tpu.memory_space<vmem>>[vector<16xi32>, vector<16xi32>], vector<16xf32>,
        %parallel_loop3A_519 = arith.addf %parallel_loop3A_517, %parallel_loop3A_518 : vector<16xf32>
        %parallel_loop3A_520 = arith.constant 6 : i32
        %parallel_loop3A_521 = arith.index_cast %parallel_loop3A_520 : i32 to index
        %parallel_loop3A_522 = arith.index_cast %parallel_loop3A_511 : i32 to index
        %parallel_loop3A_523 = arith.constant 0 : index
        %parallel_loop3A_524 = tpu.vector_load %arg11[%parallel_loop3A_521, %parallel_loop3A_522, %parallel_loop3A_523] {strides = array<i32>} : memref<10x64x32xf32, #tpu.memory_space<vmem>>, vector<16xf32>,
        tpu.vector_store %arg11[%parallel_loop3A_521, %parallel_loop3A_522, %parallel_loop3A_523], %parallel_loop3A_519 {strides = array<i32>} : memref<10x64x32xf32, #tpu.memory_space<vmem>>, vector<16xf32>,
        %parallel_loop3A_525 = tpu.vector_load_idx %arg9[%add3A_260, %parallel_loop3A_512] : memref<320x64xf32, #tpu.memory_space<vmem>>[vector<16xi32>, vector<16xi32>], vector<16xf32>,
        %parallel_loop3A_526 = arith.addf %parallel_loop3A_517, %parallel_loop3A_525 : vector<16xf32>
        %parallel_loop3A_527 = arith.constant 6 : i32
        %parallel_loop3A_528 = arith.index_cast %parallel_loop3A_527 : i32 to index
        %parallel_loop3A_529 = arith.index_cast %parallel_loop3A_511 : i32 to index
        %parallel_loop3A_530 = arith.constant 16 : index
        %parallel_loop3A_531 = tpu.vector_load %arg11[%parallel_loop3A_528, %parallel_loop3A_529, %parallel_loop3A_530] {strides = array<i32>} : memref<10x64x32xf32, #tpu.memory_space<vmem>>, vector<16xf32>,
        tpu.vector_store %arg11[%parallel_loop3A_528, %parallel_loop3A_529, %parallel_loop3A_530], %parallel_loop3A_526 {strides = array<i32>} : memref<10x64x32xf32, #tpu.memory_space<vmem>>, vector<16xf32>,
      } {sc.loop_unroll_factor = 4 : i64, sc.parallel_access}
      %mul3A_264 = arith.constant 10 : i32
      %mul3A_265 = vector.broadcast %mul3A_264 : i32 to vector<16xi32>
      %mul3A_266 = arith.muli %iota3A, %mul3A_265 : vector<16xi32>
      %add3A_267 = arith.constant 7 : i32
      %add3A_268 = vector.broadcast %add3A_267 : i32 to vector<16xi32>
      %add3A_269 = arith.addi %mul3A_266, %add3A_268 : vector<16xi32>
      %add3A_270 = arith.constant 160 : i32
      %add3A_271 = vector.broadcast %add3A_270 : i32 to vector<16xi32>
      %add3A_272 = arith.addi %add3A_269, %add3A_271 : vector<16xi32>
      %parallel_loop3A_273 = arith.constant 0 : i32
      %parallel_loop3A_274 = arith.constant 64 : i32
      %parallel_loop3A_275 = arith.constant 1 : i32
      scf.for %parallel_loop3A_511 = %parallel_loop3A_273 to %parallel_loop3A_274 step %parallel_loop3A_275  : i32 {
        %parallel_loop3A_512 = vector.broadcast %parallel_loop3A_511 : i32 to vector<16xi32>
        %parallel_loop3A_513 = arith.constant 7 : i32
        %parallel_loop3A_514 = arith.index_cast %parallel_loop3A_513 : i32 to index
        %parallel_loop3A_515 = arith.index_cast %parallel_loop3A_511 : i32 to index
        %parallel_loop3A_516 = arith.constant 0 : index
        %parallel_loop3A_517 = tpu.vector_load %arg7[%parallel_loop3A_514, %parallel_loop3A_515, %parallel_loop3A_516] {strides = array<i32>} : memref<10x64x16xf32, #tpu.memory_space<vmem>>, vector<16xf32>,
        %parallel_loop3A_518 = tpu.vector_load_idx %arg9[%add3A_269, %parallel_loop3A_512] : memref<320x64xf32, #tpu.memory_space<vmem>>[vector<16xi32>, vector<16xi32>], vector<16xf32>,
        %parallel_loop3A_519 = arith.addf %parallel_loop3A_517, %parallel_loop3A_518 : vector<16xf32>
        %parallel_loop3A_520 = arith.constant 7 : i32
        %parallel_loop3A_521 = arith.index_cast %parallel_loop3A_520 : i32 to index
        %parallel_loop3A_522 = arith.index_cast %parallel_loop3A_511 : i32 to index
        %parallel_loop3A_523 = arith.constant 0 : index
        %parallel_loop3A_524 = tpu.vector_load %arg11[%parallel_loop3A_521, %parallel_loop3A_522, %parallel_loop3A_523] {strides = array<i32>} : memref<10x64x32xf32, #tpu.memory_space<vmem>>, vector<16xf32>,
        tpu.vector_store %arg11[%parallel_loop3A_521, %parallel_loop3A_522, %parallel_loop3A_523], %parallel_loop3A_519 {strides = array<i32>} : memref<10x64x32xf32, #tpu.memory_space<vmem>>, vector<16xf32>,
        %parallel_loop3A_525 = tpu.vector_load_idx %arg9[%add3A_272, %parallel_loop3A_512] : memref<320x64xf32, #tpu.memory_space<vmem>>[vector<16xi32>, vector<16xi32>], vector<16xf32>,
        %parallel_loop3A_526 = arith.addf %parallel_loop3A_517, %parallel_loop3A_525 : vector<16xf32>
        %parallel_loop3A_527 = arith.constant 7 : i32
        %parallel_loop3A_528 = arith.index_cast %parallel_loop3A_527 : i32 to index
        %parallel_loop3A_529 = arith.index_cast %parallel_loop3A_511 : i32 to index
        %parallel_loop3A_530 = arith.constant 16 : index
        %parallel_loop3A_531 = tpu.vector_load %arg11[%parallel_loop3A_528, %parallel_loop3A_529, %parallel_loop3A_530] {strides = array<i32>} : memref<10x64x32xf32, #tpu.memory_space<vmem>>, vector<16xf32>,
        tpu.vector_store %arg11[%parallel_loop3A_528, %parallel_loop3A_529, %parallel_loop3A_530], %parallel_loop3A_526 {strides = array<i32>} : memref<10x64x32xf32, #tpu.memory_space<vmem>>, vector<16xf32>,
      } {sc.loop_unroll_factor = 4 : i64, sc.parallel_access}
      %mul3A_276 = arith.constant 10 : i32
      %mul3A_277 = vector.broadcast %mul3A_276 : i32 to vector<16xi32>
      %mul3A_278 = arith.muli %iota3A, %mul3A_277 : vector<16xi32>
      %add3A_279 = arith.constant 8 : i32
      %add3A_280 = vector.broadcast %add3A_279 : i32 to vector<16xi32>
      %add3A_281 = arith.addi %mul3A_278, %add3A_280 : vector<16xi32>
      %add3A_282 = arith.constant 160 : i32
      %add3A_283 = vector.broadcast %add3A_282 : i32 to vector<16xi32>
      %add3A_284 = arith.addi %add3A_281, %add3A_283 : vector<16xi32>
      %parallel_loop3A_285 = arith.constant 0 : i32
      %parallel_loop3A_286 = arith.constant 64 : i32
      %parallel_loop3A_287 = arith.constant 1 : i32
      scf.for %parallel_loop3A_511 = %parallel_loop3A_285 to %parallel_loop3A_286 step %parallel_loop3A_287  : i32 {
        %parallel_loop3A_512 = vector.broadcast %parallel_loop3A_511 : i32 to vector<16xi32>
        %parallel_loop3A_513 = arith.constant 8 : i32
        %parallel_loop3A_514 = arith.index_cast %parallel_loop3A_513 : i32 to index
        %parallel_loop3A_515 = arith.index_cast %parallel_loop3A_511 : i32 to index
        %parallel_loop3A_516 = arith.constant 0 : index
        %parallel_loop3A_517 = tpu.vector_load %arg7[%parallel_loop3A_514, %parallel_loop3A_515, %parallel_loop3A_516] {strides = array<i32>} : memref<10x64x16xf32, #tpu.memory_space<vmem>>, vector<16xf32>,
        %parallel_loop3A_518 = tpu.vector_load_idx %arg9[%add3A_281, %parallel_loop3A_512] : memref<320x64xf32, #tpu.memory_space<vmem>>[vector<16xi32>, vector<16xi32>], vector<16xf32>,
        %parallel_loop3A_519 = arith.addf %parallel_loop3A_517, %parallel_loop3A_518 : vector<16xf32>
        %parallel_loop3A_520 = arith.constant 8 : i32
        %parallel_loop3A_521 = arith.index_cast %parallel_loop3A_520 : i32 to index
        %parallel_loop3A_522 = arith.index_cast %parallel_loop3A_511 : i32 to index
        %parallel_loop3A_523 = arith.constant 0 : index
        %parallel_loop3A_524 = tpu.vector_load %arg11[%parallel_loop3A_521, %parallel_loop3A_522, %parallel_loop3A_523] {strides = array<i32>} : memref<10x64x32xf32, #tpu.memory_space<vmem>>, vector<16xf32>,
        tpu.vector_store %arg11[%parallel_loop3A_521, %parallel_loop3A_522, %parallel_loop3A_523], %parallel_loop3A_519 {strides = array<i32>} : memref<10x64x32xf32, #tpu.memory_space<vmem>>, vector<16xf32>,
        %parallel_loop3A_525 = tpu.vector_load_idx %arg9[%add3A_284, %parallel_loop3A_512] : memref<320x64xf32, #tpu.memory_space<vmem>>[vector<16xi32>, vector<16xi32>], vector<16xf32>,
        %parallel_loop3A_526 = arith.addf %parallel_loop3A_517, %parallel_loop3A_525 : vector<16xf32>
        %parallel_loop3A_527 = arith.constant 8 : i32
        %parallel_loop3A_528 = arith.index_cast %parallel_loop3A_527 : i32 to index
        %parallel_loop3A_529 = arith.index_cast %parallel_loop3A_511 : i32 to index
        %parallel_loop3A_530 = arith.constant 16 : index
        %parallel_loop3A_531 = tpu.vector_load %arg11[%parallel_loop3A_528, %parallel_loop3A_529, %parallel_loop3A_530] {strides = array<i32>} : memref<10x64x32xf32, #tpu.memory_space<vmem>>, vector<16xf32>,
        tpu.vector_store %arg11[%parallel_loop3A_528, %parallel_loop3A_529, %parallel_loop3A_530], %parallel_loop3A_526 {strides = array<i32>} : memref<10x64x32xf32, #tpu.memory_space<vmem>>, vector<16xf32>,
      } {sc.loop_unroll_factor = 4 : i64, sc.parallel_access}
      %mul3A_288 = arith.constant 10 : i32
      %mul3A_289 = vector.broadcast %mul3A_288 : i32 to vector<16xi32>
      %mul3A_290 = arith.muli %iota3A, %mul3A_289 : vector<16xi32>
      %add3A_291 = arith.constant 9 : i32
      %add3A_292 = vector.broadcast %add3A_291 : i32 to vector<16xi32>
      %add3A_293 = arith.addi %mul3A_290, %add3A_292 : vector<16xi32>
      %add3A_294 = arith.constant 160 : i32
      %add3A_295 = vector.broadcast %add3A_294 : i32 to vector<16xi32>
      %add3A_296 = arith.addi %add3A_293, %add3A_295 : vector<16xi32>
      %parallel_loop3A_297 = arith.constant 0 : i32
      %parallel_loop3A_298 = arith.constant 64 : i32
      %parallel_loop3A_299 = arith.constant 1 : i32
      scf.for %parallel_loop3A_511 = %parallel_loop3A_297 to %parallel_loop3A_298 step %parallel_loop3A_299  : i32 {
        %parallel_loop3A_512 = vector.broadcast %parallel_loop3A_511 : i32 to vector<16xi32>
        %parallel_loop3A_513 = arith.constant 9 : i32
        %parallel_loop3A_514 = arith.index_cast %parallel_loop3A_513 : i32 to index
        %parallel_loop3A_515 = arith.index_cast %parallel_loop3A_511 : i32 to index
        %parallel_loop3A_516 = arith.constant 0 : index
        %parallel_loop3A_517 = tpu.vector_load %arg7[%parallel_loop3A_514, %parallel_loop3A_515, %parallel_loop3A_516] {strides = array<i32>} : memref<10x64x16xf32, #tpu.memory_space<vmem>>, vector<16xf32>,
        %parallel_loop3A_518 = tpu.vector_load_idx %arg9[%add3A_293, %parallel_loop3A_512] : memref<320x64xf32, #tpu.memory_space<vmem>>[vector<16xi32>, vector<16xi32>], vector<16xf32>,
        %parallel_loop3A_519 = arith.addf %parallel_loop3A_517, %parallel_loop3A_518 : vector<16xf32>
        %parallel_loop3A_520 = arith.constant 9 : i32
        %parallel_loop3A_521 = arith.index_cast %parallel_loop3A_520 : i32 to index
        %parallel_loop3A_522 = arith.index_cast %parallel_loop3A_511 : i32 to index
        %parallel_loop3A_523 = arith.constant 0 : index
        %parallel_loop3A_524 = tpu.vector_load %arg11[%parallel_loop3A_521, %parallel_loop3A_522, %parallel_loop3A_523] {strides = array<i32>} : memref<10x64x32xf32, #tpu.memory_space<vmem>>, vector<16xf32>,
        tpu.vector_store %arg11[%parallel_loop3A_521, %parallel_loop3A_522, %parallel_loop3A_523], %parallel_loop3A_519 {strides = array<i32>} : memref<10x64x32xf32, #tpu.memory_space<vmem>>, vector<16xf32>,
        %parallel_loop3A_525 = tpu.vector_load_idx %arg9[%add3A_296, %parallel_loop3A_512] : memref<320x64xf32, #tpu.memory_space<vmem>>[vector<16xi32>, vector<16xi32>], vector<16xf32>,
        %parallel_loop3A_526 = arith.addf %parallel_loop3A_517, %parallel_loop3A_525 : vector<16xf32>
        %parallel_loop3A_527 = arith.constant 9 : i32
        %parallel_loop3A_528 = arith.index_cast %parallel_loop3A_527 : i32 to index
        %parallel_loop3A_529 = arith.index_cast %parallel_loop3A_511 : i32 to index
        %parallel_loop3A_530 = arith.constant 16 : index
        %parallel_loop3A_531 = tpu.vector_load %arg11[%parallel_loop3A_528, %parallel_loop3A_529, %parallel_loop3A_530] {strides = array<i32>} : memref<10x64x32xf32, #tpu.memory_space<vmem>>, vector<16xf32>,
        tpu.vector_store %arg11[%parallel_loop3A_528, %parallel_loop3A_529, %parallel_loop3A_530], %parallel_loop3A_526 {strides = array<i32>} : memref<10x64x32xf32, #tpu.memory_space<vmem>>, vector<16xf32>,
      } {sc.loop_unroll_factor = 4 : i64, sc.parallel_access}
      %lt3A = arith.constant 9 : i32
      %lt3A_300 = arith.cmpi slt, %scan3A_114, %lt3A : i32
      %convert_element_type3A_301 = arith.extui %lt3A_300 : i1 to i32
      %cond3A_302 = arith.constant 0 : i32
      %cond3A_303 = arith.cmpi ne, %convert_element_type3A_301, %cond3A_302 : i32
      scf.if %cond3A_303 {
        %add3A_511 = arith.constant 2 : i32
        %add3A_512 = arith.addi %add3A_118, %add3A_511 : i32
        %mul3A_513 = arith.constant 4 : i32
        %mul3A_514 = arith.muli %add3A_512, %mul3A_513 : i32
        %add3A_515 = arith.constant 0 : i32
        %add3A_516 = arith.addi %mul3A_514, %add3A_515 : i32
        %dma_start3A_517 = arith.constant 0 : i32
        %dma_start3A_518 = arith.constant 0 : i32
        %dma_start3A_519 = tpu.memref_slice %arg9[%dma_start3A_517, %dma_start3A_518] : memref<320x64xf32, #tpu.memory_space<vmem>> -> memref<80x64xf32, #tpu.memory_space<vmem>>
        %dma_start3A_520 = arith.constant 0 : i32
        %dma_start3A_521 = tpu.memref_slice %arg6[%add3A_516, %dma_start3A_520] : memref<80x80xi32, #tpu.memory_space<vmem>> -> memref<1x80xi32, #tpu.memory_space<vmem>>
        %dma_start3A_522 = tpu.memref_squeeze %dma_start3A_521 : memref<1x80xi32, #tpu.memory_space<vmem>> -> memref<80xi32, #tpu.memory_space<vmem>>
        %dma_start3A_523 = arith.constant 0 : i32
        %dma_start3A_524 = arith.constant 0 : i32
        %dma_start3A_525 = tpu.memref_slice %arg3[%dma_start3A_523, %dma_start3A_524] : memref<1000000x64xf32, #tpu.memory_space<hbm>> -> memref<1000000x64xf32, #tpu.memory_space<hbm>>
        tpu.enqueue_indirect_dma source(%dma_start3A_525 : memref<1000000x64xf32, #tpu.memory_space<hbm>>) target(%dma_start3A_519 : memref<80x64xf32, #tpu.memory_space<vmem>>) offsets(%dma_start3A_522 : memref<80xi32, #tpu.memory_space<vmem>>) semaphore(%arg13 : memref<!tpu.dma_semaphore, #tpu.memory_space<semaphore_mem>>)
        %mul3A_526 = arith.constant 4 : i32
        %mul3A_527 = arith.muli %add3A_512, %mul3A_526 : i32
        %add3A_528 = arith.constant 1 : i32
        %add3A_529 = arith.addi %mul3A_527, %add3A_528 : i32
        %dma_start3A_530 = arith.constant 80 : i32
        %dma_start3A_531 = arith.constant 0 : i32
        %dma_start3A_532 = tpu.memref_slice %arg9[%dma_start3A_530, %dma_start3A_531] : memref<320x64xf32, #tpu.memory_space<vmem>> -> memref<80x64xf32, #tpu.memory_space<vmem>>
        %dma_start3A_533 = arith.constant 0 : i32
        %dma_start3A_534 = tpu.memref_slice %arg6[%add3A_529, %dma_start3A_533] : memref<80x80xi32, #tpu.memory_space<vmem>> -> memref<1x80xi32, #tpu.memory_space<vmem>>
        %dma_start3A_535 = tpu.memref_squeeze %dma_start3A_534 : memref<1x80xi32, #tpu.memory_space<vmem>> -> memref<80xi32, #tpu.memory_space<vmem>>
        %dma_start3A_536 = arith.constant 0 : i32
        %dma_start3A_537 = arith.constant 0 : i32
        %dma_start3A_538 = tpu.memref_slice %arg3[%dma_start3A_536, %dma_start3A_537] : memref<1000000x64xf32, #tpu.memory_space<hbm>> -> memref<1000000x64xf32, #tpu.memory_space<hbm>>
        tpu.enqueue_indirect_dma source(%dma_start3A_538 : memref<1000000x64xf32, #tpu.memory_space<hbm>>) target(%dma_start3A_532 : memref<80x64xf32, #tpu.memory_space<vmem>>) offsets(%dma_start3A_535 : memref<80xi32, #tpu.memory_space<vmem>>) semaphore(%arg13 : memref<!tpu.dma_semaphore, #tpu.memory_space<semaphore_mem>>)
        %mul3A_539 = arith.constant 4 : i32
        %mul3A_540 = arith.muli %add3A_512, %mul3A_539 : i32
        %add3A_541 = arith.constant 2 : i32
        %add3A_542 = arith.addi %mul3A_540, %add3A_541 : i32
        %dma_start3A_543 = arith.constant 160 : i32
        %dma_start3A_544 = arith.constant 0 : i32
        %dma_start3A_545 = tpu.memref_slice %arg9[%dma_start3A_543, %dma_start3A_544] : memref<320x64xf32, #tpu.memory_space<vmem>> -> memref<80x64xf32, #tpu.memory_space<vmem>>
        %dma_start3A_546 = arith.constant 0 : i32
        %dma_start3A_547 = tpu.memref_slice %arg6[%add3A_542, %dma_start3A_546] : memref<80x80xi32, #tpu.memory_space<vmem>> -> memref<1x80xi32, #tpu.memory_space<vmem>>
        %dma_start3A_548 = tpu.memref_squeeze %dma_start3A_547 : memref<1x80xi32, #tpu.memory_space<vmem>> -> memref<80xi32, #tpu.memory_space<vmem>>
        %dma_start3A_549 = arith.constant 0 : i32
        %dma_start3A_550 = arith.constant 0 : i32
        %dma_start3A_551 = tpu.memref_slice %arg3[%dma_start3A_549, %dma_start3A_550] : memref<1000000x64xf32, #tpu.memory_space<hbm>> -> memref<1000000x64xf32, #tpu.memory_space<hbm>>
        tpu.enqueue_indirect_dma source(%dma_start3A_551 : memref<1000000x64xf32, #tpu.memory_space<hbm>>) target(%dma_start3A_545 : memref<80x64xf32, #tpu.memory_space<vmem>>) offsets(%dma_start3A_548 : memref<80xi32, #tpu.memory_space<vmem>>) semaphore(%arg13 : memref<!tpu.dma_semaphore, #tpu.memory_space<semaphore_mem>>)
        %mul3A_552 = arith.constant 4 : i32
        %mul3A_553 = arith.muli %add3A_512, %mul3A_552 : i32
        %add3A_554 = arith.constant 3 : i32
        %add3A_555 = arith.addi %mul3A_553, %add3A_554 : i32
        %dma_start3A_556 = arith.constant 240 : i32
        %dma_start3A_557 = arith.constant 0 : i32
        %dma_start3A_558 = tpu.memref_slice %arg9[%dma_start3A_556, %dma_start3A_557] : memref<320x64xf32, #tpu.memory_space<vmem>> -> memref<80x64xf32, #tpu.memory_space<vmem>>
        %dma_start3A_559 = arith.constant 0 : i32
        %dma_start3A_560 = tpu.memref_slice %arg6[%add3A_555, %dma_start3A_559] : memref<80x80xi32, #tpu.memory_space<vmem>> -> memref<1x80xi32, #tpu.memory_space<vmem>>
        %dma_start3A_561 = tpu.memref_squeeze %dma_start3A_560 : memref<1x80xi32, #tpu.memory_space<vmem>> -> memref<80xi32, #tpu.memory_space<vmem>>
        %dma_start3A_562 = arith.constant 0 : i32
        %dma_start3A_563 = arith.constant 0 : i32
        %dma_start3A_564 = tpu.memref_slice %arg3[%dma_start3A_562, %dma_start3A_563] : memref<1000000x64xf32, #tpu.memory_space<hbm>> -> memref<1000000x64xf32, #tpu.memory_space<hbm>>
        tpu.enqueue_indirect_dma source(%dma_start3A_564 : memref<1000000x64xf32, #tpu.memory_space<hbm>>) target(%dma_start3A_558 : memref<80x64xf32, #tpu.memory_space<vmem>>) offsets(%dma_start3A_561 : memref<80xi32, #tpu.memory_space<vmem>>) semaphore(%arg13 : memref<!tpu.dma_semaphore, #tpu.memory_space<semaphore_mem>>)
        %mul3A_565 = arith.constant 10 : i32
        %mul3A_566 = arith.muli %add3A_512, %mul3A_565 : i32
        %dma_start3A_567 = arith.constant 0 : i32
        %dma_start3A_568 = arith.constant 0 : i32
        %dma_start3A_569 = tpu.memref_slice %arg4[%mul3A_566, %dma_start3A_567, %dma_start3A_568] : memref<200x64x16xf32, #tpu.memory_space<hbm>> -> memref<10x64x16xf32, #tpu.memory_space<hbm>>
        %dma_start3A_570 = arith.constant 0 : i32
        %dma_start3A_571 = arith.constant 0 : i32
        %dma_start3A_572 = tpu.memref_slice %arg4[%mul3A_566, %dma_start3A_570, %dma_start3A_571] : memref<200x64x16xf32, #tpu.memory_space<hbm>> -> memref<10x64x16xf32, #tpu.memory_space<hbm>>
        tpu.enqueue_dma source(%dma_start3A_572 : memref<10x64x16xf32, #tpu.memory_space<hbm>>) target(%arg7 : memref<10x64x16xf32, #tpu.memory_space<vmem>>) target_semaphore(%arg13 : memref<!tpu.dma_semaphore, #tpu.memory_space<semaphore_mem>>)
      } else {
      }
      %mul3A_304 = arith.constant 10 : i32
      %mul3A_305 = arith.muli %add3A_118, %mul3A_304 : i32
      %dma_start3A_306 = arith.constant 0 : i32
      %dma_start3A_307 = tpu.memref_slice %arg5[%mul3A_305, %dma_start3A_306, %mul3A_2] : memref<200x64x1024xf32, #tpu.memory_space<hbm>> -> memref<10x64x32xf32, #tpu.memory_space<hbm>>
      %dma_start3A_308 = arith.constant 0 : i32
      %dma_start3A_309 = tpu.memref_slice %arg5[%mul3A_305, %dma_start3A_308, %mul3A_2] : memref<200x64x1024xf32, #tpu.memory_space<hbm>> -> memref<10x64x32xf32, #tpu.memory_space<hbm>>
      tpu.enqueue_dma source(%arg11 : memref<10x64x32xf32, #tpu.memory_space<vmem>>) target(%dma_start3A_309 : memref<10x64x32xf32, #tpu.memory_space<hbm>>) target_semaphore(%arg15 : memref<!tpu.dma_semaphore, #tpu.memory_space<semaphore_mem>>)
      %mul3A_310 = arith.constant 2 : i32
      %mul3A_311 = arith.muli %mul3A_310, %scan3A_114 : i32
      %add3A_312 = arith.constant 1 : i32
      %add3A_313 = arith.addi %mul3A_311, %add3A_312 : i32
      %mul3A_314 = arith.constant 4 : i32
      %mul3A_315 = arith.muli %add3A_313, %mul3A_314 : i32
      %add3A_316 = arith.constant 0 : i32
      %add3A_317 = arith.addi %mul3A_315, %add3A_316 : i32
      %dma_wait3A_318 = arith.constant 0 : i32
      %dma_wait3A_319 = arith.constant 0 : i32
      %dma_wait3A_320 = tpu.memref_slice %arg10[%dma_wait3A_318, %dma_wait3A_319] : memref<320x64xf32, #tpu.memory_space<vmem>> -> memref<80x64xf32, #tpu.memory_space<vmem>>
      %dma_wait3A_321 = arith.constant 0 : i32
      %dma_wait3A_322 = tpu.memref_slice %arg6[%add3A_317, %dma_wait3A_321] : memref<80x80xi32, #tpu.memory_space<vmem>> -> memref<1x80xi32, #tpu.memory_space<vmem>>
      %dma_wait3A_323 = tpu.memref_squeeze %dma_wait3A_322 : memref<1x80xi32, #tpu.memory_space<vmem>> -> memref<80xi32, #tpu.memory_space<vmem>>
      %dma_wait3A_324 = arith.constant 0 : i32
      %dma_wait3A_325 = arith.constant 0 : i32
      %dma_wait3A_326 = tpu.memref_slice %arg3[%dma_wait3A_324, %dma_wait3A_325] : memref<1000000x64xf32, #tpu.memory_space<hbm>> -> memref<1000000x64xf32, #tpu.memory_space<hbm>>
      tpu.wait_indirect_dma semaphore(%arg14 : memref<!tpu.dma_semaphore, #tpu.memory_space<semaphore_mem>>) src(%dma_wait3A_326 : memref<1000000x64xf32, #tpu.memory_space<hbm>>) dst(%dma_wait3A_320 : memref<80x64xf32, #tpu.memory_space<vmem>>)
      %mul3A_327 = arith.constant 4 : i32
      %mul3A_328 = arith.muli %add3A_313, %mul3A_327 : i32
      %add3A_329 = arith.constant 1 : i32
      %add3A_330 = arith.addi %mul3A_328, %add3A_329 : i32
      %dma_wait3A_331 = arith.constant 80 : i32
      %dma_wait3A_332 = arith.constant 0 : i32
      %dma_wait3A_333 = tpu.memref_slice %arg10[%dma_wait3A_331, %dma_wait3A_332] : memref<320x64xf32, #tpu.memory_space<vmem>> -> memref<80x64xf32, #tpu.memory_space<vmem>>
      %dma_wait3A_334 = arith.constant 0 : i32
      %dma_wait3A_335 = tpu.memref_slice %arg6[%add3A_330, %dma_wait3A_334] : memref<80x80xi32, #tpu.memory_space<vmem>> -> memref<1x80xi32, #tpu.memory_space<vmem>>
      %dma_wait3A_336 = tpu.memref_squeeze %dma_wait3A_335 : memref<1x80xi32, #tpu.memory_space<vmem>> -> memref<80xi32, #tpu.memory_space<vmem>>
      %dma_wait3A_337 = arith.constant 0 : i32
      %dma_wait3A_338 = arith.constant 0 : i32
      %dma_wait3A_339 = tpu.memref_slice %arg3[%dma_wait3A_337, %dma_wait3A_338] : memref<1000000x64xf32, #tpu.memory_space<hbm>> -> memref<1000000x64xf32, #tpu.memory_space<hbm>>
      tpu.wait_indirect_dma semaphore(%arg14 : memref<!tpu.dma_semaphore, #tpu.memory_space<semaphore_mem>>) src(%dma_wait3A_339 : memref<1000000x64xf32, #tpu.memory_space<hbm>>) dst(%dma_wait3A_333 : memref<80x64xf32, #tpu.memory_space<vmem>>)
      %mul3A_340 = arith.constant 4 : i32
      %mul3A_341 = arith.muli %add3A_313, %mul3A_340 : i32
      %add3A_342 = arith.constant 2 : i32
      %add3A_343 = arith.addi %mul3A_341, %add3A_342 : i32
      %dma_wait3A_344 = arith.constant 160 : i32
      %dma_wait3A_345 = arith.constant 0 : i32
      %dma_wait3A_346 = tpu.memref_slice %arg10[%dma_wait3A_344, %dma_wait3A_345] : memref<320x64xf32, #tpu.memory_space<vmem>> -> memref<80x64xf32, #tpu.memory_space<vmem>>
      %dma_wait3A_347 = arith.constant 0 : i32
      %dma_wait3A_348 = tpu.memref_slice %arg6[%add3A_343, %dma_wait3A_347] : memref<80x80xi32, #tpu.memory_space<vmem>> -> memref<1x80xi32, #tpu.memory_space<vmem>>
      %dma_wait3A_349 = tpu.memref_squeeze %dma_wait3A_348 : memref<1x80xi32, #tpu.memory_space<vmem>> -> memref<80xi32, #tpu.memory_space<vmem>>
      %dma_wait3A_350 = arith.constant 0 : i32
      %dma_wait3A_351 = arith.constant 0 : i32
      %dma_wait3A_352 = tpu.memref_slice %arg3[%dma_wait3A_350, %dma_wait3A_351] : memref<1000000x64xf32, #tpu.memory_space<hbm>> -> memref<1000000x64xf32, #tpu.memory_space<hbm>>
      tpu.wait_indirect_dma semaphore(%arg14 : memref<!tpu.dma_semaphore, #tpu.memory_space<semaphore_mem>>) src(%dma_wait3A_352 : memref<1000000x64xf32, #tpu.memory_space<hbm>>) dst(%dma_wait3A_346 : memref<80x64xf32, #tpu.memory_space<vmem>>)
      %mul3A_353 = arith.constant 4 : i32
      %mul3A_354 = arith.muli %add3A_313, %mul3A_353 : i32
      %add3A_355 = arith.constant 3 : i32
      %add3A_356 = arith.addi %mul3A_354, %add3A_355 : i32
      %dma_wait3A_357 = arith.constant 240 : i32
      %dma_wait3A_358 = arith.constant 0 : i32
      %dma_wait3A_359 = tpu.memref_slice %arg10[%dma_wait3A_357, %dma_wait3A_358] : memref<320x64xf32, #tpu.memory_space<vmem>> -> memref<80x64xf32, #tpu.memory_space<vmem>>
      %dma_wait3A_360 = arith.constant 0 : i32
      %dma_wait3A_361 = tpu.memref_slice %arg6[%add3A_356, %dma_wait3A_360] : memref<80x80xi32, #tpu.memory_space<vmem>> -> memref<1x80xi32, #tpu.memory_space<vmem>>
      %dma_wait3A_362 = tpu.memref_squeeze %dma_wait3A_361 : memref<1x80xi32, #tpu.memory_space<vmem>> -> memref<80xi32, #tpu.memory_space<vmem>>
      %dma_wait3A_363 = arith.constant 0 : i32
      %dma_wait3A_364 = arith.constant 0 : i32
      %dma_wait3A_365 = tpu.memref_slice %arg3[%dma_wait3A_363, %dma_wait3A_364] : memref<1000000x64xf32, #tpu.memory_space<hbm>> -> memref<1000000x64xf32, #tpu.memory_space<hbm>>
      tpu.wait_indirect_dma semaphore(%arg14 : memref<!tpu.dma_semaphore, #tpu.memory_space<semaphore_mem>>) src(%dma_wait3A_365 : memref<1000000x64xf32, #tpu.memory_space<hbm>>) dst(%dma_wait3A_359 : memref<80x64xf32, #tpu.memory_space<vmem>>)
      %dma_wait3A_366 = arith.constant 0 : i32
      %dma_wait3A_367 = arith.constant 0 : i32
      %dma_wait3A_368 = arith.constant 0 : i32
      %dma_wait3A_369 = tpu.memref_slice %arg4[%dma_wait3A_366, %dma_wait3A_367, %dma_wait3A_368] : memref<200x64x16xf32, #tpu.memory_space<hbm>> -> memref<10x64x16xf32, #tpu.memory_space<hbm>>
      %dma_wait3A_370 = arith.constant 0 : i32
      %dma_wait3A_371 = arith.constant 0 : i32
      %dma_wait3A_372 = arith.constant 0 : i32
      %dma_wait3A_373 = tpu.memref_slice %arg4[%dma_wait3A_370, %dma_wait3A_371, %dma_wait3A_372] : memref<200x64x16xf32, #tpu.memory_space<hbm>> -> memref<10x64x16xf32, #tpu.memory_space<hbm>>
      tpu.wait_dma2 semaphore(%arg14 : memref<!tpu.dma_semaphore, #tpu.memory_space<semaphore_mem>>) src(%dma_wait3A_373 : memref<10x64x16xf32, #tpu.memory_space<hbm>>) dst(%arg8 : memref<10x64x16xf32, #tpu.memory_space<vmem>>)
      %ge3A_374 = arith.constant 1 : i32
      %ge3A_375 = arith.cmpi sge, %scan3A_114, %ge3A_374 : i32
      %convert_element_type3A_376 = arith.extui %ge3A_375 : i1 to i32
      %cond3A_377 = arith.constant 0 : i32
      %cond3A_378 = arith.cmpi ne, %convert_element_type3A_376, %cond3A_377 : i32
      scf.if %cond3A_378 {
        %dma_wait3A_511 = arith.constant 0 : i32
        %dma_wait3A_512 = arith.constant 0 : i32
        %dma_wait3A_513 = tpu.memref_slice %arg5[%dma_wait3A_511, %dma_wait3A_512, %mul3A_2] : memref<200x64x1024xf32, #tpu.memory_space<hbm>> -> memref<10x64x32xf32, #tpu.memory_space<hbm>>
        %dma_wait3A_514 = arith.constant 0 : i32
        %dma_wait3A_515 = arith.constant 0 : i32
        %dma_wait3A_516 = tpu.memref_slice %arg5[%dma_wait3A_514, %dma_wait3A_515, %mul3A_2] : memref<200x64x1024xf32, #tpu.memory_space<hbm>> -> memref<10x64x32xf32, #tpu.memory_space<hbm>>
        tpu.wait_dma2 semaphore(%arg16 : memref<!tpu.dma_semaphore, #tpu.memory_space<semaphore_mem>>) src(%arg12 : memref<10x64x32xf32, #tpu.memory_space<vmem>>) dst(%dma_wait3A_516 : memref<10x64x32xf32, #tpu.memory_space<hbm>>)
      } else {
      }
      %iota3A_379 = tpu.iota {dimensions = array<i32: 0>} : vector<16xi32>
      %mul3A_380 = arith.constant 10 : i32
      %mul3A_381 = vector.broadcast %mul3A_380 : i32 to vector<16xi32>
      %mul3A_382 = arith.muli %iota3A_379, %mul3A_381 : vector<16xi32>
      %add3A_383 = arith.constant 0 : i32
      %add3A_384 = vector.broadcast %add3A_383 : i32 to vector<16xi32>
      %add3A_385 = arith.addi %mul3A_382, %add3A_384 : vector<16xi32>
      %add3A_386 = arith.constant 160 : i32
      %add3A_387 = vector.broadcast %add3A_386 : i32 to vector<16xi32>
      %add3A_388 = arith.addi %add3A_385, %add3A_387 : vector<16xi32>
      %parallel_loop3A_389 = arith.constant 0 : i32
      %parallel_loop3A_390 = arith.constant 64 : i32
      %parallel_loop3A_391 = arith.constant 1 : i32
      scf.for %parallel_loop3A_511 = %parallel_loop3A_389 to %parallel_loop3A_390 step %parallel_loop3A_391  : i32 {
        %parallel_loop3A_512 = vector.broadcast %parallel_loop3A_511 : i32 to vector<16xi32>
        %parallel_loop3A_513 = arith.constant 0 : i32
        %parallel_loop3A_514 = arith.index_cast %parallel_loop3A_513 : i32 to index
        %parallel_loop3A_515 = arith.index_cast %parallel_loop3A_511 : i32 to index
        %parallel_loop3A_516 = arith.constant 0 : index
        %parallel_loop3A_517 = tpu.vector_load %arg8[%parallel_loop3A_514, %parallel_loop3A_515, %parallel_loop3A_516] {strides = array<i32>} : memref<10x64x16xf32, #tpu.memory_space<vmem>>, vector<16xf32>,
        %parallel_loop3A_518 = tpu.vector_load_idx %arg10[%add3A_385, %parallel_loop3A_512] : memref<320x64xf32, #tpu.memory_space<vmem>>[vector<16xi32>, vector<16xi32>], vector<16xf32>,
        %parallel_loop3A_519 = arith.addf %parallel_loop3A_517, %parallel_loop3A_518 : vector<16xf32>
        %parallel_loop3A_520 = arith.constant 0 : i32
        %parallel_loop3A_521 = arith.index_cast %parallel_loop3A_520 : i32 to index
        %parallel_loop3A_522 = arith.index_cast %parallel_loop3A_511 : i32 to index
        %parallel_loop3A_523 = arith.constant 0 : index
        %parallel_loop3A_524 = tpu.vector_load %arg12[%parallel_loop3A_521, %parallel_loop3A_522, %parallel_loop3A_523] {strides = array<i32>} : memref<10x64x32xf32, #tpu.memory_space<vmem>>, vector<16xf32>,
        tpu.vector_store %arg12[%parallel_loop3A_521, %parallel_loop3A_522, %parallel_loop3A_523], %parallel_loop3A_519 {strides = array<i32>} : memref<10x64x32xf32, #tpu.memory_space<vmem>>, vector<16xf32>,
        %parallel_loop3A_525 = tpu.vector_load_idx %arg10[%add3A_388, %parallel_loop3A_512] : memref<320x64xf32, #tpu.memory_space<vmem>>[vector<16xi32>, vector<16xi32>], vector<16xf32>,
        %parallel_loop3A_526 = arith.addf %parallel_loop3A_517, %parallel_loop3A_525 : vector<16xf32>
        %parallel_loop3A_527 = arith.constant 0 : i32
        %parallel_loop3A_528 = arith.index_cast %parallel_loop3A_527 : i32 to index
        %parallel_loop3A_529 = arith.index_cast %parallel_loop3A_511 : i32 to index
        %parallel_loop3A_530 = arith.constant 16 : index
        %parallel_loop3A_531 = tpu.vector_load %arg12[%parallel_loop3A_528, %parallel_loop3A_529, %parallel_loop3A_530] {strides = array<i32>} : memref<10x64x32xf32, #tpu.memory_space<vmem>>, vector<16xf32>,
        tpu.vector_store %arg12[%parallel_loop3A_528, %parallel_loop3A_529, %parallel_loop3A_530], %parallel_loop3A_526 {strides = array<i32>} : memref<10x64x32xf32, #tpu.memory_space<vmem>>, vector<16xf32>,
      } {sc.loop_unroll_factor = 4 : i64, sc.parallel_access}
      %mul3A_392 = arith.constant 10 : i32
      %mul3A_393 = vector.broadcast %mul3A_392 : i32 to vector<16xi32>
      %mul3A_394 = arith.muli %iota3A_379, %mul3A_393 : vector<16xi32>
      %add3A_395 = arith.constant 1 : i32
      %add3A_396 = vector.broadcast %add3A_395 : i32 to vector<16xi32>
      %add3A_397 = arith.addi %mul3A_394, %add3A_396 : vector<16xi32>
      %add3A_398 = arith.constant 160 : i32
      %add3A_399 = vector.broadcast %add3A_398 : i32 to vector<16xi32>
      %add3A_400 = arith.addi %add3A_397, %add3A_399 : vector<16xi32>
      %parallel_loop3A_401 = arith.constant 0 : i32
      %parallel_loop3A_402 = arith.constant 64 : i32
      %parallel_loop3A_403 = arith.constant 1 : i32
      scf.for %parallel_loop3A_511 = %parallel_loop3A_401 to %parallel_loop3A_402 step %parallel_loop3A_403  : i32 {
        %parallel_loop3A_512 = vector.broadcast %parallel_loop3A_511 : i32 to vector<16xi32>
        %parallel_loop3A_513 = arith.constant 1 : i32
        %parallel_loop3A_514 = arith.index_cast %parallel_loop3A_513 : i32 to index
        %parallel_loop3A_515 = arith.index_cast %parallel_loop3A_511 : i32 to index
        %parallel_loop3A_516 = arith.constant 0 : index
        %parallel_loop3A_517 = tpu.vector_load %arg8[%parallel_loop3A_514, %parallel_loop3A_515, %parallel_loop3A_516] {strides = array<i32>} : memref<10x64x16xf32, #tpu.memory_space<vmem>>, vector<16xf32>,
        %parallel_loop3A_518 = tpu.vector_load_idx %arg10[%add3A_397, %parallel_loop3A_512] : memref<320x64xf32, #tpu.memory_space<vmem>>[vector<16xi32>, vector<16xi32>], vector<16xf32>,
        %parallel_loop3A_519 = arith.addf %parallel_loop3A_517, %parallel_loop3A_518 : vector<16xf32>
        %parallel_loop3A_520 = arith.constant 1 : i32
        %parallel_loop3A_521 = arith.index_cast %parallel_loop3A_520 : i32 to index
        %parallel_loop3A_522 = arith.index_cast %parallel_loop3A_511 : i32 to index
        %parallel_loop3A_523 = arith.constant 0 : index
        %parallel_loop3A_524 = tpu.vector_load %arg12[%parallel_loop3A_521, %parallel_loop3A_522, %parallel_loop3A_523] {strides = array<i32>} : memref<10x64x32xf32, #tpu.memory_space<vmem>>, vector<16xf32>,
        tpu.vector_store %arg12[%parallel_loop3A_521, %parallel_loop3A_522, %parallel_loop3A_523], %parallel_loop3A_519 {strides = array<i32>} : memref<10x64x32xf32, #tpu.memory_space<vmem>>, vector<16xf32>,
        %parallel_loop3A_525 = tpu.vector_load_idx %arg10[%add3A_400, %parallel_loop3A_512] : memref<320x64xf32, #tpu.memory_space<vmem>>[vector<16xi32>, vector<16xi32>], vector<16xf32>,
        %parallel_loop3A_526 = arith.addf %parallel_loop3A_517, %parallel_loop3A_525 : vector<16xf32>
        %parallel_loop3A_527 = arith.constant 1 : i32
        %parallel_loop3A_528 = arith.index_cast %parallel_loop3A_527 : i32 to index
        %parallel_loop3A_529 = arith.index_cast %parallel_loop3A_511 : i32 to index
        %parallel_loop3A_530 = arith.constant 16 : index
        %parallel_loop3A_531 = tpu.vector_load %arg12[%parallel_loop3A_528, %parallel_loop3A_529, %parallel_loop3A_530] {strides = array<i32>} : memref<10x64x32xf32, #tpu.memory_space<vmem>>, vector<16xf32>,
        tpu.vector_store %arg12[%parallel_loop3A_528, %parallel_loop3A_529, %parallel_loop3A_530], %parallel_loop3A_526 {strides = array<i32>} : memref<10x64x32xf32, #tpu.memory_space<vmem>>, vector<16xf32>,
      } {sc.loop_unroll_factor = 4 : i64, sc.parallel_access}
      %mul3A_404 = arith.constant 10 : i32
      %mul3A_405 = vector.broadcast %mul3A_404 : i32 to vector<16xi32>
      %mul3A_406 = arith.muli %iota3A_379, %mul3A_405 : vector<16xi32>
      %add3A_407 = arith.constant 2 : i32
      %add3A_408 = vector.broadcast %add3A_407 : i32 to vector<16xi32>
      %add3A_409 = arith.addi %mul3A_406, %add3A_408 : vector<16xi32>
      %add3A_410 = arith.constant 160 : i32
      %add3A_411 = vector.broadcast %add3A_410 : i32 to vector<16xi32>
      %add3A_412 = arith.addi %add3A_409, %add3A_411 : vector<16xi32>
      %parallel_loop3A_413 = arith.constant 0 : i32
      %parallel_loop3A_414 = arith.constant 64 : i32
      %parallel_loop3A_415 = arith.constant 1 : i32
      scf.for %parallel_loop3A_511 = %parallel_loop3A_413 to %parallel_loop3A_414 step %parallel_loop3A_415  : i32 {
        %parallel_loop3A_512 = vector.broadcast %parallel_loop3A_511 : i32 to vector<16xi32>
        %parallel_loop3A_513 = arith.constant 2 : i32
        %parallel_loop3A_514 = arith.index_cast %parallel_loop3A_513 : i32 to index
        %parallel_loop3A_515 = arith.index_cast %parallel_loop3A_511 : i32 to index
        %parallel_loop3A_516 = arith.constant 0 : index
        %parallel_loop3A_517 = tpu.vector_load %arg8[%parallel_loop3A_514, %parallel_loop3A_515, %parallel_loop3A_516] {strides = array<i32>} : memref<10x64x16xf32, #tpu.memory_space<vmem>>, vector<16xf32>,
        %parallel_loop3A_518 = tpu.vector_load_idx %arg10[%add3A_409, %parallel_loop3A_512] : memref<320x64xf32, #tpu.memory_space<vmem>>[vector<16xi32>, vector<16xi32>], vector<16xf32>,
        %parallel_loop3A_519 = arith.addf %parallel_loop3A_517, %parallel_loop3A_518 : vector<16xf32>
        %parallel_loop3A_520 = arith.constant 2 : i32
        %parallel_loop3A_521 = arith.index_cast %parallel_loop3A_520 : i32 to index
        %parallel_loop3A_522 = arith.index_cast %parallel_loop3A_511 : i32 to index
        %parallel_loop3A_523 = arith.constant 0 : index
        %parallel_loop3A_524 = tpu.vector_load %arg12[%parallel_loop3A_521, %parallel_loop3A_522, %parallel_loop3A_523] {strides = array<i32>} : memref<10x64x32xf32, #tpu.memory_space<vmem>>, vector<16xf32>,
        tpu.vector_store %arg12[%parallel_loop3A_521, %parallel_loop3A_522, %parallel_loop3A_523], %parallel_loop3A_519 {strides = array<i32>} : memref<10x64x32xf32, #tpu.memory_space<vmem>>, vector<16xf32>,
        %parallel_loop3A_525 = tpu.vector_load_idx %arg10[%add3A_412, %parallel_loop3A_512] : memref<320x64xf32, #tpu.memory_space<vmem>>[vector<16xi32>, vector<16xi32>], vector<16xf32>,
        %parallel_loop3A_526 = arith.addf %parallel_loop3A_517, %parallel_loop3A_525 : vector<16xf32>
        %parallel_loop3A_527 = arith.constant 2 : i32
        %parallel_loop3A_528 = arith.index_cast %parallel_loop3A_527 : i32 to index
        %parallel_loop3A_529 = arith.index_cast %parallel_loop3A_511 : i32 to index
        %parallel_loop3A_530 = arith.constant 16 : index
        %parallel_loop3A_531 = tpu.vector_load %arg12[%parallel_loop3A_528, %parallel_loop3A_529, %parallel_loop3A_530] {strides = array<i32>} : memref<10x64x32xf32, #tpu.memory_space<vmem>>, vector<16xf32>,
        tpu.vector_store %arg12[%parallel_loop3A_528, %parallel_loop3A_529, %parallel_loop3A_530], %parallel_loop3A_526 {strides = array<i32>} : memref<10x64x32xf32, #tpu.memory_space<vmem>>, vector<16xf32>,
      } {sc.loop_unroll_factor = 4 : i64, sc.parallel_access}
      %mul3A_416 = arith.constant 10 : i32
      %mul3A_417 = vector.broadcast %mul3A_416 : i32 to vector<16xi32>
      %mul3A_418 = arith.muli %iota3A_379, %mul3A_417 : vector<16xi32>
      %add3A_419 = arith.constant 3 : i32
      %add3A_420 = vector.broadcast %add3A_419 : i32 to vector<16xi32>
      %add3A_421 = arith.addi %mul3A_418, %add3A_420 : vector<16xi32>
      %add3A_422 = arith.constant 160 : i32
      %add3A_423 = vector.broadcast %add3A_422 : i32 to vector<16xi32>
      %add3A_424 = arith.addi %add3A_421, %add3A_423 : vector<16xi32>
      %parallel_loop3A_425 = arith.constant 0 : i32
      %parallel_loop3A_426 = arith.constant 64 : i32
      %parallel_loop3A_427 = arith.constant 1 : i32
      scf.for %parallel_loop3A_511 = %parallel_loop3A_425 to %parallel_loop3A_426 step %parallel_loop3A_427  : i32 {
        %parallel_loop3A_512 = vector.broadcast %parallel_loop3A_511 : i32 to vector<16xi32>
        %parallel_loop3A_513 = arith.constant 3 : i32
        %parallel_loop3A_514 = arith.index_cast %parallel_loop3A_513 : i32 to index
        %parallel_loop3A_515 = arith.index_cast %parallel_loop3A_511 : i32 to index
        %parallel_loop3A_516 = arith.constant 0 : index
        %parallel_loop3A_517 = tpu.vector_load %arg8[%parallel_loop3A_514, %parallel_loop3A_515, %parallel_loop3A_516] {strides = array<i32>} : memref<10x64x16xf32, #tpu.memory_space<vmem>>, vector<16xf32>,
        %parallel_loop3A_518 = tpu.vector_load_idx %arg10[%add3A_421, %parallel_loop3A_512] : memref<320x64xf32, #tpu.memory_space<vmem>>[vector<16xi32>, vector<16xi32>], vector<16xf32>,
        %parallel_loop3A_519 = arith.addf %parallel_loop3A_517, %parallel_loop3A_518 : vector<16xf32>
        %parallel_loop3A_520 = arith.constant 3 : i32
        %parallel_loop3A_521 = arith.index_cast %parallel_loop3A_520 : i32 to index
        %parallel_loop3A_522 = arith.index_cast %parallel_loop3A_511 : i32 to index
        %parallel_loop3A_523 = arith.constant 0 : index
        %parallel_loop3A_524 = tpu.vector_load %arg12[%parallel_loop3A_521, %parallel_loop3A_522, %parallel_loop3A_523] {strides = array<i32>} : memref<10x64x32xf32, #tpu.memory_space<vmem>>, vector<16xf32>,
        tpu.vector_store %arg12[%parallel_loop3A_521, %parallel_loop3A_522, %parallel_loop3A_523], %parallel_loop3A_519 {strides = array<i32>} : memref<10x64x32xf32, #tpu.memory_space<vmem>>, vector<16xf32>,
        %parallel_loop3A_525 = tpu.vector_load_idx %arg10[%add3A_424, %parallel_loop3A_512] : memref<320x64xf32, #tpu.memory_space<vmem>>[vector<16xi32>, vector<16xi32>], vector<16xf32>,
        %parallel_loop3A_526 = arith.addf %parallel_loop3A_517, %parallel_loop3A_525 : vector<16xf32>
        %parallel_loop3A_527 = arith.constant 3 : i32
        %parallel_loop3A_528 = arith.index_cast %parallel_loop3A_527 : i32 to index
        %parallel_loop3A_529 = arith.index_cast %parallel_loop3A_511 : i32 to index
        %parallel_loop3A_530 = arith.constant 16 : index
        %parallel_loop3A_531 = tpu.vector_load %arg12[%parallel_loop3A_528, %parallel_loop3A_529, %parallel_loop3A_530] {strides = array<i32>} : memref<10x64x32xf32, #tpu.memory_space<vmem>>, vector<16xf32>,
        tpu.vector_store %arg12[%parallel_loop3A_528, %parallel_loop3A_529, %parallel_loop3A_530], %parallel_loop3A_526 {strides = array<i32>} : memref<10x64x32xf32, #tpu.memory_space<vmem>>, vector<16xf32>,
      } {sc.loop_unroll_factor = 4 : i64, sc.parallel_access}
      %mul3A_428 = arith.constant 10 : i32
      %mul3A_429 = vector.broadcast %mul3A_428 : i32 to vector<16xi32>
      %mul3A_430 = arith.muli %iota3A_379, %mul3A_429 : vector<16xi32>
      %add3A_431 = arith.constant 4 : i32
      %add3A_432 = vector.broadcast %add3A_431 : i32 to vector<16xi32>
      %add3A_433 = arith.addi %mul3A_430, %add3A_432 : vector<16xi32>
      %add3A_434 = arith.constant 160 : i32
      %add3A_435 = vector.broadcast %add3A_434 : i32 to vector<16xi32>
      %add3A_436 = arith.addi %add3A_433, %add3A_435 : vector<16xi32>
      %parallel_loop3A_437 = arith.constant 0 : i32
      %parallel_loop3A_438 = arith.constant 64 : i32
      %parallel_loop3A_439 = arith.constant 1 : i32
      scf.for %parallel_loop3A_511 = %parallel_loop3A_437 to %parallel_loop3A_438 step %parallel_loop3A_439  : i32 {
        %parallel_loop3A_512 = vector.broadcast %parallel_loop3A_511 : i32 to vector<16xi32>
        %parallel_loop3A_513 = arith.constant 4 : i32
        %parallel_loop3A_514 = arith.index_cast %parallel_loop3A_513 : i32 to index
        %parallel_loop3A_515 = arith.index_cast %parallel_loop3A_511 : i32 to index
        %parallel_loop3A_516 = arith.constant 0 : index
        %parallel_loop3A_517 = tpu.vector_load %arg8[%parallel_loop3A_514, %parallel_loop3A_515, %parallel_loop3A_516] {strides = array<i32>} : memref<10x64x16xf32, #tpu.memory_space<vmem>>, vector<16xf32>,
        %parallel_loop3A_518 = tpu.vector_load_idx %arg10[%add3A_433, %parallel_loop3A_512] : memref<320x64xf32, #tpu.memory_space<vmem>>[vector<16xi32>, vector<16xi32>], vector<16xf32>,
        %parallel_loop3A_519 = arith.addf %parallel_loop3A_517, %parallel_loop3A_518 : vector<16xf32>
        %parallel_loop3A_520 = arith.constant 4 : i32
        %parallel_loop3A_521 = arith.index_cast %parallel_loop3A_520 : i32 to index
        %parallel_loop3A_522 = arith.index_cast %parallel_loop3A_511 : i32 to index
        %parallel_loop3A_523 = arith.constant 0 : index
        %parallel_loop3A_524 = tpu.vector_load %arg12[%parallel_loop3A_521, %parallel_loop3A_522, %parallel_loop3A_523] {strides = array<i32>} : memref<10x64x32xf32, #tpu.memory_space<vmem>>, vector<16xf32>,
        tpu.vector_store %arg12[%parallel_loop3A_521, %parallel_loop3A_522, %parallel_loop3A_523], %parallel_loop3A_519 {strides = array<i32>} : memref<10x64x32xf32, #tpu.memory_space<vmem>>, vector<16xf32>,
        %parallel_loop3A_525 = tpu.vector_load_idx %arg10[%add3A_436, %parallel_loop3A_512] : memref<320x64xf32, #tpu.memory_space<vmem>>[vector<16xi32>, vector<16xi32>], vector<16xf32>,
        %parallel_loop3A_526 = arith.addf %parallel_loop3A_517, %parallel_loop3A_525 : vector<16xf32>
        %parallel_loop3A_527 = arith.constant 4 : i32
        %parallel_loop3A_528 = arith.index_cast %parallel_loop3A_527 : i32 to index
        %parallel_loop3A_529 = arith.index_cast %parallel_loop3A_511 : i32 to index
        %parallel_loop3A_530 = arith.constant 16 : index
        %parallel_loop3A_531 = tpu.vector_load %arg12[%parallel_loop3A_528, %parallel_loop3A_529, %parallel_loop3A_530] {strides = array<i32>} : memref<10x64x32xf32, #tpu.memory_space<vmem>>, vector<16xf32>,
        tpu.vector_store %arg12[%parallel_loop3A_528, %parallel_loop3A_529, %parallel_loop3A_530], %parallel_loop3A_526 {strides = array<i32>} : memref<10x64x32xf32, #tpu.memory_space<vmem>>, vector<16xf32>,
      } {sc.loop_unroll_factor = 4 : i64, sc.parallel_access}
      %mul3A_440 = arith.constant 10 : i32
      %mul3A_441 = vector.broadcast %mul3A_440 : i32 to vector<16xi32>
      %mul3A_442 = arith.muli %iota3A_379, %mul3A_441 : vector<16xi32>
      %add3A_443 = arith.constant 5 : i32
      %add3A_444 = vector.broadcast %add3A_443 : i32 to vector<16xi32>
      %add3A_445 = arith.addi %mul3A_442, %add3A_444 : vector<16xi32>
      %add3A_446 = arith.constant 160 : i32
      %add3A_447 = vector.broadcast %add3A_446 : i32 to vector<16xi32>
      %add3A_448 = arith.addi %add3A_445, %add3A_447 : vector<16xi32>
      %parallel_loop3A_449 = arith.constant 0 : i32
      %parallel_loop3A_450 = arith.constant 64 : i32
      %parallel_loop3A_451 = arith.constant 1 : i32
      scf.for %parallel_loop3A_511 = %parallel_loop3A_449 to %parallel_loop3A_450 step %parallel_loop3A_451  : i32 {
        %parallel_loop3A_512 = vector.broadcast %parallel_loop3A_511 : i32 to vector<16xi32>
        %parallel_loop3A_513 = arith.constant 5 : i32
        %parallel_loop3A_514 = arith.index_cast %parallel_loop3A_513 : i32 to index
        %parallel_loop3A_515 = arith.index_cast %parallel_loop3A_511 : i32 to index
        %parallel_loop3A_516 = arith.constant 0 : index
        %parallel_loop3A_517 = tpu.vector_load %arg8[%parallel_loop3A_514, %parallel_loop3A_515, %parallel_loop3A_516] {strides = array<i32>} : memref<10x64x16xf32, #tpu.memory_space<vmem>>, vector<16xf32>,
        %parallel_loop3A_518 = tpu.vector_load_idx %arg10[%add3A_445, %parallel_loop3A_512] : memref<320x64xf32, #tpu.memory_space<vmem>>[vector<16xi32>, vector<16xi32>], vector<16xf32>,
        %parallel_loop3A_519 = arith.addf %parallel_loop3A_517, %parallel_loop3A_518 : vector<16xf32>
        %parallel_loop3A_520 = arith.constant 5 : i32
        %parallel_loop3A_521 = arith.index_cast %parallel_loop3A_520 : i32 to index
        %parallel_loop3A_522 = arith.index_cast %parallel_loop3A_511 : i32 to index
        %parallel_loop3A_523 = arith.constant 0 : index
        %parallel_loop3A_524 = tpu.vector_load %arg12[%parallel_loop3A_521, %parallel_loop3A_522, %parallel_loop3A_523] {strides = array<i32>} : memref<10x64x32xf32, #tpu.memory_space<vmem>>, vector<16xf32>,
        tpu.vector_store %arg12[%parallel_loop3A_521, %parallel_loop3A_522, %parallel_loop3A_523], %parallel_loop3A_519 {strides = array<i32>} : memref<10x64x32xf32, #tpu.memory_space<vmem>>, vector<16xf32>,
        %parallel_loop3A_525 = tpu.vector_load_idx %arg10[%add3A_448, %parallel_loop3A_512] : memref<320x64xf32, #tpu.memory_space<vmem>>[vector<16xi32>, vector<16xi32>], vector<16xf32>,
        %parallel_loop3A_526 = arith.addf %parallel_loop3A_517, %parallel_loop3A_525 : vector<16xf32>
        %parallel_loop3A_527 = arith.constant 5 : i32
        %parallel_loop3A_528 = arith.index_cast %parallel_loop3A_527 : i32 to index
        %parallel_loop3A_529 = arith.index_cast %parallel_loop3A_511 : i32 to index
        %parallel_loop3A_530 = arith.constant 16 : index
        %parallel_loop3A_531 = tpu.vector_load %arg12[%parallel_loop3A_528, %parallel_loop3A_529, %parallel_loop3A_530] {strides = array<i32>} : memref<10x64x32xf32, #tpu.memory_space<vmem>>, vector<16xf32>,
        tpu.vector_store %arg12[%parallel_loop3A_528, %parallel_loop3A_529, %parallel_loop3A_530], %parallel_loop3A_526 {strides = array<i32>} : memref<10x64x32xf32, #tpu.memory_space<vmem>>, vector<16xf32>,
      } {sc.loop_unroll_factor = 4 : i64, sc.parallel_access}
      %mul3A_452 = arith.constant 10 : i32
      %mul3A_453 = vector.broadcast %mul3A_452 : i32 to vector<16xi32>
      %mul3A_454 = arith.muli %iota3A_379, %mul3A_453 : vector<16xi32>
      %add3A_455 = arith.constant 6 : i32
      %add3A_456 = vector.broadcast %add3A_455 : i32 to vector<16xi32>
      %add3A_457 = arith.addi %mul3A_454, %add3A_456 : vector<16xi32>
      %add3A_458 = arith.constant 160 : i32
      %add3A_459 = vector.broadcast %add3A_458 : i32 to vector<16xi32>
      %add3A_460 = arith.addi %add3A_457, %add3A_459 : vector<16xi32>
      %parallel_loop3A_461 = arith.constant 0 : i32
      %parallel_loop3A_462 = arith.constant 64 : i32
      %parallel_loop3A_463 = arith.constant 1 : i32
      scf.for %parallel_loop3A_511 = %parallel_loop3A_461 to %parallel_loop3A_462 step %parallel_loop3A_463  : i32 {
        %parallel_loop3A_512 = vector.broadcast %parallel_loop3A_511 : i32 to vector<16xi32>
        %parallel_loop3A_513 = arith.constant 6 : i32
        %parallel_loop3A_514 = arith.index_cast %parallel_loop3A_513 : i32 to index
        %parallel_loop3A_515 = arith.index_cast %parallel_loop3A_511 : i32 to index
        %parallel_loop3A_516 = arith.constant 0 : index
        %parallel_loop3A_517 = tpu.vector_load %arg8[%parallel_loop3A_514, %parallel_loop3A_515, %parallel_loop3A_516] {strides = array<i32>} : memref<10x64x16xf32, #tpu.memory_space<vmem>>, vector<16xf32>,
        %parallel_loop3A_518 = tpu.vector_load_idx %arg10[%add3A_457, %parallel_loop3A_512] : memref<320x64xf32, #tpu.memory_space<vmem>>[vector<16xi32>, vector<16xi32>], vector<16xf32>,
        %parallel_loop3A_519 = arith.addf %parallel_loop3A_517, %parallel_loop3A_518 : vector<16xf32>
        %parallel_loop3A_520 = arith.constant 6 : i32
        %parallel_loop3A_521 = arith.index_cast %parallel_loop3A_520 : i32 to index
        %parallel_loop3A_522 = arith.index_cast %parallel_loop3A_511 : i32 to index
        %parallel_loop3A_523 = arith.constant 0 : index
        %parallel_loop3A_524 = tpu.vector_load %arg12[%parallel_loop3A_521, %parallel_loop3A_522, %parallel_loop3A_523] {strides = array<i32>} : memref<10x64x32xf32, #tpu.memory_space<vmem>>, vector<16xf32>,
        tpu.vector_store %arg12[%parallel_loop3A_521, %parallel_loop3A_522, %parallel_loop3A_523], %parallel_loop3A_519 {strides = array<i32>} : memref<10x64x32xf32, #tpu.memory_space<vmem>>, vector<16xf32>,
        %parallel_loop3A_525 = tpu.vector_load_idx %arg10[%add3A_460, %parallel_loop3A_512] : memref<320x64xf32, #tpu.memory_space<vmem>>[vector<16xi32>, vector<16xi32>], vector<16xf32>,
        %parallel_loop3A_526 = arith.addf %parallel_loop3A_517, %parallel_loop3A_525 : vector<16xf32>
        %parallel_loop3A_527 = arith.constant 6 : i32
        %parallel_loop3A_528 = arith.index_cast %parallel_loop3A_527 : i32 to index
        %parallel_loop3A_529 = arith.index_cast %parallel_loop3A_511 : i32 to index
        %parallel_loop3A_530 = arith.constant 16 : index
        %parallel_loop3A_531 = tpu.vector_load %arg12[%parallel_loop3A_528, %parallel_loop3A_529, %parallel_loop3A_530] {strides = array<i32>} : memref<10x64x32xf32, #tpu.memory_space<vmem>>, vector<16xf32>,
        tpu.vector_store %arg12[%parallel_loop3A_528, %parallel_loop3A_529, %parallel_loop3A_530], %parallel_loop3A_526 {strides = array<i32>} : memref<10x64x32xf32, #tpu.memory_space<vmem>>, vector<16xf32>,
      } {sc.loop_unroll_factor = 4 : i64, sc.parallel_access}
      %mul3A_464 = arith.constant 10 : i32
      %mul3A_465 = vector.broadcast %mul3A_464 : i32 to vector<16xi32>
      %mul3A_466 = arith.muli %iota3A_379, %mul3A_465 : vector<16xi32>
      %add3A_467 = arith.constant 7 : i32
      %add3A_468 = vector.broadcast %add3A_467 : i32 to vector<16xi32>
      %add3A_469 = arith.addi %mul3A_466, %add3A_468 : vector<16xi32>
      %add3A_470 = arith.constant 160 : i32
      %add3A_471 = vector.broadcast %add3A_470 : i32 to vector<16xi32>
      %add3A_472 = arith.addi %add3A_469, %add3A_471 : vector<16xi32>
      %parallel_loop3A_473 = arith.constant 0 : i32
      %parallel_loop3A_474 = arith.constant 64 : i32
      %parallel_loop3A_475 = arith.constant 1 : i32
      scf.for %parallel_loop3A_511 = %parallel_loop3A_473 to %parallel_loop3A_474 step %parallel_loop3A_475  : i32 {
        %parallel_loop3A_512 = vector.broadcast %parallel_loop3A_511 : i32 to vector<16xi32>
        %parallel_loop3A_513 = arith.constant 7 : i32
        %parallel_loop3A_514 = arith.index_cast %parallel_loop3A_513 : i32 to index
        %parallel_loop3A_515 = arith.index_cast %parallel_loop3A_511 : i32 to index
        %parallel_loop3A_516 = arith.constant 0 : index
        %parallel_loop3A_517 = tpu.vector_load %arg8[%parallel_loop3A_514, %parallel_loop3A_515, %parallel_loop3A_516] {strides = array<i32>} : memref<10x64x16xf32, #tpu.memory_space<vmem>>, vector<16xf32>,
        %parallel_loop3A_518 = tpu.vector_load_idx %arg10[%add3A_469, %parallel_loop3A_512] : memref<320x64xf32, #tpu.memory_space<vmem>>[vector<16xi32>, vector<16xi32>], vector<16xf32>,
        %parallel_loop3A_519 = arith.addf %parallel_loop3A_517, %parallel_loop3A_518 : vector<16xf32>
        %parallel_loop3A_520 = arith.constant 7 : i32
        %parallel_loop3A_521 = arith.index_cast %parallel_loop3A_520 : i32 to index
        %parallel_loop3A_522 = arith.index_cast %parallel_loop3A_511 : i32 to index
        %parallel_loop3A_523 = arith.constant 0 : index
        %parallel_loop3A_524 = tpu.vector_load %arg12[%parallel_loop3A_521, %parallel_loop3A_522, %parallel_loop3A_523] {strides = array<i32>} : memref<10x64x32xf32, #tpu.memory_space<vmem>>, vector<16xf32>,
        tpu.vector_store %arg12[%parallel_loop3A_521, %parallel_loop3A_522, %parallel_loop3A_523], %parallel_loop3A_519 {strides = array<i32>} : memref<10x64x32xf32, #tpu.memory_space<vmem>>, vector<16xf32>,
        %parallel_loop3A_525 = tpu.vector_load_idx %arg10[%add3A_472, %parallel_loop3A_512] : memref<320x64xf32, #tpu.memory_space<vmem>>[vector<16xi32>, vector<16xi32>], vector<16xf32>,
        %parallel_loop3A_526 = arith.addf %parallel_loop3A_517, %parallel_loop3A_525 : vector<16xf32>
        %parallel_loop3A_527 = arith.constant 7 : i32
        %parallel_loop3A_528 = arith.index_cast %parallel_loop3A_527 : i32 to index
        %parallel_loop3A_529 = arith.index_cast %parallel_loop3A_511 : i32 to index
        %parallel_loop3A_530 = arith.constant 16 : index
        %parallel_loop3A_531 = tpu.vector_load %arg12[%parallel_loop3A_528, %parallel_loop3A_529, %parallel_loop3A_530] {strides = array<i32>} : memref<10x64x32xf32, #tpu.memory_space<vmem>>, vector<16xf32>,
        tpu.vector_store %arg12[%parallel_loop3A_528, %parallel_loop3A_529, %parallel_loop3A_530], %parallel_loop3A_526 {strides = array<i32>} : memref<10x64x32xf32, #tpu.memory_space<vmem>>, vector<16xf32>,
      } {sc.loop_unroll_factor = 4 : i64, sc.parallel_access}
      %mul3A_476 = arith.constant 10 : i32
      %mul3A_477 = vector.broadcast %mul3A_476 : i32 to vector<16xi32>
      %mul3A_478 = arith.muli %iota3A_379, %mul3A_477 : vector<16xi32>
      %add3A_479 = arith.constant 8 : i32
      %add3A_480 = vector.broadcast %add3A_479 : i32 to vector<16xi32>
      %add3A_481 = arith.addi %mul3A_478, %add3A_480 : vector<16xi32>
      %add3A_482 = arith.constant 160 : i32
      %add3A_483 = vector.broadcast %add3A_482 : i32 to vector<16xi32>
      %add3A_484 = arith.addi %add3A_481, %add3A_483 : vector<16xi32>
      %parallel_loop3A_485 = arith.constant 0 : i32
      %parallel_loop3A_486 = arith.constant 64 : i32
      %parallel_loop3A_487 = arith.constant 1 : i32
      scf.for %parallel_loop3A_511 = %parallel_loop3A_485 to %parallel_loop3A_486 step %parallel_loop3A_487  : i32 {
        %parallel_loop3A_512 = vector.broadcast %parallel_loop3A_511 : i32 to vector<16xi32>
        %parallel_loop3A_513 = arith.constant 8 : i32
        %parallel_loop3A_514 = arith.index_cast %parallel_loop3A_513 : i32 to index
        %parallel_loop3A_515 = arith.index_cast %parallel_loop3A_511 : i32 to index
        %parallel_loop3A_516 = arith.constant 0 : index
        %parallel_loop3A_517 = tpu.vector_load %arg8[%parallel_loop3A_514, %parallel_loop3A_515, %parallel_loop3A_516] {strides = array<i32>} : memref<10x64x16xf32, #tpu.memory_space<vmem>>, vector<16xf32>,
        %parallel_loop3A_518 = tpu.vector_load_idx %arg10[%add3A_481, %parallel_loop3A_512] : memref<320x64xf32, #tpu.memory_space<vmem>>[vector<16xi32>, vector<16xi32>], vector<16xf32>,
        %parallel_loop3A_519 = arith.addf %parallel_loop3A_517, %parallel_loop3A_518 : vector<16xf32>
        %parallel_loop3A_520 = arith.constant 8 : i32
        %parallel_loop3A_521 = arith.index_cast %parallel_loop3A_520 : i32 to index
        %parallel_loop3A_522 = arith.index_cast %parallel_loop3A_511 : i32 to index
        %parallel_loop3A_523 = arith.constant 0 : index
        %parallel_loop3A_524 = tpu.vector_load %arg12[%parallel_loop3A_521, %parallel_loop3A_522, %parallel_loop3A_523] {strides = array<i32>} : memref<10x64x32xf32, #tpu.memory_space<vmem>>, vector<16xf32>,
        tpu.vector_store %arg12[%parallel_loop3A_521, %parallel_loop3A_522, %parallel_loop3A_523], %parallel_loop3A_519 {strides = array<i32>} : memref<10x64x32xf32, #tpu.memory_space<vmem>>, vector<16xf32>,
        %parallel_loop3A_525 = tpu.vector_load_idx %arg10[%add3A_484, %parallel_loop3A_512] : memref<320x64xf32, #tpu.memory_space<vmem>>[vector<16xi32>, vector<16xi32>], vector<16xf32>,
        %parallel_loop3A_526 = arith.addf %parallel_loop3A_517, %parallel_loop3A_525 : vector<16xf32>
        %parallel_loop3A_527 = arith.constant 8 : i32
        %parallel_loop3A_528 = arith.index_cast %parallel_loop3A_527 : i32 to index
        %parallel_loop3A_529 = arith.index_cast %parallel_loop3A_511 : i32 to index
        %parallel_loop3A_530 = arith.constant 16 : index
        %parallel_loop3A_531 = tpu.vector_load %arg12[%parallel_loop3A_528, %parallel_loop3A_529, %parallel_loop3A_530] {strides = array<i32>} : memref<10x64x32xf32, #tpu.memory_space<vmem>>, vector<16xf32>,
        tpu.vector_store %arg12[%parallel_loop3A_528, %parallel_loop3A_529, %parallel_loop3A_530], %parallel_loop3A_526 {strides = array<i32>} : memref<10x64x32xf32, #tpu.memory_space<vmem>>, vector<16xf32>,
      } {sc.loop_unroll_factor = 4 : i64, sc.parallel_access}
      %mul3A_488 = arith.constant 10 : i32
      %mul3A_489 = vector.broadcast %mul3A_488 : i32 to vector<16xi32>
      %mul3A_490 = arith.muli %iota3A_379, %mul3A_489 : vector<16xi32>
      %add3A_491 = arith.constant 9 : i32
      %add3A_492 = vector.broadcast %add3A_491 : i32 to vector<16xi32>
      %add3A_493 = arith.addi %mul3A_490, %add3A_492 : vector<16xi32>
      %add3A_494 = arith.constant 160 : i32
      %add3A_495 = vector.broadcast %add3A_494 : i32 to vector<16xi32>
      %add3A_496 = arith.addi %add3A_493, %add3A_495 : vector<16xi32>
      %parallel_loop3A_497 = arith.constant 0 : i32
      %parallel_loop3A_498 = arith.constant 64 : i32
      %parallel_loop3A_499 = arith.constant 1 : i32
      scf.for %parallel_loop3A_511 = %parallel_loop3A_497 to %parallel_loop3A_498 step %parallel_loop3A_499  : i32 {
        %parallel_loop3A_512 = vector.broadcast %parallel_loop3A_511 : i32 to vector<16xi32>
        %parallel_loop3A_513 = arith.constant 9 : i32
        %parallel_loop3A_514 = arith.index_cast %parallel_loop3A_513 : i32 to index
        %parallel_loop3A_515 = arith.index_cast %parallel_loop3A_511 : i32 to index
        %parallel_loop3A_516 = arith.constant 0 : index
        %parallel_loop3A_517 = tpu.vector_load %arg8[%parallel_loop3A_514, %parallel_loop3A_515, %parallel_loop3A_516] {strides = array<i32>} : memref<10x64x16xf32, #tpu.memory_space<vmem>>, vector<16xf32>,
        %parallel_loop3A_518 = tpu.vector_load_idx %arg10[%add3A_493, %parallel_loop3A_512] : memref<320x64xf32, #tpu.memory_space<vmem>>[vector<16xi32>, vector<16xi32>], vector<16xf32>,
        %parallel_loop3A_519 = arith.addf %parallel_loop3A_517, %parallel_loop3A_518 : vector<16xf32>
        %parallel_loop3A_520 = arith.constant 9 : i32
        %parallel_loop3A_521 = arith.index_cast %parallel_loop3A_520 : i32 to index
        %parallel_loop3A_522 = arith.index_cast %parallel_loop3A_511 : i32 to index
        %parallel_loop3A_523 = arith.constant 0 : index
        %parallel_loop3A_524 = tpu.vector_load %arg12[%parallel_loop3A_521, %parallel_loop3A_522, %parallel_loop3A_523] {strides = array<i32>} : memref<10x64x32xf32, #tpu.memory_space<vmem>>, vector<16xf32>,
        tpu.vector_store %arg12[%parallel_loop3A_521, %parallel_loop3A_522, %parallel_loop3A_523], %parallel_loop3A_519 {strides = array<i32>} : memref<10x64x32xf32, #tpu.memory_space<vmem>>, vector<16xf32>,
        %parallel_loop3A_525 = tpu.vector_load_idx %arg10[%add3A_496, %parallel_loop3A_512] : memref<320x64xf32, #tpu.memory_space<vmem>>[vector<16xi32>, vector<16xi32>], vector<16xf32>,
        %parallel_loop3A_526 = arith.addf %parallel_loop3A_517, %parallel_loop3A_525 : vector<16xf32>
        %parallel_loop3A_527 = arith.constant 9 : i32
        %parallel_loop3A_528 = arith.index_cast %parallel_loop3A_527 : i32 to index
        %parallel_loop3A_529 = arith.index_cast %parallel_loop3A_511 : i32 to index
        %parallel_loop3A_530 = arith.constant 16 : index
        %parallel_loop3A_531 = tpu.vector_load %arg12[%parallel_loop3A_528, %parallel_loop3A_529, %parallel_loop3A_530] {strides = array<i32>} : memref<10x64x32xf32, #tpu.memory_space<vmem>>, vector<16xf32>,
        tpu.vector_store %arg12[%parallel_loop3A_528, %parallel_loop3A_529, %parallel_loop3A_530], %parallel_loop3A_526 {strides = array<i32>} : memref<10x64x32xf32, #tpu.memory_space<vmem>>, vector<16xf32>,
      } {sc.loop_unroll_factor = 4 : i64, sc.parallel_access}
      %lt3A_500 = arith.constant 9 : i32
      %lt3A_501 = arith.cmpi slt, %scan3A_114, %lt3A_500 : i32
      %convert_element_type3A_502 = arith.extui %lt3A_501 : i1 to i32
      %cond3A_503 = arith.constant 0 : i32
      %cond3A_504 = arith.cmpi ne, %convert_element_type3A_502, %cond3A_503 : i32
      scf.if %cond3A_504 {
        %add3A_511 = arith.constant 2 : i32
        %add3A_512 = arith.addi %add3A_313, %add3A_511 : i32
        %mul3A_513 = arith.constant 4 : i32
        %mul3A_514 = arith.muli %add3A_512, %mul3A_513 : i32
        %add3A_515 = arith.constant 0 : i32
        %add3A_516 = arith.addi %mul3A_514, %add3A_515 : i32
        %dma_start3A_517 = arith.constant 0 : i32
        %dma_start3A_518 = arith.constant 0 : i32
        %dma_start3A_519 = tpu.memref_slice %arg10[%dma_start3A_517, %dma_start3A_518] : memref<320x64xf32, #tpu.memory_space<vmem>> -> memref<80x64xf32, #tpu.memory_space<vmem>>
        %dma_start3A_520 = arith.constant 0 : i32
        %dma_start3A_521 = tpu.memref_slice %arg6[%add3A_516, %dma_start3A_520] : memref<80x80xi32, #tpu.memory_space<vmem>> -> memref<1x80xi32, #tpu.memory_space<vmem>>
        %dma_start3A_522 = tpu.memref_squeeze %dma_start3A_521 : memref<1x80xi32, #tpu.memory_space<vmem>> -> memref<80xi32, #tpu.memory_space<vmem>>
        %dma_start3A_523 = arith.constant 0 : i32
        %dma_start3A_524 = arith.constant 0 : i32
        %dma_start3A_525 = tpu.memref_slice %arg3[%dma_start3A_523, %dma_start3A_524] : memref<1000000x64xf32, #tpu.memory_space<hbm>> -> memref<1000000x64xf32, #tpu.memory_space<hbm>>
        tpu.enqueue_indirect_dma source(%dma_start3A_525 : memref<1000000x64xf32, #tpu.memory_space<hbm>>) target(%dma_start3A_519 : memref<80x64xf32, #tpu.memory_space<vmem>>) offsets(%dma_start3A_522 : memref<80xi32, #tpu.memory_space<vmem>>) semaphore(%arg14 : memref<!tpu.dma_semaphore, #tpu.memory_space<semaphore_mem>>)
        %mul3A_526 = arith.constant 4 : i32
        %mul3A_527 = arith.muli %add3A_512, %mul3A_526 : i32
        %add3A_528 = arith.constant 1 : i32
        %add3A_529 = arith.addi %mul3A_527, %add3A_528 : i32
        %dma_start3A_530 = arith.constant 80 : i32
        %dma_start3A_531 = arith.constant 0 : i32
        %dma_start3A_532 = tpu.memref_slice %arg10[%dma_start3A_530, %dma_start3A_531] : memref<320x64xf32, #tpu.memory_space<vmem>> -> memref<80x64xf32, #tpu.memory_space<vmem>>
        %dma_start3A_533 = arith.constant 0 : i32
        %dma_start3A_534 = tpu.memref_slice %arg6[%add3A_529, %dma_start3A_533] : memref<80x80xi32, #tpu.memory_space<vmem>> -> memref<1x80xi32, #tpu.memory_space<vmem>>
        %dma_start3A_535 = tpu.memref_squeeze %dma_start3A_534 : memref<1x80xi32, #tpu.memory_space<vmem>> -> memref<80xi32, #tpu.memory_space<vmem>>
        %dma_start3A_536 = arith.constant 0 : i32
        %dma_start3A_537 = arith.constant 0 : i32
        %dma_start3A_538 = tpu.memref_slice %arg3[%dma_start3A_536, %dma_start3A_537] : memref<1000000x64xf32, #tpu.memory_space<hbm>> -> memref<1000000x64xf32, #tpu.memory_space<hbm>>
        tpu.enqueue_indirect_dma source(%dma_start3A_538 : memref<1000000x64xf32, #tpu.memory_space<hbm>>) target(%dma_start3A_532 : memref<80x64xf32, #tpu.memory_space<vmem>>) offsets(%dma_start3A_535 : memref<80xi32, #tpu.memory_space<vmem>>) semaphore(%arg14 : memref<!tpu.dma_semaphore, #tpu.memory_space<semaphore_mem>>)
        %mul3A_539 = arith.constant 4 : i32
        %mul3A_540 = arith.muli %add3A_512, %mul3A_539 : i32
        %add3A_541 = arith.constant 2 : i32
        %add3A_542 = arith.addi %mul3A_540, %add3A_541 : i32
        %dma_start3A_543 = arith.constant 160 : i32
        %dma_start3A_544 = arith.constant 0 : i32
        %dma_start3A_545 = tpu.memref_slice %arg10[%dma_start3A_543, %dma_start3A_544] : memref<320x64xf32, #tpu.memory_space<vmem>> -> memref<80x64xf32, #tpu.memory_space<vmem>>
        %dma_start3A_546 = arith.constant 0 : i32
        %dma_start3A_547 = tpu.memref_slice %arg6[%add3A_542, %dma_start3A_546] : memref<80x80xi32, #tpu.memory_space<vmem>> -> memref<1x80xi32, #tpu.memory_space<vmem>>
        %dma_start3A_548 = tpu.memref_squeeze %dma_start3A_547 : memref<1x80xi32, #tpu.memory_space<vmem>> -> memref<80xi32, #tpu.memory_space<vmem>>
        %dma_start3A_549 = arith.constant 0 : i32
        %dma_start3A_550 = arith.constant 0 : i32
        %dma_start3A_551 = tpu.memref_slice %arg3[%dma_start3A_549, %dma_start3A_550] : memref<1000000x64xf32, #tpu.memory_space<hbm>> -> memref<1000000x64xf32, #tpu.memory_space<hbm>>
        tpu.enqueue_indirect_dma source(%dma_start3A_551 : memref<1000000x64xf32, #tpu.memory_space<hbm>>) target(%dma_start3A_545 : memref<80x64xf32, #tpu.memory_space<vmem>>) offsets(%dma_start3A_548 : memref<80xi32, #tpu.memory_space<vmem>>) semaphore(%arg14 : memref<!tpu.dma_semaphore, #tpu.memory_space<semaphore_mem>>)
        %mul3A_552 = arith.constant 4 : i32
        %mul3A_553 = arith.muli %add3A_512, %mul3A_552 : i32
        %add3A_554 = arith.constant 3 : i32
        %add3A_555 = arith.addi %mul3A_553, %add3A_554 : i32
        %dma_start3A_556 = arith.constant 240 : i32
        %dma_start3A_557 = arith.constant 0 : i32
        %dma_start3A_558 = tpu.memref_slice %arg10[%dma_start3A_556, %dma_start3A_557] : memref<320x64xf32, #tpu.memory_space<vmem>> -> memref<80x64xf32, #tpu.memory_space<vmem>>
        %dma_start3A_559 = arith.constant 0 : i32
        %dma_start3A_560 = tpu.memref_slice %arg6[%add3A_555, %dma_start3A_559] : memref<80x80xi32, #tpu.memory_space<vmem>> -> memref<1x80xi32, #tpu.memory_space<vmem>>
        %dma_start3A_561 = tpu.memref_squeeze %dma_start3A_560 : memref<1x80xi32, #tpu.memory_space<vmem>> -> memref<80xi32, #tpu.memory_space<vmem>>
        %dma_start3A_562 = arith.constant 0 : i32
        %dma_start3A_563 = arith.constant 0 : i32
        %dma_start3A_564 = tpu.memref_slice %arg3[%dma_start3A_562, %dma_start3A_563] : memref<1000000x64xf32, #tpu.memory_space<hbm>> -> memref<1000000x64xf32, #tpu.memory_space<hbm>>
        tpu.enqueue_indirect_dma source(%dma_start3A_564 : memref<1000000x64xf32, #tpu.memory_space<hbm>>) target(%dma_start3A_558 : memref<80x64xf32, #tpu.memory_space<vmem>>) offsets(%dma_start3A_561 : memref<80xi32, #tpu.memory_space<vmem>>) semaphore(%arg14 : memref<!tpu.dma_semaphore, #tpu.memory_space<semaphore_mem>>)
        %mul3A_565 = arith.constant 10 : i32
        %mul3A_566 = arith.muli %add3A_512, %mul3A_565 : i32
        %dma_start3A_567 = arith.constant 0 : i32
        %dma_start3A_568 = arith.constant 0 : i32
        %dma_start3A_569 = tpu.memref_slice %arg4[%mul3A_566, %dma_start3A_567, %dma_start3A_568] : memref<200x64x16xf32, #tpu.memory_space<hbm>> -> memref<10x64x16xf32, #tpu.memory_space<hbm>>
        %dma_start3A_570 = arith.constant 0 : i32
        %dma_start3A_571 = arith.constant 0 : i32
        %dma_start3A_572 = tpu.memref_slice %arg4[%mul3A_566, %dma_start3A_570, %dma_start3A_571] : memref<200x64x16xf32, #tpu.memory_space<hbm>> -> memref<10x64x16xf32, #tpu.memory_space<hbm>>
        tpu.enqueue_dma source(%dma_start3A_572 : memref<10x64x16xf32, #tpu.memory_space<hbm>>) target(%arg8 : memref<10x64x16xf32, #tpu.memory_space<vmem>>) target_semaphore(%arg14 : memref<!tpu.dma_semaphore, #tpu.memory_space<semaphore_mem>>)
      } else {
      }
      %mul3A_505 = arith.constant 10 : i32
      %mul3A_506 = arith.muli %add3A_313, %mul3A_505 : i32
      %dma_start3A_507 = arith.constant 0 : i32
      %dma_start3A_508 = tpu.memref_slice %arg5[%mul3A_506, %dma_start3A_507, %mul3A_2] : memref<200x64x1024xf32, #tpu.memory_space<hbm>> -> memref<10x64x32xf32, #tpu.memory_space<hbm>>
      %dma_start3A_509 = arith.constant 0 : i32
      %dma_start3A_510 = tpu.memref_slice %arg5[%mul3A_506, %dma_start3A_509, %mul3A_2] : memref<200x64x1024xf32, #tpu.memory_space<hbm>> -> memref<10x64x32xf32, #tpu.memory_space<hbm>>
      tpu.enqueue_dma source(%arg12 : memref<10x64x32xf32, #tpu.memory_space<vmem>>) target(%dma_start3A_510 : memref<10x64x32xf32, #tpu.memory_space<hbm>>) target_semaphore(%arg16 : memref<!tpu.dma_semaphore, #tpu.memory_space<semaphore_mem>>)
    }
    %scan3A_102 = arith.constant 10 : i32
    %dma_wait3A = arith.constant 0 : i32
    %dma_wait3A_103 = arith.constant 0 : i32
    %dma_wait3A_104 = tpu.memref_slice %arg5[%dma_wait3A, %dma_wait3A_103, %mul3A_2] : memref<200x64x1024xf32, #tpu.memory_space<hbm>> -> memref<10x64x32xf32, #tpu.memory_space<hbm>>
    %dma_wait3A_105 = arith.constant 0 : i32
    %dma_wait3A_106 = arith.constant 0 : i32
    %dma_wait3A_107 = tpu.memref_slice %arg5[%dma_wait3A_105, %dma_wait3A_106, %mul3A_2] : memref<200x64x1024xf32, #tpu.memory_space<hbm>> -> memref<10x64x32xf32, #tpu.memory_space<hbm>>
    tpu.wait_dma2 semaphore(%arg15 : memref<!tpu.dma_semaphore, #tpu.memory_space<semaphore_mem>>) src(%arg11 : memref<10x64x32xf32, #tpu.memory_space<vmem>>) dst(%dma_wait3A_107 : memref<10x64x32xf32, #tpu.memory_space<hbm>>)
    %dma_wait3A_108 = arith.constant 0 : i32
    %dma_wait3A_109 = arith.constant 0 : i32
    %dma_wait3A_110 = tpu.memref_slice %arg5[%dma_wait3A_108, %dma_wait3A_109, %mul3A_2] : memref<200x64x1024xf32, #tpu.memory_space<hbm>> -> memref<10x64x32xf32, #tpu.memory_space<hbm>>
    %dma_wait3A_111 = arith.constant 0 : i32
    %dma_wait3A_112 = arith.constant 0 : i32
    %dma_wait3A_113 = tpu.memref_slice %arg5[%dma_wait3A_111, %dma_wait3A_112, %mul3A_2] : memref<200x64x1024xf32, #tpu.memory_space<hbm>> -> memref<10x64x32xf32, #tpu.memory_space<hbm>>
    tpu.wait_dma2 semaphore(%arg16 : memref<!tpu.dma_semaphore, #tpu.memory_space<semaphore_mem>>) src(%arg12 : memref<10x64x32xf32, #tpu.memory_space<vmem>>) dst(%dma_wait3A_113 : memref<10x64x32xf32, #tpu.memory_space<hbm>>)
    return
  }
}

</mosaic_0001>

<sc_bundles>
// kernel: kernel.3.cloned.1.call-start
scs
__scs_entry_jumppad:
0x0: {  	(pc) =	sbr.rel $0x88, $3  }
0x1: {  	(tag) =	ssettag $0x0;
	lr =	simm.s32 $0x1  }
0x2: {  	[smem:$0x3F9E] =	sst lr;
	_ =	strace $0xD0000000  }
0x3: {  	_ = 	snop  }
0x4: {  	_ = 	snop  }
0x5: {  	_ = 	snop  }
0x6: {  	_ = 	snop  }
0x7: {  	_ = 	snop  }
__scs_overlays_trampoline_lowered:
0x8: {  	[smem:$0x3FAD] =	sst s0  }
0x9: {  	[smem:$0x3FAE] =	sst s1  }
0xa: {  	[smem:$0x3FAF] =	sst s2  }
0xb: {  	[smem:$0x3FB0] =	sst s3  }
0xc: {  	[smem:$0x3FB1] =	sst s4  }
0xd: {  	[smem:$0x3FB2] =	sst s5  }
0xe: {  	[smem:$0x3FB3] =	sst s6  }
0xf: {  	[smem:$0x3FB4] =	sst s7  }
0x10: {  	[smem:$0x3FB5] =	sst s8  }
0x11: {  	[smem:$0x3FB6] =	sst s9;
	s0 =	simm.s32 @!p0 $0x0  }
0x12: {  	s1 =	sld [smem:$0x3F9C];
	s0 =	simm.s32 @p0 $0x1  }
0x13: {  	[smem:$0x3FB7] =	sst s0;
	s0 =	simm.s32 @!p1 $0x0  }
0x14: {  	s2 =	sld [smem:$0x3F9B];
	s0 =	simm.s32 @p1 $0x1  }
0x15: {  	[smem:$0x3FB8] =	sst s0;
	s0 =	simm.s32 @!p2 $0x0  }
0x16: {  	s3 =	sld [smem:$0x3FDB];
	s0 =	simm.s32 @p2 $0x1  }
0x17: {  	s4 =	simm.s32 $0x1BF5;
	[smem:$0x3FBA] =	sst s0  }
0x18: {  	s0 =	sld [smem:$0x3F9D];
	_ =	swait.ge [sflag:s4], $0x0  }
0x19: {  	s7 =	sld [smem:$0x3F9E]  }
0x1a: {  	s8 =	sadd.s32 $0xFFFFE003, lr  }
0x1b: {  	s9 =	sadd.s32 $0xFFFFFEF7, lr;
	s5 =	simm.s32 $0xFFFFFFFF;
	p2 =	slt.u32 s8, $0xFFFFF086  }
0x1c: {  	p1 =	slt.u32 s9, $0xF7A;
	s5 =	simm.s32 @!p2 $0x0  }
0x1d: {  	s5 =	simm.s32 @p1 $0x1;
	p0 =	seq.s32 s7, s2  }
0x1e: {  	s7 =	smul.u32 @!p0 $0xF7A, s2;
	p2 =	seq.s32 @!p0 s5, $0x0  }
0x1f: {  	s9 =	smul.u32 $0xF7A, s1;
	s8 =	simm.s32 @!p0 $0x1BF5;
	p2 =	por !p2, p0  }
0x20: {  	[sflag:s8] =	ssyncset.s32 @!p0 $0xFFFFF086;
	s6 =	sadd.s32 @!p0 s3, s7;
	s7 =	simm.s32 @!p0 $0x108  }
0x21: {  	s3 =	sadd.s32 s3, s9;
	s6 =	sadd.s32 @!p0 $0x88, s6;
	s7 =	simm.s32 @p2 $0x1082  }
0x22: {  	[simem:s7], [sflag:s8] =	dma.local @!p0 [hbm:s6], $0xF7A  }
0x23: {  	s9 =	sor.u32 $0xD0000000, s2;
	s6 =	simm.s32 $0x108;
	_ =	swait.ge @!p0 [sflag:s8], $0x0  }
0x24: {  	s3 =	sadd.s32 $0x88, s3;
	s6 =	simm.s32 @!p1 $0x1082;
	[sflag:s4] =	ssyncset.s32 $0xFFFFF086  }
0x25: {  	[simem:s6], [sflag:s4] =	dma.local [hbm:s3], $0xF7A  }
0x26: {  	[smem:$0x3F9E] =	sst s1;
	(tag) =	ssettag s2;
	_ =	strace s9  }
0x27: {  	s1 =	sld [smem:$0x3FAE]  }
0x28: {  	s2 =	sld [smem:$0x3FAF]  }
0x29: {  	s4 =	sld [smem:$0x3FB1]  }
0x2a: {  	p0 =	seq.s32 s5, $0x0;
	s5 =	sld [smem:$0x3FB2]  }
0x2b: {  	s6 =	sld [smem:$0x3FB3]  }
0x2c: {  	s7 =	sld [smem:$0x3FB4]  }
0x2d: {  	s3 =	simm.s32 $0x108;
	s8 =	sld [smem:$0x3FB5]  }
0x2e: {  	s3 =	simm.s32 @!p0 $0x1082;
	s9 =	sld [smem:$0x3FB6]  }
0x2f: {  	lr =	sadd.s32 s0, s3;
	s0 =	sld [smem:$0x3FAD]  }
0x30: {  	s3 =	sld [smem:$0x3FB0]  }
0x31: {  	[smem:$0x3FB9] =	sst s10  }
0x32: {  	s10 =	sld [smem:$0x3FB7];
	_ =	sdelay $0x3  }
0x33: {  	p0 =	seq.s32 s10, $0x1;
	s10 =	sld [smem:$0x3FB9];
	_ =	sdelay $0x3  }
0x34: {  	[smem:$0x3FB9] =	sst s10  }
0x35: {  	s10 =	sld [smem:$0x3FB8];
	_ =	sdelay $0x3  }
0x36: {  	p1 =	seq.s32 s10, $0x1;
	s10 =	sld [smem:$0x3FB9];
	_ =	sdelay $0x3  }
0x37: {  	[smem:$0x3FB9] =	sst s10  }
0x38: {  	s10 =	sld [smem:$0x3FBA]  }
0x39: {  	_ = 	snop;
	(pc) =	sbr.ind lr, $3  }
0x3a: {  	_ = 	snop  }
0x3b: {  	_ = 	snop  }
0x3c: {  	p2 =	seq.s32 s10, $0x1;
	s10 =	sld [smem:$0x3FB9]  }
0x3d: {  	_ =	shalt  }
0x3e: {  	_ =	shalt  }
0x3f: {  	_ =	shalt  }
0x40: {  	_ =	shalt  }
0x41: {  	_ =	shalt  }
0x42: {  	_ =	shalt  }
0x43: {  	_ =	shalt  }
0x44: {  	_ =	shalt  }
0x45: {  	_ =	shalt  }
0x46: {  	_ =	shalt  }
0x47: {  	_ =	shalt  }
0x48: {  	_ =	shalt  }
0x49: {  	_ =	shalt  }
0x4a: {  	_ =	shalt  }
0x4b: {  	_ =	shalt  }
0x4c: {  	_ =	shalt  }
0x4d: {  	_ =	shalt  }
0x4e: {  	_ =	shalt  }
0x4f: {  	_ =	shalt  }
0x50: {  	_ =	shalt  }
0x51: {  	_ =	shalt  }
0x52: {  	_ =	shalt  }
0x53: {  	_ =	shalt  }
0x54: {  	_ =	shalt  }
0x55: {  	_ =	shalt  }
0x56: {  	_ =	shalt  }
0x57: {  	_ =	shalt  }
0x58: {  	_ =	shalt  }
0x59: {  	_ =	shalt  }
0x5a: {  	_ =	shalt  }
0x5b: {  	_ =	shalt  }
0x5c: {  	_ =	shalt  }
0x5d: {  	_ =	shalt  }
0x5e: {  	_ =	shalt  }
0x5f: {  	_ =	shalt  }
0x60: {  	_ =	shalt  }
0x61: {  	_ =	shalt  }
0x62: {  	_ =	shalt  }
0x63: {  	_ =	shalt  }
0x64: {  	_ =	shalt  }
0x65: {  	_ =	shalt  }
0x66: {  	_ =	shalt  }
0x67: {  	_ =	shalt  }
0x68: {  	_ =	shalt  }
0x69: {  	_ =	shalt  }
0x6a: {  	_ =	shalt  }
0x6b: {  	_ =	shalt  }
0x6c: {  	_ =	shalt  }
0x6d: {  	_ =	shalt  }
0x6e: {  	_ =	shalt  }
0x6f: {  	_ =	shalt  }
0x70: {  	_ =	shalt  }
0x71: {  	_ =	shalt  }
0x72: {  	_ =	shalt  }
0x73: {  	_ =	shalt  }
0x74: {  	_ =	shalt  }
0x75: {  	_ =	shalt  }
0x76: {  	_ =	shalt  }
0x77: {  	_ =	shalt  }
0x78: {  	_ =	shalt  }
0x79: {  	_ =	shalt  }
0x7a: {  	_ =	shalt  }
0x7b: {  	_ =	shalt  }
0x7c: {  	_ =	shalt  }
0x7d: {  	_ =	shalt  }
0x7e: {  	_ =	shalt  }
0x7f: {  	_ =	shalt  }
0x80: {  	_ =	shalt  }
0x81: {  	_ =	shalt  }
0x82: {  	_ =	shalt  }
0x83: {  	_ =	shalt  }
0x84: {  	_ =	shalt  }
0x85: {  	_ =	shalt  }
0x86: {  	_ =	shalt  }
0x87: {  	_ =	shalt  }
.Lfunc_end0:
.L_simem_size_0:
called_computation_lowered:
.L_overlay_start_0:
0x88: {  	s2 =	sld [smem:$0x3FD9]  }
0x89: {  	s3 =	sld [smem:$0x3FFE];
	_ =	sdelay $0x1  }
0x8a: {  	s1 =	srdreg.scid  }
0x8b: {  	s0 =	sand.u32 $0x1, s1  }
0x8c: {  	s17 =	sshll.u32 s0, $0xA;
	s2 =	sadd.s32 s3, s2  }
0x8d: {  	s2 =	sadd.s32 s2, s17  }
0x8e: {  	[smem:$0x3FC5] =	sst s2  }
0x8f: {  	_ = 	snop  }
0x90: {  	s2 =	sld [smem:$0x3FD0];
	(tm) =	ssettm $0x1  }
0x91: {  	s18 =	sld [smem:$0x3FFB];
	_ =	sdelay $0x3  }
0x92: {  	_ =	strace s18  }
0x93: {  	s3 =	sld [smem:$0x3FFC];
	_ =	sdelay $0x3  }
0x94: {  	_ =	strace s3  }
0x95: {  	s3 =	sld [smem:$0x3FFD];
	_ =	sdelay $0x3  }
0x96: {  	_ =	strace s3  }
0x97: {  	_ =	strace $0x8FFFFFFF  }
0x98: {  	s19 =	sld [smem:$0x3FDB];
	_ =	sdelay $0x1  }
0x99: {  	s4 =	simm.s32 $_scs_section_size  }
0x9a: {  	s5 =	simm.s32 $_size__tile_overlayer_lowered;
	s6 =	simm.s32 $_tile_overlayer_lowered  }
0x9b: {  	s22 =	simm.s32 $0x1BFF;
	s21 =	sshll.u32 s6, $0x1;
	s3 =	sadd.s32 s4, s19  }
0x9c: {  	s7 =	simm.s32 $0x0;
	s20 =	sshll.u32 s5, $0x1;
	s5 =	sadd.s32 s21, s3  }
0x9d: {  	[timem:s7], [sflag:s22] =	dma.local [hbm:s5], s20  }
0x9e: {  	_ =	swait.ge [sflag:s22], s20  }
0x9f: {  	s4 =	ssub.s32 $0x0, s20;
	[sflag:s22] =	ssyncset.done $0x0  }
0xa0: {  	[sflag:s22] =	ssyncadd.s32 s4;
	_ =	sdelay $0x1  }
0xa1: {  	s23 =	simm.s32 $0x1B8B  }
0xa2: {  	_ =	swait.ge [sflag:s23], $0x1  }
0xa3: {  	[sflag:s23] =	ssyncset.done $0x0  }
0xa4: {  	s25 =	simm.s32 $0x1B8E;
	s24 =	sld [smem:$0x3FFE];
	[sflag:s23] =	ssyncadd.s32 $0xFFFFFFFF  }
0xa5: {  	s26 =	simm.s32 $execute0_lowered;
	[smem:$0x3FD2] =	sst s25  }
0xa6: {  	s5 =	sshll.u32 s26, $0x1;
	_ =	strace $0x80000046;
	[dreg:$0x1] =	wrdreg $0xFFFFFFFF  }
0xa7: {  	s28 =	simm.s32 $_size_execute0_lowered;
	s3 =	sadd.s32 s3, s5;
	[dreg:$0x0] =	wrdreg $0x0  }
0xa8: {  	s5 =	sshll.u32 s28, $0x1;
	[dreg:$0x2] =	wrdreg s3  }
0xa9: {  	[dreg:$0x3] =	wrdreg s5  }
0xaa: {  	[dreg:$0x4] =	wrdreg $0xC0  }
0xab: {  	_ =	task [dreg:s7], $0x5FFFF  }
0xac: {  	[dreg:$0x1] =	wrdreg $0xFFFFFFFF  }
0xad: {  	[dreg:$0x0] =	wrdreg $0x60  }
0xae: {  	[dreg:$0x2] =	wrdreg s2  }
0xaf: {  	[dreg:$0x3] =	wrdreg s24  }
0xb0: {  	[dreg:$0x4] =	wrdreg $0x9  }
0xb1: {  	_ =	task.clear_ibuf [dreg:s7], $0x5FFFF;
	_ =	strace $0x90000046  }
0xb2: {  	s29 =	simm.s32 $0x9;
	_ =	strace $0x80000048  }
0xb3: {  	_ =	swait.ge [sflag:s29], $0x1  }
0xb4: {  	[sflag:s29] =	ssyncadd.s32 $0xFFFFFFFF  }
0xb5: {  	_ =	strace $0x90000048  }
0xb6: {  	_ =	sfence  }
0xb7: {  	s30 =	sld [smem:$0x0];
	_ =	sdelay $0x2  }
0xb8: {  	s31 =	sshll.u32 s1, $0xD;
	s1 =	sshrl.u32 s1, $0x2  }
0xb9: {  	s3 =	sand.u32 $0x4000, s31;
	s1 =	sadd.s32 s1, s30  }
0xba: {  	s0 =	sor.u32 s3, s0;
	s1 =	sshll.u32 s1, $0x11  }
0xbb: {  	s0 =	sor.u32 s1, s0  }
0xbc: {  	s0 =	sadd.s32 $0x8F2B, s0  }
0xbd: {  	[sflag:s0] =	ssyncadd.remote.s32 $0x1  }
0xbe: {  	_ =	sfence.sel $0xFFFF  }
0xbf: {  	[dreg:$0x0] =	wrdreg $0xFFFFFFFF;
	(pc) =	sbr.abs _section_cstart, $3  }
0xc0: {  	[dreg:$0x1] =	wrdreg $0xFFFFFFFF  }
0xc1: {  	_ =	task.clear_ibuf [dreg:s7], $0x2FFFF;
	_ =	strace $0x9FFFFFFF  }
0xc2: {  	(tm) =	ssettm $0x7FFFFFFF  }
0xc3: {  	_ =	shalt  }
tec
execute0_lowered:
.L_overlay_start_1:
0x0: {  	(tag) =	ssettag $0x1  }
0x1: {  	s0 =	rddreg [dreg:$0x0]  }
0x2: {  	s1 =	rddreg [dreg:$0x1];
	s2 =	simm.s32 $0x0  }
0x3: {  	s3 =	srdreg.scid;
	s5 =	stileid.u32;
	s11 =	simm.s32 $0x5  }
0x4: {  	s12 =	simm.s32 $0x50;
	s13 =	simm.s32 $0x6900;
	s21 =	simm.s32 $0xB900  }
0x5: {  	s30 =	simm.s32 $0x1;
	s31 =	simm.s32 $0x20;
	s14 =	simm.s32 $0x2  }
0x6: {  	s15 =	simm.s32 $0x15900;
	s16 =	simm.s32 $0x3;
	s17 =	simm.s32 $0x4  }
0x7: {  	v0 =	vlaneseq.u32;
	s18 =	simm.s32 $0x0;
	s4 =	sand.u32 $0x1, s3;
	s26 =	sshll.u32 s5, $0x1  }
0x8: {  	[smem:$0x7FF] =	sst s2;
	s3 =	sadd.s32 $0xF42C00, s1;
	v0 =	vmul.u32 $0x280, v0;
	s6 =	sor.u32 s4, s26  }
0x9: {  	s5 =	sadd.s32 $0x6C00, s1;
	s28 =	sadd.s32 $0xD00, s1;
	s8 =	smul.u32 $0x320, s6  }
.Ltmp0:
0xa: {  	_ =	strace $0x80000047;
	s7 =	ssub.s32 $0x2, s4;
	v1 =	vadd.s32 $0x2800, v0;
	(pc) =	sbr.rel .LBB2_1-.Ltmp0, $4  }
0xb: {  	s4 =	sadd.s32 $0x800, s1;
	[dreg:$0x4] =	wrdreg s28;
	s9 =	sshrl.u32 s7, $0x1;
	v2 =	vor.u32 $0x40, v0;
	v3 =	vadd.s32 $0x2840, v0;
	v4 =	vadd.s32 $0x80, v0  }
0xc: {  	s1 =	simm.s32 $0x10900;
	v5 =	vadd.s32 $0x2880, v0;
	v6 =	vadd.s32 $0xC0, v0;
	v7 =	vadd.s32 $0x28C0, v0;
	s10 =	ssub.s32 s7, s9;
	s0 =	sadd.s32 s0, s8  }
0xd: {  	v8 =	vadd.s32 $0x100, v0;
	v9 =	vadd.s32 $0x2900, v0;
	v10 =	vadd.s32 $0x140, v0;
	s7 =	sshll.u32 s6, $0x5;
	s29 =	smax.u32 s10, $0x1;
	[dreg:$0x3] =	wrdreg s0  }
0xe: {  	v11 =	vadd.s32 $0x2940, v0;
	v12 =	vadd.s32 $0x180, v0;
	v13 =	vadd.s32 $0x2980, v0;
	s9 =	sor.u32 $0xA0000, s7;
	[dreg:$0x5] =	wrdreg s29;
	s0 =	simm.s32 $0x400  }
.LBB2_59:
0xf: {  	_ =	swait.ge [sflag:s16], $0x5000  }
0x10: {  	[sflag:s16] =	ssyncset.done $0x0  }
0x11: {  	[sflag:s16] =	ssyncadd.s32 $0xFFFFB000  }
0x12: {  	_ =	swait.ge [sflag:s17], $0x5000  }
0x13: {  	s18 =	sadd.s32 $0x1, s18;
	s6 =	rddreg [dreg:$0x5]  }
0x14: {  	p0 =	sne.s32 s18, s6  }
.Ltmp1:
0x15: {  	_ = 	snop;
	(pc) =	sbr.rel @!p0 .LBB2_60-.Ltmp1, $3  }
0x16: {  	_ =	sdelay $0x1  }
0x17: {  	[sflag:s17] =	ssyncset.done $0x0  }
0x18: {  	[sflag:s17] =	ssyncadd.s32 $0xFFFFB000  }
.LBB2_1:
0x19: {  	s6 =	rddreg [dreg:$0x3]  }
0x1a: {  	[tilespmem:s2], [sflag:$0x5] =	stream.linear.gather [hbm4b:s6+s2], $0x1900, $0x38;
	[tilespmem:$0x1A900] =	vst v63  }
0x1b: {  	_ =	swait.ge [sflag:s11], $0x1900  }
0x1c: {  	[sflag:s11] =	ssyncset.done $0x0  }
0x1d: {  	[sflag:s11] =	ssyncadd.s32 $0xFFFFE700  }
0x1e: {  	[tilespmem:s13], [sflag:$0x1] =	stream.indirect.gather [hbm4b:s3+s12], $0x40, s2, s12, $0xb8;
	[tilespmem:$0x1A900] =	vst v63  }
0x1f: {  	s25 =	simm.s32 $0x7D00  }
0x20: {  	[tilespmem:s25], [sflag:$0x1] =	stream.indirect.gather [hbm4b:s3+s12], $0x40, s12, s12, $0xb8;
	[tilespmem:$0x1A900] =	vst v63  }
0x21: {  	s26 =	simm.s32 $0xA0;
	s8 =	simm.s32 $0x9100  }
0x22: {  	[tilespmem:s8], [sflag:$0x1] =	stream.indirect.gather [hbm4b:s3+s12], $0x40, s26, s12, $0xb8;
	[tilespmem:$0x1A900] =	vst v63  }
0x23: {  	s28 =	simm.s32 $0xF0;
	s29 =	simm.s32 $0xA500  }
0x24: {  	[tilespmem:s29], [sflag:$0x1] =	stream.indirect.gather [hbm4b:s3+s12], $0x40, s28, s12, $0xb8;
	[tilespmem:$0x1A900] =	vst v63  }
0x25: {  	s10 =	simm.s32 $0x1900  }
0x26: {  	[tilespmem:s10], [sflag:$0x1] =	stream.linear.gather [hbm4b:s4+s2], $0x2800, $0x38;
	[tilespmem:$0x1A900] =	vst v63  }
0x27: {  	s19 =	simm.s32 $0x140  }
0x28: {  	[tilespmem:s21], [sflag:$0x2] =	stream.indirect.gather [hbm4b:s3+s12], $0x40, s19, s12, $0xb8;
	[tilespmem:$0x1A900] =	vst v63  }
0x29: {  	s20 =	simm.s32 $0x190;
	s22 =	simm.s32 $0xCD00  }
0x2a: {  	[tilespmem:s22], [sflag:$0x2] =	stream.indirect.gather [hbm4b:s3+s12], $0x40, s20, s12, $0xb8;
	[tilespmem:$0x1A900] =	vst v63  }
0x2b: {  	s23 =	simm.s32 $0x1E0;
	s24 =	simm.s32 $0xE100  }
0x2c: {  	[tilespmem:s24], [sflag:$0x2] =	stream.indirect.gather [hbm4b:s3+s12], $0x40, s23, s12, $0xb8;
	[tilespmem:$0x1A900] =	vst v63  }
0x2d: {  	s25 =	simm.s32 $0x230;
	s26 =	simm.s32 $0xF500  }
0x2e: {  	[tilespmem:s26], [sflag:$0x2] =	stream.indirect.gather [hbm4b:s3+s12], $0x40, s25, s12, $0xb8;
	[tilespmem:$0x1A900] =	vst v63  }
0x2f: {  	s28 =	rddreg [dreg:$0x4];
	s29 =	simm.s32 $0x4100;
	s19 =	simm.s32 $0x0  }
0x30: {  	[tilespmem:s29], [sflag:$0x2] =	stream.linear.gather [hbm4b:s28+s2], $0x2800, $0x38;
	[tilespmem:$0x1A900] =	vst v63  }
.LBB2_2:
0x31: {  	_ =	swait.ge [sflag:s30], $0x1400  }
0x32: {  	[sflag:s30] =	ssyncset.done $0x0  }
0x33: {  	[sflag:s30] =	ssyncadd.s32 $0xFFFFEC00  }
0x34: {  	_ =	swait.ge [sflag:s30], $0x1400  }
0x35: {  	[sflag:s30] =	ssyncset.done $0x0  }
0x36: {  	[sflag:s30] =	ssyncadd.s32 $0xFFFFEC00  }
0x37: {  	_ =	swait.ge [sflag:s30], $0x1400  }
0x38: {  	[sflag:s30] =	ssyncset.done $0x0  }
0x39: {  	s6 =	simm.s32 $0x0;
	[sflag:s30] =	ssyncadd.s32 $0xFFFFEC00  }
0x3a: {  	s8 =	simm.s32 $0x1;
	v14 =	vmov s6;
	_ =	swait.ge [sflag:s30], $0x1400  }
0x3b: {  	s10 =	simm.s32 $0x3;
	v15 =	vmov s8;
	v14 =	vand.u32 $0x3C, v14;
	[sflag:s30] =	ssyncset.done $0x0  }
0x3c: {  	v18 =	vbroadcast v14, $0x0;
	v14 =	vand.u32 $0x3D, v15;
	v15 =	vmov s10;
	[sflag:s30] =	ssyncadd.s32 $0xFFFFEC00  }
0x3d: {  	v19 =	vbroadcast v14, $0x0;
	v14 =	vand.u32 $0x3F, v15;
	_ =	swait.ge [sflag:s30], $0x2800  }
0x3e: {  	p0 =	seq.s32 s19, $0x0;
	v15 =	vor.u32 v0, v18;
	v20 =	vbroadcast v14, $0x0;
	[sflag:s30] =	ssyncset.done $0x0  }
0x3f: {  	s8 =	simm.s32 @!p0 $0x3;
	v16 =	vor.u32 v0, v19;
	[sflag:s30] =	ssyncadd.s32 $0xFFFFD800  }
0x40: {  	v21 =	vor.u32 v0, v20;
	_ =	swait.ge @!p0 [sflag:s8], $0x5000  }
0x41: {  	s20 =	simm.s32 $0x2;
	[sflag:s8] =	ssyncset.done @!p0 $0x0  }
0x42: {  	v14 =	vmov s20;
	[sflag:s8] =	ssyncadd.s32 @!p0 $0xFFFFB000  }
0x43: {  	s22 =	simm.s32 $0x4;
	v14 =	vand.u32 $0x3E, v14;
	v23 =	vld.idx.msk [tilespmem:v15+s13+$0x0], $0xffff  }
0x44: {  	v17 =	vbroadcast v14, $0x0;
	v14 =	vmov s22;
	v24 =	vld.idx.msk [tilespmem:v16+s13+$0x0], $0xffff  }
0x45: {  	s25 =	simm.s32 $0x1920;
	v14 =	vand.u32 $0x3C, v14;
	v27 =	vld.idx.msk [tilespmem:v21+s13+$0x0], $0xffff  }
0x46: {  	s23 =	simm.s32 $0x5;
	s24 =	simm.s32 $0x6;
	v22 =	vor.u32 v0, v17;
	v16 =	vbroadcast v14, $0x0;
	v31 =	vld [tilespmem:s25+$0x10]  }
0x47: {  	s26 =	simm.s32 $0x7;
	v25 =	vmov s24;
	v15 =	vmov s23;
	v29 =	vld [tilespmem:s25+$0xFFFFFFE0]  }
0x48: {  	v21 =	vmov s26;
	v14 =	vand.u32 $0x3D, v15;
	v30 =	vor.u32 v0, v16  }
0x49: {  	v36 =	vor.u32 v1, v20;
	v21 =	vand.u32 $0x3F, v21;
	v15 =	vbroadcast v14, $0x0  }
0x4a: {  	v37 =	vor.u32 v1, v18;
	v28 =	vld [tilespmem:s25+$0xFFFFFFF0];
	v14 =	vand.u32 $0x3E, v25;
	v26 =	vbroadcast v21, $0x0  }
0x4b: {  	v22 =	vld.idx.msk [tilespmem:v22+s13+$0x0], $0xffff;
	v14 =	vbroadcast v14, $0x0;
	v32 =	vor.u32 v0, v15;
	v27 =	vadd.f32 v27, v31  }
0x4c: {  	s6 =	simm.s32 $0x10940;
	v25 =	vld [tilespmem:s25+$0x0];
	v38 =	vor.u32 v0, v26;
	v23 =	vadd.f32 v23, v29  }
0x4d: {  	v33 =	vor.u32 v0, v14;
	v34 =	vld.idx.msk [tilespmem:v30+s13+$0x0], $0xffff;
	[tilespmem:s6+$0x20] =	vst v27  }
0x4e: {  	v30 =	vor.u32 v1, v19;
	[tilespmem:s6+$0xFFFFFFC0] =	vst v23;
	v41 =	vld.idx.msk [tilespmem:v36+s13+$0x0], $0xffff  }
0x4f: {  	s28 =	simm.s32 $0x8;
	v42 =	vld.idx.msk [tilespmem:v37+s13+$0x0], $0xffff  }
0x50: {  	s20 =	simm.s32 $0x9;
	v24 =	vadd.f32 v24, v28;
	v23 =	vmov s28;
	v35 =	vld.idx.msk [tilespmem:v32+s13+$0x0], $0xffff  }
0x51: {  	s29 =	simm.s32 $0xA;
	v27 =	vmov s20;
	v63 =	vadd.f32 v22, v25;
	v22 =	vand.u32 $0x3C, v23;
	v43 =	vld.idx.msk [tilespmem:v38+s13+$0x0], $0xffff  }
0x52: {  	[tilespmem:s6+$0xFFFFFFE0] =	vst v24;
	v24 =	vmov s29;
	v23 =	vand.u32 $0x3D, v27;
	v37 =	vbroadcast v22, $0x0;
	v32 =	vld.idx.msk [tilespmem:v33+s13+$0x0], $0xffff  }
0x53: {  	s24 =	simm.s32 $0x1960;
	v45 =	vor.u32 v1, v17;
	v24 =	vand.u32 $0x3E, v24;
	v33 =	vbroadcast v23, $0x0;
	v44 =	vld.idx.msk [tilespmem:v30+s13+$0x0], $0xffff  }
0x54: {  	v27 =	vbroadcast v24, $0x0;
	v46 =	vor.u32 v0, v37;
	v30 =	vld [tilespmem:s24+$0x10]  }
0x55: {  	s8 =	simm.s32 $0xC;
	s23 =	simm.s32 $0x10940;
	s25 =	simm.s32 $0xB;
	v40 =	vmovc v16;
	v39 =	vmov v15;
	v36 =	vmov v14;
	[tilespmem:s6+$0x0] =	vst v63;
	v38 =	vld [tilespmem:s24+$0xFFFFFFE0];
	v47 =	vor.u32 v0, v33  }
.LBB2_3:
0x56: {  	p1 =	slt.u32 s8, $0x3C;
	v48 =	vor.u32 v0, v27;
	v49 =	vmov s25;
	v50 =	vld [tilespmem:s24+$0xFFFFFFF0];
	v31 =	vadd.f32 v41, v31  }
0x57: {  	v51 =	vor.u32 v1, v26;
	v29 =	vadd.f32 v42, v29;
	v41 =	vand.u32 $0x3F, v49;
	v49 =	vld [tilespmem:s24+$0x0]  }
0x58: {  	v42 =	vor.u32 v1, v40;
	s22 =	simm.s32 $0x11170;
	s20 =	simm.s32 $0x1D30;
	v26 =	vbroadcast v41, $0x0;
	v41 =	vadd.f32 v44, v28;
	v45 =	vld.idx.msk [tilespmem:v45+s13+$0x0], $0xffff;
	[tilespmem:s6+$0x30] =	vst v31  }
0x59: {  	v40 =	vmov v37;
	v44 =	vor.u32 v1, v39;
	v46 =	vld.idx.msk [tilespmem:v46+s13+$0x0], $0xffff;
	v52 =	vadd.f32 v43, v30;
	[tilespmem:s6+$0xFFFFFFD0] =	vst v29  }
0x5a: {  	v39 =	vmov v33;
	s6 =	sadd.s32 $0x80, s6;
	v47 =	vld.idx.msk [tilespmem:v47+s13+$0x0], $0xffff;
	v43 =	vor.u32 v0, v26;
	v34 =	vadd.f32 v34, v38;
	[tilespmem:s23+$0xFFFFFFF0] =	vst v41  }
0x5b: {  	v31 =	vmovc v30;
	v29 =	vmov v38;
	v48 =	vld.idx.msk [tilespmem:v48+s13+$0x0], $0xffff;
	v33 =	vadd.f32 v35, v50;
	[tilespmem:s6+$0x20] =	vst v52;
	v28 =	vmov v50  }
0x5c: {  	s25 =	sadd.s32 $0x1, s8;
	s26 =	sadd.s32 $0x2, s8;
	v30 =	vmov s8;
	[tilespmem:s6+$0xFFFFFFC0] =	vst v34;
	v32 =	vadd.f32 v32, v49;
	v41 =	vld.idx.msk [tilespmem:v51+s13+$0x0], $0xffff  }
.Ltmp2:
0x5d: {  	v38 =	vmov s25;
	v30 =	vand.u32 $0x3C, v30;
	v35 =	vmov s26;
	v42 =	vld.idx.msk [tilespmem:v42+s13+$0x0], $0xffff;
	[tilespmem:s6+$0xFFFFFFE0] =	vst v33;
	(pc) =	sbr.rel @p1 .LBB2_3-.Ltmp2, $4  }
0x5e: {  	v37 =	vbroadcast v30, $0x0;
	v30 =	vand.u32 $0x3D, v38;
	v50 =	vadd.f32 v45, v25;
	v25 =	vmovc v49;
	v44 =	vld.idx.msk [tilespmem:v44+s13+$0x0], $0xffff;
	[tilespmem:s6+$0x0] =	vst v32  }
0x5f: {  	s24 =	sadd.s32 $0x40, s24;
	v33 =	vbroadcast v30, $0x0;
	v30 =	vand.u32 $0x3E, v35;
	v45 =	vor.u32 v1, v36;
	v36 =	vmovc v27;
	v34 =	vmovc v46;
	v43 =	vld.idx.msk [tilespmem:v43+s13+$0x0], $0xffff  }
0x60: {  	v46 =	vor.u32 v0, v37;
	v27 =	vbroadcast v30, $0x0;
	v35 =	vmov v47;
	v30 =	vld [tilespmem:s24+$0x10];
	[tilespmem:s23+$0x10] =	vst v50;
	s23 =	smov.u32 s6  }
0x61: {  	s25 =	sadd.s32 $0x3, s8;
	s8 =	sadd.s32 $0x4, s8;
	v47 =	vor.u32 v0, v33;
	v32 =	vmov v48;
	v38 =	vld [tilespmem:s24+$0xFFFFFFE0]  }
0x62: {  	_ =	sdelay $0x1  }
0x63: {  	v50 =	vld [tilespmem:s24+$0xFFFFFFF0]  }
0x64: {  	v48 =	vmov s25;
	v51 =	vld [tilespmem:s24+$0x0]  }
0x65: {  	v45 =	vld.idx.msk [tilespmem:v45+s13+$0x0], $0xffff;
	v48 =	vand.u32 $0x3F, v48  }
0x66: {  	v49 =	vor.u32 v0, v27;
	v46 =	vld.idx.msk [tilespmem:v46+s13+$0x0], $0xffff;
	v48 =	vbroadcast v48, $0x0  }
0x67: {  	v59 =	vld.idx.msk [tilespmem:v47+s13+$0x0], $0xffff;
	v26 =	vor.u32 v1, v26;
	s8 =	sadd.s32 $0x40, s24;
	v28 =	vadd.f32 v44, v28  }
0x68: {  	v29 =	vadd.f32 v42, v29;
	v62 =	vld [tilespmem:s8+$0x0];
	v52 =	vor.u32 v0, v48  }
0x69: {  	v43 =	vadd.f32 v43, v30;
	[tilespmem:s23+$0xFFFFFFF0] =	vst v28;
	v28 =	vld [tilespmem:s8+$0xFFFFFFE0]  }
0x6a: {  	v31 =	vadd.f32 v41, v31;
	s28 =	sadd.s32 $0x80, s6;
	[tilespmem:s6+$0xFFFFFFD0] =	vst v29;
	v29 =	vld [tilespmem:s8+$0x10]  }
0x6b: {  	v40 =	vor.u32 v1, v40;
	v34 =	vadd.f32 v34, v38;
	v60 =	vld.idx.msk [tilespmem:v49+s13+$0x0], $0xffff;
	[tilespmem:s28+$0x20] =	vst v43  }
0x6c: {  	v36 =	vor.u32 v1, v36;
	[tilespmem:s6+$0x30] =	vst v31;
	v25 =	vadd.f32 v45, v25;
	v26 =	vld.idx.msk [tilespmem:v26+s13+$0x0], $0xffff  }
0x6d: {  	v39 =	vor.u32 v1, v39;
	v32 =	vadd.f32 v32, v51;
	[tilespmem:s28+$0xFFFFFFC0] =	vst v34;
	v31 =	vld.idx.msk [tilespmem:v52+s13+$0x0], $0xffff  }
0x6e: {  	v61 =	vld [tilespmem:s8+$0xFFFFFFF0];
	v63 =	vor.u32 v1, v48;
	v48 =	vor.u32 v1, v37;
	[tilespmem:s23+$0x10] =	vst v25;
	v25 =	vadd.f32 v46, v28  }
0x6f: {  	v27 =	vor.u32 v1, v27;
	s29 =	sadd.s32 $0x80, s28;
	v35 =	vadd.f32 v35, v50;
	[tilespmem:s28+$0x0] =	vst v32  }
0x70: {  	v49 =	vld.idx.msk [tilespmem:v40+s13+$0x0], $0xffff;
	[tilespmem:s29+$0xFFFFFFC0] =	vst v25;
	v25 =	vadd.f32 v60, v62  }
0x71: {  	[tilespmem:s28+$0xFFFFFFE0] =	vst v35;
	v36 =	vld.idx.msk [tilespmem:v36+s13+$0x0], $0xffff;
	v52 =	vor.u32 v1, v33;
	v26 =	vadd.f32 v26, v30  }
0x72: {  	v53 =	vld.idx.msk [tilespmem:v39+s13+$0x0], $0xffff;
	[tilespmem:s29+$0x0] =	vst v25;
	v31 =	vadd.f32 v31, v29  }
0x73: {  	v54 =	vadd.f32 v59, v61;
	v30 =	vld.idx.msk [tilespmem:v48+s13+$0x0], $0xffff;
	[tilespmem:s28+$0x30] =	vst v26  }
0x74: {  	v26 =	vld.idx.msk [tilespmem:v27+s13+$0x0], $0xffff;
	[tilespmem:s29+$0x20] =	vst v31  }
0x75: {  	[tilespmem:s29+$0xFFFFFFE0] =	vst v54;
	v55 =	vadd.f32 v49, v38;
	v31 =	vld.idx.msk [tilespmem:v63+s13+$0x0], $0xffff  }
0x76: {  	v27 =	vadd.f32 v36, v51;
	v32 =	vld.idx.msk [tilespmem:v52+s13+$0x0], $0xffff  }
0x77: {  	v25 =	vadd.f32 v53, v50;
	[tilespmem:s28+$0xFFFFFFD0] =	vst v55  }
0x78: {  	[tilespmem:s28+$0x10] =	vst v27;
	v27 =	vadd.f32 v30, v28  }
0x79: {  	[tilespmem:s28+$0xFFFFFFF0] =	vst v25;
	v28 =	vor.u32 v2, v18;
	v26 =	vadd.f32 v26, v62  }
0x7a: {  	[tilespmem:s29+$0xFFFFFFD0] =	vst v27;
	v27 =	vor.u32 v2, v20;
	v25 =	vadd.f32 v31, v29  }
0x7b: {  	[tilespmem:s29+$0x10] =	vst v26;
	v29 =	vadd.f32 v32, v61  }
0x7c: {  	[tilespmem:s29+$0x30] =	vst v25  }
0x7d: {  	[tilespmem:s29+$0xFFFFFFF0] =	vst v29  }
0x7e: {  	v21 =	vbroadcast v21, $0x0;
	v25 =	vor.u32 v2, v19;
	v28 =	vld.idx.msk [tilespmem:v28+s13+$0x0], $0xffff  }
0x7f: {  	v30 =	vld.idx.msk [tilespmem:v27+s13+$0x0], $0xffff  }
0x80: {  	v61 =	vor.u32 v2, v21;
	v27 =	vld [tilespmem:s20+$0x0]  }
0x81: {  	v29 =	vor.u32 v2, v17;
	v26 =	vld [tilespmem:s20+$0xFFFFFFD0]  }
0x82: {  	v56 =	vor.u32 v2, v16;
	v59 =	vor.u32 v3, v20;
	v20 =	vld [tilespmem:s20+$0xFFFFFFF0]  }
0x83: {  	v57 =	vor.u32 v2, v15;
	v31 =	vld.idx.msk [tilespmem:v25+s13+$0x0], $0xffff  }
0x84: {  	v58 =	vor.u32 v2, v14;
	v25 =	vld [tilespmem:s20+$0xFFFFFFE0]  }
0x85: {  	v34 =	vld.idx.msk [tilespmem:v61+s13+$0x0], $0xffff  }
0x86: {  	v18 =	vor.u32 v3, v18;
	v35 =	vld.idx.msk [tilespmem:v29+s13+$0x0], $0xffff  }
0x87: {  	v19 =	vor.u32 v3, v19;
	v29 =	vld.idx.msk [tilespmem:v56+s13+$0x0], $0xffff;
	v60 =	vadd.f32 v30, v27  }
0x88: {  	v30 =	vld.idx.msk [tilespmem:v57+s13+$0x0], $0xffff;
	v62 =	vadd.f32 v28, v26  }
0x89: {  	v28 =	vld.idx.msk [tilespmem:v58+s13+$0x0], $0xffff;
	[tilespmem:s22+$0xFFFFFFF0] =	vst v60;
	v31 =	vadd.f32 v31, v25  }
0x8a: {  	[tilespmem:s22+$0xFFFFFF90] =	vst v62;
	v33 =	vld.idx.msk [tilespmem:v59+s13+$0x0], $0xffff  }
0x8b: {  	v22 =	vbroadcast v22, $0x0;
	v32 =	vld.idx.msk [tilespmem:v18+s13+$0x0], $0xffff;
	[tilespmem:s22+$0xFFFFFFB0] =	vst v31  }
0x8c: {  	s24 =	simm.s32 $0x1D70;
	v63 =	vadd.f32 v35, v20;
	v35 =	vor.u32 v3, v17;
	v31 =	vld.idx.msk [tilespmem:v19+s13+$0x0], $0xffff;
	v19 =	vbroadcast v23, $0x0  }
0x8d: {  	v36 =	vor.u32 v2, v22;
	v18 =	vld [tilespmem:s24+$0x0];
	v17 =	vbroadcast v24, $0x0  }
0x8e: {  	s25 =	simm.s32 $0xB;
	s6 =	simm.s32 $0x11170;
	s8 =	simm.s32 $0xC;
	[tilespmem:s22+$0xFFFFFFD0] =	vst v63;
	v23 =	vld [tilespmem:s24+$0xFFFFFFD0];
	v24 =	vor.u32 v2, v19  }
.LBB2_5:
0x8f: {  	p1 =	slt.u32 s8, $0x3C;
	v37 =	vor.u32 v2, v17;
	v38 =	vmov s25;
	v39 =	vld [tilespmem:s24+$0xFFFFFFE0];
	v27 =	vadd.f32 v33, v27  }
0x90: {  	v40 =	vor.u32 v3, v21;
	v26 =	vadd.f32 v32, v26;
	v33 =	vand.u32 $0x3F, v38;
	v38 =	vld [tilespmem:s24+$0xFFFFFFF0]  }
0x91: {  	v32 =	vor.u32 v3, v16;
	s20 =	simm.s32 $0x11970;
	s23 =	simm.s32 $0x2130;
	v21 =	vbroadcast v33, $0x0;
	v33 =	vadd.f32 v31, v25;
	v35 =	vld.idx.msk [tilespmem:v35+s13+$0x0], $0xffff;
	[tilespmem:s22+$0x0] =	vst v27  }
0x92: {  	v16 =	vmov v22;
	v31 =	vor.u32 v3, v15;
	v36 =	vld.idx.msk [tilespmem:v36+s13+$0x0], $0xffff;
	v41 =	vadd.f32 v34, v18;
	[tilespmem:s22+$0xFFFFFFA0] =	vst v26  }
0x93: {  	v15 =	vmov v19;
	s22 =	sadd.s32 $0x80, s22;
	v24 =	vld.idx.msk [tilespmem:v24+s13+$0x0], $0xffff;
	v34 =	vor.u32 v2, v21;
	v22 =	vadd.f32 v29, v23;
	[tilespmem:s6+$0xFFFFFFC0] =	vst v33  }
0x94: {  	v27 =	vmovc v18;
	v26 =	vmov v23;
	v37 =	vld.idx.msk [tilespmem:v37+s13+$0x0], $0xffff;
	v19 =	vadd.f32 v30, v39;
	[tilespmem:s22+$0xFFFFFFF0] =	vst v41;
	v25 =	vmov v39  }
0x95: {  	s25 =	sadd.s32 $0x1, s8;
	s26 =	sadd.s32 $0x2, s8;
	v18 =	vmov s8;
	[tilespmem:s22+$0xFFFFFF90] =	vst v22;
	v23 =	vadd.f32 v28, v38;
	v33 =	vld.idx.msk [tilespmem:v40+s13+$0x0], $0xffff  }
.Ltmp3:
0x96: {  	v18 =	vand.u32 $0x3C, v18;
	v30 =	vmov s26;
	v28 =	vmov s25;
	v32 =	vld.idx.msk [tilespmem:v32+s13+$0x0], $0xffff;
	[tilespmem:s22+$0xFFFFFFB0] =	vst v19;
	(pc) =	sbr.rel @p1 .LBB2_5-.Ltmp3, $4  }
0x97: {  	v22 =	vbroadcast v18, $0x0;
	v18 =	vand.u32 $0x3D, v28;
	v31 =	vld.idx.msk [tilespmem:v31+s13+$0x0], $0xffff;
	[tilespmem:s22+$0xFFFFFFD0] =	vst v23;
	v23 =	vadd.f32 v35, v20;
	v20 =	vmovc v38  }
0x98: {  	s24 =	sadd.s32 $0x40, s24;
	v19 =	vbroadcast v18, $0x0;
	v18 =	vand.u32 $0x3E, v30;
	v35 =	vor.u32 v3, v14;
	v29 =	vmovc v36;
	v14 =	vmovc v17;
	v34 =	vld.idx.msk [tilespmem:v34+s13+$0x0], $0xffff  }
0x99: {  	v36 =	vor.u32 v2, v22;
	v17 =	vbroadcast v18, $0x0;
	v30 =	vmov v24;
	v18 =	vld [tilespmem:s24+$0x0];
	[tilespmem:s6+$0xFFFFFFE0] =	vst v23;
	s6 =	smov.u32 s22  }
0x9a: {  	s25 =	sadd.s32 $0x3, s8;
	s8 =	sadd.s32 $0x4, s8;
	v24 =	vor.u32 v2, v19;
	v28 =	vmov v37;
	v23 =	vld [tilespmem:s24+$0xFFFFFFD0]  }
0x9b: {  	_ =	sdelay $0x1  }
0x9c: {  	v39 =	vld [tilespmem:s24+$0xFFFFFFE0]  }
0x9d: {  	v40 =	vld [tilespmem:s24+$0xFFFFFFF0]  }
0x9e: {  	v37 =	vmov s25;
	v38 =	vor.u32 v2, v17;
	v35 =	vld.idx.msk [tilespmem:v35+s13+$0x0], $0xffff  }
0x9f: {  	v36 =	vld.idx.msk [tilespmem:v36+s13+$0x0], $0xffff;
	v27 =	vadd.f32 v33, v27;
	v37 =	vand.u32 $0x3F, v37  }
0xa0: {  	v24 =	vld.idx.msk [tilespmem:v24+s13+$0x0], $0xffff;
	v26 =	vadd.f32 v32, v26;
	s10 =	sadd.s32 $0x40, s24;
	v37 =	vbroadcast v37, $0x0  }
0xa1: {  	v21 =	vor.u32 v3, v21;
	v25 =	vadd.f32 v31, v25;
	[tilespmem:s22+$0x0] =	vst v27;
	v27 =	vld [tilespmem:s10+$0x0]  }
0xa2: {  	[tilespmem:s22+$0xFFFFFFA0] =	vst v26;
	v34 =	vadd.f32 v34, v18;
	v41 =	vor.u32 v2, v37;
	v26 =	vadd.f32 v29, v23;
	v29 =	vld [tilespmem:s10+$0xFFFFFFD0]  }
0xa3: {  	s8 =	sadd.s32 $0x80, s22;
	v16 =	vor.u32 v3, v16;
	[tilespmem:s6+$0xFFFFFFC0] =	vst v25;
	v38 =	vld.idx.msk [tilespmem:v38+s13+$0x0], $0xffff  }
0xa4: {  	v15 =	vor.u32 v3, v15;
	[tilespmem:s8+$0xFFFFFFF0] =	vst v34;
	v25 =	vadd.f32 v30, v39;
	v30 =	vld [tilespmem:s10+$0xFFFFFFE0]  }
0xa5: {  	v14 =	vor.u32 v3, v14;
	[tilespmem:s8+$0xFFFFFF90] =	vst v26;
	v26 =	vadd.f32 v28, v40;
	v28 =	vld [tilespmem:s10+$0xFFFFFFF0]  }
0xa6: {  	v20 =	vadd.f32 v35, v20;
	v21 =	vld.idx.msk [tilespmem:v21+s13+$0x0], $0xffff  }
0xa7: {  	v22 =	vor.u32 v3, v22;
	[tilespmem:s8+$0xFFFFFFB0] =	vst v25;
	v58 =	vld.idx.msk [tilespmem:v41+s13+$0x0], $0xffff  }
0xa8: {  	v19 =	vor.u32 v3, v19;
	v16 =	vld.idx.msk [tilespmem:v16+s13+$0x0], $0xffff;
	[tilespmem:s6+$0xFFFFFFE0] =	vst v20;
	v20 =	vadd.f32 v36, v29  }
0xa9: {  	v17 =	vor.u32 v3, v17;
	s24 =	sadd.s32 $0x80, s8;
	v15 =	vld.idx.msk [tilespmem:v15+s13+$0x0], $0xffff;
	[tilespmem:s8+$0xFFFFFFD0] =	vst v26;
	v24 =	vadd.f32 v24, v30  }
0xaa: {  	v31 =	vor.u32 v3, v37;
	v14 =	vld.idx.msk [tilespmem:v14+s13+$0x0], $0xffff;
	[tilespmem:s24+$0xFFFFFF90] =	vst v20;
	v20 =	vadd.f32 v38, v28  }
0xab: {  	v18 =	vadd.f32 v21, v18;
	[tilespmem:s24+$0xFFFFFFB0] =	vst v24  }
0xac: {  	s25 =	simm.s32 $0x0;
	v21 =	vld.idx.msk [tilespmem:v22+s13+$0x0], $0xffff;
	[tilespmem:s24+$0xFFFFFFD0] =	vst v20;
	v25 =	vadd.f32 v58, v27  }
0xad: {  	s26 =	simm.s32 $0x1;
	v16 =	vadd.f32 v16, v23;
	v22 =	vld.idx.msk [tilespmem:v19+s13+$0x0], $0xffff;
	v19 =	vmov s25;
	[tilespmem:s8+$0x0] =	vst v18  }
0xae: {  	s28 =	simm.s32 $0x3;
	v15 =	vadd.f32 v15, v39;
	v18 =	vld.idx.msk [tilespmem:v17+s13+$0x0], $0xffff;
	v17 =	vand.u32 $0x3C, v19;
	v19 =	vmov s26;
	[tilespmem:s24+$0xFFFFFFF0] =	vst v25  }
0xaf: {  	v20 =	vmov s28;
	v14 =	vadd.f32 v14, v40;
	[tilespmem:s8+$0xFFFFFFA0] =	vst v16;
	v16 =	vand.u32 $0x3D, v19;
	v25 =	vld.idx.msk [tilespmem:v31+s13+$0x0], $0xffff  }
0xb0: {  	v17 =	vbroadcast v17, $0x0;
	v19 =	vbroadcast v16, $0x0;
	v16 =	vand.u32 $0x3F, v20  }
0xb1: {  	[tilespmem:s8+$0xFFFFFFE0] =	vst v14;
	v14 =	vadd.f32 v21, v29;
	v20 =	vbroadcast v16, $0x0  }
0xb2: {  	[tilespmem:s8+$0xFFFFFFC0] =	vst v15;
	v21 =	vor.u32 v4, v17;
	v16 =	vadd.f32 v22, v30  }
0xb3: {  	[tilespmem:s24+$0xFFFFFFA0] =	vst v14;
	v14 =	vadd.f32 v18, v28;
	v23 =	vor.u32 v4, v20  }
0xb4: {  	s10 =	simm.s32 $0x4;
	[tilespmem:s24+$0xFFFFFFC0] =	vst v16;
	v15 =	vadd.f32 v25, v27  }
0xb5: {  	s29 =	simm.s32 $0x2;
	[tilespmem:s24+$0xFFFFFFE0] =	vst v14;
	v14 =	vmov s10  }
0xb6: {  	v22 =	vor.u32 v4, v19;
	v14 =	vand.u32 $0x3C, v14;
	[tilespmem:s24+$0x0] =	vst v15;
	v15 =	vmov s29  }
0xb7: {  	v16 =	vbroadcast v14, $0x0;
	v15 =	vand.u32 $0x3E, v15;
	v26 =	vld.idx.msk [tilespmem:v21+s13+$0x0], $0xffff  }
0xb8: {  	v23 =	vld.idx.msk [tilespmem:v23+s13+$0x0], $0xffff;
	v18 =	vbroadcast v15, $0x0  }
0xb9: {  	s22 =	simm.s32 $0x5;
	v30 =	vor.u32 v4, v16;
	v32 =	vld [tilespmem:s23+$0x0]  }
0xba: {  	v29 =	vld [tilespmem:s23+$0xFFFFFFD0];
	v15 =	vmov s22;
	v24 =	vor.u32 v4, v18  }
0xbb: {  	s24 =	simm.s32 $0x6;
	v22 =	vld.idx.msk [tilespmem:v22+s13+$0x0], $0xffff;
	v14 =	vand.u32 $0x3D, v15  }
0xbc: {  	s25 =	simm.s32 $0x7;
	v60 =	vor.u32 v5, v20;
	v21 =	vmov s24;
	v28 =	vld [tilespmem:s23+$0xFFFFFFE0];
	v15 =	vbroadcast v14, $0x0  }
0xbd: {  	v61 =	vor.u32 v5, v17;
	v25 =	vld [tilespmem:s23+$0xFFFFFFF0];
	v14 =	vand.u32 $0x3E, v21;
	v21 =	vmov s25  }
0xbe: {  	v21 =	vand.u32 $0x3F, v21;
	v31 =	vor.u32 v4, v15;
	v34 =	vld.idx.msk [tilespmem:v30+s13+$0x0], $0xffff;
	v23 =	vadd.f32 v23, v32  }
0xbf: {  	s24 =	simm.s32 $0x2170;
	v27 =	vbroadcast v21, $0x0;
	v30 =	vor.u32 v5, v19;
	v26 =	vadd.f32 v26, v29;
	v24 =	vld.idx.msk [tilespmem:v24+s13+$0x0], $0xffff  }
0xc0: {  	v38 =	vld [tilespmem:s24+$0xFFFFFFD0];
	v14 =	vbroadcast v14, $0x0;
	[tilespmem:s20+$0xFFFFFFF0] =	vst v23  }
0xc1: {  	s28 =	simm.s32 $0x9;
	s26 =	simm.s32 $0x8;
	v22 =	vadd.f32 v22, v28;
	v62 =	vor.u32 v4, v27;
	[tilespmem:s20+$0xFFFFFF90] =	vst v26;
	v41 =	vld.idx.msk [tilespmem:v60+s13+$0x0], $0xffff  }
0xc2: {  	v59 =	vor.u32 v4, v14;
	v23 =	vmov s26;
	v26 =	vmov s28;
	v42 =	vld.idx.msk [tilespmem:v61+s13+$0x0], $0xffff  }
0xc3: {  	s29 =	simm.s32 $0xA;
	[tilespmem:s20+$0xFFFFFFB0] =	vst v22;
	v22 =	vand.u32 $0x3C, v23;
	v23 =	vand.u32 $0x3D, v26;
	v35 =	vld.idx.msk [tilespmem:v31+s13+$0x0], $0xffff  }
0xc4: {  	v37 =	vbroadcast v22, $0x0;
	v44 =	vld.idx.msk [tilespmem:v30+s13+$0x0], $0xffff;
	v63 =	vadd.f32 v24, v25;
	v24 =	vmov s29  }
0xc5: {  	v45 =	vor.u32 v5, v18;
	v33 =	vbroadcast v23, $0x0;
	v30 =	vld [tilespmem:s24+$0x0];
	v24 =	vand.u32 $0x3E, v24  }
0xc6: {  	v46 =	vor.u32 v4, v37;
	v43 =	vld.idx.msk [tilespmem:v62+s13+$0x0], $0xffff;
	v26 =	vbroadcast v24, $0x0  }
0xc7: {  	s6 =	simm.s32 $0x11970;
	s8 =	simm.s32 $0xC;
	v40 =	vmovc v16;
	s25 =	simm.s32 $0xB;
	v39 =	vmov v15;
	v36 =	vmov v14;
	v31 =	vld.idx.msk [tilespmem:v59+s13+$0x0], $0xffff;
	v47 =	vor.u32 v4, v33;
	[tilespmem:s20+$0xFFFFFFD0] =	vst v63  }
.LBB2_7:
0xc8: {  	p1 =	slt.u32 s8, $0x3C;
	v48 =	vor.u32 v4, v26;
	v49 =	vmov s25;
	v50 =	vld [tilespmem:s24+$0xFFFFFFE0];
	v32 =	vadd.f32 v41, v32  }
0xc9: {  	v51 =	vor.u32 v5, v27;
	v29 =	vadd.f32 v42, v29;
	v41 =	vand.u32 $0x3F, v49;
	v49 =	vld [tilespmem:s24+$0xFFFFFFF0]  }
0xca: {  	v42 =	vor.u32 v5, v40;
	s22 =	simm.s32 $0x12170;
	s23 =	simm.s32 $0x2530;
	v27 =	vbroadcast v41, $0x0;
	v41 =	vadd.f32 v44, v28;
	v45 =	vld.idx.msk [tilespmem:v45+s13+$0x0], $0xffff;
	[tilespmem:s20+$0x0] =	vst v32  }
0xcb: {  	v40 =	vmov v37;
	v44 =	vor.u32 v5, v39;
	v46 =	vld.idx.msk [tilespmem:v46+s13+$0x0], $0xffff;
	v52 =	vadd.f32 v43, v30;
	[tilespmem:s20+$0xFFFFFFA0] =	vst v29  }
0xcc: {  	v39 =	vmov v33;
	s20 =	sadd.s32 $0x80, s20;
	v47 =	vld.idx.msk [tilespmem:v47+s13+$0x0], $0xffff;
	v43 =	vor.u32 v4, v27;
	v34 =	vadd.f32 v34, v38;
	[tilespmem:s6+$0xFFFFFFC0] =	vst v41  }
0xcd: {  	v32 =	vmovc v30;
	v29 =	vmov v38;
	v48 =	vld.idx.msk [tilespmem:v48+s13+$0x0], $0xffff;
	v33 =	vadd.f32 v35, v50;
	[tilespmem:s20+$0xFFFFFFF0] =	vst v52;
	v28 =	vmov v50  }
0xce: {  	s25 =	sadd.s32 $0x1, s8;
	s26 =	sadd.s32 $0x2, s8;
	v30 =	vmov s8;
	[tilespmem:s20+$0xFFFFFF90] =	vst v34;
	v31 =	vadd.f32 v31, v49;
	v41 =	vld.idx.msk [tilespmem:v51+s13+$0x0], $0xffff  }
.Ltmp4:
0xcf: {  	v38 =	vmov s25;
	v30 =	vand.u32 $0x3C, v30;
	v35 =	vmov s26;
	v42 =	vld.idx.msk [tilespmem:v42+s13+$0x0], $0xffff;
	[tilespmem:s20+$0xFFFFFFB0] =	vst v33;
	(pc) =	sbr.rel @p1 .LBB2_7-.Ltmp4, $4  }
0xd0: {  	v37 =	vbroadcast v30, $0x0;
	v30 =	vand.u32 $0x3D, v38;
	v50 =	vadd.f32 v45, v25;
	v25 =	vmovc v49;
	v44 =	vld.idx.msk [tilespmem:v44+s13+$0x0], $0xffff;
	[tilespmem:s20+$0xFFFFFFD0] =	vst v31  }
0xd1: {  	s24 =	sadd.s32 $0x40, s24;
	v33 =	vbroadcast v30, $0x0;
	v30 =	vand.u32 $0x3E, v35;
	v45 =	vor.u32 v5, v36;
	v36 =	vmovc v26;
	v34 =	vmovc v46;
	v43 =	vld.idx.msk [tilespmem:v43+s13+$0x0], $0xffff  }
0xd2: {  	v46 =	vor.u32 v4, v37;
	v26 =	vbroadcast v30, $0x0;
	v35 =	vmov v47;
	v30 =	vld [tilespmem:s24+$0x0];
	[tilespmem:s6+$0xFFFFFFE0] =	vst v50;
	s6 =	smov.u32 s20  }
0xd3: {  	s25 =	sadd.s32 $0x3, s8;
	s8 =	sadd.s32 $0x4, s8;
	v47 =	vor.u32 v4, v33;
	v31 =	vmov v48;
	v38 =	vld [tilespmem:s24+$0xFFFFFFD0]  }
0xd4: {  	_ =	sdelay $0x1  }
0xd5: {  	v48 =	vmov s25;
	v50 =	vld [tilespmem:s24+$0xFFFFFFE0]  }
0xd6: {  	v51 =	vld [tilespmem:s24+$0xFFFFFFF0];
	v48 =	vand.u32 $0x3F, v48  }
0xd7: {  	v49 =	vor.u32 v4, v26;
	v45 =	vld.idx.msk [tilespmem:v45+s13+$0x0], $0xffff;
	v48 =	vbroadcast v48, $0x0  }
0xd8: {  	v46 =	vld.idx.msk [tilespmem:v46+s13+$0x0], $0xffff;
	v28 =	vadd.f32 v44, v28  }
0xd9: {  	v32 =	vadd.f32 v41, v32;
	v59 =	vld.idx.msk [tilespmem:v47+s13+$0x0], $0xffff;
	s8 =	sadd.s32 $0x40, s24;
	v52 =	vor.u32 v4, v48  }
0xda: {  	v29 =	vadd.f32 v42, v29;
	[tilespmem:s6+$0xFFFFFFC0] =	vst v28;
	v28 =	vld [tilespmem:s8+$0xFFFFFFD0]  }
0xdb: {  	v27 =	vor.u32 v5, v27;
	v63 =	vld [tilespmem:s8+$0xFFFFFFF0];
	[tilespmem:s20+$0x0] =	vst v32;
	v43 =	vadd.f32 v43, v30  }
0xdc: {  	v40 =	vor.u32 v5, v40;
	s28 =	sadd.s32 $0x80, s20;
	[tilespmem:s20+$0xFFFFFFA0] =	vst v29;
	v34 =	vadd.f32 v34, v38;
	v60 =	vld.idx.msk [tilespmem:v49+s13+$0x0], $0xffff  }
0xdd: {  	v39 =	vor.u32 v5, v39;
	v29 =	vld [tilespmem:s8+$0x0];
	[tilespmem:s28+$0xFFFFFFF0] =	vst v43;
	v25 =	vadd.f32 v45, v25  }
0xde: {  	v36 =	vor.u32 v5, v36;
	v35 =	vadd.f32 v35, v50;
	[tilespmem:s28+$0xFFFFFF90] =	vst v34;
	v61 =	vld.idx.msk [tilespmem:v52+s13+$0x0], $0xffff  }
0xdf: {  	v26 =	vor.u32 v5, v26;
	v62 =	vld [tilespmem:s8+$0xFFFFFFE0];
	[tilespmem:s6+$0xFFFFFFE0] =	vst v25;
	v25 =	vadd.f32 v46, v28  }
0xe0: {  	s29 =	sadd.s32 $0x80, s28;
	v31 =	vadd.f32 v31, v51;
	v27 =	vld.idx.msk [tilespmem:v27+s13+$0x0], $0xffff;
	[tilespmem:s28+$0xFFFFFFB0] =	vst v35;
	v52 =	vor.u32 v5, v37  }
0xe1: {  	v49 =	vor.u32 v5, v48;
	v53 =	vld.idx.msk [tilespmem:v40+s13+$0x0], $0xffff;
	[tilespmem:s29+$0xFFFFFF90] =	vst v25;
	v25 =	vadd.f32 v60, v63  }
0xe2: {  	[tilespmem:s28+$0xFFFFFFD0] =	vst v31;
	v31 =	vor.u32 v5, v33;
	v54 =	vld.idx.msk [tilespmem:v39+s13+$0x0], $0xffff  }
0xe3: {  	v36 =	vld.idx.msk [tilespmem:v36+s13+$0x0], $0xffff;
	[tilespmem:s29+$0xFFFFFFD0] =	vst v25;
	v32 =	vadd.f32 v61, v29  }
0xe4: {  	v55 =	vadd.f32 v59, v62;
	v26 =	vld.idx.msk [tilespmem:v26+s13+$0x0], $0xffff  }
0xe5: {  	v27 =	vadd.f32 v27, v30;
	v30 =	vld.idx.msk [tilespmem:v52+s13+$0x0], $0xffff;
	[tilespmem:s29+$0xFFFFFFF0] =	vst v32  }
0xe6: {  	[tilespmem:s29+$0xFFFFFFB0] =	vst v55;
	v56 =	vadd.f32 v53, v38;
	v32 =	vld.idx.msk [tilespmem:v49+s13+$0x0], $0xffff  }
0xe7: {  	v31 =	vld.idx.msk [tilespmem:v31+s13+$0x0], $0xffff;
	v25 =	vadd.f32 v54, v50;
	[tilespmem:s28+$0x0] =	vst v27  }
0xe8: {  	v27 =	vadd.f32 v36, v51;
	[tilespmem:s28+$0xFFFFFFA0] =	vst v56  }
0xe9: {  	[tilespmem:s28+$0xFFFFFFC0] =	vst v25;
	v26 =	vadd.f32 v26, v63  }
0xea: {  	[tilespmem:s28+$0xFFFFFFE0] =	vst v27;
	v27 =	vadd.f32 v30, v28;
	v28 =	vor.u32 v6, v17  }
0xeb: {  	[tilespmem:s29+$0xFFFFFFE0] =	vst v26;
	v25 =	vadd.f32 v32, v29  }
0xec: {  	[tilespmem:s29+$0xFFFFFFA0] =	vst v27;
	v29 =	vadd.f32 v31, v62  }
0xed: {  	v27 =	vor.u32 v6, v20;
	[tilespmem:s29+$0x0] =	vst v25  }
0xee: {  	[tilespmem:s29+$0xFFFFFFC0] =	vst v29  }
0xef: {  	v21 =	vbroadcast v21, $0x0;
	v25 =	vor.u32 v6, v19;
	v28 =	vld.idx.msk [tilespmem:v28+s13+$0x0], $0xffff  }
0xf0: {  	v26 =	vld [tilespmem:s23+$0xFFFFFFD0]  }
0xf1: {  	v60 =	vor.u32 v7, v20;
	v62 =	vor.u32 v6, v21;
	v20 =	vld [tilespmem:s23+$0xFFFFFFF0]  }
0xf2: {  	v29 =	vor.u32 v6, v18;
	v30 =	vld.idx.msk [tilespmem:v27+s13+$0x0], $0xffff  }
0xf3: {  	v57 =	vor.u32 v6, v16;
	v27 =	vld [tilespmem:s23+$0x0]  }
0xf4: {  	v59 =	vor.u32 v6, v14;
	v31 =	vld.idx.msk [tilespmem:v25+s13+$0x0], $0xffff  }
0xf5: {  	v58 =	vor.u32 v6, v15;
	v25 =	vld [tilespmem:s23+$0xFFFFFFE0]  }
0xf6: {  	v34 =	vld.idx.msk [tilespmem:v62+s13+$0x0], $0xffff  }
0xf7: {  	v17 =	vor.u32 v7, v17;
	v35 =	vld.idx.msk [tilespmem:v29+s13+$0x0], $0xffff  }
0xf8: {  	v19 =	vor.u32 v7, v19;
	v29 =	vld.idx.msk [tilespmem:v57+s13+$0x0], $0xffff;
	v61 =	vadd.f32 v30, v27  }
0xf9: {  	v63 =	vadd.f32 v28, v26;
	v28 =	vld.idx.msk [tilespmem:v59+s13+$0x0], $0xffff  }
0xfa: {  	v30 =	vld.idx.msk [tilespmem:v58+s13+$0x0], $0xffff;
	[tilespmem:s22+$0xFFFFFFF0] =	vst v61;
	v31 =	vadd.f32 v31, v25  }
0xfb: {  	[tilespmem:s22+$0xFFFFFF90] =	vst v63;
	v33 =	vld.idx.msk [tilespmem:v60+s13+$0x0], $0xffff  }
0xfc: {  	v22 =	vbroadcast v22, $0x0;
	v32 =	vld.idx.msk [tilespmem:v17+s13+$0x0], $0xffff;
	v17 =	vadd.f32 v35, v20;
	[tilespmem:s22+$0xFFFFFFB0] =	vst v31  }
0xfd: {  	s24 =	simm.s32 $0x2570;
	v35 =	vor.u32 v7, v18;
	v31 =	vld.idx.msk [tilespmem:v19+s13+$0x0], $0xffff;
	v19 =	vbroadcast v23, $0x0  }
0xfe: {  	v36 =	vor.u32 v6, v22;
	v18 =	vld [tilespmem:s24+$0x0];
	[tilespmem:s22+$0xFFFFFFD0] =	vst v17;
	v17 =	vbroadcast v24, $0x0  }
0xff: {  	s25 =	simm.s32 $0xB;
	s8 =	simm.s32 $0xC;
	s6 =	simm.s32 $0x12170;
	v23 =	vld [tilespmem:s24+$0xFFFFFFD0];
	v24 =	vor.u32 v6, v19  }
.LBB2_9:
0x100: {  	p1 =	slt.u32 s8, $0x3C;
	v37 =	vor.u32 v6, v17;
	v38 =	vmov s25;
	v39 =	vld [tilespmem:s24+$0xFFFFFFE0];
	v27 =	vadd.f32 v33, v27  }
0x101: {  	v40 =	vor.u32 v7, v21;
	v26 =	vadd.f32 v32, v26;
	v33 =	vand.u32 $0x3F, v38;
	v38 =	vld [tilespmem:s24+$0xFFFFFFF0]  }
0x102: {  	v32 =	vor.u32 v7, v16;
	s20 =	simm.s32 $0x12970;
	s23 =	simm.s32 $0x2930;
	v21 =	vbroadcast v33, $0x0;
	v33 =	vadd.f32 v31, v25;
	v35 =	vld.idx.msk [tilespmem:v35+s13+$0x0], $0xffff;
	[tilespmem:s22+$0x0] =	vst v27  }
0x103: {  	v16 =	vmov v22;
	v31 =	vor.u32 v7, v15;
	v36 =	vld.idx.msk [tilespmem:v36+s13+$0x0], $0xffff;
	v41 =	vadd.f32 v34, v18;
	[tilespmem:s22+$0xFFFFFFA0] =	vst v26  }
0x104: {  	v15 =	vmov v19;
	s22 =	sadd.s32 $0x80, s22;
	v24 =	vld.idx.msk [tilespmem:v24+s13+$0x0], $0xffff;
	v34 =	vor.u32 v6, v21;
	v22 =	vadd.f32 v29, v23;
	[tilespmem:s6+$0xFFFFFFC0] =	vst v33  }
0x105: {  	v27 =	vmovc v18;
	v26 =	vmov v23;
	v37 =	vld.idx.msk [tilespmem:v37+s13+$0x0], $0xffff;
	v19 =	vadd.f32 v30, v39;
	[tilespmem:s22+$0xFFFFFFF0] =	vst v41;
	v25 =	vmov v39  }
0x106: {  	s25 =	sadd.s32 $0x1, s8;
	s26 =	sadd.s32 $0x2, s8;
	v18 =	vmov s8;
	[tilespmem:s22+$0xFFFFFF90] =	vst v22;
	v23 =	vadd.f32 v28, v38;
	v33 =	vld.idx.msk [tilespmem:v40+s13+$0x0], $0xffff  }
.Ltmp5:
0x107: {  	v18 =	vand.u32 $0x3C, v18;
	v30 =	vmov s26;
	v28 =	vmov s25;
	v32 =	vld.idx.msk [tilespmem:v32+s13+$0x0], $0xffff;
	[tilespmem:s22+$0xFFFFFFB0] =	vst v19;
	(pc) =	sbr.rel @p1 .LBB2_9-.Ltmp5, $4  }
0x108: {  	v22 =	vbroadcast v18, $0x0;
	v18 =	vand.u32 $0x3D, v28;
	v31 =	vld.idx.msk [tilespmem:v31+s13+$0x0], $0xffff;
	[tilespmem:s22+$0xFFFFFFD0] =	vst v23;
	v23 =	vadd.f32 v35, v20;
	v20 =	vmovc v38  }
0x109: {  	s24 =	sadd.s32 $0x40, s24;
	v19 =	vbroadcast v18, $0x0;
	v18 =	vand.u32 $0x3E, v30;
	v35 =	vor.u32 v7, v14;
	v29 =	vmovc v36;
	v14 =	vmovc v17;
	v34 =	vld.idx.msk [tilespmem:v34+s13+$0x0], $0xffff  }
0x10a: {  	v36 =	vor.u32 v6, v22;
	v17 =	vbroadcast v18, $0x0;
	v30 =	vmov v24;
	v18 =	vld [tilespmem:s24+$0x0];
	[tilespmem:s6+$0xFFFFFFE0] =	vst v23;
	s6 =	smov.u32 s22  }
0x10b: {  	s25 =	sadd.s32 $0x3, s8;
	s8 =	sadd.s32 $0x4, s8;
	v24 =	vor.u32 v6, v19;
	v28 =	vmov v37;
	v23 =	vld [tilespmem:s24+$0xFFFFFFD0]  }
0x10c: {  	_ =	sdelay $0x1  }
0x10d: {  	v39 =	vld [tilespmem:s24+$0xFFFFFFE0]  }
0x10e: {  	v40 =	vld [tilespmem:s24+$0xFFFFFFF0]  }
0x10f: {  	v37 =	vmov s25;
	v38 =	vor.u32 v6, v17;
	v35 =	vld.idx.msk [tilespmem:v35+s13+$0x0], $0xffff  }
0x110: {  	v36 =	vld.idx.msk [tilespmem:v36+s13+$0x0], $0xffff;
	v27 =	vadd.f32 v33, v27;
	v37 =	vand.u32 $0x3F, v37  }
0x111: {  	v24 =	vld.idx.msk [tilespmem:v24+s13+$0x0], $0xffff;
	v26 =	vadd.f32 v32, v26;
	s10 =	sadd.s32 $0x40, s24;
	v37 =	vbroadcast v37, $0x0  }
0x112: {  	v21 =	vor.u32 v7, v21;
	v25 =	vadd.f32 v31, v25;
	[tilespmem:s22+$0x0] =	vst v27;
	v27 =	vld [tilespmem:s10+$0x0]  }
0x113: {  	[tilespmem:s22+$0xFFFFFFA0] =	vst v26;
	v34 =	vadd.f32 v34, v18;
	v41 =	vor.u32 v6, v37;
	v26 =	vadd.f32 v29, v23;
	v29 =	vld [tilespmem:s10+$0xFFFFFFD0]  }
0x114: {  	s8 =	sadd.s32 $0x80, s22;
	v16 =	vor.u32 v7, v16;
	[tilespmem:s6+$0xFFFFFFC0] =	vst v25;
	v38 =	vld.idx.msk [tilespmem:v38+s13+$0x0], $0xffff  }
0x115: {  	v15 =	vor.u32 v7, v15;
	[tilespmem:s8+$0xFFFFFFF0] =	vst v34;
	v25 =	vadd.f32 v30, v39;
	v30 =	vld [tilespmem:s10+$0xFFFFFFE0]  }
0x116: {  	v14 =	vor.u32 v7, v14;
	[tilespmem:s8+$0xFFFFFF90] =	vst v26;
	v26 =	vadd.f32 v28, v40;
	v28 =	vld [tilespmem:s10+$0xFFFFFFF0]  }
0x117: {  	v20 =	vadd.f32 v35, v20;
	v21 =	vld.idx.msk [tilespmem:v21+s13+$0x0], $0xffff  }
0x118: {  	v22 =	vor.u32 v7, v22;
	[tilespmem:s8+$0xFFFFFFB0] =	vst v25;
	v58 =	vld.idx.msk [tilespmem:v41+s13+$0x0], $0xffff  }
0x119: {  	v19 =	vor.u32 v7, v19;
	v16 =	vld.idx.msk [tilespmem:v16+s13+$0x0], $0xffff;
	[tilespmem:s6+$0xFFFFFFE0] =	vst v20;
	v20 =	vadd.f32 v36, v29  }
0x11a: {  	v17 =	vor.u32 v7, v17;
	s24 =	sadd.s32 $0x80, s8;
	v15 =	vld.idx.msk [tilespmem:v15+s13+$0x0], $0xffff;
	[tilespmem:s8+$0xFFFFFFD0] =	vst v26;
	v24 =	vadd.f32 v24, v30  }
0x11b: {  	v31 =	vor.u32 v7, v37;
	v14 =	vld.idx.msk [tilespmem:v14+s13+$0x0], $0xffff;
	[tilespmem:s24+$0xFFFFFF90] =	vst v20;
	v20 =	vadd.f32 v38, v28  }
0x11c: {  	v18 =	vadd.f32 v21, v18;
	[tilespmem:s24+$0xFFFFFFB0] =	vst v24  }
0x11d: {  	s25 =	simm.s32 $0x0;
	v21 =	vld.idx.msk [tilespmem:v22+s13+$0x0], $0xffff;
	[tilespmem:s24+$0xFFFFFFD0] =	vst v20;
	v25 =	vadd.f32 v58, v27  }
0x11e: {  	s26 =	simm.s32 $0x1;
	v16 =	vadd.f32 v16, v23;
	v22 =	vld.idx.msk [tilespmem:v19+s13+$0x0], $0xffff;
	v19 =	vmov s25;
	[tilespmem:s8+$0x0] =	vst v18  }
0x11f: {  	s28 =	simm.s32 $0x3;
	v15 =	vadd.f32 v15, v39;
	v18 =	vld.idx.msk [tilespmem:v17+s13+$0x0], $0xffff;
	v17 =	vand.u32 $0x3C, v19;
	v19 =	vmov s26;
	[tilespmem:s24+$0xFFFFFFF0] =	vst v25  }
0x120: {  	v20 =	vmov s28;
	v14 =	vadd.f32 v14, v40;
	[tilespmem:s8+$0xFFFFFFA0] =	vst v16;
	v16 =	vand.u32 $0x3D, v19;
	v25 =	vld.idx.msk [tilespmem:v31+s13+$0x0], $0xffff  }
0x121: {  	v17 =	vbroadcast v17, $0x0;
	v19 =	vbroadcast v16, $0x0;
	v16 =	vand.u32 $0x3F, v20  }
0x122: {  	[tilespmem:s8+$0xFFFFFFE0] =	vst v14;
	v14 =	vadd.f32 v21, v29;
	v20 =	vbroadcast v16, $0x0  }
0x123: {  	[tilespmem:s8+$0xFFFFFFC0] =	vst v15;
	v21 =	vor.u32 v8, v17;
	v16 =	vadd.f32 v22, v30  }
0x124: {  	[tilespmem:s24+$0xFFFFFFA0] =	vst v14;
	v14 =	vadd.f32 v18, v28;
	v23 =	vor.u32 v8, v20  }
0x125: {  	s10 =	simm.s32 $0x4;
	[tilespmem:s24+$0xFFFFFFC0] =	vst v16;
	v15 =	vadd.f32 v25, v27  }
0x126: {  	s29 =	simm.s32 $0x2;
	[tilespmem:s24+$0xFFFFFFE0] =	vst v14;
	v14 =	vmov s10  }
0x127: {  	v22 =	vor.u32 v8, v19;
	v14 =	vand.u32 $0x3C, v14;
	[tilespmem:s24+$0x0] =	vst v15;
	v15 =	vmov s29  }
0x128: {  	v16 =	vbroadcast v14, $0x0;
	v15 =	vand.u32 $0x3E, v15;
	v26 =	vld.idx.msk [tilespmem:v21+s13+$0x0], $0xffff  }
0x129: {  	v23 =	vld.idx.msk [tilespmem:v23+s13+$0x0], $0xffff;
	v18 =	vbroadcast v15, $0x0  }
0x12a: {  	s22 =	simm.s32 $0x5;
	v30 =	vor.u32 v8, v16;
	v32 =	vld [tilespmem:s23+$0x0]  }
0x12b: {  	v29 =	vld [tilespmem:s23+$0xFFFFFFD0];
	v15 =	vmov s22;
	v24 =	vor.u32 v8, v18  }
0x12c: {  	s24 =	simm.s32 $0x6;
	v22 =	vld.idx.msk [tilespmem:v22+s13+$0x0], $0xffff;
	v14 =	vand.u32 $0x3D, v15  }
0x12d: {  	s25 =	simm.s32 $0x7;
	v60 =	vor.u32 v9, v20;
	v21 =	vmov s24;
	v28 =	vld [tilespmem:s23+$0xFFFFFFE0];
	v15 =	vbroadcast v14, $0x0  }
0x12e: {  	v61 =	vor.u32 v9, v17;
	v25 =	vld [tilespmem:s23+$0xFFFFFFF0];
	v14 =	vand.u32 $0x3E, v21;
	v21 =	vmov s25  }
0x12f: {  	v21 =	vand.u32 $0x3F, v21;
	v31 =	vor.u32 v8, v15;
	v34 =	vld.idx.msk [tilespmem:v30+s13+$0x0], $0xffff;
	v23 =	vadd.f32 v23, v32  }
0x130: {  	s24 =	simm.s32 $0x2970;
	v27 =	vbroadcast v21, $0x0;
	v30 =	vor.u32 v9, v19;
	v26 =	vadd.f32 v26, v29;
	v24 =	vld.idx.msk [tilespmem:v24+s13+$0x0], $0xffff  }
0x131: {  	v38 =	vld [tilespmem:s24+$0xFFFFFFD0];
	v14 =	vbroadcast v14, $0x0;
	[tilespmem:s20+$0xFFFFFFF0] =	vst v23  }
0x132: {  	s28 =	simm.s32 $0x9;
	s26 =	simm.s32 $0x8;
	v22 =	vadd.f32 v22, v28;
	v62 =	vor.u32 v8, v27;
	[tilespmem:s20+$0xFFFFFF90] =	vst v26;
	v41 =	vld.idx.msk [tilespmem:v60+s13+$0x0], $0xffff  }
0x133: {  	v59 =	vor.u32 v8, v14;
	v23 =	vmov s26;
	v26 =	vmov s28;
	v42 =	vld.idx.msk [tilespmem:v61+s13+$0x0], $0xffff  }
0x134: {  	s29 =	simm.s32 $0xA;
	[tilespmem:s20+$0xFFFFFFB0] =	vst v22;
	v22 =	vand.u32 $0x3C, v23;
	v23 =	vand.u32 $0x3D, v26;
	v35 =	vld.idx.msk [tilespmem:v31+s13+$0x0], $0xffff  }
0x135: {  	v37 =	vbroadcast v22, $0x0;
	v44 =	vld.idx.msk [tilespmem:v30+s13+$0x0], $0xffff;
	v63 =	vadd.f32 v24, v25;
	v24 =	vmov s29  }
0x136: {  	v45 =	vor.u32 v9, v18;
	v33 =	vbroadcast v23, $0x0;
	v30 =	vld [tilespmem:s24+$0x0];
	v24 =	vand.u32 $0x3E, v24  }
0x137: {  	v46 =	vor.u32 v8, v37;
	v43 =	vld.idx.msk [tilespmem:v62+s13+$0x0], $0xffff;
	v26 =	vbroadcast v24, $0x0  }
0x138: {  	s6 =	simm.s32 $0x12970;
	s8 =	simm.s32 $0xC;
	v40 =	vmovc v16;
	s25 =	simm.s32 $0xB;
	v39 =	vmov v15;
	v36 =	vmov v14;
	v31 =	vld.idx.msk [tilespmem:v59+s13+$0x0], $0xffff;
	v47 =	vor.u32 v8, v33;
	[tilespmem:s20+$0xFFFFFFD0] =	vst v63  }
.LBB2_11:
0x139: {  	p1 =	slt.u32 s8, $0x3C;
	v48 =	vor.u32 v8, v26;
	v49 =	vmov s25;
	v50 =	vld [tilespmem:s24+$0xFFFFFFE0];
	v32 =	vadd.f32 v41, v32  }
0x13a: {  	v51 =	vor.u32 v9, v27;
	v29 =	vadd.f32 v42, v29;
	v41 =	vand.u32 $0x3F, v49;
	v49 =	vld [tilespmem:s24+$0xFFFFFFF0]  }
0x13b: {  	v42 =	vor.u32 v9, v40;
	s23 =	simm.s32 $0x13170;
	s22 =	simm.s32 $0x2D30;
	v27 =	vbroadcast v41, $0x0;
	v41 =	vadd.f32 v44, v28;
	v45 =	vld.idx.msk [tilespmem:v45+s13+$0x0], $0xffff;
	[tilespmem:s20+$0x0] =	vst v32  }
0x13c: {  	v40 =	vmov v37;
	v44 =	vor.u32 v9, v39;
	v46 =	vld.idx.msk [tilespmem:v46+s13+$0x0], $0xffff;
	v52 =	vadd.f32 v43, v30;
	[tilespmem:s20+$0xFFFFFFA0] =	vst v29  }
0x13d: {  	v39 =	vmov v33;
	s20 =	sadd.s32 $0x80, s20;
	v47 =	vld.idx.msk [tilespmem:v47+s13+$0x0], $0xffff;
	v43 =	vor.u32 v8, v27;
	v34 =	vadd.f32 v34, v38;
	[tilespmem:s6+$0xFFFFFFC0] =	vst v41  }
0x13e: {  	v32 =	vmovc v30;
	v29 =	vmov v38;
	v48 =	vld.idx.msk [tilespmem:v48+s13+$0x0], $0xffff;
	v33 =	vadd.f32 v35, v50;
	[tilespmem:s20+$0xFFFFFFF0] =	vst v52;
	v28 =	vmov v50  }
0x13f: {  	s25 =	sadd.s32 $0x1, s8;
	s26 =	sadd.s32 $0x2, s8;
	v30 =	vmov s8;
	[tilespmem:s20+$0xFFFFFF90] =	vst v34;
	v31 =	vadd.f32 v31, v49;
	v41 =	vld.idx.msk [tilespmem:v51+s13+$0x0], $0xffff  }
.Ltmp6:
0x140: {  	v38 =	vmov s25;
	v30 =	vand.u32 $0x3C, v30;
	v35 =	vmov s26;
	v42 =	vld.idx.msk [tilespmem:v42+s13+$0x0], $0xffff;
	[tilespmem:s20+$0xFFFFFFB0] =	vst v33;
	(pc) =	sbr.rel @p1 .LBB2_11-.Ltmp6, $4  }
0x141: {  	v37 =	vbroadcast v30, $0x0;
	v30 =	vand.u32 $0x3D, v38;
	v50 =	vadd.f32 v45, v25;
	v25 =	vmovc v49;
	v44 =	vld.idx.msk [tilespmem:v44+s13+$0x0], $0xffff;
	[tilespmem:s20+$0xFFFFFFD0] =	vst v31  }
0x142: {  	s24 =	sadd.s32 $0x40, s24;
	v33 =	vbroadcast v30, $0x0;
	v30 =	vand.u32 $0x3E, v35;
	v45 =	vor.u32 v9, v36;
	v36 =	vmovc v26;
	v34 =	vmovc v46;
	v43 =	vld.idx.msk [tilespmem:v43+s13+$0x0], $0xffff  }
0x143: {  	v46 =	vor.u32 v8, v37;
	v26 =	vbroadcast v30, $0x0;
	v35 =	vmov v47;
	v30 =	vld [tilespmem:s24+$0x0];
	[tilespmem:s6+$0xFFFFFFE0] =	vst v50;
	s6 =	smov.u32 s20  }
0x144: {  	s25 =	sadd.s32 $0x3, s8;
	s8 =	sadd.s32 $0x4, s8;
	v47 =	vor.u32 v8, v33;
	v31 =	vmov v48;
	v38 =	vld [tilespmem:s24+$0xFFFFFFD0]  }
0x145: {  	_ =	sdelay $0x1  }
0x146: {  	v48 =	vmov s25;
	v50 =	vld [tilespmem:s24+$0xFFFFFFE0]  }
0x147: {  	v51 =	vld [tilespmem:s24+$0xFFFFFFF0];
	v48 =	vand.u32 $0x3F, v48  }
0x148: {  	v49 =	vor.u32 v8, v26;
	v45 =	vld.idx.msk [tilespmem:v45+s13+$0x0], $0xffff;
	v48 =	vbroadcast v48, $0x0  }
0x149: {  	v46 =	vld.idx.msk [tilespmem:v46+s13+$0x0], $0xffff;
	v28 =	vadd.f32 v44, v28  }
0x14a: {  	v32 =	vadd.f32 v41, v32;
	v59 =	vld.idx.msk [tilespmem:v47+s13+$0x0], $0xffff;
	s8 =	sadd.s32 $0x40, s24;
	v52 =	vor.u32 v8, v48  }
0x14b: {  	v29 =	vadd.f32 v42, v29;
	[tilespmem:s6+$0xFFFFFFC0] =	vst v28;
	v28 =	vld [tilespmem:s8+$0xFFFFFFD0]  }
0x14c: {  	v27 =	vor.u32 v9, v27;
	v63 =	vld [tilespmem:s8+$0xFFFFFFF0];
	[tilespmem:s20+$0x0] =	vst v32;
	v43 =	vadd.f32 v43, v30  }
0x14d: {  	v40 =	vor.u32 v9, v40;
	s28 =	sadd.s32 $0x80, s20;
	[tilespmem:s20+$0xFFFFFFA0] =	vst v29;
	v34 =	vadd.f32 v34, v38;
	v60 =	vld.idx.msk [tilespmem:v49+s13+$0x0], $0xffff  }
0x14e: {  	v39 =	vor.u32 v9, v39;
	v29 =	vld [tilespmem:s8+$0x0];
	[tilespmem:s28+$0xFFFFFFF0] =	vst v43;
	v25 =	vadd.f32 v45, v25  }
0x14f: {  	v36 =	vor.u32 v9, v36;
	v35 =	vadd.f32 v35, v50;
	[tilespmem:s28+$0xFFFFFF90] =	vst v34;
	v61 =	vld.idx.msk [tilespmem:v52+s13+$0x0], $0xffff  }
0x150: {  	v26 =	vor.u32 v9, v26;
	v62 =	vld [tilespmem:s8+$0xFFFFFFE0];
	[tilespmem:s6+$0xFFFFFFE0] =	vst v25;
	v25 =	vadd.f32 v46, v28  }
0x151: {  	s29 =	sadd.s32 $0x80, s28;
	v31 =	vadd.f32 v31, v51;
	v27 =	vld.idx.msk [tilespmem:v27+s13+$0x0], $0xffff;
	[tilespmem:s28+$0xFFFFFFB0] =	vst v35;
	v52 =	vor.u32 v9, v37  }
0x152: {  	v49 =	vor.u32 v9, v48;
	v53 =	vld.idx.msk [tilespmem:v40+s13+$0x0], $0xffff;
	[tilespmem:s29+$0xFFFFFF90] =	vst v25;
	v25 =	vadd.f32 v60, v63  }
0x153: {  	[tilespmem:s28+$0xFFFFFFD0] =	vst v31;
	v31 =	vor.u32 v9, v33;
	v54 =	vld.idx.msk [tilespmem:v39+s13+$0x0], $0xffff  }
0x154: {  	v36 =	vld.idx.msk [tilespmem:v36+s13+$0x0], $0xffff;
	[tilespmem:s29+$0xFFFFFFD0] =	vst v25;
	v32 =	vadd.f32 v61, v29  }
0x155: {  	v55 =	vadd.f32 v59, v62;
	v26 =	vld.idx.msk [tilespmem:v26+s13+$0x0], $0xffff  }
0x156: {  	v27 =	vadd.f32 v27, v30;
	v30 =	vld.idx.msk [tilespmem:v52+s13+$0x0], $0xffff;
	[tilespmem:s29+$0xFFFFFFF0] =	vst v32  }
0x157: {  	[tilespmem:s29+$0xFFFFFFB0] =	vst v55;
	v56 =	vadd.f32 v53, v38;
	v32 =	vld.idx.msk [tilespmem:v49+s13+$0x0], $0xffff  }
0x158: {  	v31 =	vld.idx.msk [tilespmem:v31+s13+$0x0], $0xffff;
	v25 =	vadd.f32 v54, v50;
	[tilespmem:s28+$0x0] =	vst v27  }
0x159: {  	v27 =	vadd.f32 v36, v51;
	[tilespmem:s28+$0xFFFFFFA0] =	vst v56  }
0x15a: {  	[tilespmem:s28+$0xFFFFFFC0] =	vst v25;
	v26 =	vadd.f32 v26, v63  }
0x15b: {  	[tilespmem:s28+$0xFFFFFFE0] =	vst v27;
	v27 =	vadd.f32 v30, v28;
	v28 =	vor.u32 v10, v17  }
0x15c: {  	[tilespmem:s29+$0xFFFFFFE0] =	vst v26;
	v25 =	vadd.f32 v32, v29  }
0x15d: {  	[tilespmem:s29+$0xFFFFFFA0] =	vst v27;
	v29 =	vadd.f32 v31, v62  }
0x15e: {  	v27 =	vor.u32 v10, v20;
	[tilespmem:s29+$0x0] =	vst v25  }
0x15f: {  	[tilespmem:s29+$0xFFFFFFC0] =	vst v29  }
0x160: {  	v21 =	vbroadcast v21, $0x0;
	v25 =	vor.u32 v10, v19;
	v28 =	vld.idx.msk [tilespmem:v28+s13+$0x0], $0xffff  }
0x161: {  	v26 =	vld [tilespmem:s22+$0xFFFFFFD0]  }
0x162: {  	v60 =	vor.u32 v11, v20;
	v62 =	vor.u32 v10, v21;
	v20 =	vld [tilespmem:s22+$0xFFFFFFF0]  }
0x163: {  	v29 =	vor.u32 v10, v18;
	v30 =	vld.idx.msk [tilespmem:v27+s13+$0x0], $0xffff  }
0x164: {  	v57 =	vor.u32 v10, v16;
	v27 =	vld [tilespmem:s22+$0x0]  }
0x165: {  	v59 =	vor.u32 v10, v14;
	v31 =	vld.idx.msk [tilespmem:v25+s13+$0x0], $0xffff  }
0x166: {  	v58 =	vor.u32 v10, v15;
	v25 =	vld [tilespmem:s22+$0xFFFFFFE0]  }
0x167: {  	v34 =	vld.idx.msk [tilespmem:v62+s13+$0x0], $0xffff  }
0x168: {  	v17 =	vor.u32 v11, v17;
	v35 =	vld.idx.msk [tilespmem:v29+s13+$0x0], $0xffff  }
0x169: {  	v19 =	vor.u32 v11, v19;
	v29 =	vld.idx.msk [tilespmem:v57+s13+$0x0], $0xffff;
	v61 =	vadd.f32 v30, v27  }
0x16a: {  	v63 =	vadd.f32 v28, v26;
	v28 =	vld.idx.msk [tilespmem:v59+s13+$0x0], $0xffff  }
0x16b: {  	v30 =	vld.idx.msk [tilespmem:v58+s13+$0x0], $0xffff;
	[tilespmem:s23+$0xFFFFFFF0] =	vst v61;
	v31 =	vadd.f32 v31, v25  }
0x16c: {  	[tilespmem:s23+$0xFFFFFF90] =	vst v63;
	v33 =	vld.idx.msk [tilespmem:v60+s13+$0x0], $0xffff  }
0x16d: {  	v22 =	vbroadcast v22, $0x0;
	v32 =	vld.idx.msk [tilespmem:v17+s13+$0x0], $0xffff;
	v17 =	vadd.f32 v35, v20;
	[tilespmem:s23+$0xFFFFFFB0] =	vst v31  }
0x16e: {  	s24 =	simm.s32 $0x2D70;
	v35 =	vor.u32 v11, v18;
	v31 =	vld.idx.msk [tilespmem:v19+s13+$0x0], $0xffff;
	v19 =	vbroadcast v23, $0x0  }
0x16f: {  	v36 =	vor.u32 v10, v22;
	v18 =	vld [tilespmem:s24+$0x0];
	[tilespmem:s23+$0xFFFFFFD0] =	vst v17;
	v17 =	vbroadcast v24, $0x0  }
0x170: {  	s25 =	simm.s32 $0xB;
	s8 =	simm.s32 $0xC;
	s6 =	simm.s32 $0x13170;
	v23 =	vld [tilespmem:s24+$0xFFFFFFD0];
	v24 =	vor.u32 v10, v19  }
.LBB2_13:
0x171: {  	p1 =	slt.u32 s8, $0x3C;
	v37 =	vor.u32 v10, v17;
	v38 =	vmov s25;
	v39 =	vld [tilespmem:s24+$0xFFFFFFE0];
	v27 =	vadd.f32 v33, v27  }
0x172: {  	v40 =	vor.u32 v11, v21;
	v26 =	vadd.f32 v32, v26;
	v33 =	vand.u32 $0x3F, v38;
	v38 =	vld [tilespmem:s24+$0xFFFFFFF0]  }
0x173: {  	v32 =	vor.u32 v11, v16;
	s22 =	simm.s32 $0x13970;
	s20 =	simm.s32 $0x3130;
	v21 =	vbroadcast v33, $0x0;
	v33 =	vadd.f32 v31, v25;
	v35 =	vld.idx.msk [tilespmem:v35+s13+$0x0], $0xffff;
	[tilespmem:s23+$0x0] =	vst v27  }
0x174: {  	v16 =	vmov v22;
	v31 =	vor.u32 v11, v15;
	v36 =	vld.idx.msk [tilespmem:v36+s13+$0x0], $0xffff;
	v41 =	vadd.f32 v34, v18;
	[tilespmem:s23+$0xFFFFFFA0] =	vst v26  }
0x175: {  	v15 =	vmov v19;
	s23 =	sadd.s32 $0x80, s23;
	v24 =	vld.idx.msk [tilespmem:v24+s13+$0x0], $0xffff;
	v34 =	vor.u32 v10, v21;
	v22 =	vadd.f32 v29, v23;
	[tilespmem:s6+$0xFFFFFFC0] =	vst v33  }
0x176: {  	v27 =	vmovc v18;
	v26 =	vmov v23;
	v37 =	vld.idx.msk [tilespmem:v37+s13+$0x0], $0xffff;
	v19 =	vadd.f32 v30, v39;
	[tilespmem:s23+$0xFFFFFFF0] =	vst v41;
	v25 =	vmov v39  }
0x177: {  	s25 =	sadd.s32 $0x1, s8;
	s26 =	sadd.s32 $0x2, s8;
	v18 =	vmov s8;
	[tilespmem:s23+$0xFFFFFF90] =	vst v22;
	v23 =	vadd.f32 v28, v38;
	v33 =	vld.idx.msk [tilespmem:v40+s13+$0x0], $0xffff  }
.Ltmp7:
0x178: {  	v18 =	vand.u32 $0x3C, v18;
	v30 =	vmov s26;
	v28 =	vmov s25;
	v32 =	vld.idx.msk [tilespmem:v32+s13+$0x0], $0xffff;
	[tilespmem:s23+$0xFFFFFFB0] =	vst v19;
	(pc) =	sbr.rel @p1 .LBB2_13-.Ltmp7, $4  }
0x179: {  	v22 =	vbroadcast v18, $0x0;
	v18 =	vand.u32 $0x3D, v28;
	v31 =	vld.idx.msk [tilespmem:v31+s13+$0x0], $0xffff;
	[tilespmem:s23+$0xFFFFFFD0] =	vst v23;
	v23 =	vadd.f32 v35, v20;
	v20 =	vmovc v38  }
0x17a: {  	s24 =	sadd.s32 $0x40, s24;
	v19 =	vbroadcast v18, $0x0;
	v18 =	vand.u32 $0x3E, v30;
	v35 =	vor.u32 v11, v14;
	v29 =	vmovc v36;
	v14 =	vmovc v17;
	v34 =	vld.idx.msk [tilespmem:v34+s13+$0x0], $0xffff  }
0x17b: {  	v36 =	vor.u32 v10, v22;
	v17 =	vbroadcast v18, $0x0;
	v30 =	vmov v24;
	v18 =	vld [tilespmem:s24+$0x0];
	[tilespmem:s6+$0xFFFFFFE0] =	vst v23;
	s6 =	smov.u32 s23  }
0x17c: {  	s25 =	sadd.s32 $0x3, s8;
	s8 =	sadd.s32 $0x4, s8;
	v24 =	vor.u32 v10, v19;
	v28 =	vmov v37;
	v23 =	vld [tilespmem:s24+$0xFFFFFFD0]  }
0x17d: {  	_ =	sdelay $0x1  }
0x17e: {  	v39 =	vld [tilespmem:s24+$0xFFFFFFE0]  }
0x17f: {  	v40 =	vld [tilespmem:s24+$0xFFFFFFF0]  }
0x180: {  	v37 =	vmov s25;
	v38 =	vor.u32 v10, v17;
	v35 =	vld.idx.msk [tilespmem:v35+s13+$0x0], $0xffff  }
0x181: {  	v36 =	vld.idx.msk [tilespmem:v36+s13+$0x0], $0xffff;
	v27 =	vadd.f32 v33, v27;
	v37 =	vand.u32 $0x3F, v37  }
0x182: {  	v24 =	vld.idx.msk [tilespmem:v24+s13+$0x0], $0xffff;
	v26 =	vadd.f32 v32, v26;
	s10 =	sadd.s32 $0x40, s24;
	v37 =	vbroadcast v37, $0x0  }
0x183: {  	v21 =	vor.u32 v11, v21;
	v25 =	vadd.f32 v31, v25;
	[tilespmem:s23+$0x0] =	vst v27;
	v27 =	vld [tilespmem:s10+$0x0]  }
0x184: {  	[tilespmem:s23+$0xFFFFFFA0] =	vst v26;
	v34 =	vadd.f32 v34, v18;
	v41 =	vor.u32 v10, v37;
	v26 =	vadd.f32 v29, v23;
	v29 =	vld [tilespmem:s10+$0xFFFFFFD0]  }
0x185: {  	s8 =	sadd.s32 $0x80, s23;
	v16 =	vor.u32 v11, v16;
	[tilespmem:s6+$0xFFFFFFC0] =	vst v25;
	v38 =	vld.idx.msk [tilespmem:v38+s13+$0x0], $0xffff  }
0x186: {  	v15 =	vor.u32 v11, v15;
	[tilespmem:s8+$0xFFFFFFF0] =	vst v34;
	v25 =	vadd.f32 v30, v39;
	v30 =	vld [tilespmem:s10+$0xFFFFFFE0]  }
0x187: {  	v14 =	vor.u32 v11, v14;
	[tilespmem:s8+$0xFFFFFF90] =	vst v26;
	v26 =	vadd.f32 v28, v40;
	v28 =	vld [tilespmem:s10+$0xFFFFFFF0]  }
0x188: {  	v20 =	vadd.f32 v35, v20;
	v21 =	vld.idx.msk [tilespmem:v21+s13+$0x0], $0xffff  }
0x189: {  	v22 =	vor.u32 v11, v22;
	[tilespmem:s8+$0xFFFFFFB0] =	vst v25;
	v59 =	vld.idx.msk [tilespmem:v41+s13+$0x0], $0xffff  }
0x18a: {  	v19 =	vor.u32 v11, v19;
	v16 =	vld.idx.msk [tilespmem:v16+s13+$0x0], $0xffff;
	[tilespmem:s6+$0xFFFFFFE0] =	vst v20;
	v20 =	vadd.f32 v36, v29  }
0x18b: {  	v17 =	vor.u32 v11, v17;
	s24 =	sadd.s32 $0x80, s8;
	v15 =	vld.idx.msk [tilespmem:v15+s13+$0x0], $0xffff;
	[tilespmem:s8+$0xFFFFFFD0] =	vst v26;
	v24 =	vadd.f32 v24, v30  }
0x18c: {  	v31 =	vor.u32 v11, v37;
	v14 =	vld.idx.msk [tilespmem:v14+s13+$0x0], $0xffff;
	[tilespmem:s24+$0xFFFFFF90] =	vst v20;
	v20 =	vadd.f32 v38, v28  }
0x18d: {  	v18 =	vadd.f32 v21, v18;
	[tilespmem:s24+$0xFFFFFFB0] =	vst v24  }
0x18e: {  	v21 =	vld.idx.msk [tilespmem:v22+s13+$0x0], $0xffff;
	[tilespmem:s24+$0xFFFFFFD0] =	vst v20;
	v25 =	vadd.f32 v59, v27  }
0x18f: {  	s25 =	simm.s32 $0x0;
	v19 =	vld.idx.msk [tilespmem:v19+s13+$0x0], $0xffff;
	[tilespmem:s8+$0x0] =	vst v18  }
0x190: {  	s26 =	simm.s32 $0x1;
	v16 =	vadd.f32 v16, v23;
	v15 =	vadd.f32 v15, v39;
	v20 =	vmov s25;
	v18 =	vld.idx.msk [tilespmem:v17+s13+$0x0], $0xffff;
	[tilespmem:s24+$0xFFFFFFF0] =	vst v25  }
0x191: {  	s28 =	simm.s32 $0x3;
	v14 =	vadd.f32 v14, v40;
	v17 =	vand.u32 $0x3C, v20;
	v20 =	vmov s26;
	v25 =	vld.idx.msk [tilespmem:v31+s13+$0x0], $0xffff  }
0x192: {  	[tilespmem:s8+$0xFFFFFFA0] =	vst v16;
	v16 =	vbroadcast v17, $0x0;
	v17 =	vand.u32 $0x3D, v20;
	v20 =	vmov s28  }
0x193: {  	v17 =	vbroadcast v17, $0x0;
	v20 =	vand.u32 $0x3F, v20;
	[tilespmem:s8+$0xFFFFFFE0] =	vst v14;
	v14 =	vadd.f32 v21, v29  }
0x194: {  	[tilespmem:s8+$0xFFFFFFC0] =	vst v15;
	v23 =	vor.u32 v12, v16;
	v22 =	vbroadcast v20, $0x0;
	v19 =	vadd.f32 v19, v30  }
0x195: {  	v20 =	vor.u32 v12, v17;
	[tilespmem:s24+$0xFFFFFFA0] =	vst v14;
	v14 =	vadd.f32 v18, v28  }
0x196: {  	s10 =	simm.s32 $0x4;
	v24 =	vor.u32 v12, v22;
	[tilespmem:s24+$0xFFFFFFC0] =	vst v19;
	v15 =	vadd.f32 v25, v27  }
0x197: {  	s29 =	simm.s32 $0x2;
	[tilespmem:s24+$0xFFFFFFE0] =	vst v14;
	v14 =	vmov s10  }
0x198: {  	v14 =	vand.u32 $0x3C, v14;
	[tilespmem:s24+$0x0] =	vst v15;
	v15 =	vmov s29  }
0x199: {  	s23 =	simm.s32 $0x5;
	v18 =	vbroadcast v14, $0x0;
	v15 =	vand.u32 $0x3E, v15;
	v23 =	vld.idx.msk [tilespmem:v23+s13+$0x0], $0xffff  }
0x19a: {  	v19 =	vmov s23;
	v25 =	vld.idx.msk [tilespmem:v20+s13+$0x0], $0xffff;
	v21 =	vbroadcast v15, $0x0  }
0x19b: {  	v14 =	vand.u32 $0x3D, v19;
	s24 =	simm.s32 $0x6;
	v24 =	vld.idx.msk [tilespmem:v24+s13+$0x0], $0xffff;
	v30 =	vor.u32 v12, v18  }
0x19c: {  	v26 =	vmov s24;
	v20 =	vbroadcast v14, $0x0;
	v32 =	vld [tilespmem:s20+$0x0];
	v15 =	vor.u32 v12, v21  }
0x19d: {  	s25 =	simm.s32 $0x7;
	v29 =	vld [tilespmem:s20+$0xFFFFFFD0];
	v14 =	vand.u32 $0x3E, v26  }
0x19e: {  	v28 =	vld [tilespmem:s20+$0xFFFFFFE0];
	v19 =	vbroadcast v14, $0x0;
	v31 =	vor.u32 v12, v20;
	v14 =	vmov s25  }
0x19f: {  	v61 =	vor.u32 v13, v22;
	v26 =	vand.u32 $0x3F, v14;
	v14 =	vld [tilespmem:s20+$0xFFFFFFF0]  }
0x1a0: {  	v62 =	vor.u32 v13, v16;
	v34 =	vld.idx.msk [tilespmem:v30+s13+$0x0], $0xffff  }
0x1a1: {  	s24 =	simm.s32 $0x3170;
	v27 =	vbroadcast v26, $0x0;
	v30 =	vor.u32 v13, v17;
	v24 =	vadd.f32 v24, v32;
	v15 =	vld.idx.msk [tilespmem:v15+s13+$0x0], $0xffff  }
0x1a2: {  	v38 =	vld [tilespmem:s24+$0xFFFFFFD0];
	v23 =	vadd.f32 v23, v29  }
0x1a3: {  	s26 =	simm.s32 $0x8;
	v25 =	vadd.f32 v25, v28;
	v63 =	vor.u32 v12, v27;
	v35 =	vld.idx.msk [tilespmem:v31+s13+$0x0], $0xffff;
	[tilespmem:s22+$0xFFFFFFF0] =	vst v24  }
0x1a4: {  	s28 =	simm.s32 $0x9;
	s29 =	simm.s32 $0xA;
	v60 =	vor.u32 v12, v19;
	[tilespmem:s22+$0xFFFFFF90] =	vst v23;
	v23 =	vmov s26;
	v41 =	vld.idx.msk [tilespmem:v61+s13+$0x0], $0xffff  }
0x1a5: {  	v24 =	vmov s28;
	[tilespmem:s22+$0xFFFFFFB0] =	vst v25;
	v25 =	vmov s29;
	v42 =	vld.idx.msk [tilespmem:v62+s13+$0x0], $0xffff;
	v23 =	vand.u32 $0x3C, v23  }
0x1a6: {  	v24 =	vand.u32 $0x3D, v24;
	v37 =	vbroadcast v23, $0x0;
	v44 =	vld.idx.msk [tilespmem:v30+s13+$0x0], $0xffff;
	v15 =	vadd.f32 v15, v14  }
0x1a7: {  	v45 =	vor.u32 v13, v21;
	v25 =	vand.u32 $0x3E, v25;
	v33 =	vbroadcast v24, $0x0;
	v30 =	vld [tilespmem:s24+$0x0]  }
0x1a8: {  	v43 =	vld.idx.msk [tilespmem:v63+s13+$0x0], $0xffff;
	v46 =	vor.u32 v12, v37;
	[tilespmem:s22+$0xFFFFFFD0] =	vst v15;
	v15 =	vbroadcast v25, $0x0  }
0x1a9: {  	s6 =	simm.s32 $0x13970;
	s8 =	simm.s32 $0xC;
	v40 =	vmovc v18;
	s25 =	simm.s32 $0xB;
	v39 =	vmov v20;
	v36 =	vmov v19;
	v31 =	vld.idx.msk [tilespmem:v60+s13+$0x0], $0xffff;
	v47 =	vor.u32 v12, v33  }
.LBB2_15:
0x1aa: {  	p1 =	slt.u32 s8, $0x3C;
	v48 =	vor.u32 v12, v15;
	v49 =	vmov s25;
	v50 =	vld [tilespmem:s24+$0xFFFFFFE0];
	v32 =	vadd.f32 v41, v32  }
0x1ab: {  	v51 =	vor.u32 v13, v27;
	v29 =	vadd.f32 v42, v29;
	v41 =	vand.u32 $0x3F, v49;
	v49 =	vld [tilespmem:s24+$0xFFFFFFF0]  }
0x1ac: {  	v42 =	vor.u32 v13, v40;
	s20 =	simm.s32 $0x14170;
	s23 =	simm.s32 $0x3530;
	v27 =	vbroadcast v41, $0x0;
	v41 =	vadd.f32 v44, v28;
	v45 =	vld.idx.msk [tilespmem:v45+s13+$0x0], $0xffff;
	[tilespmem:s22+$0x0] =	vst v32  }
0x1ad: {  	v40 =	vmov v37;
	v44 =	vor.u32 v13, v39;
	v46 =	vld.idx.msk [tilespmem:v46+s13+$0x0], $0xffff;
	v52 =	vadd.f32 v43, v30;
	[tilespmem:s22+$0xFFFFFFA0] =	vst v29  }
0x1ae: {  	v39 =	vmov v33;
	s22 =	sadd.s32 $0x80, s22;
	v47 =	vld.idx.msk [tilespmem:v47+s13+$0x0], $0xffff;
	v43 =	vor.u32 v12, v27;
	v34 =	vadd.f32 v34, v38;
	[tilespmem:s6+$0xFFFFFFC0] =	vst v41  }
0x1af: {  	v32 =	vmovc v30;
	v29 =	vmov v38;
	v48 =	vld.idx.msk [tilespmem:v48+s13+$0x0], $0xffff;
	v33 =	vadd.f32 v35, v50;
	[tilespmem:s22+$0xFFFFFFF0] =	vst v52;
	v28 =	vmov v50  }
0x1b0: {  	s25 =	sadd.s32 $0x1, s8;
	s26 =	sadd.s32 $0x2, s8;
	v30 =	vmov s8;
	[tilespmem:s22+$0xFFFFFF90] =	vst v34;
	v31 =	vadd.f32 v31, v49;
	v41 =	vld.idx.msk [tilespmem:v51+s13+$0x0], $0xffff  }
.Ltmp8:
0x1b1: {  	v38 =	vmov s25;
	v30 =	vand.u32 $0x3C, v30;
	v35 =	vmov s26;
	v42 =	vld.idx.msk [tilespmem:v42+s13+$0x0], $0xffff;
	[tilespmem:s22+$0xFFFFFFB0] =	vst v33;
	(pc) =	sbr.rel @p1 .LBB2_15-.Ltmp8, $4  }
0x1b2: {  	v37 =	vbroadcast v30, $0x0;
	v30 =	vand.u32 $0x3D, v38;
	v50 =	vadd.f32 v45, v14;
	v14 =	vmovc v49;
	v44 =	vld.idx.msk [tilespmem:v44+s13+$0x0], $0xffff;
	[tilespmem:s22+$0xFFFFFFD0] =	vst v31  }
0x1b3: {  	s24 =	sadd.s32 $0x40, s24;
	v33 =	vbroadcast v30, $0x0;
	v30 =	vand.u32 $0x3E, v35;
	v45 =	vor.u32 v13, v36;
	v36 =	vmovc v15;
	v34 =	vmovc v46;
	v43 =	vld.idx.msk [tilespmem:v43+s13+$0x0], $0xffff  }
0x1b4: {  	v46 =	vor.u32 v12, v37;
	v15 =	vbroadcast v30, $0x0;
	v35 =	vmov v47;
	v30 =	vld [tilespmem:s24+$0x0];
	[tilespmem:s6+$0xFFFFFFE0] =	vst v50;
	s6 =	smov.u32 s22  }
0x1b5: {  	s25 =	sadd.s32 $0x3, s8;
	s8 =	sadd.s32 $0x4, s8;
	v47 =	vor.u32 v12, v33;
	v31 =	vmov v48;
	v38 =	vld [tilespmem:s24+$0xFFFFFFD0]  }
0x1b6: {  	_ =	sdelay $0x1  }
0x1b7: {  	v48 =	vmov s25;
	v50 =	vld [tilespmem:s24+$0xFFFFFFE0]  }
0x1b8: {  	v51 =	vld [tilespmem:s24+$0xFFFFFFF0];
	v48 =	vand.u32 $0x3F, v48  }
0x1b9: {  	v45 =	vld.idx.msk [tilespmem:v45+s13+$0x0], $0xffff;
	v48 =	vbroadcast v48, $0x0  }
0x1ba: {  	v46 =	vld.idx.msk [tilespmem:v46+s13+$0x0], $0xffff  }
0x1bb: {  	v54 =	vld.idx.msk [tilespmem:v47+s13+$0x0], $0xffff;
	s8 =	sadd.s32 $0x40, s24;
	v52 =	vor.u32 v12, v48  }
0x1bc: {  	v49 =	vor.u32 v12, v15;
	v29 =	vadd.f32 v42, v29;
	v57 =	vld [tilespmem:s8+$0xFFFFFFE0]  }
0x1bd: {  	v27 =	vor.u32 v13, v27;
	v28 =	vadd.f32 v44, v28;
	v58 =	vld [tilespmem:s8+$0xFFFFFFF0]  }
0x1be: {  	[tilespmem:s22+$0xFFFFFFA0] =	vst v29;
	v29 =	vld [tilespmem:s8+$0x0];
	v43 =	vadd.f32 v43, v30  }
0x1bf: {  	v40 =	vor.u32 v13, v40;
	s29 =	sadd.s32 $0x80, s22;
	[tilespmem:s6+$0xFFFFFFC0] =	vst v28;
	v28 =	vld [tilespmem:s8+$0xFFFFFFD0];
	v34 =	vadd.f32 v34, v38  }
0x1c0: {  	v39 =	vor.u32 v13, v39;
	v35 =	vadd.f32 v35, v50;
	[tilespmem:s29+$0xFFFFFFF0] =	vst v43;
	v56 =	vld.idx.msk [tilespmem:v52+s13+$0x0], $0xffff  }
0x1c1: {  	v36 =	vor.u32 v13, v36;
	v55 =	vld.idx.msk [tilespmem:v49+s13+$0x0], $0xffff;
	v31 =	vadd.f32 v31, v51;
	[tilespmem:s29+$0xFFFFFF90] =	vst v34  }
0x1c2: {  	v60 =	vor.u32 v13, v37;
	v14 =	vadd.f32 v45, v14;
	v27 =	vld.idx.msk [tilespmem:v27+s13+$0x0], $0xffff;
	[tilespmem:s29+$0xFFFFFFB0] =	vst v35  }
0x1c3: {  	v32 =	vadd.f32 v41, v32;
	v59 =	vor.u32 v13, v48;
	[tilespmem:s29+$0xFFFFFFD0] =	vst v31  }
0x1c4: {  	v61 =	vld.idx.msk [tilespmem:v40+s13+$0x0], $0xffff;
	v31 =	vor.u32 v13, v33;
	[tilespmem:s6+$0xFFFFFFE0] =	vst v14;
	v14 =	vadd.f32 v46, v28  }
0x1c5: {  	v15 =	vor.u32 v13, v15;
	s10 =	sadd.s32 $0x80, s29;
	[tilespmem:s22+$0x0] =	vst v32;
	v62 =	vld.idx.msk [tilespmem:v39+s13+$0x0], $0xffff;
	v32 =	vadd.f32 v56, v29  }
0x1c6: {  	v63 =	vadd.f32 v54, v57;
	v36 =	vld.idx.msk [tilespmem:v36+s13+$0x0], $0xffff;
	[tilespmem:s10+$0xFFFFFF90] =	vst v14  }
0x1c7: {  	v14 =	vadd.f32 v55, v58;
	v27 =	vadd.f32 v27, v30;
	v30 =	vld.idx.msk [tilespmem:v60+s13+$0x0], $0xffff;
	[tilespmem:s10+$0xFFFFFFF0] =	vst v32  }
0x1c8: {  	[tilespmem:s10+$0xFFFFFFB0] =	vst v63;
	v32 =	vld.idx.msk [tilespmem:v59+s13+$0x0], $0xffff  }
0x1c9: {  	v41 =	vadd.f32 v61, v38;
	v31 =	vld.idx.msk [tilespmem:v31+s13+$0x0], $0xffff;
	[tilespmem:s10+$0xFFFFFFD0] =	vst v14  }
0x1ca: {  	v14 =	vadd.f32 v62, v50;
	[tilespmem:s29+$0x0] =	vst v27;
	v27 =	vld.idx.msk [tilespmem:v15+s13+$0x0], $0xffff  }
0x1cb: {  	v42 =	vadd.f32 v36, v51;
	[tilespmem:s29+$0xFFFFFFA0] =	vst v41  }
0x1cc: {  	v15 =	vadd.s32 $0x1C0, v0;
	[tilespmem:s29+$0xFFFFFFC0] =	vst v14;
	v28 =	vadd.f32 v30, v28  }
0x1cd: {  	[tilespmem:s29+$0xFFFFFFE0] =	vst v42;
	v14 =	vadd.f32 v32, v29;
	v29 =	vor.u32 v15, v22  }
0x1ce: {  	v30 =	vadd.f32 v31, v57;
	[tilespmem:s10+$0xFFFFFFA0] =	vst v28  }
0x1cf: {  	v28 =	vor.u32 v15, v21;
	[tilespmem:s10+$0x0] =	vst v14;
	v14 =	vadd.f32 v27, v58  }
0x1d0: {  	[tilespmem:s10+$0xFFFFFFC0] =	vst v30;
	v30 =	vor.u32 v15, v16  }
0x1d1: {  	[tilespmem:s10+$0xFFFFFFE0] =	vst v14  }
0x1d2: {  	v45 =	vbroadcast v26, $0x0;
	v27 =	vor.u32 v15, v17;
	v29 =	vld.idx.msk [tilespmem:v29+s13+$0x0], $0xffff  }
0x1d3: {  	v31 =	vld [tilespmem:s23+$0x0]  }
0x1d4: {  	v46 =	vor.u32 v15, v45;
	v28 =	vld.idx.msk [tilespmem:v28+s13+$0x0], $0xffff  }
0x1d5: {  	v47 =	vor.u32 v15, v20;
	v30 =	vld.idx.msk [tilespmem:v30+s13+$0x0], $0xffff  }
0x1d6: {  	v48 =	vor.u32 v15, v19;
	v14 =	vadd.s32 $0x29C0, v0;
	v40 =	vld [tilespmem:s23+$0xFFFFFFE0]  }
0x1d7: {  	v44 =	vld.idx.msk [tilespmem:v27+s13+$0x0], $0xffff;
	v27 =	vor.u32 v14, v22  }
0x1d8: {  	v26 =	vld [tilespmem:s23+$0xFFFFFFF0]  }
0x1d9: {  	v34 =	vld.idx.msk [tilespmem:v46+s13+$0x0], $0xffff;
	v29 =	vadd.f32 v29, v31  }
0x1da: {  	v35 =	vld.idx.msk [tilespmem:v47+s13+$0x0], $0xffff  }
0x1db: {  	v36 =	vld.idx.msk [tilespmem:v48+s13+$0x0], $0xffff;
	[tilespmem:s20+$0xFFFFFFF0] =	vst v29  }
0x1dc: {  	s24 =	simm.s32 $0x3570;
	s25 =	simm.s32 $0xB;
	v49 =	vld.idx.msk [tilespmem:v27+s13+$0x0], $0xffff  }
0x1dd: {  	v50 =	vor.u32 v14, v17;
	v17 =	vmov s25;
	v29 =	vor.u32 v15, v18;
	v27 =	vld [tilespmem:s24+$0x0]  }
0x1de: {  	v51 =	vor.u32 v14, v21;
	v21 =	vld [tilespmem:s24+$0xFFFFFFE0];
	v17 =	vand.u32 $0x3F, v17  }
0x1df: {  	v22 =	vld [tilespmem:s23+$0xFFFFFFD0];
	v52 =	vadd.f32 v28, v26;
	v28 =	vbroadcast v17, $0x0  }
0x1e0: {  	v24 =	vbroadcast v24, $0x0;
	v33 =	vor.u32 v14, v45;
	v53 =	vor.u32 v14, v16;
	v16 =	vld [tilespmem:s24+$0xFFFFFFF0]  }
0x1e1: {  	v17 =	vld [tilespmem:s24+$0xFFFFFFD0];
	v32 =	vadd.f32 v44, v40;
	v55 =	vor.u32 v15, v28  }
0x1e2: {  	v25 =	vbroadcast v25, $0x0;
	s28 =	simm.s32 $0xD;
	s6 =	simm.s32 $0x35B0;
	v57 =	vor.u32 v15, v24;
	[tilespmem:s20+$0xFFFFFFD0] =	vst v52;
	v29 =	vld.idx.msk [tilespmem:v29+s13+$0x0], $0xffff;
	v54 =	vadd.f32 v34, v27  }
0x1e3: {  	v23 =	vbroadcast v23, $0x0;
	v60 =	vmov s28;
	s29 =	simm.s32 $0xE;
	s23 =	simm.s32 $0x141F0;
	v59 =	vadd.f32 v35, v21;
	v35 =	vld [tilespmem:s6+$0x0];
	[tilespmem:s20+$0xFFFFFFB0] =	vst v32  }
0x1e4: {  	v37 =	vor.u32 v15, v25;
	v61 =	vmov s29;
	v30 =	vadd.f32 v30, v22;
	v56 =	vld.idx.msk [tilespmem:v50+s13+$0x0], $0xffff;
	[tilespmem:s23+$0xFFFFFFF0] =	vst v54  }
0x1e5: {  	s26 =	simm.s32 $0xC;
	v38 =	vor.u32 v15, v23;
	v63 =	vand.u32 $0x3E, v61;
	v62 =	vadd.f32 v36, v16;
	[tilespmem:s23+$0xFFFFFFB0] =	vst v59;
	v32 =	vld.idx.msk [tilespmem:v33+s13+$0x0], $0xffff  }
0x1e6: {  	v20 =	vor.u32 v14, v20;
	[tilespmem:s20+$0xFFFFFF90] =	vst v30;
	v30 =	vmov s26;
	v39 =	vld.idx.msk [tilespmem:v55+s13+$0x0], $0xffff;
	v31 =	vadd.f32 v49, v31  }
0x1e7: {  	v19 =	vor.u32 v14, v19;
	[tilespmem:s23+$0xFFFFFFD0] =	vst v62;
	v30 =	vand.u32 $0x3C, v30;
	v34 =	vld.idx.msk [tilespmem:v57+s13+$0x0], $0xffff;
	v58 =	vadd.f32 v29, v17  }
0x1e8: {  	v18 =	vor.u32 v14, v18;
	[tilespmem:s20+$0x0] =	vst v31;
	v33 =	vbroadcast v30, $0x0;
	v30 =	vand.u32 $0x3D, v60;
	v29 =	vld.idx.msk [tilespmem:v51+s13+$0x0], $0xffff  }
0x1e9: {  	s22 =	simm.s32 $0x141F0;
	s8 =	simm.s32 $0x10;
	s24 =	simm.s32 $0xF;
	v31 =	vld.idx.msk [tilespmem:v53+s13+$0x0], $0xffff;
	v40 =	vadd.f32 v56, v40;
	v36 =	vbroadcast v30, $0x0;
	v30 =	vbroadcast v63, $0x0;
	[tilespmem:s23+$0xFFFFFF90] =	vst v58  }
.LBB2_17:
0x1ea: {  	p1 =	slt.u32 s8, $0x3C;
	v41 =	vmov s24;
	v42 =	vld.idx.msk [tilespmem:v37+s13+$0x0], $0xffff;
	v37 =	vadd.f32 v32, v27  }
0x1eb: {  	v43 =	vor.u32 v14, v24;
	v44 =	vor.u32 v14, v28;
	v32 =	vand.u32 $0x3F, v41;
	v41 =	vld.idx.msk [tilespmem:v38+s13+$0x0], $0xffff;
	[tilespmem:s20+$0xFFFFFFC0] =	vst v40  }
0x1ec: {  	v45 =	vor.u32 v14, v23;
	v46 =	vor.u32 v14, v25;
	v23 =	vmovc v33;
	v28 =	vbroadcast v32, $0x0;
	v40 =	vld [tilespmem:s6+$0xFFFFFFD0];
	[tilespmem:s23+$0x0] =	vst v37  }
0x1ed: {  	v29 =	vadd.f32 v29, v26;
	v26 =	vmovc v16;
	v47 =	vld [tilespmem:s6+$0xFFFFFFE0];
	v39 =	vadd.f32 v39, v35;
	v27 =	vmov v35  }
0x1ee: {  	v48 =	vor.u32 v15, v36;
	v24 =	vmovc v36;
	v37 =	vor.u32 v15, v30;
	s23 =	sadd.s32 $0x80, s23;
	v33 =	vor.u32 v15, v28;
	v16 =	vld [tilespmem:s6+$0xFFFFFFF0]  }
0x1ef: {  	v38 =	vor.u32 v15, v23;
	v31 =	vadd.f32 v31, v22;
	[tilespmem:s23+$0xFFFFFFF0] =	vst v39;
	v49 =	vld.idx.msk [tilespmem:v20+s13+$0x0], $0xffff;
	v20 =	vmov v43  }
0x1f0: {  	v22 =	vmov v17;
	v25 =	vmov v30;
	v32 =	vld.idx.msk [tilespmem:v44+s13+$0x0], $0xffff;
	[tilespmem:s20+$0xFFFFFFE0] =	vst v29  }
.Ltmp9:
0x1f1: {  	v30 =	vmov s8;
	v35 =	vadd.f32 v41, v40;
	v29 =	vld.idx.msk [tilespmem:v19+s13+$0x0], $0xffff;
	[tilespmem:s20+$0xFFFFFFA0] =	vst v31;
	v17 =	vmovc v40;
	v19 =	vmov v46;
	s20 =	smov.u32 s22;
	s22 =	smov.u32 s23;
	(pc) =	sbr.rel @p1 .LBB2_17-.Ltmp9, $4  }
0x1f2: {  	s24 =	sadd.s32 $0x1, s8;
	s25 =	sadd.s32 $0x2, s8;
	v30 =	vand.u32 $0x3C, v30;
	v34 =	vadd.f32 v34, v47;
	v31 =	vld.idx.msk [tilespmem:v18+s13+$0x0], $0xffff;
	v18 =	vmov v45  }
0x1f3: {  	v36 =	vmov s24;
	s6 =	sadd.s32 $0x40, s6;
	v40 =	vmov s25;
	v39 =	vld.idx.msk [tilespmem:v33+s13+$0x0], $0xffff;
	[tilespmem:s23+$0xFFFFFF90] =	vst v35;
	v41 =	vadd.f32 v42, v16  }
0x1f4: {  	v40 =	vand.u32 $0x3E, v40;
	v33 =	vbroadcast v30, $0x0;
	v30 =	vand.u32 $0x3D, v36;
	v35 =	vld [tilespmem:s6+$0x0];
	[tilespmem:s23+$0xFFFFFFB0] =	vst v34  }
0x1f5: {  	s24 =	sadd.s32 $0x3, s8;
	s8 =	sadd.s32 $0x4, s8;
	v36 =	vbroadcast v30, $0x0;
	v30 =	vbroadcast v40, $0x0;
	v40 =	vadd.f32 v49, v21;
	v21 =	vmovc v47;
	v34 =	vld.idx.msk [tilespmem:v48+s13+$0x0], $0xffff;
	[tilespmem:s23+$0xFFFFFFD0] =	vst v41  }
0x1f6: {  	_ =	sdelay $0x3  }
0x1f7: {  	v37 =	vld.idx.msk [tilespmem:v37+s13+$0x0], $0xffff  }
0x1f8: {  	v41 =	vmov s24;
	v38 =	vld.idx.msk [tilespmem:v38+s13+$0x0], $0xffff  }
0x1f9: {  	v42 =	vld [tilespmem:s6+$0xFFFFFFD0];
	v41 =	vand.u32 $0x3F, v41  }
0x1fa: {  	v43 =	vld [tilespmem:s6+$0xFFFFFFE0];
	v41 =	vbroadcast v41, $0x0  }
0x1fb: {  	v45 =	vld [tilespmem:s6+$0xFFFFFFF0]  }
0x1fc: {  	v20 =	vld.idx.msk [tilespmem:v20+s13+$0x0], $0xffff;
	v44 =	vor.u32 v15, v41  }
0x1fd: {  	v19 =	vld.idx.msk [tilespmem:v19+s13+$0x0], $0xffff  }
0x1fe: {  	v47 =	vor.u32 v15, v33;
	s24 =	sadd.s32 $0x40, s6;
	v27 =	vadd.f32 v32, v27;
	v18 =	vld.idx.msk [tilespmem:v18+s13+$0x0], $0xffff  }
0x1ff: {  	v26 =	vadd.f32 v29, v26;
	v46 =	vor.u32 v15, v36;
	v49 =	vld [tilespmem:s24+$0x0];
	[tilespmem:s20+$0xFFFFFFC0] =	vst v40  }
0x200: {  	v48 =	vor.u32 v15, v30;
	v22 =	vadd.f32 v31, v22;
	v55 =	vld [tilespmem:s24+$0xFFFFFFE0];
	[tilespmem:s23+$0x0] =	vst v27  }
0x201: {  	[tilespmem:s20+$0xFFFFFFE0] =	vst v26;
	v39 =	vadd.f32 v39, v35;
	v44 =	vld.idx.msk [tilespmem:v44+s13+$0x0], $0xffff  }
0x202: {  	v28 =	vor.u32 v14, v28;
	s8 =	sadd.s32 $0x80, s23;
	v57 =	vld [tilespmem:s24+$0xFFFFFFF0];
	[tilespmem:s20+$0xFFFFFFA0] =	vst v22;
	v52 =	vadd.f32 v38, v42  }
0x203: {  	v24 =	vor.u32 v14, v24;
	[tilespmem:s8+$0xFFFFFFF0] =	vst v39;
	v53 =	vld.idx.msk [tilespmem:v47+s13+$0x0], $0xffff;
	v22 =	vadd.f32 v34, v43  }
0x204: {  	v54 =	vor.u32 v14, v41;
	v56 =	vadd.f32 v37, v45;
	v50 =	vld.idx.msk [tilespmem:v46+s13+$0x0], $0xffff;
	[tilespmem:s8+$0xFFFFFF90] =	vst v52  }
0x205: {  	v25 =	vor.u32 v14, v25;
	v20 =	vadd.f32 v20, v21;
	v51 =	vld.idx.msk [tilespmem:v48+s13+$0x0], $0xffff;
	[tilespmem:s8+$0xFFFFFFB0] =	vst v22  }
0x206: {  	v23 =	vor.u32 v14, v23;
	v22 =	vld [tilespmem:s24+$0xFFFFFFD0];
	[tilespmem:s8+$0xFFFFFFD0] =	vst v56;
	v58 =	vadd.f32 v44, v49  }
0x207: {  	s25 =	sadd.s32 $0x80, s8;
	v21 =	vor.u32 v14, v36;
	v16 =	vadd.f32 v19, v16;
	v28 =	vld.idx.msk [tilespmem:v28+s13+$0x0], $0xffff;
	[tilespmem:s22+$0xFFFFFFC0] =	vst v20  }
0x208: {  	v60 =	vor.u32 v14, v30;
	v17 =	vadd.f32 v18, v17;
	v24 =	vld.idx.msk [tilespmem:v24+s13+$0x0], $0xffff;
	[tilespmem:s25+$0xFFFFFFF0] =	vst v58  }
0x209: {  	v20 =	vor.u32 v14, v33;
	[tilespmem:s22+$0xFFFFFFE0] =	vst v16;
	v29 =	vadd.f32 v50, v55;
	v61 =	vld.idx.msk [tilespmem:v54+s13+$0x0], $0xffff  }
0x20a: {  	[tilespmem:s22+$0xFFFFFFA0] =	vst v17;
	v25 =	vld.idx.msk [tilespmem:v25+s13+$0x0], $0xffff;
	v62 =	vadd.f32 v51, v57  }
0x20b: {  	v23 =	vld.idx.msk [tilespmem:v23+s13+$0x0], $0xffff;
	v63 =	vadd.f32 v53, v22;
	[tilespmem:s25+$0xFFFFFFB0] =	vst v29  }
0x20c: {  	v59 =	vadd.f32 v28, v35;
	[tilespmem:s25+$0xFFFFFFD0] =	vst v62;
	v19 =	vld.idx.msk [tilespmem:v21+s13+$0x0], $0xffff  }
0x20d: {  	v16 =	vadd.f32 v24, v43;
	[tilespmem:s25+$0xFFFFFF90] =	vst v63;
	v18 =	vld.idx.msk [tilespmem:v60+s13+$0x0], $0xffff  }
0x20e: {  	[tilespmem:s8+$0x0] =	vst v59;
	v20 =	vld.idx.msk [tilespmem:v20+s13+$0x0], $0xffff;
	v17 =	vadd.f32 v61, v49  }
0x20f: {  	[tilespmem:s8+$0xFFFFFFC0] =	vst v16;
	v16 =	vadd.f32 v25, v45  }
0x210: {  	p2 =	por $0x1, $0x1;
	[tilespmem:s25+$0x0] =	vst v17;
	v17 =	vadd.f32 v23, v42  }
.Ltmp10:
0x211: {  	s26 =	simm.s32 $0x0;
	s29 =	simm.s32 $0x2;
	[tilespmem:s8+$0xFFFFFFE0] =	vst v16;
	v16 =	vadd.f32 v19, v55;
	(pc) =	sbr.rel @!p2 .LBB2_19-.Ltmp10, $4  }
0x212: {  	s28 =	simm.s32 $0x1;
	v21 =	vmov s29;
	v19 =	vmov s26;
	[tilespmem:s8+$0xFFFFFFA0] =	vst v17;
	v17 =	vadd.f32 v18, v57  }
0x213: {  	p3 =	por $0x0, $0x0;
	[tilespmem:s25+$0xFFFFFFC0] =	vst v16;
	v16 =	vand.u32 $0x3C, v19;
	v19 =	vmov s28;
	v18 =	vadd.f32 v20, v22  }
0x214: {  	p4 =	por $0x0, $0x0;
	p1 =	por $0x0, $0x0;
	s23 =	simm.s32 $0x4;
	v20 =	vbroadcast v16, $0x0;
	v16 =	vand.u32 $0x3D, v19;
	[tilespmem:s25+$0xFFFFFFE0] =	vst v17;
	v17 =	vand.u32 $0x3E, v21  }
0x215: {  	s20 =	simm.s32 $0x3;
	s22 =	simm.s32 $0x14970;
	s24 =	simm.s32 $0x3930;
	v22 =	vbroadcast v16, $0x0;
	[tilespmem:s25+$0xFFFFFFA0] =	vst v18;
	v21 =	vbroadcast v17, $0x0  }
0x216: {  	v16 =	vmov s20  }
0x217: {  	v16 =	vand.u32 $0x3F, v16  }
0x218: {  	v16 =	vbroadcast v16, $0x0  }
0x219: {  	v40 =	vadd.s32 $0x200, v0  }
0x21a: {  	v17 =	vor.u32 v40, v16  }
0x21b: {  	p5 =	por $0x1, $0x1;
	v18 =	vor.u32 v40, v22  }
.Ltmp11:
0x21c: {  	v19 =	vmov s23;
	s8 =	simm.s32 $0x6;
	(pc) =	sbr.rel @!p5 .LBB2_21-.Ltmp11, $4  }
0x21d: {  	s6 =	simm.s32 $0x5;
	v19 =	vand.u32 $0x3C, v19;
	v24 =	vmov s8  }
0x21e: {  	v23 =	vmov s6;
	v25 =	vbroadcast v19, $0x0;
	v19 =	vand.u32 $0x3E, v24;
	v24 =	vld [tilespmem:s24+$0x0]  }
0x21f: {  	v32 =	vor.u32 v40, v21;
	v35 =	vld.idx.msk [tilespmem:v17+s13+$0x0], $0xffff;
	v17 =	vand.u32 $0x3D, v23  }
0x220: {  	p3 =	por $0x1, $0x1;
	v34 =	vor.u32 v40, v20;
	s6 =	simm.s32 $0x7;
	s8 =	simm.s32 $0x8;
	v26 =	vbroadcast v19, $0x0;
	v31 =	vld.idx.msk [tilespmem:v18+s13+$0x0], $0xffff;
	v29 =	vbroadcast v17, $0x0  }
0x221: {  	_ =	sdelay $0x3  }
0x222: {  	v33 =	vld.idx.msk [tilespmem:v32+s13+$0x0], $0xffff  }
0x223: {  	v30 =	vld.idx.msk [tilespmem:v34+s13+$0x0], $0xffff  }
0x224: {  	v19 =	vld [tilespmem:s24+$0xFFFFFFD0]  }
0x225: {  	v17 =	vmov s6;
	v18 =	vld [tilespmem:s24+$0xFFFFFFF0]  }
0x226: {  	v45 =	vadd.s32 $0x2A00, v0;
	v23 =	vld [tilespmem:s24+$0xFFFFFFE0];
	v17 =	vand.u32 $0x3F, v17  }
0x227: {  	v57 =	vor.u32 v45, v16;
	v16 =	vbroadcast v17, $0x0  }
0x228: {  	v59 =	vmov s8;
	v37 =	vor.u32 v40, v29  }
0x229: {  	s25 =	simm.s32 $0x3970;
	p5 =	por $0x1, $0x1;
	v34 =	vor.u32 v40, v25;
	v58 =	vadd.f32 v35, v24;
	v36 =	vor.u32 v40, v16  }
.Ltmp12:
0x22a: {  	v27 =	vor.u32 v45, v20;
	v38 =	vadd.f32 v30, v19;
	v61 =	vadd.f32 v33, v18;
	v33 =	vld [tilespmem:s25+$0x0];
	(pc) =	sbr.rel @!p5 .LBB2_23-.Ltmp12, $4  }
0x22b: {  	s28 =	simm.s32 $0x9;
	s29 =	simm.s32 $0xA;
	v28 =	vor.u32 v45, v21;
	v32 =	vor.u32 v40, v26;
	[tilespmem:s22+$0xFFFFFFF0] =	vst v58;
	v31 =	vadd.f32 v31, v23  }
0x22c: {  	v60 =	vand.u32 $0x3C, v59;
	v39 =	vmov s28;
	v41 =	vmov s29;
	v30 =	vld.idx.msk [tilespmem:v57+s13+$0x0], $0xffff;
	[tilespmem:s22+$0xFFFFFF90] =	vst v38  }
0x22d: {  	v49 =	vbroadcast v60, $0x0;
	v62 =	vand.u32 $0x3D, v39;
	v63 =	vand.u32 $0x3E, v41;
	[tilespmem:s22+$0xFFFFFFB0] =	vst v31;
	v31 =	vld.idx.msk [tilespmem:v37+s13+$0x0], $0xffff  }
0x22e: {  	s6 =	simm.s32 $0xB;
	s8 =	simm.s32 $0xC;
	p4 =	por $0x1, $0x1;
	v17 =	vor.u32 v45, v22;
	v51 =	vbroadcast v62, $0x0;
	v50 =	vbroadcast v63, $0x0;
	[tilespmem:s22+$0xFFFFFFD0] =	vst v61;
	v35 =	vld.idx.msk [tilespmem:v36+s13+$0x0], $0xffff  }
0x22f: {  	_ =	sdelay $0x3  }
0x230: {  	v46 =	vld.idx.msk [tilespmem:v32+s13+$0x0], $0xffff  }
0x231: {  	v34 =	vld.idx.msk [tilespmem:v34+s13+$0x0], $0xffff  }
0x232: {  	v36 =	vmov s6;
	v38 =	vld [tilespmem:s25+$0xFFFFFFD0]  }
0x233: {  	v39 =	vor.u32 v45, v16;
	v61 =	vand.u32 $0x3F, v36;
	v36 =	vld [tilespmem:s25+$0xFFFFFFF0]  }
0x234: {  	v37 =	vld [tilespmem:s25+$0xFFFFFFE0];
	v16 =	vbroadcast v61, $0x0  }
0x235: {  	v41 =	vor.u32 v45, v29;
	v48 =	vld.idx.msk [tilespmem:v17+s13+$0x0], $0xffff;
	v44 =	vor.u32 v45, v25;
	v62 =	vadd.f32 v35, v33  }
0x236: {  	s26 =	simm.s32 $0x149F0;
	v43 =	vor.u32 v45, v26;
	v25 =	vmov s8;
	v42 =	vld.idx.msk [tilespmem:v28+s13+$0x0], $0xffff;
	v63 =	vor.u32 v40, v16  }
0x237: {  	p6 =	por $0x1, $0x1;
	v52 =	vor.u32 v40, v51;
	v32 =	vor.u32 v40, v50;
	s25 =	simm.s32 $0xE;
	v47 =	vadd.f32 v30, v24;
	[tilespmem:s26+$0xFFFFFFF0] =	vst v62  }
.Ltmp13:
0x238: {  	s10 =	simm.s32 $0xD;
	v53 =	vmov s25;
	s25 =	simm.s32 $0x39B0;
	v26 =	vadd.f32 v34, v38;
	v46 =	vadd.f32 v46, v36;
	v39 =	vld.idx.msk [tilespmem:v39+s13+$0x0], $0xffff;
	(pc) =	sbr.rel @!p6 .LBB2_25-.Ltmp13, $4  }
0x239: {  	v55 =	vld [tilespmem:s25+$0x0];
	[tilespmem:s22+$0x0] =	vst v47;
	v34 =	vor.u32 v40, v49;
	v29 =	vadd.f32 v31, v37;
	v31 =	vmov s10  }
0x23a: {  	v25 =	vand.u32 $0x3C, v25;
	v47 =	vld.idx.msk [tilespmem:v27+s13+$0x0], $0xffff;
	[tilespmem:s26+$0xFFFFFF90] =	vst v26;
	v26 =	vand.u32 $0x3D, v31  }
0x23b: {  	s6 =	simm.s32 $0xF;
	s8 =	simm.s32 $0x10;
	v25 =	vbroadcast v25, $0x0;
	v31 =	vand.u32 $0x3E, v53;
	[tilespmem:s26+$0xFFFFFFB0] =	vst v29;
	v29 =	vbroadcast v26, $0x0;
	v35 =	vld.idx.msk [tilespmem:v63+s13+$0x0], $0xffff  }
0x23c: {  	p5 =	por $0x1, $0x1;
	s28 =	simm.s32 $0x14970;
	s29 =	simm.s32 $0x149F0;
	v26 =	vbroadcast v31, $0x0;
	v31 =	vld.idx.msk [tilespmem:v52+s13+$0x0], $0xffff;
	[tilespmem:s26+$0xFFFFFFD0] =	vst v46;
	v52 =	vadd.f32 v48, v23;
	v48 =	vmovc v19;
	v46 =	vmov v18  }
.LBB2_26:
0x23d: {  	p6 =	slt.u32 s8, $0x3C;
	v53 =	vmov s6;
	v54 =	vld.idx.msk [tilespmem:v32+s13+$0x0], $0xffff;
	v32 =	vadd.f32 v39, v33  }
0x23e: {  	v39 =	vor.u32 v45, v51;
	v56 =	vor.u32 v45, v16;
	v60 =	vand.u32 $0x3F, v53;
	v53 =	vld.idx.msk [tilespmem:v34+s13+$0x0], $0xffff;
	[tilespmem:s28+$0xFFFFFFC0] =	vst v52  }
0x23f: {  	v57 =	vor.u32 v45, v49;
	v58 =	vor.u32 v45, v50;
	v49 =	vmovc v25;
	v16 =	vbroadcast v60, $0x0;
	v52 =	vld [tilespmem:s25+$0xFFFFFFD0];
	[tilespmem:s26+$0x0] =	vst v32  }
0x240: {  	v59 =	vld [tilespmem:s25+$0xFFFFFFE0];
	v25 =	vadd.f32 v35, v55;
	v35 =	vadd.f32 v42, v46;
	v46 =	vmovc v36;
	v33 =	vmov v55  }
0x241: {  	v51 =	vmovc v29;
	v60 =	vor.u32 v40, v29;
	v32 =	vor.u32 v40, v26;
	s26 =	sadd.s32 $0x80, s26;
	v55 =	vor.u32 v40, v16;
	v36 =	vld [tilespmem:s25+$0xFFFFFFF0]  }
0x242: {  	v34 =	vor.u32 v40, v49;
	[tilespmem:s26+$0xFFFFFFF0] =	vst v25;
	v61 =	vld.idx.msk [tilespmem:v41+s13+$0x0], $0xffff;
	v25 =	vadd.f32 v47, v48;
	v41 =	vmov v39  }
0x243: {  	v50 =	vmov v26;
	v48 =	vmov v38;
	v39 =	vld.idx.msk [tilespmem:v56+s13+$0x0], $0xffff;
	[tilespmem:s28+$0xFFFFFFE0] =	vst v35  }
.Ltmp14:
0x244: {  	v26 =	vmov s8;
	v29 =	vadd.f32 v53, v52;
	v42 =	vld.idx.msk [tilespmem:v43+s13+$0x0], $0xffff;
	[tilespmem:s28+$0xFFFFFFA0] =	vst v25;
	v38 =	vmovc v52;
	v43 =	vmov v58;
	s28 =	smov.u32 s29;
	s29 =	smov.u32 s26;
	(pc) =	sbr.rel @p6 .LBB2_26-.Ltmp14, $4  }
0x245: {  	s6 =	sadd.s32 $0x1, s8;
	s10 =	sadd.s32 $0x2, s8;
	v25 =	vand.u32 $0x3C, v26;
	v26 =	vadd.f32 v31, v59;
	v47 =	vld.idx.msk [tilespmem:v44+s13+$0x0], $0xffff;
	v44 =	vmov v57  }
0x246: {  	s25 =	sadd.s32 $0x40, s25;
	v52 =	vmov s10;
	v31 =	vmov s6;
	v35 =	vld.idx.msk [tilespmem:v55+s13+$0x0], $0xffff;
	[tilespmem:s26+$0xFFFFFF90] =	vst v29;
	v53 =	vadd.f32 v54, v36  }
0x247: {  	v25 =	vbroadcast v25, $0x0;
	v29 =	vand.u32 $0x3D, v31;
	v31 =	vand.u32 $0x3E, v52;
	v55 =	vld [tilespmem:s25+$0x0];
	[tilespmem:s26+$0xFFFFFFB0] =	vst v26  }
0x248: {  	s6 =	sadd.s32 $0x3, s8;
	s8 =	sadd.s32 $0x4, s8;
	v29 =	vbroadcast v29, $0x0;
	v26 =	vbroadcast v31, $0x0;
	v52 =	vadd.f32 v61, v37;
	v37 =	vmovc v59;
	v31 =	vld.idx.msk [tilespmem:v60+s13+$0x0], $0xffff;
	[tilespmem:s26+$0xFFFFFFD0] =	vst v53  }
0x249: {  	_ =	sdelay $0x2  }
0x24a: {  	v45 =	vmovc v33;
	v40 =	vmovc v51;
	v53 =	vmov v49;
	v54 =	vmov v50;
	v33 =	vmov v55  }
.LBB2_28:
0x24b: {  	_ =	sdelay $0x3  }
0x24c: {  	v32 =	vld.idx.msk @p3 [tilespmem:v32+s13+$0x0], $0xffff  }
0x24d: {  	v34 =	vld.idx.msk @p3 [tilespmem:v34+s13+$0x0], $0xffff  }
0x24e: {  	v55 =	vld @p3 [tilespmem:s25+$0xFFFFFFD0]  }
0x24f: {  	v56 =	vld @p3 [tilespmem:s25+$0xFFFFFFE0]  }
0x250: {  	v50 =	vadd.s32 @p3 $0x2A00, v0;
	v58 =	vld @p3 [tilespmem:s25+$0xFFFFFFF0]  }
0x251: {  	v49 =	vmov s6;
	v35 =	vadd.f32 @p3 v35, v33;
	s8 =	sadd.s32 @p4 $0x80, s26;
	s6 =	smov.u32 s22;
	v43 =	vld.idx.msk @p4 [tilespmem:v43+s13+$0x0], $0xffff;
	v51 =	vor.u32 @p3 v50, v16  }
0x252: {  	v39 =	vadd.f32 @p4 v39, v45;
	v44 =	vld.idx.msk @p4 [tilespmem:v44+s13+$0x0], $0xffff;
	v49 =	vand.u32 $0x3F, v49;
	v16 =	vadd.s32 $0x200, v0;
	s6 =	smov.u32 @p4 s8;
	s8 =	sadd.s32 @p3 $0x40, s25  }
0x253: {  	v49 =	vbroadcast v49, $0x0;
	[tilespmem:s6+$0xFFFFFFF0] =	vst @p3 v35;
	v35 =	vld.idx.msk @p4 [tilespmem:v41+s13+$0x0], $0xffff;
	v63 =	vor.u32 v16, v29;
	s24 =	smov.u32 @p3 s8  }
0x254: {  	v59 =	vor.u32 v16, v26;
	[tilespmem:s26+$0x0] =	vst @p4 v39;
	v39 =	vadd.f32 @p5 v47, v48;
	v47 =	vld [tilespmem:s24+$0x0]  }
0x255: {  	v42 =	vadd.f32 @p5 v42, v46;
	v40 =	vor.u32 @p3 v50, v40;
	v48 =	vld [tilespmem:s24+$0xFFFFFFD0];
	v57 =	vor.u32 v16, v49  }
0x256: {  	v60 =	vor.u32 v16, v25;
	v40 =	vpsel p3, v40, v17;
	v17 =	vadd.s32 $0x2A00, v0;
	v51 =	vld.idx.msk @p3 [tilespmem:v51+s13+$0x0], $0xffff  }
0x257: {  	[tilespmem:s28+$0xFFFFFFC0] =	vst @p5 v52;
	v46 =	vor.u32 @p3 v50, v53;
	v50 =	vor.u32 @p3 v50, v54;
	v45 =	vor.u32 v17, v49;
	v49 =	vld [tilespmem:s24+$0xFFFFFFE0]  }
0x258: {  	v24 =	vpsel p3, v33, v24;
	[tilespmem:s28+$0xFFFFFFA0] =	vst @p5 v39;
	v34 =	vadd.f32 @p3 v34, v55;
	v39 =	vmov @p3 v50;
	v41 =	vld.idx.msk [tilespmem:v63+s13+$0x0], $0xffff  }
0x259: {  	[tilespmem:s28+$0xFFFFFFE0] =	vst @p5 v42;
	v31 =	vadd.f32 @p3 v31, v56;
	v62 =	vld.idx.msk [tilespmem:v59+s13+$0x0], $0xffff;
	v28 =	vpsel p3, v39, v28  }
0x25a: {  	v32 =	vadd.f32 @p3 v32, v58;
	v35 =	vadd.f32 @p4 v35, v37;
	[tilespmem:s6+$0xFFFFFF90] =	vst @p3 v34;
	v61 =	vld.idx.msk [tilespmem:v57+s13+$0x0], $0xffff  }
0x25b: {  	s8 =	smov.u32 @p4 s29;
	v27 =	vpsel p3, v46, v27;
	v63 =	vld.idx.msk [tilespmem:v60+s13+$0x0], $0xffff;
	[tilespmem:s6+$0xFFFFFFB0] =	vst @p3 v31;
	v30 =	vpsel p3, v51, v30  }
0x25c: {  	s8 =	smov.u32 @p4 s8;
	v52 =	vor.u32 v17, v29;
	[tilespmem:s6+$0xFFFFFFD0] =	vst @p3 v32;
	v31 =	vpsel p4, v35, v0;
	v51 =	vld [tilespmem:s24+$0xFFFFFFF0];
	v24 =	vadd.f32 @p3 v30, v24  }
0x25d: {  	v38 =	vpsel p4, v38, v0;
	[tilespmem:s8+$0xFFFFFFC0] =	vst @p4 v31;
	v31 =	vpsel p4, v44, v0;
	s24 =	sadd.s32 @p3 $0x80, s6;
	v59 =	vadd.f32 v41, v49  }
0x25e: {  	s10 =	smov.u32 s22;
	s22 =	smov.u32 @p3 s24;
	v28 =	vld.idx.msk @p3 [tilespmem:v28+s13+$0x0], $0xffff;
	[tilespmem:s6+$0x0] =	vst @p3 v24;
	v24 =	vadd.f32 @p4 v31, v38  }
0x25f: {  	v57 =	vor.u32 v17, v25;
	v30 =	vld.idx.msk @p3 [tilespmem:v40+s13+$0x0], $0xffff;
	v50 =	vadd.f32 v61, v47;
	[tilespmem:s22+$0xFFFFFFB0] =	vst v59  }
0x260: {  	v53 =	vor.u32 v17, v26;
	v18 =	vpsel p3, v58, v18;
	[tilespmem:s8+$0xFFFFFFA0] =	vst @p4 v24;
	v24 =	vld.idx.msk @p3 [tilespmem:v27+s13+$0x0], $0xffff  }
0x261: {  	v33 =	vmov @p3 v56;
	v61 =	vadd.f32 v63, v48;
	[tilespmem:s22+$0xFFFFFFF0] =	vst v50;
	v60 =	vadd.f32 v62, v51;
	v62 =	vld.idx.msk [tilespmem:v52+s13+$0x0], $0xffff  }
0x262: {  	v23 =	vpsel p3, v33, v23;
	v32 =	vpsel p4, v43, v0;
	v35 =	vpsel p4, v36, v0;
	v54 =	vld.idx.msk [tilespmem:v45+s13+$0x0], $0xffff  }
0x263: {  	s10 =	smov.u32 @p3 s6;
	v18 =	vpsel p3, v18, v0;
	v32 =	vadd.f32 @p4 v32, v35;
	[tilespmem:s22+$0xFFFFFF90] =	vst v61;
	v28 =	vpsel p3, v28, v0  }
0x264: {  	s6 =	smov.u32 @p3 s10;
	v23 =	vadd.f32 @p3 v30, v23;
	v25 =	vld.idx.msk [tilespmem:v57+s13+$0x0], $0xffff;
	[tilespmem:s22+$0xFFFFFFD0] =	vst v60;
	v18 =	vadd.f32 @p3 v28, v18  }
0x265: {  	v33 =	vmov @p3 v55;
	[tilespmem:s8+$0xFFFFFFE0] =	vst @p4 v32;
	s6 =	smov.u32 @p3 s6;
	v26 =	vld.idx.msk [tilespmem:v53+s13+$0x0], $0xffff  }
0x266: {  	v19 =	vpsel p3, v33, v19;
	v23 =	vpsel p3, v23, v0;
	[tilespmem:s6+$0xFFFFFFE0] =	vst @p3 v18;
	v18 =	vadd.f32 v62, v49  }
0x267: {  	v19 =	vpsel p3, v19, v0;
	[tilespmem:s6+$0xFFFFFFC0] =	vst @p3 v23;
	v24 =	vpsel p3, v24, v0;
	v63 =	vadd.f32 v54, v47  }
.Ltmp15:
0x268: {  	v19 =	vadd.f32 @p3 v24, v19;
	[tilespmem:s22+$0xFFFFFFC0] =	vst v18;
	(pc) =	sbr.rel @!p2 .LBB2_29-.Ltmp15, $4  }
0x269: {  	v18 =	vadd.f32 v25, v48;
	[tilespmem:s22+$0x0] =	vst v63  }
0x26a: {  	[tilespmem:s6+$0xFFFFFFA0] =	vst @p3 v19;
	v19 =	vadd.f32 v26, v51  }
0x26b: {  	[tilespmem:s22+$0xFFFFFFA0] =	vst v18  }
0x26c: {  	s25 =	simm.s32 $0x3D30;
	s24 =	simm.s32 $0x15170;
	[tilespmem:s22+$0xFFFFFFE0] =	vst v19  }
0x26d: {  	v18 =	vmov s20  }
0x26e: {  	v18 =	vand.u32 $0x3F, v18  }
0x26f: {  	v40 =	vadd.s32 $0x240, v0;
	v18 =	vbroadcast v18, $0x0  }
0x270: {  	v23 =	vor.u32 v40, v22  }
0x271: {  	v19 =	vor.u32 v40, v18  }
0x272: {  	p3 =	por $0x1, $0x1  }
.Ltmp16:
0x273: {  	_ = 	snop;
	(pc) =	sbr.rel @!p3 .LBB2_31-.Ltmp16, $4  }
0x274: {  	v24 =	vmov s23;
	s6 =	simm.s32 $0x5;
	s8 =	simm.s32 $0x6;
	v31 =	vor.u32 v40, v21  }
0x275: {  	v24 =	vand.u32 $0x3C, v24;
	v25 =	vmov s6;
	v26 =	vmov s8;
	v30 =	vld.idx.msk [tilespmem:v23+s13+$0x0], $0xffff  }
0x276: {  	v42 =	vbroadcast v24, $0x0;
	v24 =	vand.u32 $0x3E, v26;
	v33 =	vld.idx.msk [tilespmem:v19+s13+$0x0], $0xffff;
	v19 =	vand.u32 $0x3D, v25  }
0x277: {  	s20 =	simm.s32 $0x7;
	p2 =	por $0x1, $0x1;
	v35 =	vor.u32 v40, v20;
	s6 =	simm.s32 $0x8;
	v41 =	vbroadcast v24, $0x0;
	v25 =	vld [tilespmem:s25+$0x0];
	v39 =	vbroadcast v19, $0x0  }
0x278: {  	_ =	sdelay $0x3  }
0x279: {  	v32 =	vld.idx.msk [tilespmem:v31+s13+$0x0], $0xffff  }
0x27a: {  	v29 =	vld.idx.msk [tilespmem:v35+s13+$0x0], $0xffff  }
0x27b: {  	v24 =	vld [tilespmem:s25+$0xFFFFFFD0]  }
0x27c: {  	v19 =	vmov s20;
	v23 =	vld [tilespmem:s25+$0xFFFFFFF0]  }
0x27d: {  	v46 =	vadd.s32 $0x2A40, v0;
	v26 =	vld [tilespmem:s25+$0xFFFFFFE0];
	v19 =	vand.u32 $0x3F, v19  }
0x27e: {  	v34 =	vor.u32 v46, v18;
	v18 =	vbroadcast v19, $0x0  }
0x27f: {  	v27 =	vor.u32 v46, v20;
	v36 =	vor.u32 v40, v39  }
0x280: {  	s8 =	simm.s32 $0xA;
	s22 =	simm.s32 $0x3D70;
	p4 =	por $0x1, $0x1;
	v28 =	vor.u32 v46, v21;
	v62 =	vor.u32 v40, v18;
	v31 =	vadd.f32 v33, v25  }
.Ltmp17:
0x281: {  	s29 =	simm.s32 $0x9;
	v63 =	vmov s8;
	v21 =	vadd.f32 v29, v24;
	v37 =	vadd.f32 v32, v23;
	v32 =	vld [tilespmem:s22+$0x0];
	(pc) =	sbr.rel @!p4 .LBB2_33-.Ltmp17, $4  }
0x282: {  	v19 =	vor.u32 v46, v22;
	v22 =	vadd.f32 v30, v26;
	v30 =	vmov s29;
	[tilespmem:s24+$0xFFFFFFF0] =	vst v31  }
0x283: {  	v20 =	vmov s6;
	v29 =	vld.idx.msk [tilespmem:v34+s13+$0x0], $0xffff;
	[tilespmem:s24+$0xFFFFFF90] =	vst v21;
	v21 =	vand.u32 $0x3D, v30;
	v30 =	vand.u32 $0x3E, v63  }
0x284: {  	v20 =	vand.u32 $0x3C, v20;
	[tilespmem:s24+$0xFFFFFFB0] =	vst v22;
	v22 =	vbroadcast v21, $0x0;
	v21 =	vbroadcast v30, $0x0;
	v30 =	vld.idx.msk [tilespmem:v36+s13+$0x0], $0xffff  }
0x285: {  	v35 =	vor.u32 v40, v42;
	s20 =	simm.s32 $0xB;
	p3 =	por $0x1, $0x1;
	s6 =	simm.s32 $0xC;
	v20 =	vbroadcast v20, $0x0;
	v31 =	vor.u32 v40, v41;
	[tilespmem:s24+$0xFFFFFFD0] =	vst v37;
	v33 =	vld.idx.msk [tilespmem:v62+s13+$0x0], $0xffff  }
0x286: {  	_ =	sdelay $0x3  }
0x287: {  	v45 =	vld.idx.msk [tilespmem:v31+s13+$0x0], $0xffff  }
0x288: {  	v35 =	vld.idx.msk [tilespmem:v35+s13+$0x0], $0xffff  }
0x289: {  	v34 =	vmov s20;
	v37 =	vld [tilespmem:s22+$0xFFFFFFD0]  }
0x28a: {  	v38 =	vor.u32 v46, v18;
	v31 =	vand.u32 $0x3F, v34;
	v34 =	vld [tilespmem:s22+$0xFFFFFFF0]  }
0x28b: {  	v36 =	vld [tilespmem:s22+$0xFFFFFFE0];
	v18 =	vbroadcast v31, $0x0  }
0x28c: {  	v39 =	vor.u32 v46, v39;
	v31 =	vadd.f32 v33, v32  }
0x28d: {  	s23 =	simm.s32 $0x151F0;
	v47 =	vld.idx.msk [tilespmem:v19+s13+$0x0], $0xffff;
	v42 =	vor.u32 v46, v42;
	v41 =	vor.u32 v46, v41;
	v61 =	vor.u32 v40, v18  }
0x28e: {  	v48 =	vor.u32 v40, v22;
	v49 =	vmov s6;
	v43 =	vld.idx.msk [tilespmem:v28+s13+$0x0], $0xffff;
	p4 =	por $0x1, $0x1;
	v44 =	vadd.f32 v29, v25;
	[tilespmem:s23+$0xFFFFFFF0] =	vst v31  }
.Ltmp18:
0x28f: {  	s29 =	simm.s32 $0xD;
	s22 =	simm.s32 $0x3DB0;
	v50 =	vadd.f32 v35, v37;
	v31 =	vor.u32 v40, v21;
	v45 =	vadd.f32 v45, v34;
	v38 =	vld.idx.msk [tilespmem:v38+s13+$0x0], $0xffff;
	(pc) =	sbr.rel @!p4 .LBB2_35-.Ltmp18, $4  }
0x290: {  	s8 =	simm.s32 $0xE;
	v51 =	vmov s29;
	v53 =	vld [tilespmem:s22+$0x0];
	[tilespmem:s24+$0x0] =	vst v44;
	v35 =	vor.u32 v40, v20;
	v30 =	vadd.f32 v30, v36  }
0x291: {  	v49 =	vand.u32 $0x3C, v49;
	v52 =	vmov s8;
	v62 =	vand.u32 $0x3D, v51;
	v44 =	vld.idx.msk [tilespmem:v27+s13+$0x0], $0xffff;
	[tilespmem:s23+$0xFFFFFF90] =	vst v50  }
0x292: {  	s20 =	simm.s32 $0xF;
	s6 =	simm.s32 $0x10;
	v54 =	vbroadcast v49, $0x0;
	v63 =	vand.u32 $0x3E, v52;
	v52 =	vbroadcast v62, $0x0;
	[tilespmem:s23+$0xFFFFFFB0] =	vst v30;
	v33 =	vld.idx.msk [tilespmem:v61+s13+$0x0], $0xffff  }
0x293: {  	p1 =	por $0x1, $0x1;
	s26 =	simm.s32 $0x15170;
	s28 =	simm.s32 $0x151F0;
	v51 =	vbroadcast v63, $0x0;
	v30 =	vld.idx.msk [tilespmem:v48+s13+$0x0], $0xffff;
	v48 =	vadd.f32 v47, v26;
	v47 =	vmovc v24;
	[tilespmem:s23+$0xFFFFFFD0] =	vst v45;
	v45 =	vmov v23  }
.LBB2_36:
0x294: {  	p4 =	slt.u32 s6, $0x3C;
	v49 =	vmov s20;
	v50 =	vld.idx.msk [tilespmem:v31+s13+$0x0], $0xffff;
	v31 =	vadd.f32 v38, v32  }
0x295: {  	v38 =	vor.u32 v46, v22;
	v55 =	vor.u32 v46, v18;
	v59 =	vand.u32 $0x3F, v49;
	v49 =	vld.idx.msk [tilespmem:v35+s13+$0x0], $0xffff;
	[tilespmem:s26+$0xFFFFFFC0] =	vst v48  }
0x296: {  	v56 =	vor.u32 v46, v20;
	v57 =	vor.u32 v46, v21;
	v20 =	vmovc v54;
	v18 =	vbroadcast v59, $0x0;
	v48 =	vld [tilespmem:s22+$0xFFFFFFD0];
	[tilespmem:s23+$0x0] =	vst v31  }
0x297: {  	v58 =	vld [tilespmem:s22+$0xFFFFFFE0];
	v54 =	vadd.f32 v33, v53;
	v33 =	vadd.f32 v43, v45;
	v45 =	vmovc v34;
	v32 =	vmov v53  }
0x298: {  	v22 =	vmovc v52;
	v59 =	vor.u32 v40, v52;
	v31 =	vor.u32 v40, v51;
	s23 =	sadd.s32 $0x80, s23;
	v53 =	vor.u32 v40, v18;
	v34 =	vld [tilespmem:s22+$0xFFFFFFF0]  }
0x299: {  	v35 =	vor.u32 v40, v20;
	v44 =	vadd.f32 v44, v47;
	[tilespmem:s23+$0xFFFFFFF0] =	vst v54;
	v60 =	vld.idx.msk [tilespmem:v39+s13+$0x0], $0xffff;
	v39 =	vmov v38  }
0x29a: {  	v47 =	vmov v37;
	v21 =	vmov v51;
	v38 =	vld.idx.msk [tilespmem:v55+s13+$0x0], $0xffff;
	[tilespmem:s26+$0xFFFFFFE0] =	vst v33  }
.Ltmp19:
0x29b: {  	v33 =	vmov s6;
	v49 =	vadd.f32 v49, v48;
	v43 =	vld.idx.msk [tilespmem:v41+s13+$0x0], $0xffff;
	[tilespmem:s26+$0xFFFFFFA0] =	vst v44;
	v37 =	vmovc v48;
	v41 =	vmov v57;
	s26 =	smov.u32 s28;
	s28 =	smov.u32 s23;
	(pc) =	sbr.rel @p4 .LBB2_36-.Ltmp19, $4  }
0x29c: {  	s8 =	sadd.s32 $0x1, s6;
	s10 =	sadd.s32 $0x2, s6;
	v48 =	vand.u32 $0x3C, v33;
	v30 =	vadd.f32 v30, v58;
	v44 =	vld.idx.msk [tilespmem:v42+s13+$0x0], $0xffff;
	v42 =	vmov v56  }
0x29d: {  	v51 =	vmov s8;
	v52 =	vmov s10;
	s22 =	sadd.s32 $0x40, s22;
	v33 =	vld.idx.msk [tilespmem:v53+s13+$0x0], $0xffff;
	[tilespmem:s23+$0xFFFFFF90] =	vst v49;
	v49 =	vadd.f32 v50, v34  }
0x29e: {  	v54 =	vbroadcast v48, $0x0;
	v48 =	vand.u32 $0x3D, v51;
	v50 =	vand.u32 $0x3E, v52;
	v53 =	vld [tilespmem:s22+$0x0];
	[tilespmem:s23+$0xFFFFFFB0] =	vst v30  }
0x29f: {  	s20 =	sadd.s32 $0x3, s6;
	s6 =	sadd.s32 $0x4, s6;
	v52 =	vbroadcast v48, $0x0;
	v51 =	vbroadcast v50, $0x0;
	v48 =	vadd.f32 v60, v36;
	v36 =	vmovc v58;
	v30 =	vld.idx.msk [tilespmem:v59+s13+$0x0], $0xffff;
	[tilespmem:s23+$0xFFFFFFD0] =	vst v49  }
0x2a0: {  	_ =	sdelay $0x1  }
0x2a1: {  	v46 =	vmov v32;
	v40 =	vmov v22;
	v49 =	vmov v20  }
0x2a2: {  	v50 =	vmovc v21;
	v20 =	vmovc v54;
	v22 =	vmov v52;
	v21 =	vmov v51;
	v32 =	vmov v53  }
.LBB2_38:
0x2a3: {  	_ =	sdelay $0x3  }
0x2a4: {  	v31 =	vld.idx.msk @p2 [tilespmem:v31+s13+$0x0], $0xffff  }
0x2a5: {  	v35 =	vld.idx.msk @p2 [tilespmem:v35+s13+$0x0], $0xffff  }
0x2a6: {  	v54 =	vld @p2 [tilespmem:s22+$0xFFFFFFD0]  }
0x2a7: {  	v55 =	vld @p2 [tilespmem:s22+$0xFFFFFFE0]  }
0x2a8: {  	v52 =	vadd.s32 @p2 $0x2A40, v0;
	v33 =	vadd.f32 @p2 v33, v32;
	s8 =	sadd.s32 @p3 $0x80, s23;
	s6 =	smov.u32 s24;
	v57 =	vld @p2 [tilespmem:s22+$0xFFFFFFF0]  }
0x2a9: {  	v51 =	vmov s20;
	v41 =	vld.idx.msk @p3 [tilespmem:v41+s13+$0x0], $0xffff;
	v38 =	vadd.f32 @p3 v38, v46;
	v53 =	vor.u32 @p2 v52, v18;
	s6 =	smov.u32 @p3 s8  }
0x2aa: {  	v42 =	vld.idx.msk @p3 [tilespmem:v42+s13+$0x0], $0xffff;
	v51 =	vand.u32 $0x3F, v51;
	v18 =	vadd.s32 $0x240, v0;
	s8 =	sadd.s32 @p2 $0x40, s22;
	[tilespmem:s6+$0xFFFFFFF0] =	vst @p2 v33  }
0x2ab: {  	v51 =	vbroadcast v51, $0x0;
	v33 =	vld.idx.msk @p3 [tilespmem:v39+s13+$0x0], $0xffff;
	v63 =	vor.u32 v18, v22;
	s25 =	smov.u32 @p2 s8;
	[tilespmem:s23+$0x0] =	vst @p3 v38;
	v38 =	vadd.f32 @p1 v44, v47  }
0x2ac: {  	v43 =	vadd.f32 @p1 v43, v45;
	v60 =	vor.u32 v18, v20;
	v62 =	vld [tilespmem:s25+$0x0]  }
0x2ad: {  	v45 =	vor.u32 @p2 v52, v49;
	v49 =	vor.u32 @p2 v52, v50;
	v50 =	vld [tilespmem:s25+$0xFFFFFFE0];
	v56 =	vor.u32 v18, v51  }
0x2ae: {  	v25 =	vpsel p2, v32, v25;
	v40 =	vor.u32 @p2 v52, v40;
	v30 =	vadd.f32 @p2 v30, v55;
	v53 =	vld.idx.msk @p2 [tilespmem:v53+s13+$0x0], $0xffff  }
0x2af: {  	v58 =	vor.u32 v18, v21;
	[tilespmem:s26+$0xFFFFFFA0] =	vst @p1 v38;
	v31 =	vadd.f32 @p2 v31, v57;
	v38 =	vmov @p2 v49;
	v49 =	vld [tilespmem:s25+$0xFFFFFFD0]  }
0x2b0: {  	v40 =	vpsel p2, v40, v19;
	v39 =	vld.idx.msk [tilespmem:v63+s13+$0x0], $0xffff;
	v33 =	vadd.f32 @p3 v33, v36;
	[tilespmem:s6+$0xFFFFFFB0] =	vst @p2 v30  }
0x2b1: {  	v19 =	vadd.s32 $0x2A40, v0;
	v35 =	vadd.f32 @p2 v35, v54;
	v46 =	vld.idx.msk [tilespmem:v60+s13+$0x0], $0xffff;
	v28 =	vpsel p2, v38, v28;
	[tilespmem:s6+$0xFFFFFFD0] =	vst @p2 v31  }
0x2b2: {  	s8 =	smov.u32 @p3 s28;
	v31 =	vpsel p3, v41, v0;
	v61 =	vld.idx.msk [tilespmem:v56+s13+$0x0], $0xffff;
	v30 =	vpsel p3, v33, v0;
	v33 =	vpsel p3, v34, v0  }
0x2b3: {  	s8 =	smov.u32 @p3 s8;
	v22 =	vor.u32 v19, v22;
	[tilespmem:s6+$0xFFFFFF90] =	vst @p2 v35;
	v31 =	vadd.f32 @p3 v31, v33;
	v29 =	vpsel p2, v53, v29  }
0x2b4: {  	v37 =	vpsel p3, v37, v0;
	v52 =	vld [tilespmem:s25+$0xFFFFFFF0];
	v20 =	vor.u32 v19, v20;
	[tilespmem:s8+$0xFFFFFFC0] =	vst @p3 v30;
	v25 =	vadd.f32 @p2 v29, v25  }
0x2b5: {  	v27 =	vpsel p2, v45, v27;
	s20 =	sadd.s32 @p2 $0x80, s6;
	v63 =	vld.idx.msk [tilespmem:v58+s13+$0x0], $0xffff;
	[tilespmem:s8+$0xFFFFFFE0] =	vst @p3 v31;
	v31 =	vadd.f32 v39, v50  }
0x2b6: {  	s10 =	smov.u32 s24;
	s24 =	smov.u32 @p2 s20;
	v47 =	vor.u32 v19, v51;
	v29 =	vld.idx.msk @p2 [tilespmem:v40+s13+$0x0], $0xffff;
	v53 =	vadd.f32 v46, v49;
	[tilespmem:s6+$0x0] =	vst @p2 v25  }
0x2b7: {  	v30 =	vpsel p3, v42, v0;
	v28 =	vld.idx.msk @p2 [tilespmem:v28+s13+$0x0], $0xffff;
	v51 =	vadd.f32 v61, v62;
	[tilespmem:s24+$0xFFFFFFB0] =	vst v31  }
0x2b8: {  	v21 =	vor.u32 v19, v21;
	v25 =	vadd.f32 @p3 v30, v37;
	[tilespmem:s24+$0xFFFFFF90] =	vst v53;
	v22 =	vld.idx.msk [tilespmem:v22+s13+$0x0], $0xffff  }
0x2b9: {  	v32 =	vmov @p2 v55;
	v20 =	vld.idx.msk [tilespmem:v20+s13+$0x0], $0xffff;
	[tilespmem:s24+$0xFFFFFFF0] =	vst v51  }
0x2ba: {  	v26 =	vpsel p2, v32, v26;
	[tilespmem:s8+$0xFFFFFFA0] =	vst @p3 v25;
	v25 =	vld.idx.msk @p2 [tilespmem:v27+s13+$0x0], $0xffff;
	v27 =	vadd.f32 v63, v52  }
0x2bb: {  	[tilespmem:s26+$0xFFFFFFC0] =	vst @p1 v48;
	s10 =	smov.u32 @p2 s6;
	v23 =	vpsel p2, v57, v23;
	v30 =	vld.idx.msk [tilespmem:v47+s13+$0x0], $0xffff;
	v26 =	vadd.f32 @p2 v29, v26  }
0x2bc: {  	v23 =	vpsel p2, v23, v0;
	s6 =	smov.u32 @p2 s10;
	[tilespmem:s24+$0xFFFFFFD0] =	vst v27;
	v27 =	vpsel p2, v28, v0  }
0x2bd: {  	[tilespmem:s26+$0xFFFFFFE0] =	vst @p1 v43;
	s6 =	smov.u32 @p2 s6;
	v26 =	vpsel p2, v26, v0;
	v21 =	vld.idx.msk [tilespmem:v21+s13+$0x0], $0xffff;
	v23 =	vadd.f32 @p2 v27, v23  }
0x2be: {  	v32 =	vmov @p2 v54;
	[tilespmem:s6+$0xFFFFFFC0] =	vst @p2 v26;
	v22 =	vadd.f32 v22, v50  }
0x2bf: {  	v24 =	vpsel p2, v32, v24;
	v20 =	vadd.f32 v20, v49;
	[tilespmem:s6+$0xFFFFFFE0] =	vst @p2 v23  }
0x2c0: {  	p1 =	seq.s32 s19, $0x9;
	v24 =	vpsel p2, v24, v0;
	v25 =	vpsel p2, v25, v0;
	v28 =	vadd.f32 v30, v62;
	[tilespmem:s24+$0xFFFFFFC0] =	vst v22  }
0x2c1: {  	s20 =	smul.u32 @!p1 $0xA00, s19;
	v24 =	vadd.f32 @p2 v25, v24;
	[tilespmem:s24+$0xFFFFFFA0] =	vst v20  }
0x2c2: {  	[tilespmem:s24+$0x0] =	vst v28;
	v21 =	vadd.f32 v21, v52  }
0x2c3: {  	[tilespmem:s6+$0xFFFFFFA0] =	vst @p2 v24;
	s6 =	sadd.s32 @!p1 $0xA00, s20  }
0x2c4: {  	s22 =	simm.s32 @!p1 $0x6900;
	s10 =	simm.s32 @!p1 $0x50;
	s8 =	sshra.s32 @!p1 s6, $0x2;
	[tilespmem:s24+$0xFFFFFFE0] =	vst v21  }
0x2c5: {  	[tilespmem:s22], [sflag:$0x1] =	stream.indirect.gather @!p1 [hbm4b:s3+s10], $0x40, s8, s10, $0xb8;
	[tilespmem:$0x1A900] =	vst v63  }
0x2c6: {  	s23 =	simm.s32 @!p1 $0x7D00;
	s22 =	sor.u32 @!p1 $0x50, s8  }
0x2c7: {  	[tilespmem:s23], [sflag:$0x1] =	stream.indirect.gather @!p1 [hbm4b:s3+s10], $0x40, s22, s10, $0xb8;
	[tilespmem:$0x1A900] =	vst v63  }
0x2c8: {  	s22 =	sadd.s32 @!p1 $0xA0, s8;
	s23 =	simm.s32 @!p1 $0x9100  }
0x2c9: {  	[tilespmem:s23], [sflag:$0x1] =	stream.indirect.gather @!p1 [hbm4b:s3+s10], $0x40, s22, s10, $0xb8;
	[tilespmem:$0x1A900] =	vst v63  }
0x2ca: {  	s6 =	sadd.s32 @!p1 s4, s6;
	s8 =	sadd.s32 @!p1 $0xF0, s8;
	s22 =	simm.s32 @!p1 $0xA500  }
0x2cb: {  	[tilespmem:s22], [sflag:$0x1] =	stream.indirect.gather @!p1 [hbm4b:s3+s10], $0x40, s8, s10, $0xb8;
	[tilespmem:$0x1A900] =	vst v63  }
0x2cc: {  	s8 =	simm.s32 @!p1 $0x0;
	s10 =	simm.s32 @!p1 $0x1900;
	s22 =	smul.u32 $0x140000, s19  }
0x2cd: {  	[tilespmem:s10], [sflag:$0x1] =	stream.linear.gather @!p1 [hbm4b:s6+s8], $0x2800, $0x38;
	[tilespmem:$0x1A900] =	vst v63  }
0x2ce: {  	s10 =	sor.u32 s7, s22  }
0x2cf: {  	s6 =	sshrl.u32 s10, $0x3  }
0x2d0: {  	s6 =	sadd.s32 s5, s6  }
0x2d1: {  	[hbm4b:s6+s31] =	stream.strided.scatter [tilespmem:s1], [sflag:$0x3], $0x5000, s0, s31, $0x38;
	[tilespmem:$0x1A900] =	vst v63  }
0x2d2: {  	_ =	swait.ge [sflag:s14], $0x1400  }
0x2d3: {  	[sflag:s14] =	ssyncset.done $0x0  }
0x2d4: {  	[sflag:s14] =	ssyncadd.s32 $0xFFFFEC00  }
0x2d5: {  	_ =	swait.ge [sflag:s14], $0x1400  }
0x2d6: {  	[sflag:s14] =	ssyncset.done $0x0  }
0x2d7: {  	[sflag:s14] =	ssyncadd.s32 $0xFFFFEC00  }
0x2d8: {  	_ =	swait.ge [sflag:s14], $0x1400  }
0x2d9: {  	[sflag:s14] =	ssyncset.done $0x0  }
0x2da: {  	s23 =	simm.s32 $0x0;
	[sflag:s14] =	ssyncadd.s32 $0xFFFFEC00  }
0x2db: {  	s24 =	simm.s32 $0x1;
	v20 =	vmov s23;
	_ =	swait.ge [sflag:s14], $0x1400  }
0x2dc: {  	s25 =	simm.s32 $0x3;
	v21 =	vmov s24;
	v20 =	vand.u32 $0x3C, v20;
	[sflag:s14] =	ssyncset.done $0x0  }
0x2dd: {  	v24 =	vbroadcast v20, $0x0;
	v20 =	vand.u32 $0x3D, v21;
	v21 =	vmov s25;
	[sflag:s14] =	ssyncadd.s32 $0xFFFFEC00  }
0x2de: {  	v25 =	vbroadcast v20, $0x0;
	v20 =	vand.u32 $0x3F, v21;
	_ =	swait.ge [sflag:s14], $0x2800  }
0x2df: {  	v21 =	vor.u32 v0, v24;
	v26 =	vbroadcast v20, $0x0;
	[sflag:s14] =	ssyncset.done $0x0  }
0x2e0: {  	s26 =	simm.s32 $0x2;
	s8 =	simm.s32 @!p0 $0x4;
	v22 =	vor.u32 v0, v25;
	[sflag:s14] =	ssyncadd.s32 $0xFFFFD800  }
0x2e1: {  	v20 =	vmov s26;
	v27 =	vor.u32 v0, v26;
	_ =	swait.ge @!p0 [sflag:s8], $0x5000  }
0x2e2: {  	v20 =	vand.u32 $0x3E, v20;
	[sflag:s8] =	ssyncset.done @!p0 $0x0  }
0x2e3: {  	v23 =	vbroadcast v20, $0x0;
	[sflag:s8] =	ssyncadd.s32 @!p0 $0xFFFFB000  }
0x2e4: {  	s29 =	simm.s32 $0x4;
	v29 =	vld.idx.msk [tilespmem:v21+s21+$0x0], $0xffff  }
0x2e5: {  	v20 =	vmov s29;
	v28 =	vor.u32 v0, v23;
	v30 =	vld.idx.msk [tilespmem:v22+s21+$0x0], $0xffff  }
0x2e6: {  	s23 =	simm.s32 $0x4120;
	v20 =	vand.u32 $0x3C, v20;
	v54 =	vld.idx.msk [tilespmem:v27+s21+$0x0], $0xffff  }
0x2e7: {  	s10 =	simm.s32 $0x6;
	v22 =	vbroadcast v20, $0x0;
	v37 =	vld [tilespmem:s23+$0x10]  }
0x2e8: {  	v59 =	vor.u32 v1, v24;
	s26 =	simm.s32 $0x9;
	v31 =	vmov s10;
	s8 =	simm.s32 $0x5;
	v35 =	vld [tilespmem:s23+$0xFFFFFFE0]  }
0x2e9: {  	s24 =	simm.s32 $0x7;
	v62 =	vmov s26;
	v21 =	vmov s8;
	v34 =	vld [tilespmem:s23+$0xFFFFFFF0];
	v55 =	vor.u32 v0, v22  }
0x2ea: {  	v58 =	vor.u32 v1, v26;
	v27 =	vmov s24;
	v28 =	vld.idx.msk [tilespmem:v28+s21+$0x0], $0xffff;
	v20 =	vand.u32 $0x3D, v21  }
0x2eb: {  	s26 =	simm.s32 $0x4160;
	v27 =	vand.u32 $0x3F, v27;
	v21 =	vbroadcast v20, $0x0;
	v20 =	vand.u32 $0x3E, v31;
	v31 =	vld [tilespmem:s23+$0x0]  }
0x2ec: {  	v60 =	vor.u32 v1, v25;
	v36 =	vld [tilespmem:s26+$0x10];
	v32 =	vbroadcast v27, $0x0;
	v33 =	vadd.f32 v54, v37  }
0x2ed: {  	s6 =	simm.s32 $0x15940;
	v44 =	vld [tilespmem:s26+$0xFFFFFFE0];
	v20 =	vbroadcast v20, $0x0;
	v56 =	vor.u32 v0, v21;
	v29 =	vadd.f32 v29, v35  }
0x2ee: {  	s25 =	simm.s32 $0x8;
	v61 =	vor.u32 v0, v32;
	v30 =	vadd.f32 v30, v34;
	v40 =	vld.idx.msk [tilespmem:v55+s21+$0x0], $0xffff;
	[tilespmem:s6+$0x20] =	vst v33  }
0x2ef: {  	v57 =	vor.u32 v0, v20;
	[tilespmem:s6+$0xFFFFFFC0] =	vst v29;
	v29 =	vmov s25;
	v47 =	vld.idx.msk [tilespmem:v58+s21+$0x0], $0xffff  }
0x2f0: {  	s29 =	simm.s32 $0xA;
	[tilespmem:s6+$0xFFFFFFE0] =	vst v30;
	v63 =	vadd.f32 v28, v31;
	v48 =	vld.idx.msk [tilespmem:v59+s21+$0x0], $0xffff;
	v28 =	vand.u32 $0x3C, v29  }
0x2f1: {  	v30 =	vmov s29;
	v29 =	vand.u32 $0x3D, v62;
	v50 =	vld.idx.msk [tilespmem:v60+s21+$0x0], $0xffff;
	v43 =	vbroadcast v28, $0x0  }
0x2f2: {  	v51 =	vor.u32 v1, v23;
	v30 =	vand.u32 $0x3E, v30;
	v41 =	vld.idx.msk [tilespmem:v56+s21+$0x0], $0xffff;
	v39 =	vbroadcast v29, $0x0  }
0x2f3: {  	v49 =	vld.idx.msk [tilespmem:v61+s21+$0x0], $0xffff;
	v33 =	vbroadcast v30, $0x0;
	v52 =	vor.u32 v0, v43  }
0x2f4: {  	s28 =	simm.s32 $0xB;
	s8 =	simm.s32 $0xC;
	v46 =	vmovc v22;
	v45 =	vmov v21;
	v42 =	vmov v20;
	s25 =	simm.s32 $0x15940;
	[tilespmem:s6+$0x0] =	vst v63;
	v38 =	vld.idx.msk [tilespmem:v57+s21+$0x0], $0xffff;
	v53 =	vor.u32 v0, v39  }
.LBB2_39:
0x2f5: {  	p0 =	slt.u32 s8, $0x3C;
	v54 =	vor.u32 v0, v33;
	v55 =	vmov s28;
	v56 =	vld [tilespmem:s26+$0xFFFFFFF0];
	v37 =	vadd.f32 v47, v37  }
0x2f6: {  	v57 =	vor.u32 v1, v32;
	v35 =	vadd.f32 v48, v35;
	v47 =	vand.u32 $0x3F, v55;
	v55 =	vld [tilespmem:s26+$0x0]  }
0x2f7: {  	v48 =	vor.u32 v1, v46;
	s24 =	simm.s32 $0x16170;
	s23 =	simm.s32 $0x4530;
	v32 =	vbroadcast v47, $0x0;
	v47 =	vadd.f32 v50, v34;
	v51 =	vld.idx.msk [tilespmem:v51+s21+$0x0], $0xffff;
	[tilespmem:s6+$0x30] =	vst v37  }
0x2f8: {  	v46 =	vmov v43;
	v50 =	vor.u32 v1, v45;
	v52 =	vld.idx.msk [tilespmem:v52+s21+$0x0], $0xffff;
	v58 =	vadd.f32 v49, v36;
	[tilespmem:s6+$0xFFFFFFD0] =	vst v35  }
0x2f9: {  	v45 =	vmov v39;
	s6 =	sadd.s32 $0x80, s6;
	v53 =	vld.idx.msk [tilespmem:v53+s21+$0x0], $0xffff;
	v49 =	vor.u32 v0, v32;
	v40 =	vadd.f32 v40, v44;
	[tilespmem:s25+$0xFFFFFFF0] =	vst v47  }
0x2fa: {  	v37 =	vmovc v36;
	v35 =	vmov v44;
	v54 =	vld.idx.msk [tilespmem:v54+s21+$0x0], $0xffff;
	v39 =	vadd.f32 v41, v56;
	[tilespmem:s6+$0x20] =	vst v58;
	v34 =	vmov v56  }
0x2fb: {  	s10 =	sadd.s32 $0x1, s8;
	s28 =	sadd.s32 $0x2, s8;
	v36 =	vmov s8;
	[tilespmem:s6+$0xFFFFFFC0] =	vst v40;
	v38 =	vadd.f32 v38, v55;
	v47 =	vld.idx.msk [tilespmem:v57+s21+$0x0], $0xffff  }
.Ltmp20:
0x2fc: {  	v44 =	vmov s10;
	v36 =	vand.u32 $0x3C, v36;
	v41 =	vmov s28;
	v48 =	vld.idx.msk [tilespmem:v48+s21+$0x0], $0xffff;
	[tilespmem:s6+$0xFFFFFFE0] =	vst v39;
	(pc) =	sbr.rel @p0 .LBB2_39-.Ltmp20, $4  }
0x2fd: {  	v43 =	vbroadcast v36, $0x0;
	v36 =	vand.u32 $0x3D, v44;
	v56 =	vadd.f32 v51, v31;
	v31 =	vmovc v55;
	v50 =	vld.idx.msk [tilespmem:v50+s21+$0x0], $0xffff;
	[tilespmem:s6+$0x0] =	vst v38  }
0x2fe: {  	s26 =	sadd.s32 $0x40, s26;
	v39 =	vbroadcast v36, $0x0;
	v36 =	vand.u32 $0x3E, v41;
	v51 =	vor.u32 v1, v42;
	v42 =	vmovc v33;
	v40 =	vmovc v52;
	v49 =	vld.idx.msk [tilespmem:v49+s21+$0x0], $0xffff  }
0x2ff: {  	v52 =	vor.u32 v0, v43;
	v33 =	vbroadcast v36, $0x0;
	v41 =	vmov v53;
	v36 =	vld [tilespmem:s26+$0x10];
	[tilespmem:s25+$0x10] =	vst v56;
	s25 =	smov.u32 s6  }
0x300: {  	s28 =	sadd.s32 $0x3, s8;
	s8 =	sadd.s32 $0x4, s8;
	v53 =	vor.u32 v0, v39;
	v38 =	vmov v54;
	v44 =	vld [tilespmem:s26+$0xFFFFFFE0]  }
0x301: {  	_ =	sdelay $0x1  }
0x302: {  	v56 =	vld [tilespmem:s26+$0xFFFFFFF0]  }
0x303: {  	v54 =	vmov s28;
	v57 =	vld [tilespmem:s26+$0x0]  }
0x304: {  	v51 =	vld.idx.msk [tilespmem:v51+s21+$0x0], $0xffff;
	v54 =	vand.u32 $0x3F, v54  }
0x305: {  	v55 =	vor.u32 v0, v33;
	v52 =	vld.idx.msk [tilespmem:v52+s21+$0x0], $0xffff;
	v37 =	vadd.f32 v47, v37;
	v54 =	vbroadcast v54, $0x0  }
0x306: {  	v62 =	vld.idx.msk [tilespmem:v53+s21+$0x0], $0xffff;
	s8 =	sadd.s32 $0x40, s26;
	v34 =	vadd.f32 v50, v34  }
0x307: {  	v53 =	vld [tilespmem:s8+$0x0];
	[tilespmem:s6+$0x30] =	vst v37;
	v49 =	vadd.f32 v49, v36;
	v58 =	vor.u32 v0, v54  }
0x308: {  	v35 =	vadd.f32 v48, v35;
	v32 =	vor.u32 v1, v32;
	s26 =	sadd.s32 $0x80, s6;
	[tilespmem:s25+$0xFFFFFFF0] =	vst v34;
	v34 =	vld [tilespmem:s8+$0xFFFFFFE0]  }
0x309: {  	v45 =	vor.u32 v1, v45;
	v40 =	vadd.f32 v40, v44;
	[tilespmem:s26+$0x20] =	vst v49;
	v49 =	vld [tilespmem:s8+$0xFFFFFFF0]  }
0x30a: {  	v42 =	vor.u32 v1, v42;
	[tilespmem:s6+$0xFFFFFFD0] =	vst v35;
	v48 =	vld.idx.msk [tilespmem:v55+s21+$0x0], $0xffff;
	v41 =	vadd.f32 v41, v56  }
0x30b: {  	v46 =	vor.u32 v1, v46;
	v35 =	vld [tilespmem:s8+$0x10];
	v31 =	vadd.f32 v51, v31;
	[tilespmem:s26+$0xFFFFFFC0] =	vst v40  }
0x30c: {  	v59 =	vor.u32 v1, v39;
	v38 =	vadd.f32 v38, v57;
	[tilespmem:s26+$0xFFFFFFE0] =	vst v41;
	v63 =	vld.idx.msk [tilespmem:v58+s21+$0x0], $0xffff  }
0x30d: {  	v61 =	vor.u32 v1, v33;
	v32 =	vld.idx.msk [tilespmem:v32+s21+$0x0], $0xffff;
	[tilespmem:s25+$0x10] =	vst v31;
	v31 =	vadd.f32 v52, v34  }
0x30e: {  	s29 =	sadd.s32 $0x80, s26;
	v55 =	vor.u32 v1, v43;
	[tilespmem:s26+$0x0] =	vst v38;
	v60 =	vld.idx.msk [tilespmem:v45+s21+$0x0], $0xffff;
	v62 =	vadd.f32 v62, v49  }
0x30f: {  	v54 =	vor.u32 v1, v54;
	v42 =	vld.idx.msk [tilespmem:v42+s21+$0x0], $0xffff;
	[tilespmem:s29+$0xFFFFFFC0] =	vst v31;
	v31 =	vadd.f32 v48, v53  }
0x310: {  	v58 =	vld.idx.msk [tilespmem:v46+s21+$0x0], $0xffff;
	[tilespmem:s29+$0xFFFFFFE0] =	vst v62  }
0x311: {  	[tilespmem:s29+$0x0] =	vst v31;
	v38 =	vld.idx.msk [tilespmem:v59+s21+$0x0], $0xffff;
	v37 =	vadd.f32 v63, v35  }
0x312: {  	v32 =	vadd.f32 v32, v36;
	v46 =	vld.idx.msk [tilespmem:v61+s21+$0x0], $0xffff  }
0x313: {  	v31 =	vadd.f32 v60, v56;
	v63 =	vld.idx.msk [tilespmem:v55+s21+$0x0], $0xffff;
	[tilespmem:s29+$0x20] =	vst v37  }
0x314: {  	[tilespmem:s26+$0x30] =	vst v32;
	v47 =	vadd.f32 v42, v57;
	v37 =	vld.idx.msk [tilespmem:v54+s21+$0x0], $0xffff  }
0x315: {  	v45 =	vadd.f32 v58, v44;
	[tilespmem:s26+$0xFFFFFFF0] =	vst v31  }
0x316: {  	[tilespmem:s26+$0x10] =	vst v47;
	v51 =	vadd.f32 v38, v49  }
0x317: {  	v50 =	vor.u32 v2, v24;
	[tilespmem:s26+$0xFFFFFFD0] =	vst v45;
	v32 =	vadd.f32 v46, v53  }
0x318: {  	v52 =	vor.u32 v2, v26;
	v48 =	vadd.f32 v63, v34;
	[tilespmem:s29+$0xFFFFFFF0] =	vst v51  }
0x319: {  	[tilespmem:s29+$0x10] =	vst v32;
	v31 =	vadd.f32 v37, v35  }
0x31a: {  	[tilespmem:s29+$0xFFFFFFD0] =	vst v48  }
0x31b: {  	v53 =	vor.u32 v2, v23;
	[tilespmem:s29+$0x30] =	vst v31  }
0x31c: {  	v31 =	vor.u32 v2, v25;
	v34 =	vld.idx.msk [tilespmem:v50+s21+$0x0], $0xffff  }
0x31d: {  	v55 =	vld.idx.msk [tilespmem:v52+s21+$0x0], $0xffff  }
0x31e: {  	v33 =	vld [tilespmem:s23+$0x0]  }
0x31f: {  	v27 =	vbroadcast v27, $0x0;
	v56 =	vor.u32 v2, v22;
	v32 =	vld [tilespmem:s23+$0xFFFFFFD0]  }
0x320: {  	v57 =	vor.u32 v2, v21;
	v41 =	vld.idx.msk [tilespmem:v53+s21+$0x0], $0xffff  }
0x321: {  	v61 =	vor.u32 v2, v27;
	v54 =	vld.idx.msk [tilespmem:v31+s21+$0x0], $0xffff  }
0x322: {  	v58 =	vor.u32 v2, v20;
	v31 =	vld [tilespmem:s23+$0xFFFFFFE0]  }
0x323: {  	v59 =	vor.u32 v3, v26;
	v26 =	vld [tilespmem:s23+$0xFFFFFFF0]  }
0x324: {  	v24 =	vor.u32 v3, v24;
	v35 =	vld.idx.msk [tilespmem:v56+s21+$0x0], $0xffff  }
0x325: {  	v25 =	vor.u32 v3, v25;
	v36 =	vld.idx.msk [tilespmem:v57+s21+$0x0], $0xffff;
	v60 =	vadd.f32 v55, v33  }
0x326: {  	v40 =	vld.idx.msk [tilespmem:v61+s21+$0x0], $0xffff;
	v62 =	vadd.f32 v34, v32  }
0x327: {  	v34 =	vld.idx.msk [tilespmem:v58+s21+$0x0], $0xffff;
	[tilespmem:s24+$0xFFFFFFF0] =	vst v60;
	v37 =	vadd.f32 v54, v31  }
0x328: {  	[tilespmem:s24+$0xFFFFFF90] =	vst v62;
	v39 =	vld.idx.msk [tilespmem:v59+s21+$0x0], $0xffff  }
0x329: {  	v28 =	vbroadcast v28, $0x0;
	v38 =	vld.idx.msk [tilespmem:v24+s21+$0x0], $0xffff;
	[tilespmem:s24+$0xFFFFFFB0] =	vst v37  }
0x32a: {  	s26 =	simm.s32 $0x4570;
	v63 =	vadd.f32 v41, v26;
	v41 =	vor.u32 v3, v23;
	v37 =	vld.idx.msk [tilespmem:v25+s21+$0x0], $0xffff;
	v25 =	vbroadcast v29, $0x0  }
0x32b: {  	v42 =	vor.u32 v2, v28;
	v23 =	vbroadcast v30, $0x0;
	v24 =	vld [tilespmem:s26+$0x0]  }
0x32c: {  	s28 =	simm.s32 $0xB;
	s6 =	simm.s32 $0x16170;
	s8 =	simm.s32 $0xC;
	[tilespmem:s24+$0xFFFFFFD0] =	vst v63;
	v29 =	vld [tilespmem:s26+$0xFFFFFFD0];
	v30 =	vor.u32 v2, v25  }
.LBB2_41:
0x32d: {  	p0 =	slt.u32 s8, $0x3C;
	v43 =	vor.u32 v2, v23;
	v44 =	vmov s28;
	v45 =	vld [tilespmem:s26+$0xFFFFFFE0];
	v33 =	vadd.f32 v39, v33  }
0x32e: {  	v46 =	vor.u32 v3, v27;
	v32 =	vadd.f32 v38, v32;
	v39 =	vand.u32 $0x3F, v44;
	v44 =	vld [tilespmem:s26+$0xFFFFFFF0]  }
0x32f: {  	v38 =	vor.u32 v3, v22;
	s23 =	simm.s32 $0x16970;
	s25 =	simm.s32 $0x4930;
	v27 =	vbroadcast v39, $0x0;
	v39 =	vadd.f32 v37, v31;
	v41 =	vld.idx.msk [tilespmem:v41+s21+$0x0], $0xffff;
	[tilespmem:s24+$0x0] =	vst v33  }
0x330: {  	v22 =	vmov v28;
	v37 =	vor.u32 v3, v21;
	v42 =	vld.idx.msk [tilespmem:v42+s21+$0x0], $0xffff;
	v47 =	vadd.f32 v40, v24;
	[tilespmem:s24+$0xFFFFFFA0] =	vst v32  }
0x331: {  	v21 =	vmov v25;
	s24 =	sadd.s32 $0x80, s24;
	v30 =	vld.idx.msk [tilespmem:v30+s21+$0x0], $0xffff;
	v40 =	vor.u32 v2, v27;
	v28 =	vadd.f32 v35, v29;
	[tilespmem:s6+$0xFFFFFFC0] =	vst v39  }
0x332: {  	v33 =	vmovc v24;
	v32 =	vmov v29;
	v43 =	vld.idx.msk [tilespmem:v43+s21+$0x0], $0xffff;
	v25 =	vadd.f32 v36, v45;
	[tilespmem:s24+$0xFFFFFFF0] =	vst v47;
	v31 =	vmov v45  }
0x333: {  	s10 =	sadd.s32 $0x1, s8;
	s28 =	sadd.s32 $0x2, s8;
	v24 =	vmov s8;
	[tilespmem:s24+$0xFFFFFF90] =	vst v28;
	v29 =	vadd.f32 v34, v44;
	v39 =	vld.idx.msk [tilespmem:v46+s21+$0x0], $0xffff  }
.Ltmp21:
0x334: {  	v24 =	vand.u32 $0x3C, v24;
	v36 =	vmov s28;
	v34 =	vmov s10;
	v38 =	vld.idx.msk [tilespmem:v38+s21+$0x0], $0xffff;
	[tilespmem:s24+$0xFFFFFFB0] =	vst v25;
	(pc) =	sbr.rel @p0 .LBB2_41-.Ltmp21, $4  }
0x335: {  	v28 =	vbroadcast v24, $0x0;
	v24 =	vand.u32 $0x3D, v34;
	v37 =	vld.idx.msk [tilespmem:v37+s21+$0x0], $0xffff;
	[tilespmem:s24+$0xFFFFFFD0] =	vst v29;
	v29 =	vadd.f32 v41, v26;
	v26 =	vmovc v44  }
0x336: {  	s26 =	sadd.s32 $0x40, s26;
	v25 =	vbroadcast v24, $0x0;
	v24 =	vand.u32 $0x3E, v36;
	v41 =	vor.u32 v3, v20;
	v35 =	vmovc v42;
	v20 =	vmovc v23;
	v40 =	vld.idx.msk [tilespmem:v40+s21+$0x0], $0xffff  }
0x337: {  	v42 =	vor.u32 v2, v28;
	v23 =	vbroadcast v24, $0x0;
	v36 =	vmov v30;
	v24 =	vld [tilespmem:s26+$0x0];
	[tilespmem:s6+$0xFFFFFFE0] =	vst v29;
	s6 =	smov.u32 s24  }
0x338: {  	s28 =	sadd.s32 $0x3, s8;
	s8 =	sadd.s32 $0x4, s8;
	v30 =	vor.u32 v2, v25;
	v34 =	vmov v43;
	v29 =	vld [tilespmem:s26+$0xFFFFFFD0]  }
0x339: {  	_ =	sdelay $0x1  }
0x33a: {  	v45 =	vld [tilespmem:s26+$0xFFFFFFE0]  }
0x33b: {  	v46 =	vld [tilespmem:s26+$0xFFFFFFF0]  }
0x33c: {  	v43 =	vmov s28;
	v41 =	vld.idx.msk [tilespmem:v41+s21+$0x0], $0xffff  }
0x33d: {  	v42 =	vld.idx.msk [tilespmem:v42+s21+$0x0], $0xffff;
	v43 =	vand.u32 $0x3F, v43  }
0x33e: {  	v44 =	vor.u32 v2, v23;
	v30 =	vld.idx.msk [tilespmem:v30+s21+$0x0], $0xffff;
	v33 =	vadd.f32 v39, v33;
	s10 =	sadd.s32 $0x40, s26;
	v43 =	vbroadcast v43, $0x0  }
0x33f: {  	v27 =	vor.u32 v3, v27;
	v32 =	vadd.f32 v38, v32;
	v48 =	vld [tilespmem:s10+$0x0]  }
0x340: {  	v31 =	vadd.f32 v37, v31;
	v50 =	vld [tilespmem:s10+$0xFFFFFFD0];
	[tilespmem:s24+$0x0] =	vst v33;
	v47 =	vor.u32 v2, v43  }
0x341: {  	v51 =	vld [tilespmem:s10+$0xFFFFFFE0];
	[tilespmem:s24+$0xFFFFFFA0] =	vst v32;
	v40 =	vadd.f32 v40, v24  }
0x342: {  	s8 =	sadd.s32 $0x80, s24;
	v22 =	vor.u32 v3, v22;
	v53 =	vld [tilespmem:s10+$0xFFFFFFF0];
	[tilespmem:s6+$0xFFFFFFC0] =	vst v31;
	v49 =	vadd.f32 v35, v29  }
0x343: {  	v20 =	vor.u32 v3, v20;
	v44 =	vld.idx.msk [tilespmem:v44+s21+$0x0], $0xffff;
	[tilespmem:s8+$0xFFFFFFF0] =	vst v40;
	v31 =	vadd.f32 v36, v45  }
0x344: {  	v21 =	vor.u32 v3, v21;
	v26 =	vadd.f32 v41, v26;
	v27 =	vld.idx.msk [tilespmem:v27+s21+$0x0], $0xffff;
	[tilespmem:s8+$0xFFFFFF90] =	vst v49  }
0x345: {  	v28 =	vor.u32 v3, v28;
	v52 =	vadd.f32 v34, v46;
	[tilespmem:s8+$0xFFFFFFB0] =	vst v31;
	v47 =	vld.idx.msk [tilespmem:v47+s21+$0x0], $0xffff  }
0x346: {  	v25 =	vor.u32 v3, v25;
	[tilespmem:s6+$0xFFFFFFE0] =	vst v26;
	v26 =	vadd.f32 v42, v50  }
0x347: {  	v23 =	vor.u32 v3, v23;
	v30 =	vadd.f32 v30, v51;
	v22 =	vld.idx.msk [tilespmem:v22+s21+$0x0], $0xffff;
	[tilespmem:s8+$0xFFFFFFD0] =	vst v52;
	s6 =	sadd.s32 $0x80, s8  }
0x348: {  	v54 =	vor.u32 v3, v43;
	v20 =	vld.idx.msk [tilespmem:v20+s21+$0x0], $0xffff;
	[tilespmem:s6+$0xFFFFFF90] =	vst v26;
	v26 =	vadd.f32 v44, v53  }
0x349: {  	v21 =	vld.idx.msk [tilespmem:v21+s21+$0x0], $0xffff;
	[tilespmem:s6+$0xFFFFFFB0] =	vst v30;
	v24 =	vadd.f32 v27, v24  }
0x34a: {  	v27 =	vld.idx.msk [tilespmem:v28+s21+$0x0], $0xffff;
	[tilespmem:s6+$0xFFFFFFD0] =	vst v26;
	v31 =	vadd.f32 v47, v48  }
0x34b: {  	s26 =	simm.s32 $0x0;
	s24 =	simm.s32 $0x3;
	v28 =	vld.idx.msk [tilespmem:v25+s21+$0x0], $0xffff;
	[tilespmem:s8+$0x0] =	vst v24  }
0x34c: {  	s29 =	simm.s32 $0x1;
	v25 =	vmov s26;
	v22 =	vadd.f32 v22, v29;
	v26 =	vmov s24;
	v24 =	vld.idx.msk [tilespmem:v23+s21+$0x0], $0xffff;
	[tilespmem:s6+$0xFFFFFFF0] =	vst v31  }
0x34d: {  	v20 =	vadd.f32 v20, v46;
	v23 =	vand.u32 $0x3C, v25;
	v25 =	vmov s29;
	v31 =	vld.idx.msk [tilespmem:v54+s21+$0x0], $0xffff  }
0x34e: {  	v21 =	vadd.f32 v21, v45;
	[tilespmem:s8+$0xFFFFFFA0] =	vst v22;
	v23 =	vbroadcast v23, $0x0;
	v22 =	vand.u32 $0x3D, v25  }
0x34f: {  	v25 =	vbroadcast v22, $0x0;
	v22 =	vand.u32 $0x3F, v26;
	[tilespmem:s8+$0xFFFFFFE0] =	vst v20;
	v20 =	vadd.f32 v27, v50  }
0x350: {  	[tilespmem:s8+$0xFFFFFFC0] =	vst v21;
	v27 =	vor.u32 v4, v23;
	v26 =	vbroadcast v22, $0x0;
	v22 =	vadd.f32 v28, v51  }
0x351: {  	v28 =	vor.u32 v4, v25;
	[tilespmem:s6+$0xFFFFFFA0] =	vst v20;
	v20 =	vadd.f32 v24, v53  }
0x352: {  	v29 =	vor.u32 v4, v26;
	[tilespmem:s6+$0xFFFFFFC0] =	vst v22;
	v21 =	vadd.f32 v31, v48  }
0x353: {  	s26 =	simm.s32 $0x2;
	[tilespmem:s6+$0xFFFFFFE0] =	vst v20  }
0x354: {  	s29 =	simm.s32 $0x4;
	[tilespmem:s6+$0x0] =	vst v21;
	v21 =	vmov s26  }
0x355: {  	v20 =	vmov s29;
	v21 =	vand.u32 $0x3E, v21;
	v32 =	vld.idx.msk [tilespmem:v27+s21+$0x0], $0xffff  }
0x356: {  	v20 =	vand.u32 $0x3C, v20;
	v28 =	vld.idx.msk [tilespmem:v28+s21+$0x0], $0xffff;
	v24 =	vbroadcast v21, $0x0  }
0x357: {  	v22 =	vbroadcast v20, $0x0;
	v29 =	vld.idx.msk [tilespmem:v29+s21+$0x0], $0xffff  }
0x358: {  	s8 =	simm.s32 $0x5;
	v38 =	vld [tilespmem:s25+$0x0];
	v30 =	vor.u32 v4, v24  }
0x359: {  	s10 =	simm.s32 $0x6;
	v58 =	vor.u32 v5, v26;
	v55 =	vor.u32 v4, v22;
	s26 =	simm.s32 $0x9;
	v35 =	vld [tilespmem:s25+$0xFFFFFFD0];
	v21 =	vmov s8  }
0x35a: {  	s24 =	simm.s32 $0x7;
	v27 =	vmov s10;
	v34 =	vld [tilespmem:s25+$0xFFFFFFE0];
	v62 =	vmov s26;
	v20 =	vand.u32 $0x3D, v21  }
0x35b: {  	v31 =	vld [tilespmem:s25+$0xFFFFFFF0];
	s26 =	simm.s32 $0x4970;
	v21 =	vbroadcast v20, $0x0;
	v20 =	vand.u32 $0x3E, v27;
	v27 =	vmov s24  }
0x35c: {  	v59 =	vor.u32 v5, v23;
	v36 =	vld [tilespmem:s26+$0x0];
	v27 =	vand.u32 $0x3F, v27  }
0x35d: {  	v60 =	vor.u32 v5, v25;
	v33 =	vbroadcast v27, $0x0;
	v29 =	vadd.f32 v29, v38;
	v30 =	vld.idx.msk [tilespmem:v30+s21+$0x0], $0xffff  }
0x35e: {  	v44 =	vld [tilespmem:s26+$0xFFFFFFD0];
	v20 =	vbroadcast v20, $0x0;
	v56 =	vor.u32 v4, v21;
	v32 =	vadd.f32 v32, v35  }
0x35f: {  	s25 =	simm.s32 $0x8;
	v40 =	vld.idx.msk [tilespmem:v55+s21+$0x0], $0xffff;
	v28 =	vadd.f32 v28, v34;
	v61 =	vor.u32 v4, v33;
	[tilespmem:s23+$0xFFFFFFF0] =	vst v29  }
0x360: {  	v57 =	vor.u32 v4, v20;
	[tilespmem:s23+$0xFFFFFF90] =	vst v32;
	v29 =	vmov s25;
	v47 =	vld.idx.msk [tilespmem:v58+s21+$0x0], $0xffff  }
0x361: {  	s29 =	simm.s32 $0xA;
	[tilespmem:s23+$0xFFFFFFB0] =	vst v28;
	v48 =	vld.idx.msk [tilespmem:v59+s21+$0x0], $0xffff;
	v28 =	vand.u32 $0x3C, v29;
	v29 =	vand.u32 $0x3D, v62  }
0x362: {  	v50 =	vld.idx.msk [tilespmem:v60+s21+$0x0], $0xffff;
	v43 =	vbroadcast v28, $0x0;
	v63 =	vadd.f32 v30, v31;
	v30 =	vmov s29  }
0x363: {  	v51 =	vor.u32 v5, v24;
	v39 =	vbroadcast v29, $0x0;
	v41 =	vld.idx.msk [tilespmem:v56+s21+$0x0], $0xffff;
	v30 =	vand.u32 $0x3E, v30  }
0x364: {  	v52 =	vor.u32 v4, v43;
	v49 =	vld.idx.msk [tilespmem:v61+s21+$0x0], $0xffff;
	v32 =	vbroadcast v30, $0x0  }
0x365: {  	s28 =	simm.s32 $0xB;
	v46 =	vmovc v22;
	s6 =	simm.s32 $0x16970;
	s8 =	simm.s32 $0xC;
	v45 =	vmov v21;
	v42 =	vmov v20;
	v37 =	vld.idx.msk [tilespmem:v57+s21+$0x0], $0xffff;
	v53 =	vor.u32 v4, v39;
	[tilespmem:s23+$0xFFFFFFD0] =	vst v63  }
.LBB2_43:
0x366: {  	p0 =	slt.u32 s8, $0x3C;
	v54 =	vor.u32 v4, v32;
	v55 =	vmov s28;
	v56 =	vld [tilespmem:s26+$0xFFFFFFE0];
	v38 =	vadd.f32 v47, v38  }
0x367: {  	v57 =	vor.u32 v5, v33;
	v35 =	vadd.f32 v48, v35;
	v47 =	vand.u32 $0x3F, v55;
	v55 =	vld [tilespmem:s26+$0xFFFFFFF0]  }
0x368: {  	v48 =	vor.u32 v5, v46;
	s24 =	simm.s32 $0x17170;
	s25 =	simm.s32 $0x4D30;
	v33 =	vbroadcast v47, $0x0;
	v47 =	vadd.f32 v50, v34;
	v51 =	vld.idx.msk [tilespmem:v51+s21+$0x0], $0xffff;
	[tilespmem:s23+$0x0] =	vst v38  }
0x369: {  	v46 =	vmov v43;
	v50 =	vor.u32 v5, v45;
	v52 =	vld.idx.msk [tilespmem:v52+s21+$0x0], $0xffff;
	v58 =	vadd.f32 v49, v36;
	[tilespmem:s23+$0xFFFFFFA0] =	vst v35  }
0x36a: {  	v45 =	vmov v39;
	s23 =	sadd.s32 $0x80, s23;
	v53 =	vld.idx.msk [tilespmem:v53+s21+$0x0], $0xffff;
	v49 =	vor.u32 v4, v33;
	v40 =	vadd.f32 v40, v44;
	[tilespmem:s6+$0xFFFFFFC0] =	vst v47  }
0x36b: {  	v38 =	vmovc v36;
	v35 =	vmov v44;
	v54 =	vld.idx.msk [tilespmem:v54+s21+$0x0], $0xffff;
	v39 =	vadd.f32 v41, v56;
	[tilespmem:s23+$0xFFFFFFF0] =	vst v58;
	v34 =	vmov v56  }
0x36c: {  	s10 =	sadd.s32 $0x1, s8;
	s28 =	sadd.s32 $0x2, s8;
	v36 =	vmov s8;
	[tilespmem:s23+$0xFFFFFF90] =	vst v40;
	v37 =	vadd.f32 v37, v55;
	v47 =	vld.idx.msk [tilespmem:v57+s21+$0x0], $0xffff  }
.Ltmp22:
0x36d: {  	v44 =	vmov s10;
	v36 =	vand.u32 $0x3C, v36;
	v41 =	vmov s28;
	v48 =	vld.idx.msk [tilespmem:v48+s21+$0x0], $0xffff;
	[tilespmem:s23+$0xFFFFFFB0] =	vst v39;
	(pc) =	sbr.rel @p0 .LBB2_43-.Ltmp22, $4  }
0x36e: {  	v43 =	vbroadcast v36, $0x0;
	v36 =	vand.u32 $0x3D, v44;
	v56 =	vadd.f32 v51, v31;
	v31 =	vmovc v55;
	v50 =	vld.idx.msk [tilespmem:v50+s21+$0x0], $0xffff;
	[tilespmem:s23+$0xFFFFFFD0] =	vst v37  }
0x36f: {  	s26 =	sadd.s32 $0x40, s26;
	v39 =	vbroadcast v36, $0x0;
	v36 =	vand.u32 $0x3E, v41;
	v51 =	vor.u32 v5, v42;
	v42 =	vmovc v32;
	v40 =	vmovc v52;
	v49 =	vld.idx.msk [tilespmem:v49+s21+$0x0], $0xffff  }
0x370: {  	v52 =	vor.u32 v4, v43;
	v32 =	vbroadcast v36, $0x0;
	v41 =	vmov v53;
	v36 =	vld [tilespmem:s26+$0x0];
	[tilespmem:s6+$0xFFFFFFE0] =	vst v56;
	s6 =	smov.u32 s23  }
0x371: {  	s28 =	sadd.s32 $0x3, s8;
	s8 =	sadd.s32 $0x4, s8;
	v53 =	vor.u32 v4, v39;
	v37 =	vmov v54;
	v44 =	vld [tilespmem:s26+$0xFFFFFFD0]  }
0x372: {  	_ =	sdelay $0x1  }
0x373: {  	v54 =	vmov s28;
	v56 =	vld [tilespmem:s26+$0xFFFFFFE0]  }
0x374: {  	v57 =	vld [tilespmem:s26+$0xFFFFFFF0];
	v54 =	vand.u32 $0x3F, v54  }
0x375: {  	v55 =	vor.u32 v4, v32;
	v51 =	vld.idx.msk [tilespmem:v51+s21+$0x0], $0xffff;
	v54 =	vbroadcast v54, $0x0  }
0x376: {  	v52 =	vld.idx.msk [tilespmem:v52+s21+$0x0], $0xffff;
	v34 =	vadd.f32 v50, v34  }
0x377: {  	v38 =	vadd.f32 v47, v38;
	v47 =	vld.idx.msk [tilespmem:v53+s21+$0x0], $0xffff;
	s8 =	sadd.s32 $0x40, s26;
	v58 =	vor.u32 v4, v54  }
0x378: {  	v35 =	vadd.f32 v48, v35;
	[tilespmem:s6+$0xFFFFFFC0] =	vst v34;
	v34 =	vld [tilespmem:s8+$0xFFFFFFD0]  }
0x379: {  	v33 =	vor.u32 v5, v33;
	v53 =	vld [tilespmem:s8+$0xFFFFFFF0];
	[tilespmem:s23+$0x0] =	vst v38;
	v49 =	vadd.f32 v49, v36  }
0x37a: {  	v45 =	vor.u32 v5, v45;
	s10 =	sadd.s32 $0x80, s23;
	[tilespmem:s23+$0xFFFFFFA0] =	vst v35;
	v48 =	vld.idx.msk [tilespmem:v55+s21+$0x0], $0xffff;
	v41 =	vadd.f32 v41, v56  }
0x37b: {  	v42 =	vor.u32 v5, v42;
	v35 =	vld [tilespmem:s8+$0x0];
	[tilespmem:s10+$0xFFFFFFF0] =	vst v49;
	v31 =	vadd.f32 v51, v31  }
0x37c: {  	v46 =	vor.u32 v5, v46;
	v37 =	vadd.f32 v37, v57;
	[tilespmem:s10+$0xFFFFFFB0] =	vst v41;
	v63 =	vld.idx.msk [tilespmem:v58+s21+$0x0], $0xffff  }
0x37d: {  	v62 =	vor.u32 v5, v32;
	v49 =	vld [tilespmem:s8+$0xFFFFFFE0];
	[tilespmem:s6+$0xFFFFFFE0] =	vst v31;
	v31 =	vadd.f32 v52, v34  }
0x37e: {  	s29 =	sadd.s32 $0x80, s10;
	v40 =	vadd.f32 v40, v44;
	v33 =	vld.idx.msk [tilespmem:v33+s21+$0x0], $0xffff;
	[tilespmem:s10+$0xFFFFFFD0] =	vst v37;
	v58 =	vor.u32 v5, v43  }
0x37f: {  	v55 =	vor.u32 v5, v54;
	v61 =	vld.idx.msk [tilespmem:v45+s21+$0x0], $0xffff;
	[tilespmem:s29+$0xFFFFFF90] =	vst v31;
	v31 =	vadd.f32 v48, v53  }
0x380: {  	v60 =	vor.u32 v5, v39;
	[tilespmem:s10+$0xFFFFFF90] =	vst v40;
	v42 =	vld.idx.msk [tilespmem:v42+s21+$0x0], $0xffff  }
0x381: {  	v59 =	vld.idx.msk [tilespmem:v46+s21+$0x0], $0xffff;
	[tilespmem:s29+$0xFFFFFFD0] =	vst v31;
	v38 =	vadd.f32 v63, v35  }
0x382: {  	v32 =	vld.idx.msk [tilespmem:v62+s21+$0x0], $0xffff;
	v63 =	vadd.f32 v47, v49  }
0x383: {  	v33 =	vadd.f32 v33, v36;
	v46 =	vld.idx.msk [tilespmem:v58+s21+$0x0], $0xffff;
	[tilespmem:s29+$0xFFFFFFF0] =	vst v38  }
0x384: {  	v31 =	vadd.f32 v61, v56;
	[tilespmem:s29+$0xFFFFFFB0] =	vst v63;
	v38 =	vld.idx.msk [tilespmem:v55+s21+$0x0], $0xffff  }
0x385: {  	[tilespmem:s10+$0x0] =	vst v33;
	v48 =	vadd.f32 v42, v57;
	v37 =	vld.idx.msk [tilespmem:v60+s21+$0x0], $0xffff  }
0x386: {  	v47 =	vadd.f32 v59, v44;
	[tilespmem:s10+$0xFFFFFFC0] =	vst v31  }
0x387: {  	[tilespmem:s10+$0xFFFFFFE0] =	vst v48;
	v32 =	vadd.f32 v32, v53  }
0x388: {  	v51 =	vor.u32 v6, v23;
	[tilespmem:s10+$0xFFFFFFA0] =	vst v47;
	v50 =	vadd.f32 v46, v34  }
0x389: {  	v53 =	vor.u32 v6, v26;
	[tilespmem:s29+$0xFFFFFFE0] =	vst v32;
	v31 =	vadd.f32 v38, v35  }
0x38a: {  	[tilespmem:s29+$0xFFFFFFA0] =	vst v50;
	v52 =	vadd.f32 v37, v49  }
0x38b: {  	[tilespmem:s29+$0x0] =	vst v31  }
0x38c: {  	v54 =	vor.u32 v6, v24;
	[tilespmem:s29+$0xFFFFFFC0] =	vst v52  }
0x38d: {  	v31 =	vor.u32 v6, v25;
	v34 =	vld.idx.msk [tilespmem:v51+s21+$0x0], $0xffff  }
0x38e: {  	v56 =	vld.idx.msk [tilespmem:v53+s21+$0x0], $0xffff  }
0x38f: {  	v33 =	vld [tilespmem:s25+$0x0]  }
0x390: {  	v27 =	vbroadcast v27, $0x0;
	v57 =	vor.u32 v6, v22;
	v32 =	vld [tilespmem:s25+$0xFFFFFFD0]  }
0x391: {  	v58 =	vor.u32 v6, v21;
	v41 =	vld.idx.msk [tilespmem:v54+s21+$0x0], $0xffff  }
0x392: {  	v62 =	vor.u32 v6, v27;
	v55 =	vld.idx.msk [tilespmem:v31+s21+$0x0], $0xffff  }
0x393: {  	v59 =	vor.u32 v6, v20;
	v31 =	vld [tilespmem:s25+$0xFFFFFFE0]  }
0x394: {  	v60 =	vor.u32 v7, v26;
	v26 =	vld [tilespmem:s25+$0xFFFFFFF0]  }
0x395: {  	v23 =	vor.u32 v7, v23;
	v35 =	vld.idx.msk [tilespmem:v57+s21+$0x0], $0xffff  }
0x396: {  	v25 =	vor.u32 v7, v25;
	v36 =	vld.idx.msk [tilespmem:v58+s21+$0x0], $0xffff;
	v61 =	vadd.f32 v56, v33  }
0x397: {  	v40 =	vld.idx.msk [tilespmem:v62+s21+$0x0], $0xffff;
	v63 =	vadd.f32 v34, v32  }
0x398: {  	v34 =	vld.idx.msk [tilespmem:v59+s21+$0x0], $0xffff;
	[tilespmem:s24+$0xFFFFFFF0] =	vst v61;
	v37 =	vadd.f32 v55, v31  }
0x399: {  	[tilespmem:s24+$0xFFFFFF90] =	vst v63;
	v39 =	vld.idx.msk [tilespmem:v60+s21+$0x0], $0xffff  }
0x39a: {  	v28 =	vbroadcast v28, $0x0;
	v38 =	vld.idx.msk [tilespmem:v23+s21+$0x0], $0xffff;
	v23 =	vadd.f32 v41, v26;
	[tilespmem:s24+$0xFFFFFFB0] =	vst v37  }
0x39b: {  	s26 =	simm.s32 $0x4D70;
	v41 =	vor.u32 v7, v24;
	v37 =	vld.idx.msk [tilespmem:v25+s21+$0x0], $0xffff;
	v25 =	vbroadcast v29, $0x0  }
0x39c: {  	v42 =	vor.u32 v6, v28;
	v24 =	vld [tilespmem:s26+$0x0];
	[tilespmem:s24+$0xFFFFFFD0] =	vst v23;
	v23 =	vbroadcast v30, $0x0  }
0x39d: {  	s28 =	simm.s32 $0xB;
	s8 =	simm.s32 $0xC;
	s6 =	simm.s32 $0x17170;
	v29 =	vld [tilespmem:s26+$0xFFFFFFD0];
	v30 =	vor.u32 v6, v25  }
.LBB2_45:
0x39e: {  	p0 =	slt.u32 s8, $0x3C;
	v43 =	vor.u32 v6, v23;
	v44 =	vmov s28;
	v45 =	vld [tilespmem:s26+$0xFFFFFFE0];
	v33 =	vadd.f32 v39, v33  }
0x39f: {  	v46 =	vor.u32 v7, v27;
	v32 =	vadd.f32 v38, v32;
	v39 =	vand.u32 $0x3F, v44;
	v44 =	vld [tilespmem:s26+$0xFFFFFFF0]  }
0x3a0: {  	v38 =	vor.u32 v7, v22;
	s23 =	simm.s32 $0x17970;
	s25 =	simm.s32 $0x5130;
	v27 =	vbroadcast v39, $0x0;
	v39 =	vadd.f32 v37, v31;
	v41 =	vld.idx.msk [tilespmem:v41+s21+$0x0], $0xffff;
	[tilespmem:s24+$0x0] =	vst v33  }
0x3a1: {  	v22 =	vmov v28;
	v37 =	vor.u32 v7, v21;
	v42 =	vld.idx.msk [tilespmem:v42+s21+$0x0], $0xffff;
	v47 =	vadd.f32 v40, v24;
	[tilespmem:s24+$0xFFFFFFA0] =	vst v32  }
0x3a2: {  	v21 =	vmov v25;
	s24 =	sadd.s32 $0x80, s24;
	v30 =	vld.idx.msk [tilespmem:v30+s21+$0x0], $0xffff;
	v40 =	vor.u32 v6, v27;
	v28 =	vadd.f32 v35, v29;
	[tilespmem:s6+$0xFFFFFFC0] =	vst v39  }
0x3a3: {  	v33 =	vmovc v24;
	v32 =	vmov v29;
	v43 =	vld.idx.msk [tilespmem:v43+s21+$0x0], $0xffff;
	v25 =	vadd.f32 v36, v45;
	[tilespmem:s24+$0xFFFFFFF0] =	vst v47;
	v31 =	vmov v45  }
0x3a4: {  	s10 =	sadd.s32 $0x1, s8;
	s28 =	sadd.s32 $0x2, s8;
	v24 =	vmov s8;
	[tilespmem:s24+$0xFFFFFF90] =	vst v28;
	v29 =	vadd.f32 v34, v44;
	v39 =	vld.idx.msk [tilespmem:v46+s21+$0x0], $0xffff  }
.Ltmp23:
0x3a5: {  	v24 =	vand.u32 $0x3C, v24;
	v36 =	vmov s28;
	v34 =	vmov s10;
	v38 =	vld.idx.msk [tilespmem:v38+s21+$0x0], $0xffff;
	[tilespmem:s24+$0xFFFFFFB0] =	vst v25;
	(pc) =	sbr.rel @p0 .LBB2_45-.Ltmp23, $4  }
0x3a6: {  	v28 =	vbroadcast v24, $0x0;
	v24 =	vand.u32 $0x3D, v34;
	v37 =	vld.idx.msk [tilespmem:v37+s21+$0x0], $0xffff;
	[tilespmem:s24+$0xFFFFFFD0] =	vst v29;
	v29 =	vadd.f32 v41, v26;
	v26 =	vmovc v44  }
0x3a7: {  	s26 =	sadd.s32 $0x40, s26;
	v25 =	vbroadcast v24, $0x0;
	v24 =	vand.u32 $0x3E, v36;
	v41 =	vor.u32 v7, v20;
	v35 =	vmovc v42;
	v20 =	vmovc v23;
	v40 =	vld.idx.msk [tilespmem:v40+s21+$0x0], $0xffff  }
0x3a8: {  	v42 =	vor.u32 v6, v28;
	v23 =	vbroadcast v24, $0x0;
	v36 =	vmov v30;
	v24 =	vld [tilespmem:s26+$0x0];
	[tilespmem:s6+$0xFFFFFFE0] =	vst v29;
	s6 =	smov.u32 s24  }
0x3a9: {  	s28 =	sadd.s32 $0x3, s8;
	s8 =	sadd.s32 $0x4, s8;
	v30 =	vor.u32 v6, v25;
	v34 =	vmov v43;
	v29 =	vld [tilespmem:s26+$0xFFFFFFD0]  }
0x3aa: {  	_ =	sdelay $0x1  }
0x3ab: {  	v45 =	vld [tilespmem:s26+$0xFFFFFFE0]  }
0x3ac: {  	v46 =	vld [tilespmem:s26+$0xFFFFFFF0]  }
0x3ad: {  	v43 =	vmov s28;
	v41 =	vld.idx.msk [tilespmem:v41+s21+$0x0], $0xffff  }
0x3ae: {  	v42 =	vld.idx.msk [tilespmem:v42+s21+$0x0], $0xffff;
	v43 =	vand.u32 $0x3F, v43  }
0x3af: {  	v44 =	vor.u32 v6, v23;
	v30 =	vld.idx.msk [tilespmem:v30+s21+$0x0], $0xffff;
	v33 =	vadd.f32 v39, v33;
	s10 =	sadd.s32 $0x40, s26;
	v43 =	vbroadcast v43, $0x0  }
0x3b0: {  	v27 =	vor.u32 v7, v27;
	v32 =	vadd.f32 v38, v32;
	v48 =	vld [tilespmem:s10+$0x0]  }
0x3b1: {  	v31 =	vadd.f32 v37, v31;
	v50 =	vld [tilespmem:s10+$0xFFFFFFD0];
	[tilespmem:s24+$0x0] =	vst v33;
	v47 =	vor.u32 v6, v43  }
0x3b2: {  	v51 =	vld [tilespmem:s10+$0xFFFFFFE0];
	[tilespmem:s24+$0xFFFFFFA0] =	vst v32;
	v40 =	vadd.f32 v40, v24  }
0x3b3: {  	s8 =	sadd.s32 $0x80, s24;
	v22 =	vor.u32 v7, v22;
	v53 =	vld [tilespmem:s10+$0xFFFFFFF0];
	[tilespmem:s6+$0xFFFFFFC0] =	vst v31;
	v49 =	vadd.f32 v35, v29  }
0x3b4: {  	v20 =	vor.u32 v7, v20;
	v44 =	vld.idx.msk [tilespmem:v44+s21+$0x0], $0xffff;
	[tilespmem:s8+$0xFFFFFFF0] =	vst v40;
	v31 =	vadd.f32 v36, v45  }
0x3b5: {  	v21 =	vor.u32 v7, v21;
	v26 =	vadd.f32 v41, v26;
	v27 =	vld.idx.msk [tilespmem:v27+s21+$0x0], $0xffff;
	[tilespmem:s8+$0xFFFFFF90] =	vst v49  }
0x3b6: {  	v28 =	vor.u32 v7, v28;
	v52 =	vadd.f32 v34, v46;
	[tilespmem:s8+$0xFFFFFFB0] =	vst v31;
	v47 =	vld.idx.msk [tilespmem:v47+s21+$0x0], $0xffff  }
0x3b7: {  	v25 =	vor.u32 v7, v25;
	[tilespmem:s6+$0xFFFFFFE0] =	vst v26;
	v26 =	vadd.f32 v42, v50  }
0x3b8: {  	v23 =	vor.u32 v7, v23;
	v30 =	vadd.f32 v30, v51;
	v22 =	vld.idx.msk [tilespmem:v22+s21+$0x0], $0xffff;
	[tilespmem:s8+$0xFFFFFFD0] =	vst v52;
	s6 =	sadd.s32 $0x80, s8  }
0x3b9: {  	v54 =	vor.u32 v7, v43;
	v20 =	vld.idx.msk [tilespmem:v20+s21+$0x0], $0xffff;
	[tilespmem:s6+$0xFFFFFF90] =	vst v26;
	v26 =	vadd.f32 v44, v53  }
0x3ba: {  	v21 =	vld.idx.msk [tilespmem:v21+s21+$0x0], $0xffff;
	[tilespmem:s6+$0xFFFFFFB0] =	vst v30;
	v24 =	vadd.f32 v27, v24  }
0x3bb: {  	v27 =	vld.idx.msk [tilespmem:v28+s21+$0x0], $0xffff;
	[tilespmem:s6+$0xFFFFFFD0] =	vst v26;
	v31 =	vadd.f32 v47, v48  }
0x3bc: {  	s26 =	simm.s32 $0x0;
	s24 =	simm.s32 $0x3;
	v28 =	vld.idx.msk [tilespmem:v25+s21+$0x0], $0xffff;
	[tilespmem:s8+$0x0] =	vst v24  }
0x3bd: {  	s29 =	simm.s32 $0x1;
	v25 =	vmov s26;
	v22 =	vadd.f32 v22, v29;
	v26 =	vmov s24;
	v24 =	vld.idx.msk [tilespmem:v23+s21+$0x0], $0xffff;
	[tilespmem:s6+$0xFFFFFFF0] =	vst v31  }
0x3be: {  	v20 =	vadd.f32 v20, v46;
	v23 =	vand.u32 $0x3C, v25;
	v25 =	vmov s29;
	v31 =	vld.idx.msk [tilespmem:v54+s21+$0x0], $0xffff  }
0x3bf: {  	v21 =	vadd.f32 v21, v45;
	[tilespmem:s8+$0xFFFFFFA0] =	vst v22;
	v23 =	vbroadcast v23, $0x0;
	v22 =	vand.u32 $0x3D, v25  }
0x3c0: {  	v25 =	vbroadcast v22, $0x0;
	v22 =	vand.u32 $0x3F, v26;
	[tilespmem:s8+$0xFFFFFFE0] =	vst v20;
	v20 =	vadd.f32 v27, v50  }
0x3c1: {  	[tilespmem:s8+$0xFFFFFFC0] =	vst v21;
	v27 =	vor.u32 v8, v23;
	v26 =	vbroadcast v22, $0x0;
	v22 =	vadd.f32 v28, v51  }
0x3c2: {  	v28 =	vor.u32 v8, v25;
	[tilespmem:s6+$0xFFFFFFA0] =	vst v20;
	v20 =	vadd.f32 v24, v53  }
0x3c3: {  	v29 =	vor.u32 v8, v26;
	[tilespmem:s6+$0xFFFFFFC0] =	vst v22;
	v21 =	vadd.f32 v31, v48  }
0x3c4: {  	s26 =	simm.s32 $0x2;
	[tilespmem:s6+$0xFFFFFFE0] =	vst v20  }
0x3c5: {  	s29 =	simm.s32 $0x4;
	[tilespmem:s6+$0x0] =	vst v21;
	v21 =	vmov s26  }
0x3c6: {  	v20 =	vmov s29;
	v21 =	vand.u32 $0x3E, v21;
	v32 =	vld.idx.msk [tilespmem:v27+s21+$0x0], $0xffff  }
0x3c7: {  	v20 =	vand.u32 $0x3C, v20;
	v28 =	vld.idx.msk [tilespmem:v28+s21+$0x0], $0xffff;
	v24 =	vbroadcast v21, $0x0  }
0x3c8: {  	v22 =	vbroadcast v20, $0x0;
	v29 =	vld.idx.msk [tilespmem:v29+s21+$0x0], $0xffff  }
0x3c9: {  	s8 =	simm.s32 $0x5;
	v38 =	vld [tilespmem:s25+$0x0];
	v30 =	vor.u32 v8, v24  }
0x3ca: {  	s10 =	simm.s32 $0x6;
	v58 =	vor.u32 v9, v26;
	v55 =	vor.u32 v8, v22;
	s26 =	simm.s32 $0x9;
	v35 =	vld [tilespmem:s25+$0xFFFFFFD0];
	v21 =	vmov s8  }
0x3cb: {  	s24 =	simm.s32 $0x7;
	v27 =	vmov s10;
	v34 =	vld [tilespmem:s25+$0xFFFFFFE0];
	v62 =	vmov s26;
	v20 =	vand.u32 $0x3D, v21  }
0x3cc: {  	v31 =	vld [tilespmem:s25+$0xFFFFFFF0];
	s26 =	simm.s32 $0x5170;
	v21 =	vbroadcast v20, $0x0;
	v20 =	vand.u32 $0x3E, v27;
	v27 =	vmov s24  }
0x3cd: {  	v59 =	vor.u32 v9, v23;
	v36 =	vld [tilespmem:s26+$0x0];
	v27 =	vand.u32 $0x3F, v27  }
0x3ce: {  	v60 =	vor.u32 v9, v25;
	v33 =	vbroadcast v27, $0x0;
	v29 =	vadd.f32 v29, v38;
	v30 =	vld.idx.msk [tilespmem:v30+s21+$0x0], $0xffff  }
0x3cf: {  	v44 =	vld [tilespmem:s26+$0xFFFFFFD0];
	v20 =	vbroadcast v20, $0x0;
	v56 =	vor.u32 v8, v21;
	v32 =	vadd.f32 v32, v35  }
0x3d0: {  	s25 =	simm.s32 $0x8;
	v40 =	vld.idx.msk [tilespmem:v55+s21+$0x0], $0xffff;
	v28 =	vadd.f32 v28, v34;
	v61 =	vor.u32 v8, v33;
	[tilespmem:s23+$0xFFFFFFF0] =	vst v29  }
0x3d1: {  	v57 =	vor.u32 v8, v20;
	[tilespmem:s23+$0xFFFFFF90] =	vst v32;
	v29 =	vmov s25;
	v47 =	vld.idx.msk [tilespmem:v58+s21+$0x0], $0xffff  }
0x3d2: {  	s29 =	simm.s32 $0xA;
	[tilespmem:s23+$0xFFFFFFB0] =	vst v28;
	v48 =	vld.idx.msk [tilespmem:v59+s21+$0x0], $0xffff;
	v28 =	vand.u32 $0x3C, v29;
	v29 =	vand.u32 $0x3D, v62  }
0x3d3: {  	v50 =	vld.idx.msk [tilespmem:v60+s21+$0x0], $0xffff;
	v43 =	vbroadcast v28, $0x0;
	v63 =	vadd.f32 v30, v31;
	v30 =	vmov s29  }
0x3d4: {  	v51 =	vor.u32 v9, v24;
	v39 =	vbroadcast v29, $0x0;
	v41 =	vld.idx.msk [tilespmem:v56+s21+$0x0], $0xffff;
	v30 =	vand.u32 $0x3E, v30  }
0x3d5: {  	v52 =	vor.u32 v8, v43;
	v49 =	vld.idx.msk [tilespmem:v61+s21+$0x0], $0xffff;
	v32 =	vbroadcast v30, $0x0  }
0x3d6: {  	s28 =	simm.s32 $0xB;
	v46 =	vmovc v22;
	s6 =	simm.s32 $0x17970;
	s8 =	simm.s32 $0xC;
	v45 =	vmov v21;
	v42 =	vmov v20;
	v37 =	vld.idx.msk [tilespmem:v57+s21+$0x0], $0xffff;
	v53 =	vor.u32 v8, v39;
	[tilespmem:s23+$0xFFFFFFD0] =	vst v63  }
.LBB2_47:
0x3d7: {  	p0 =	slt.u32 s8, $0x3C;
	v54 =	vor.u32 v8, v32;
	v55 =	vmov s28;
	v56 =	vld [tilespmem:s26+$0xFFFFFFE0];
	v38 =	vadd.f32 v47, v38  }
0x3d8: {  	v57 =	vor.u32 v9, v33;
	v35 =	vadd.f32 v48, v35;
	v47 =	vand.u32 $0x3F, v55;
	v55 =	vld [tilespmem:s26+$0xFFFFFFF0]  }
0x3d9: {  	v48 =	vor.u32 v9, v46;
	s24 =	simm.s32 $0x18170;
	s25 =	simm.s32 $0x5530;
	v33 =	vbroadcast v47, $0x0;
	v47 =	vadd.f32 v50, v34;
	v51 =	vld.idx.msk [tilespmem:v51+s21+$0x0], $0xffff;
	[tilespmem:s23+$0x0] =	vst v38  }
0x3da: {  	v46 =	vmov v43;
	v50 =	vor.u32 v9, v45;
	v52 =	vld.idx.msk [tilespmem:v52+s21+$0x0], $0xffff;
	v58 =	vadd.f32 v49, v36;
	[tilespmem:s23+$0xFFFFFFA0] =	vst v35  }
0x3db: {  	v45 =	vmov v39;
	s23 =	sadd.s32 $0x80, s23;
	v53 =	vld.idx.msk [tilespmem:v53+s21+$0x0], $0xffff;
	v49 =	vor.u32 v8, v33;
	v40 =	vadd.f32 v40, v44;
	[tilespmem:s6+$0xFFFFFFC0] =	vst v47  }
0x3dc: {  	v38 =	vmovc v36;
	v35 =	vmov v44;
	v54 =	vld.idx.msk [tilespmem:v54+s21+$0x0], $0xffff;
	v39 =	vadd.f32 v41, v56;
	[tilespmem:s23+$0xFFFFFFF0] =	vst v58;
	v34 =	vmov v56  }
0x3dd: {  	s10 =	sadd.s32 $0x1, s8;
	s28 =	sadd.s32 $0x2, s8;
	v36 =	vmov s8;
	[tilespmem:s23+$0xFFFFFF90] =	vst v40;
	v37 =	vadd.f32 v37, v55;
	v47 =	vld.idx.msk [tilespmem:v57+s21+$0x0], $0xffff  }
.Ltmp24:
0x3de: {  	v44 =	vmov s10;
	v36 =	vand.u32 $0x3C, v36;
	v41 =	vmov s28;
	v48 =	vld.idx.msk [tilespmem:v48+s21+$0x0], $0xffff;
	[tilespmem:s23+$0xFFFFFFB0] =	vst v39;
	(pc) =	sbr.rel @p0 .LBB2_47-.Ltmp24, $4  }
0x3df: {  	v43 =	vbroadcast v36, $0x0;
	v36 =	vand.u32 $0x3D, v44;
	v56 =	vadd.f32 v51, v31;
	v31 =	vmovc v55;
	v50 =	vld.idx.msk [tilespmem:v50+s21+$0x0], $0xffff;
	[tilespmem:s23+$0xFFFFFFD0] =	vst v37  }
0x3e0: {  	s26 =	sadd.s32 $0x40, s26;
	v39 =	vbroadcast v36, $0x0;
	v36 =	vand.u32 $0x3E, v41;
	v51 =	vor.u32 v9, v42;
	v42 =	vmovc v32;
	v40 =	vmovc v52;
	v49 =	vld.idx.msk [tilespmem:v49+s21+$0x0], $0xffff  }
0x3e1: {  	v52 =	vor.u32 v8, v43;
	v32 =	vbroadcast v36, $0x0;
	v41 =	vmov v53;
	v36 =	vld [tilespmem:s26+$0x0];
	[tilespmem:s6+$0xFFFFFFE0] =	vst v56;
	s6 =	smov.u32 s23  }
0x3e2: {  	s28 =	sadd.s32 $0x3, s8;
	s8 =	sadd.s32 $0x4, s8;
	v53 =	vor.u32 v8, v39;
	v37 =	vmov v54;
	v44 =	vld [tilespmem:s26+$0xFFFFFFD0]  }
0x3e3: {  	_ =	sdelay $0x1  }
0x3e4: {  	v54 =	vmov s28;
	v56 =	vld [tilespmem:s26+$0xFFFFFFE0]  }
0x3e5: {  	v57 =	vld [tilespmem:s26+$0xFFFFFFF0];
	v54 =	vand.u32 $0x3F, v54  }
0x3e6: {  	v55 =	vor.u32 v8, v32;
	v51 =	vld.idx.msk [tilespmem:v51+s21+$0x0], $0xffff;
	v54 =	vbroadcast v54, $0x0  }
0x3e7: {  	v52 =	vld.idx.msk [tilespmem:v52+s21+$0x0], $0xffff;
	v34 =	vadd.f32 v50, v34  }
0x3e8: {  	v38 =	vadd.f32 v47, v38;
	v47 =	vld.idx.msk [tilespmem:v53+s21+$0x0], $0xffff;
	s8 =	sadd.s32 $0x40, s26;
	v58 =	vor.u32 v8, v54  }
0x3e9: {  	v35 =	vadd.f32 v48, v35;
	[tilespmem:s6+$0xFFFFFFC0] =	vst v34;
	v34 =	vld [tilespmem:s8+$0xFFFFFFD0]  }
0x3ea: {  	v33 =	vor.u32 v9, v33;
	v53 =	vld [tilespmem:s8+$0xFFFFFFF0];
	[tilespmem:s23+$0x0] =	vst v38;
	v49 =	vadd.f32 v49, v36  }
0x3eb: {  	v45 =	vor.u32 v9, v45;
	s10 =	sadd.s32 $0x80, s23;
	[tilespmem:s23+$0xFFFFFFA0] =	vst v35;
	v48 =	vld.idx.msk [tilespmem:v55+s21+$0x0], $0xffff;
	v41 =	vadd.f32 v41, v56  }
0x3ec: {  	v42 =	vor.u32 v9, v42;
	v35 =	vld [tilespmem:s8+$0x0];
	[tilespmem:s10+$0xFFFFFFF0] =	vst v49;
	v31 =	vadd.f32 v51, v31  }
0x3ed: {  	v46 =	vor.u32 v9, v46;
	v37 =	vadd.f32 v37, v57;
	[tilespmem:s10+$0xFFFFFFB0] =	vst v41;
	v63 =	vld.idx.msk [tilespmem:v58+s21+$0x0], $0xffff  }
0x3ee: {  	v62 =	vor.u32 v9, v32;
	v49 =	vld [tilespmem:s8+$0xFFFFFFE0];
	[tilespmem:s6+$0xFFFFFFE0] =	vst v31;
	v31 =	vadd.f32 v52, v34  }
0x3ef: {  	s29 =	sadd.s32 $0x80, s10;
	v40 =	vadd.f32 v40, v44;
	v33 =	vld.idx.msk [tilespmem:v33+s21+$0x0], $0xffff;
	[tilespmem:s10+$0xFFFFFFD0] =	vst v37;
	v58 =	vor.u32 v9, v43  }
0x3f0: {  	v55 =	vor.u32 v9, v54;
	v61 =	vld.idx.msk [tilespmem:v45+s21+$0x0], $0xffff;
	[tilespmem:s29+$0xFFFFFF90] =	vst v31;
	v31 =	vadd.f32 v48, v53  }
0x3f1: {  	v60 =	vor.u32 v9, v39;
	[tilespmem:s10+$0xFFFFFF90] =	vst v40;
	v42 =	vld.idx.msk [tilespmem:v42+s21+$0x0], $0xffff  }
0x3f2: {  	v59 =	vld.idx.msk [tilespmem:v46+s21+$0x0], $0xffff;
	[tilespmem:s29+$0xFFFFFFD0] =	vst v31;
	v38 =	vadd.f32 v63, v35  }
0x3f3: {  	v32 =	vld.idx.msk [tilespmem:v62+s21+$0x0], $0xffff;
	v63 =	vadd.f32 v47, v49  }
0x3f4: {  	v33 =	vadd.f32 v33, v36;
	v46 =	vld.idx.msk [tilespmem:v58+s21+$0x0], $0xffff;
	[tilespmem:s29+$0xFFFFFFF0] =	vst v38  }
0x3f5: {  	v31 =	vadd.f32 v61, v56;
	[tilespmem:s29+$0xFFFFFFB0] =	vst v63;
	v38 =	vld.idx.msk [tilespmem:v55+s21+$0x0], $0xffff  }
0x3f6: {  	[tilespmem:s10+$0x0] =	vst v33;
	v48 =	vadd.f32 v42, v57;
	v37 =	vld.idx.msk [tilespmem:v60+s21+$0x0], $0xffff  }
0x3f7: {  	v47 =	vadd.f32 v59, v44;
	[tilespmem:s10+$0xFFFFFFC0] =	vst v31  }
0x3f8: {  	[tilespmem:s10+$0xFFFFFFE0] =	vst v48;
	v32 =	vadd.f32 v32, v53  }
0x3f9: {  	v51 =	vor.u32 v10, v23;
	[tilespmem:s10+$0xFFFFFFA0] =	vst v47;
	v50 =	vadd.f32 v46, v34  }
0x3fa: {  	v53 =	vor.u32 v10, v26;
	[tilespmem:s29+$0xFFFFFFE0] =	vst v32;
	v31 =	vadd.f32 v38, v35  }
0x3fb: {  	[tilespmem:s29+$0xFFFFFFA0] =	vst v50;
	v52 =	vadd.f32 v37, v49  }
0x3fc: {  	[tilespmem:s29+$0x0] =	vst v31  }
0x3fd: {  	v54 =	vor.u32 v10, v24;
	[tilespmem:s29+$0xFFFFFFC0] =	vst v52  }
0x3fe: {  	v31 =	vor.u32 v10, v25;
	v34 =	vld.idx.msk [tilespmem:v51+s21+$0x0], $0xffff  }
0x3ff: {  	v56 =	vld.idx.msk [tilespmem:v53+s21+$0x0], $0xffff  }
0x400: {  	v33 =	vld [tilespmem:s25+$0x0]  }
0x401: {  	v27 =	vbroadcast v27, $0x0;
	v57 =	vor.u32 v10, v22;
	v32 =	vld [tilespmem:s25+$0xFFFFFFD0]  }
0x402: {  	v58 =	vor.u32 v10, v21;
	v41 =	vld.idx.msk [tilespmem:v54+s21+$0x0], $0xffff  }
0x403: {  	v62 =	vor.u32 v10, v27;
	v55 =	vld.idx.msk [tilespmem:v31+s21+$0x0], $0xffff  }
0x404: {  	v59 =	vor.u32 v10, v20;
	v31 =	vld [tilespmem:s25+$0xFFFFFFE0]  }
0x405: {  	v60 =	vor.u32 v11, v26;
	v26 =	vld [tilespmem:s25+$0xFFFFFFF0]  }
0x406: {  	v23 =	vor.u32 v11, v23;
	v35 =	vld.idx.msk [tilespmem:v57+s21+$0x0], $0xffff  }
0x407: {  	v25 =	vor.u32 v11, v25;
	v36 =	vld.idx.msk [tilespmem:v58+s21+$0x0], $0xffff;
	v61 =	vadd.f32 v56, v33  }
0x408: {  	v40 =	vld.idx.msk [tilespmem:v62+s21+$0x0], $0xffff;
	v63 =	vadd.f32 v34, v32  }
0x409: {  	v34 =	vld.idx.msk [tilespmem:v59+s21+$0x0], $0xffff;
	[tilespmem:s24+$0xFFFFFFF0] =	vst v61;
	v37 =	vadd.f32 v55, v31  }
0x40a: {  	[tilespmem:s24+$0xFFFFFF90] =	vst v63;
	v39 =	vld.idx.msk [tilespmem:v60+s21+$0x0], $0xffff  }
0x40b: {  	v28 =	vbroadcast v28, $0x0;
	v38 =	vld.idx.msk [tilespmem:v23+s21+$0x0], $0xffff;
	v23 =	vadd.f32 v41, v26;
	[tilespmem:s24+$0xFFFFFFB0] =	vst v37  }
0x40c: {  	s26 =	simm.s32 $0x5570;
	v41 =	vor.u32 v11, v24;
	v37 =	vld.idx.msk [tilespmem:v25+s21+$0x0], $0xffff;
	v25 =	vbroadcast v29, $0x0  }
0x40d: {  	v42 =	vor.u32 v10, v28;
	v24 =	vld [tilespmem:s26+$0x0];
	[tilespmem:s24+$0xFFFFFFD0] =	vst v23;
	v23 =	vbroadcast v30, $0x0  }
0x40e: {  	s28 =	simm.s32 $0xB;
	s8 =	simm.s32 $0xC;
	s6 =	simm.s32 $0x18170;
	v29 =	vld [tilespmem:s26+$0xFFFFFFD0];
	v30 =	vor.u32 v10, v25  }
.LBB2_49:
0x40f: {  	p0 =	slt.u32 s8, $0x3C;
	v43 =	vor.u32 v10, v23;
	v44 =	vmov s28;
	v45 =	vld [tilespmem:s26+$0xFFFFFFE0];
	v33 =	vadd.f32 v39, v33  }
0x410: {  	v46 =	vor.u32 v11, v27;
	v32 =	vadd.f32 v38, v32;
	v39 =	vand.u32 $0x3F, v44;
	v44 =	vld [tilespmem:s26+$0xFFFFFFF0]  }
0x411: {  	v38 =	vor.u32 v11, v22;
	s23 =	simm.s32 $0x18970;
	s25 =	simm.s32 $0x5930;
	v27 =	vbroadcast v39, $0x0;
	v39 =	vadd.f32 v37, v31;
	v41 =	vld.idx.msk [tilespmem:v41+s21+$0x0], $0xffff;
	[tilespmem:s24+$0x0] =	vst v33  }
0x412: {  	v22 =	vmov v28;
	v37 =	vor.u32 v11, v21;
	v42 =	vld.idx.msk [tilespmem:v42+s21+$0x0], $0xffff;
	v47 =	vadd.f32 v40, v24;
	[tilespmem:s24+$0xFFFFFFA0] =	vst v32  }
0x413: {  	v21 =	vmov v25;
	s24 =	sadd.s32 $0x80, s24;
	v30 =	vld.idx.msk [tilespmem:v30+s21+$0x0], $0xffff;
	v40 =	vor.u32 v10, v27;
	v28 =	vadd.f32 v35, v29;
	[tilespmem:s6+$0xFFFFFFC0] =	vst v39  }
0x414: {  	v33 =	vmovc v24;
	v32 =	vmov v29;
	v43 =	vld.idx.msk [tilespmem:v43+s21+$0x0], $0xffff;
	v25 =	vadd.f32 v36, v45;
	[tilespmem:s24+$0xFFFFFFF0] =	vst v47;
	v31 =	vmov v45  }
0x415: {  	s10 =	sadd.s32 $0x1, s8;
	s28 =	sadd.s32 $0x2, s8;
	v24 =	vmov s8;
	[tilespmem:s24+$0xFFFFFF90] =	vst v28;
	v29 =	vadd.f32 v34, v44;
	v39 =	vld.idx.msk [tilespmem:v46+s21+$0x0], $0xffff  }
.Ltmp25:
0x416: {  	v24 =	vand.u32 $0x3C, v24;
	v36 =	vmov s28;
	v34 =	vmov s10;
	v38 =	vld.idx.msk [tilespmem:v38+s21+$0x0], $0xffff;
	[tilespmem:s24+$0xFFFFFFB0] =	vst v25;
	(pc) =	sbr.rel @p0 .LBB2_49-.Ltmp25, $4  }
0x417: {  	v28 =	vbroadcast v24, $0x0;
	v24 =	vand.u32 $0x3D, v34;
	v37 =	vld.idx.msk [tilespmem:v37+s21+$0x0], $0xffff;
	[tilespmem:s24+$0xFFFFFFD0] =	vst v29;
	v29 =	vadd.f32 v41, v26;
	v26 =	vmovc v44  }
0x418: {  	s26 =	sadd.s32 $0x40, s26;
	v25 =	vbroadcast v24, $0x0;
	v24 =	vand.u32 $0x3E, v36;
	v41 =	vor.u32 v11, v20;
	v35 =	vmovc v42;
	v20 =	vmovc v23;
	v40 =	vld.idx.msk [tilespmem:v40+s21+$0x0], $0xffff  }
0x419: {  	v42 =	vor.u32 v10, v28;
	v23 =	vbroadcast v24, $0x0;
	v36 =	vmov v30;
	v24 =	vld [tilespmem:s26+$0x0];
	[tilespmem:s6+$0xFFFFFFE0] =	vst v29;
	s6 =	smov.u32 s24  }
0x41a: {  	s28 =	sadd.s32 $0x3, s8;
	s8 =	sadd.s32 $0x4, s8;
	v30 =	vor.u32 v10, v25;
	v34 =	vmov v43;
	v29 =	vld [tilespmem:s26+$0xFFFFFFD0]  }
0x41b: {  	_ =	sdelay $0x1  }
0x41c: {  	v45 =	vld [tilespmem:s26+$0xFFFFFFE0]  }
0x41d: {  	v46 =	vld [tilespmem:s26+$0xFFFFFFF0]  }
0x41e: {  	v43 =	vmov s28;
	v41 =	vld.idx.msk [tilespmem:v41+s21+$0x0], $0xffff  }
0x41f: {  	v42 =	vld.idx.msk [tilespmem:v42+s21+$0x0], $0xffff;
	v43 =	vand.u32 $0x3F, v43  }
0x420: {  	v44 =	vor.u32 v10, v23;
	v30 =	vld.idx.msk [tilespmem:v30+s21+$0x0], $0xffff;
	v33 =	vadd.f32 v39, v33;
	s10 =	sadd.s32 $0x40, s26;
	v43 =	vbroadcast v43, $0x0  }
0x421: {  	v27 =	vor.u32 v11, v27;
	v32 =	vadd.f32 v38, v32;
	v48 =	vld [tilespmem:s10+$0x0]  }
0x422: {  	v31 =	vadd.f32 v37, v31;
	v50 =	vld [tilespmem:s10+$0xFFFFFFD0];
	[tilespmem:s24+$0x0] =	vst v33;
	v47 =	vor.u32 v10, v43  }
0x423: {  	v51 =	vld [tilespmem:s10+$0xFFFFFFE0];
	[tilespmem:s24+$0xFFFFFFA0] =	vst v32;
	v40 =	vadd.f32 v40, v24  }
0x424: {  	s8 =	sadd.s32 $0x80, s24;
	v22 =	vor.u32 v11, v22;
	v53 =	vld [tilespmem:s10+$0xFFFFFFF0];
	[tilespmem:s6+$0xFFFFFFC0] =	vst v31;
	v49 =	vadd.f32 v35, v29  }
0x425: {  	v20 =	vor.u32 v11, v20;
	v44 =	vld.idx.msk [tilespmem:v44+s21+$0x0], $0xffff;
	[tilespmem:s8+$0xFFFFFFF0] =	vst v40;
	v31 =	vadd.f32 v36, v45  }
0x426: {  	v21 =	vor.u32 v11, v21;
	v26 =	vadd.f32 v41, v26;
	v27 =	vld.idx.msk [tilespmem:v27+s21+$0x0], $0xffff;
	[tilespmem:s8+$0xFFFFFF90] =	vst v49  }
0x427: {  	v28 =	vor.u32 v11, v28;
	v52 =	vadd.f32 v34, v46;
	[tilespmem:s8+$0xFFFFFFB0] =	vst v31;
	v47 =	vld.idx.msk [tilespmem:v47+s21+$0x0], $0xffff  }
0x428: {  	v25 =	vor.u32 v11, v25;
	[tilespmem:s6+$0xFFFFFFE0] =	vst v26;
	v26 =	vadd.f32 v42, v50  }
0x429: {  	v23 =	vor.u32 v11, v23;
	v30 =	vadd.f32 v30, v51;
	v22 =	vld.idx.msk [tilespmem:v22+s21+$0x0], $0xffff;
	[tilespmem:s8+$0xFFFFFFD0] =	vst v52;
	s6 =	sadd.s32 $0x80, s8  }
0x42a: {  	v54 =	vor.u32 v11, v43;
	v20 =	vld.idx.msk [tilespmem:v20+s21+$0x0], $0xffff;
	[tilespmem:s6+$0xFFFFFF90] =	vst v26;
	v26 =	vadd.f32 v44, v53  }
0x42b: {  	v21 =	vld.idx.msk [tilespmem:v21+s21+$0x0], $0xffff;
	[tilespmem:s6+$0xFFFFFFB0] =	vst v30;
	v24 =	vadd.f32 v27, v24  }
0x42c: {  	v27 =	vld.idx.msk [tilespmem:v28+s21+$0x0], $0xffff;
	[tilespmem:s6+$0xFFFFFFD0] =	vst v26;
	v31 =	vadd.f32 v47, v48  }
0x42d: {  	s26 =	simm.s32 $0x0;
	s24 =	simm.s32 $0x3;
	v28 =	vld.idx.msk [tilespmem:v25+s21+$0x0], $0xffff;
	[tilespmem:s8+$0x0] =	vst v24  }
0x42e: {  	s29 =	simm.s32 $0x1;
	v25 =	vmov s26;
	v22 =	vadd.f32 v22, v29;
	v26 =	vmov s24;
	v24 =	vld.idx.msk [tilespmem:v23+s21+$0x0], $0xffff;
	[tilespmem:s6+$0xFFFFFFF0] =	vst v31  }
0x42f: {  	v20 =	vadd.f32 v20, v46;
	v23 =	vand.u32 $0x3C, v25;
	v25 =	vmov s29;
	v31 =	vld.idx.msk [tilespmem:v54+s21+$0x0], $0xffff  }
0x430: {  	v21 =	vadd.f32 v21, v45;
	[tilespmem:s8+$0xFFFFFFA0] =	vst v22;
	v23 =	vbroadcast v23, $0x0;
	v22 =	vand.u32 $0x3D, v25  }
0x431: {  	v25 =	vbroadcast v22, $0x0;
	v22 =	vand.u32 $0x3F, v26;
	[tilespmem:s8+$0xFFFFFFE0] =	vst v20;
	v20 =	vadd.f32 v27, v50  }
0x432: {  	[tilespmem:s8+$0xFFFFFFC0] =	vst v21;
	v27 =	vor.u32 v12, v23;
	v26 =	vbroadcast v22, $0x0;
	v22 =	vadd.f32 v28, v51  }
0x433: {  	v28 =	vor.u32 v12, v25;
	[tilespmem:s6+$0xFFFFFFA0] =	vst v20;
	v20 =	vadd.f32 v24, v53  }
0x434: {  	v29 =	vor.u32 v12, v26;
	[tilespmem:s6+$0xFFFFFFC0] =	vst v22;
	v21 =	vadd.f32 v31, v48  }
0x435: {  	s26 =	simm.s32 $0x2;
	[tilespmem:s6+$0xFFFFFFE0] =	vst v20  }
0x436: {  	s29 =	simm.s32 $0x4;
	[tilespmem:s6+$0x0] =	vst v21;
	v21 =	vmov s26  }
0x437: {  	v20 =	vmov s29;
	v21 =	vand.u32 $0x3E, v21;
	v32 =	vld.idx.msk [tilespmem:v27+s21+$0x0], $0xffff  }
0x438: {  	v20 =	vand.u32 $0x3C, v20;
	v28 =	vld.idx.msk [tilespmem:v28+s21+$0x0], $0xffff;
	v24 =	vbroadcast v21, $0x0  }
0x439: {  	v22 =	vbroadcast v20, $0x0;
	v29 =	vld.idx.msk [tilespmem:v29+s21+$0x0], $0xffff  }
0x43a: {  	s8 =	simm.s32 $0x5;
	v38 =	vld [tilespmem:s25+$0x0];
	v30 =	vor.u32 v12, v24  }
0x43b: {  	s10 =	simm.s32 $0x6;
	v58 =	vor.u32 v13, v26;
	v55 =	vor.u32 v12, v22;
	s26 =	simm.s32 $0x9;
	v35 =	vld [tilespmem:s25+$0xFFFFFFD0];
	v21 =	vmov s8  }
0x43c: {  	s24 =	simm.s32 $0x7;
	v27 =	vmov s10;
	v34 =	vld [tilespmem:s25+$0xFFFFFFE0];
	v62 =	vmov s26;
	v20 =	vand.u32 $0x3D, v21  }
0x43d: {  	v31 =	vld [tilespmem:s25+$0xFFFFFFF0];
	s26 =	simm.s32 $0x5970;
	v21 =	vbroadcast v20, $0x0;
	v20 =	vand.u32 $0x3E, v27;
	v27 =	vmov s24  }
0x43e: {  	v59 =	vor.u32 v13, v23;
	v36 =	vld [tilespmem:s26+$0x0];
	v27 =	vand.u32 $0x3F, v27  }
0x43f: {  	v60 =	vor.u32 v13, v25;
	v33 =	vbroadcast v27, $0x0;
	v29 =	vadd.f32 v29, v38;
	v30 =	vld.idx.msk [tilespmem:v30+s21+$0x0], $0xffff  }
0x440: {  	v44 =	vld [tilespmem:s26+$0xFFFFFFD0];
	v20 =	vbroadcast v20, $0x0;
	v56 =	vor.u32 v12, v21;
	v32 =	vadd.f32 v32, v35  }
0x441: {  	s25 =	simm.s32 $0x8;
	v40 =	vld.idx.msk [tilespmem:v55+s21+$0x0], $0xffff;
	v28 =	vadd.f32 v28, v34;
	v61 =	vor.u32 v12, v33;
	[tilespmem:s23+$0xFFFFFFF0] =	vst v29  }
0x442: {  	v57 =	vor.u32 v12, v20;
	[tilespmem:s23+$0xFFFFFF90] =	vst v32;
	v29 =	vmov s25;
	v47 =	vld.idx.msk [tilespmem:v58+s21+$0x0], $0xffff  }
0x443: {  	s29 =	simm.s32 $0xA;
	[tilespmem:s23+$0xFFFFFFB0] =	vst v28;
	v48 =	vld.idx.msk [tilespmem:v59+s21+$0x0], $0xffff;
	v28 =	vand.u32 $0x3C, v29;
	v29 =	vand.u32 $0x3D, v62  }
0x444: {  	v50 =	vld.idx.msk [tilespmem:v60+s21+$0x0], $0xffff;
	v43 =	vbroadcast v28, $0x0;
	v63 =	vadd.f32 v30, v31;
	v30 =	vmov s29  }
0x445: {  	v51 =	vor.u32 v13, v24;
	v39 =	vbroadcast v29, $0x0;
	v41 =	vld.idx.msk [tilespmem:v56+s21+$0x0], $0xffff;
	v30 =	vand.u32 $0x3E, v30  }
0x446: {  	v52 =	vor.u32 v12, v43;
	v49 =	vld.idx.msk [tilespmem:v61+s21+$0x0], $0xffff;
	v32 =	vbroadcast v30, $0x0  }
0x447: {  	s28 =	simm.s32 $0xB;
	v46 =	vmovc v22;
	s6 =	simm.s32 $0x18970;
	s8 =	simm.s32 $0xC;
	v45 =	vmov v21;
	v42 =	vmov v20;
	v37 =	vld.idx.msk [tilespmem:v57+s21+$0x0], $0xffff;
	v53 =	vor.u32 v12, v39;
	[tilespmem:s23+$0xFFFFFFD0] =	vst v63  }
.LBB2_51:
0x448: {  	p0 =	slt.u32 s8, $0x3C;
	v54 =	vor.u32 v12, v32;
	v55 =	vmov s28;
	v56 =	vld [tilespmem:s26+$0xFFFFFFE0];
	v38 =	vadd.f32 v47, v38  }
0x449: {  	v57 =	vor.u32 v13, v33;
	v35 =	vadd.f32 v48, v35;
	v47 =	vand.u32 $0x3F, v55;
	v55 =	vld [tilespmem:s26+$0xFFFFFFF0]  }
0x44a: {  	v48 =	vor.u32 v13, v46;
	s24 =	simm.s32 $0x19170;
	s25 =	simm.s32 $0x5D30;
	v33 =	vbroadcast v47, $0x0;
	v47 =	vadd.f32 v50, v34;
	v51 =	vld.idx.msk [tilespmem:v51+s21+$0x0], $0xffff;
	[tilespmem:s23+$0x0] =	vst v38  }
0x44b: {  	v46 =	vmov v43;
	v50 =	vor.u32 v13, v45;
	v52 =	vld.idx.msk [tilespmem:v52+s21+$0x0], $0xffff;
	v58 =	vadd.f32 v49, v36;
	[tilespmem:s23+$0xFFFFFFA0] =	vst v35  }
0x44c: {  	v45 =	vmov v39;
	s23 =	sadd.s32 $0x80, s23;
	v53 =	vld.idx.msk [tilespmem:v53+s21+$0x0], $0xffff;
	v49 =	vor.u32 v12, v33;
	v40 =	vadd.f32 v40, v44;
	[tilespmem:s6+$0xFFFFFFC0] =	vst v47  }
0x44d: {  	v38 =	vmovc v36;
	v35 =	vmov v44;
	v54 =	vld.idx.msk [tilespmem:v54+s21+$0x0], $0xffff;
	v39 =	vadd.f32 v41, v56;
	[tilespmem:s23+$0xFFFFFFF0] =	vst v58;
	v34 =	vmov v56  }
0x44e: {  	s10 =	sadd.s32 $0x1, s8;
	s28 =	sadd.s32 $0x2, s8;
	v36 =	vmov s8;
	[tilespmem:s23+$0xFFFFFF90] =	vst v40;
	v37 =	vadd.f32 v37, v55;
	v47 =	vld.idx.msk [tilespmem:v57+s21+$0x0], $0xffff  }
.Ltmp26:
0x44f: {  	v44 =	vmov s10;
	v36 =	vand.u32 $0x3C, v36;
	v41 =	vmov s28;
	v48 =	vld.idx.msk [tilespmem:v48+s21+$0x0], $0xffff;
	[tilespmem:s23+$0xFFFFFFB0] =	vst v39;
	(pc) =	sbr.rel @p0 .LBB2_51-.Ltmp26, $4  }
0x450: {  	v43 =	vbroadcast v36, $0x0;
	v36 =	vand.u32 $0x3D, v44;
	v56 =	vadd.f32 v51, v31;
	v31 =	vmovc v55;
	v50 =	vld.idx.msk [tilespmem:v50+s21+$0x0], $0xffff;
	[tilespmem:s23+$0xFFFFFFD0] =	vst v37  }
0x451: {  	s26 =	sadd.s32 $0x40, s26;
	v39 =	vbroadcast v36, $0x0;
	v36 =	vand.u32 $0x3E, v41;
	v51 =	vor.u32 v13, v42;
	v42 =	vmovc v32;
	v40 =	vmovc v52;
	v49 =	vld.idx.msk [tilespmem:v49+s21+$0x0], $0xffff  }
0x452: {  	v52 =	vor.u32 v12, v43;
	v32 =	vbroadcast v36, $0x0;
	v41 =	vmov v53;
	v36 =	vld [tilespmem:s26+$0x0];
	[tilespmem:s6+$0xFFFFFFE0] =	vst v56;
	s6 =	smov.u32 s23  }
0x453: {  	s28 =	sadd.s32 $0x3, s8;
	s8 =	sadd.s32 $0x4, s8;
	v53 =	vor.u32 v12, v39;
	v37 =	vmov v54;
	v44 =	vld [tilespmem:s26+$0xFFFFFFD0]  }
0x454: {  	_ =	sdelay $0x1  }
0x455: {  	v54 =	vmov s28;
	v56 =	vld [tilespmem:s26+$0xFFFFFFE0]  }
0x456: {  	v57 =	vld [tilespmem:s26+$0xFFFFFFF0];
	v54 =	vand.u32 $0x3F, v54  }
0x457: {  	v55 =	vor.u32 v12, v32;
	v51 =	vld.idx.msk [tilespmem:v51+s21+$0x0], $0xffff;
	v54 =	vbroadcast v54, $0x0  }
0x458: {  	v52 =	vld.idx.msk [tilespmem:v52+s21+$0x0], $0xffff;
	v34 =	vadd.f32 v50, v34  }
0x459: {  	v38 =	vadd.f32 v47, v38;
	v47 =	vld.idx.msk [tilespmem:v53+s21+$0x0], $0xffff;
	s8 =	sadd.s32 $0x40, s26;
	v58 =	vor.u32 v12, v54  }
0x45a: {  	v35 =	vadd.f32 v48, v35;
	[tilespmem:s6+$0xFFFFFFC0] =	vst v34;
	v34 =	vld [tilespmem:s8+$0xFFFFFFD0]  }
0x45b: {  	v33 =	vor.u32 v13, v33;
	v53 =	vld [tilespmem:s8+$0xFFFFFFF0];
	[tilespmem:s23+$0x0] =	vst v38;
	v49 =	vadd.f32 v49, v36  }
0x45c: {  	v45 =	vor.u32 v13, v45;
	s10 =	sadd.s32 $0x80, s23;
	[tilespmem:s23+$0xFFFFFFA0] =	vst v35;
	v48 =	vld.idx.msk [tilespmem:v55+s21+$0x0], $0xffff;
	v41 =	vadd.f32 v41, v56  }
0x45d: {  	v42 =	vor.u32 v13, v42;
	v35 =	vld [tilespmem:s8+$0x0];
	[tilespmem:s10+$0xFFFFFFF0] =	vst v49;
	v31 =	vadd.f32 v51, v31  }
0x45e: {  	v46 =	vor.u32 v13, v46;
	v37 =	vadd.f32 v37, v57;
	[tilespmem:s10+$0xFFFFFFB0] =	vst v41;
	v63 =	vld.idx.msk [tilespmem:v58+s21+$0x0], $0xffff  }
0x45f: {  	v62 =	vor.u32 v13, v32;
	v49 =	vld [tilespmem:s8+$0xFFFFFFE0];
	[tilespmem:s6+$0xFFFFFFE0] =	vst v31;
	v31 =	vadd.f32 v52, v34  }
0x460: {  	s29 =	sadd.s32 $0x80, s10;
	v40 =	vadd.f32 v40, v44;
	v33 =	vld.idx.msk [tilespmem:v33+s21+$0x0], $0xffff;
	[tilespmem:s10+$0xFFFFFFD0] =	vst v37;
	v58 =	vor.u32 v13, v43  }
0x461: {  	v55 =	vor.u32 v13, v54;
	v61 =	vld.idx.msk [tilespmem:v45+s21+$0x0], $0xffff;
	[tilespmem:s29+$0xFFFFFF90] =	vst v31;
	v31 =	vadd.f32 v48, v53  }
0x462: {  	v60 =	vor.u32 v13, v39;
	[tilespmem:s10+$0xFFFFFF90] =	vst v40;
	v42 =	vld.idx.msk [tilespmem:v42+s21+$0x0], $0xffff  }
0x463: {  	v59 =	vld.idx.msk [tilespmem:v46+s21+$0x0], $0xffff;
	[tilespmem:s29+$0xFFFFFFD0] =	vst v31;
	v38 =	vadd.f32 v63, v35  }
0x464: {  	v32 =	vld.idx.msk [tilespmem:v62+s21+$0x0], $0xffff;
	v63 =	vadd.f32 v47, v49  }
0x465: {  	v33 =	vadd.f32 v33, v36;
	v46 =	vld.idx.msk [tilespmem:v58+s21+$0x0], $0xffff;
	[tilespmem:s29+$0xFFFFFFF0] =	vst v38  }
0x466: {  	v31 =	vadd.f32 v61, v56;
	[tilespmem:s29+$0xFFFFFFB0] =	vst v63;
	v38 =	vld.idx.msk [tilespmem:v55+s21+$0x0], $0xffff  }
0x467: {  	[tilespmem:s10+$0x0] =	vst v33;
	v48 =	vadd.f32 v42, v57;
	v37 =	vld.idx.msk [tilespmem:v60+s21+$0x0], $0xffff  }
0x468: {  	v47 =	vadd.f32 v59, v44;
	[tilespmem:s10+$0xFFFFFFC0] =	vst v31  }
0x469: {  	[tilespmem:s10+$0xFFFFFFE0] =	vst v48;
	v32 =	vadd.f32 v32, v53  }
0x46a: {  	v51 =	vor.u32 v15, v23;
	[tilespmem:s10+$0xFFFFFFA0] =	vst v47;
	v50 =	vadd.f32 v46, v34  }
0x46b: {  	v53 =	vor.u32 v15, v26;
	[tilespmem:s29+$0xFFFFFFE0] =	vst v32;
	v31 =	vadd.f32 v38, v35  }
0x46c: {  	[tilespmem:s29+$0xFFFFFFA0] =	vst v50;
	v52 =	vadd.f32 v37, v49  }
0x46d: {  	[tilespmem:s29+$0x0] =	vst v31  }
0x46e: {  	v54 =	vor.u32 v15, v24;
	[tilespmem:s29+$0xFFFFFFC0] =	vst v52  }
0x46f: {  	v31 =	vor.u32 v15, v25;
	v34 =	vld.idx.msk [tilespmem:v51+s21+$0x0], $0xffff  }
0x470: {  	v56 =	vld.idx.msk [tilespmem:v53+s21+$0x0], $0xffff  }
0x471: {  	v33 =	vld [tilespmem:s25+$0x0]  }
0x472: {  	v27 =	vbroadcast v27, $0x0;
	v57 =	vor.u32 v15, v22;
	v32 =	vld [tilespmem:s25+$0xFFFFFFD0]  }
0x473: {  	v58 =	vor.u32 v15, v21;
	v41 =	vld.idx.msk [tilespmem:v54+s21+$0x0], $0xffff  }
0x474: {  	v62 =	vor.u32 v15, v27;
	v55 =	vld.idx.msk [tilespmem:v31+s21+$0x0], $0xffff  }
0x475: {  	v59 =	vor.u32 v15, v20;
	v31 =	vld [tilespmem:s25+$0xFFFFFFE0]  }
0x476: {  	v60 =	vor.u32 v14, v26;
	v26 =	vld [tilespmem:s25+$0xFFFFFFF0]  }
0x477: {  	v23 =	vor.u32 v14, v23;
	v35 =	vld.idx.msk [tilespmem:v57+s21+$0x0], $0xffff  }
0x478: {  	v25 =	vor.u32 v14, v25;
	v36 =	vld.idx.msk [tilespmem:v58+s21+$0x0], $0xffff;
	v61 =	vadd.f32 v56, v33  }
0x479: {  	v40 =	vld.idx.msk [tilespmem:v62+s21+$0x0], $0xffff;
	v63 =	vadd.f32 v34, v32  }
0x47a: {  	v34 =	vld.idx.msk [tilespmem:v59+s21+$0x0], $0xffff;
	[tilespmem:s24+$0xFFFFFFF0] =	vst v61;
	v37 =	vadd.f32 v55, v31  }
0x47b: {  	[tilespmem:s24+$0xFFFFFF90] =	vst v63;
	v39 =	vld.idx.msk [tilespmem:v60+s21+$0x0], $0xffff  }
0x47c: {  	v28 =	vbroadcast v28, $0x0;
	v38 =	vld.idx.msk [tilespmem:v23+s21+$0x0], $0xffff;
	v23 =	vadd.f32 v41, v26;
	[tilespmem:s24+$0xFFFFFFB0] =	vst v37  }
0x47d: {  	s26 =	simm.s32 $0x5D70;
	v41 =	vor.u32 v14, v24;
	v37 =	vld.idx.msk [tilespmem:v25+s21+$0x0], $0xffff;
	v25 =	vbroadcast v29, $0x0  }
0x47e: {  	v42 =	vor.u32 v15, v28;
	v24 =	vld [tilespmem:s26+$0x0];
	[tilespmem:s24+$0xFFFFFFD0] =	vst v23;
	v23 =	vbroadcast v30, $0x0  }
0x47f: {  	s28 =	simm.s32 $0xB;
	s8 =	simm.s32 $0xC;
	s6 =	simm.s32 $0x19170;
	v29 =	vld [tilespmem:s26+$0xFFFFFFD0];
	v30 =	vor.u32 v15, v25  }
.LBB2_53:
0x480: {  	p0 =	slt.u32 s8, $0x3C;
	v43 =	vor.u32 v15, v23;
	v44 =	vmov s28;
	v45 =	vld [tilespmem:s26+$0xFFFFFFE0];
	v33 =	vadd.f32 v39, v33  }
0x481: {  	v46 =	vor.u32 v14, v27;
	v32 =	vadd.f32 v38, v32;
	v39 =	vand.u32 $0x3F, v44;
	v44 =	vld [tilespmem:s26+$0xFFFFFFF0]  }
0x482: {  	v38 =	vor.u32 v14, v22;
	s23 =	simm.s32 $0x19970;
	s25 =	simm.s32 $0x6130;
	v27 =	vbroadcast v39, $0x0;
	v39 =	vadd.f32 v37, v31;
	v41 =	vld.idx.msk [tilespmem:v41+s21+$0x0], $0xffff;
	[tilespmem:s24+$0x0] =	vst v33  }
0x483: {  	v22 =	vmov v28;
	v37 =	vor.u32 v14, v21;
	v42 =	vld.idx.msk [tilespmem:v42+s21+$0x0], $0xffff;
	v47 =	vadd.f32 v40, v24;
	[tilespmem:s24+$0xFFFFFFA0] =	vst v32  }
0x484: {  	v21 =	vmov v25;
	s24 =	sadd.s32 $0x80, s24;
	v30 =	vld.idx.msk [tilespmem:v30+s21+$0x0], $0xffff;
	v40 =	vor.u32 v15, v27;
	v28 =	vadd.f32 v35, v29;
	[tilespmem:s6+$0xFFFFFFC0] =	vst v39  }
0x485: {  	v33 =	vmovc v24;
	v32 =	vmov v29;
	v43 =	vld.idx.msk [tilespmem:v43+s21+$0x0], $0xffff;
	v25 =	vadd.f32 v36, v45;
	[tilespmem:s24+$0xFFFFFFF0] =	vst v47;
	v31 =	vmov v45  }
0x486: {  	s10 =	sadd.s32 $0x1, s8;
	s28 =	sadd.s32 $0x2, s8;
	v24 =	vmov s8;
	[tilespmem:s24+$0xFFFFFF90] =	vst v28;
	v29 =	vadd.f32 v34, v44;
	v39 =	vld.idx.msk [tilespmem:v46+s21+$0x0], $0xffff  }
.Ltmp27:
0x487: {  	v24 =	vand.u32 $0x3C, v24;
	v36 =	vmov s28;
	v34 =	vmov s10;
	v38 =	vld.idx.msk [tilespmem:v38+s21+$0x0], $0xffff;
	[tilespmem:s24+$0xFFFFFFB0] =	vst v25;
	(pc) =	sbr.rel @p0 .LBB2_53-.Ltmp27, $4  }
0x488: {  	v28 =	vbroadcast v24, $0x0;
	v24 =	vand.u32 $0x3D, v34;
	v37 =	vld.idx.msk [tilespmem:v37+s21+$0x0], $0xffff;
	[tilespmem:s24+$0xFFFFFFD0] =	vst v29;
	v29 =	vadd.f32 v41, v26;
	v26 =	vmovc v44  }
0x489: {  	s26 =	sadd.s32 $0x40, s26;
	v25 =	vbroadcast v24, $0x0;
	v24 =	vand.u32 $0x3E, v36;
	v41 =	vor.u32 v14, v20;
	v35 =	vmovc v42;
	v20 =	vmovc v23;
	v40 =	vld.idx.msk [tilespmem:v40+s21+$0x0], $0xffff  }
0x48a: {  	v42 =	vor.u32 v15, v28;
	v23 =	vbroadcast v24, $0x0;
	v36 =	vmov v30;
	v24 =	vld [tilespmem:s26+$0x0];
	[tilespmem:s6+$0xFFFFFFE0] =	vst v29;
	s6 =	smov.u32 s24  }
0x48b: {  	s28 =	sadd.s32 $0x3, s8;
	s8 =	sadd.s32 $0x4, s8;
	v30 =	vor.u32 v15, v25;
	v34 =	vmov v43;
	v29 =	vld [tilespmem:s26+$0xFFFFFFD0]  }
0x48c: {  	_ =	sdelay $0x1  }
0x48d: {  	v43 =	vmov s28;
	v45 =	vld [tilespmem:s26+$0xFFFFFFE0]  }
0x48e: {  	v46 =	vld [tilespmem:s26+$0xFFFFFFF0];
	v43 =	vand.u32 $0x3F, v43  }
0x48f: {  	v41 =	vld.idx.msk [tilespmem:v41+s21+$0x0], $0xffff;
	v43 =	vbroadcast v43, $0x0  }
0x490: {  	v42 =	vld.idx.msk [tilespmem:v42+s21+$0x0], $0xffff  }
0x491: {  	v44 =	vor.u32 v15, v23;
	v30 =	vld.idx.msk [tilespmem:v30+s21+$0x0], $0xffff;
	v33 =	vadd.f32 v39, v33;
	s10 =	sadd.s32 $0x40, s26;
	v15 =	vor.u32 v15, v43  }
0x492: {  	v27 =	vor.u32 v14, v27;
	v32 =	vadd.f32 v38, v32;
	v50 =	vld [tilespmem:s10+$0x0]  }
0x493: {  	v31 =	vadd.f32 v37, v31;
	v52 =	vld [tilespmem:s10+$0xFFFFFFD0];
	[tilespmem:s24+$0x0] =	vst v33  }
0x494: {  	v22 =	vor.u32 v14, v22;
	v53 =	vld [tilespmem:s10+$0xFFFFFFE0];
	[tilespmem:s24+$0xFFFFFFA0] =	vst v32;
	v40 =	vadd.f32 v40, v24  }
0x495: {  	s8 =	sadd.s32 $0x80, s24;
	v21 =	vor.u32 v14, v21;
	v20 =	vor.u32 v14, v20;
	v55 =	vld [tilespmem:s10+$0xFFFFFFF0];
	[tilespmem:s6+$0xFFFFFFC0] =	vst v31;
	v51 =	vadd.f32 v35, v29  }
0x496: {  	v28 =	vor.u32 v14, v28;
	[tilespmem:s8+$0xFFFFFFF0] =	vst v40;
	v31 =	vadd.f32 v36, v45;
	v15 =	vld.idx.msk [tilespmem:v15+s21+$0x0], $0xffff  }
0x497: {  	v25 =	vor.u32 v14, v25;
	v54 =	vadd.f32 v34, v46;
	v27 =	vld.idx.msk [tilespmem:v27+s21+$0x0], $0xffff;
	[tilespmem:s8+$0xFFFFFF90] =	vst v51  }
0x498: {  	v56 =	vor.u32 v14, v43;
	v44 =	vld.idx.msk [tilespmem:v44+s21+$0x0], $0xffff;
	v26 =	vadd.f32 v41, v26;
	[tilespmem:s8+$0xFFFFFFB0] =	vst v31  }
0x499: {  	v14 =	vor.u32 v14, v23;
	v23 =	vadd.f32 v30, v53;
	v22 =	vld.idx.msk [tilespmem:v22+s21+$0x0], $0xffff;
	[tilespmem:s8+$0xFFFFFFD0] =	vst v54  }
0x49a: {  	[tilespmem:s6+$0xFFFFFFE0] =	vst v26;
	v26 =	vadd.f32 v42, v52;
	s6 =	sadd.s32 $0x80, s8;
	v21 =	vld.idx.msk [tilespmem:v21+s21+$0x0], $0xffff  }
0x49b: {  	v20 =	vld.idx.msk [tilespmem:v20+s21+$0x0], $0xffff;
	[tilespmem:s6+$0xFFFFFFB0] =	vst v23;
	v15 =	vadd.f32 v15, v50  }
0x49c: {  	[tilespmem:s6+$0xFFFFFF90] =	vst v26;
	v24 =	vadd.f32 v27, v24  }
0x49d: {  	v27 =	vld.idx.msk [tilespmem:v28+s21+$0x0], $0xffff;
	[tilespmem:s6+$0xFFFFFFF0] =	vst v15;
	v15 =	vadd.f32 v44, v55  }
0x49e: {  	s26 =	simm.s32 $0x0;
	v22 =	vadd.f32 v22, v29;
	[tilespmem:s8+$0x0] =	vst v24;
	v26 =	vld.idx.msk [tilespmem:v56+s21+$0x0], $0xffff  }
0x49f: {  	s29 =	simm.s32 $0x1;
	v25 =	vld.idx.msk [tilespmem:v25+s21+$0x0], $0xffff;
	v23 =	vadd.f32 v21, v45;
	[tilespmem:s6+$0xFFFFFFD0] =	vst v15;
	v15 =	vmov s26  }
0x4a0: {  	v20 =	vadd.f32 v20, v46;
	v24 =	vmov s29;
	[tilespmem:s8+$0xFFFFFFA0] =	vst v22;
	v14 =	vld.idx.msk [tilespmem:v14+s21+$0x0], $0xffff;
	v15 =	vand.u32 $0x3C, v15  }
0x4a1: {  	s24 =	simm.s32 $0x3;
	[tilespmem:s8+$0xFFFFFFC0] =	vst v23;
	v21 =	vbroadcast v15, $0x0;
	v15 =	vand.u32 $0x3D, v24  }
0x4a2: {  	v22 =	vmov s24;
	[tilespmem:s8+$0xFFFFFFE0] =	vst v20;
	v20 =	vadd.f32 v27, v52;
	v23 =	vbroadcast v15, $0x0  }
0x4a3: {  	v15 =	vand.u32 $0x3F, v22;
	v26 =	vadd.f32 v26, v50;
	v27 =	vor.u32 v16, v21  }
0x4a4: {  	[tilespmem:s6+$0xFFFFFFA0] =	vst v20;
	v24 =	vbroadcast v15, $0x0;
	v15 =	vadd.f32 v25, v53  }
0x4a5: {  	s26 =	simm.s32 $0x2;
	[tilespmem:s6+$0x0] =	vst v26;
	v14 =	vadd.f32 v14, v55  }
0x4a6: {  	s29 =	simm.s32 $0x4;
	v22 =	vmov s26;
	[tilespmem:s6+$0xFFFFFFC0] =	vst v15  }
0x4a7: {  	v20 =	vand.u32 $0x3E, v22;
	v26 =	vor.u32 v16, v24;
	[tilespmem:s6+$0xFFFFFFE0] =	vst v14;
	v14 =	vmov s29  }
0x4a8: {  	v25 =	vor.u32 v16, v23;
	v22 =	vbroadcast v20, $0x0;
	v27 =	vld.idx.msk [tilespmem:v27+s21+$0x0], $0xffff;
	v14 =	vand.u32 $0x3C, v14  }
0x4a9: {  	v33 =	vld [tilespmem:s25+$0xFFFFFFD0];
	v20 =	vbroadcast v14, $0x0  }
0x4aa: {  	s8 =	simm.s32 $0x5;
	v28 =	vor.u32 v16, v22;
	v36 =	vld [tilespmem:s25+$0x0]  }
0x4ab: {  	v15 =	vmov s8;
	v32 =	vld [tilespmem:s25+$0xFFFFFFE0];
	v57 =	vor.u32 v16, v20  }
0x4ac: {  	s10 =	simm.s32 $0x6;
	v61 =	vor.u32 v17, v21;
	v14 =	vand.u32 $0x3D, v15;
	v26 =	vld.idx.msk [tilespmem:v26+s21+$0x0], $0xffff  }
0x4ad: {  	s24 =	simm.s32 $0x7;
	v30 =	vld.idx.msk [tilespmem:v25+s21+$0x0], $0xffff;
	v25 =	vmov s10;
	v15 =	vbroadcast v14, $0x0  }
0x4ae: {  	v29 =	vld [tilespmem:s25+$0xFFFFFFF0];
	v14 =	vand.u32 $0x3E, v25;
	v25 =	vmov s24;
	v27 =	vadd.f32 v27, v33  }
0x4af: {  	v60 =	vor.u32 v17, v24;
	v28 =	vld.idx.msk [tilespmem:v28+s21+$0x0], $0xffff;
	v25 =	vand.u32 $0x3F, v25  }
0x4b0: {  	s26 =	simm.s32 $0x9;
	v62 =	vor.u32 v17, v23;
	v58 =	vor.u32 v16, v15;
	v31 =	vbroadcast v25, $0x0;
	[tilespmem:s23+$0xFFFFFF90] =	vst v27;
	v38 =	vld.idx.msk [tilespmem:v57+s21+$0x0], $0xffff  }
0x4b1: {  	v14 =	vbroadcast v14, $0x0;
	v26 =	vadd.f32 v26, v36;
	v27 =	vmov s26;
	s26 =	simm.s32 $0x6170;
	v46 =	vld.idx.msk [tilespmem:v61+s21+$0x0], $0xffff  }
0x4b2: {  	s25 =	simm.s32 $0x8;
	v63 =	vor.u32 v16, v31;
	v30 =	vadd.f32 v30, v32;
	v34 =	vld [tilespmem:s26+$0x0]  }
0x4b3: {  	v59 =	vor.u32 v16, v14;
	v42 =	vld [tilespmem:s26+$0xFFFFFFD0];
	[tilespmem:s23+$0xFFFFFFF0] =	vst v26;
	v26 =	vmov s25  }
0x4b4: {  	s29 =	simm.s32 $0xA;
	[tilespmem:s23+$0xFFFFFFB0] =	vst v30;
	v30 =	vadd.f32 v28, v29;
	v45 =	vld.idx.msk [tilespmem:v60+s21+$0x0], $0xffff;
	v26 =	vand.u32 $0x3C, v26  }
0x4b5: {  	v27 =	vand.u32 $0x3D, v27;
	v28 =	vmov s29;
	v39 =	vld.idx.msk [tilespmem:v58+s21+$0x0], $0xffff;
	v41 =	vbroadcast v26, $0x0  }
0x4b6: {  	v49 =	vor.u32 v17, v22;
	v48 =	vld.idx.msk [tilespmem:v62+s21+$0x0], $0xffff;
	v37 =	vbroadcast v27, $0x0;
	v28 =	vand.u32 $0x3E, v28  }
0x4b7: {  	[tilespmem:s23+$0xFFFFFFD0] =	vst v30;
	v30 =	vbroadcast v28, $0x0;
	v47 =	vld.idx.msk [tilespmem:v63+s21+$0x0], $0xffff;
	v50 =	vor.u32 v16, v41  }
0x4b8: {  	s28 =	simm.s32 $0xB;
	s8 =	simm.s32 $0xC;
	s6 =	simm.s32 $0x19970;
	v44 =	vmovc v20;
	v43 =	vmov v15;
	v40 =	vmov v14;
	v35 =	vld.idx.msk [tilespmem:v59+s21+$0x0], $0xffff;
	v51 =	vor.u32 v16, v37  }
.LBB2_55:
0x4b9: {  	p0 =	slt.u32 s8, $0x3C;
	v52 =	vor.u32 v16, v30;
	v53 =	vmov s28;
	v54 =	vld [tilespmem:s26+$0xFFFFFFE0];
	v36 =	vadd.f32 v45, v36  }
0x4ba: {  	v55 =	vor.u32 v17, v31;
	v33 =	vadd.f32 v46, v33;
	v45 =	vand.u32 $0x3F, v53;
	v53 =	vld [tilespmem:s26+$0xFFFFFFF0]  }
0x4bb: {  	v46 =	vor.u32 v17, v44;
	s24 =	simm.s32 $0x1A170;
	s25 =	simm.s32 $0x6530;
	v31 =	vbroadcast v45, $0x0;
	v45 =	vadd.f32 v48, v32;
	v49 =	vld.idx.msk [tilespmem:v49+s21+$0x0], $0xffff;
	[tilespmem:s23+$0x0] =	vst v36  }
0x4bc: {  	v44 =	vmov v41;
	v48 =	vor.u32 v17, v43;
	v50 =	vld.idx.msk [tilespmem:v50+s21+$0x0], $0xffff;
	v56 =	vadd.f32 v47, v34;
	[tilespmem:s23+$0xFFFFFFA0] =	vst v33  }
0x4bd: {  	v43 =	vmov v37;
	s23 =	sadd.s32 $0x80, s23;
	v51 =	vld.idx.msk [tilespmem:v51+s21+$0x0], $0xffff;
	v47 =	vor.u32 v16, v31;
	v38 =	vadd.f32 v38, v42;
	[tilespmem:s6+$0xFFFFFFC0] =	vst v45  }
0x4be: {  	v36 =	vmovc v34;
	v33 =	vmov v42;
	v52 =	vld.idx.msk [tilespmem:v52+s21+$0x0], $0xffff;
	v37 =	vadd.f32 v39, v54;
	[tilespmem:s23+$0xFFFFFFF0] =	vst v56;
	v32 =	vmov v54  }
0x4bf: {  	s10 =	sadd.s32 $0x1, s8;
	s28 =	sadd.s32 $0x2, s8;
	v34 =	vmov s8;
	[tilespmem:s23+$0xFFFFFF90] =	vst v38;
	v35 =	vadd.f32 v35, v53;
	v45 =	vld.idx.msk [tilespmem:v55+s21+$0x0], $0xffff  }
.Ltmp28:
0x4c0: {  	v42 =	vmov s10;
	v34 =	vand.u32 $0x3C, v34;
	v39 =	vmov s28;
	v46 =	vld.idx.msk [tilespmem:v46+s21+$0x0], $0xffff;
	[tilespmem:s23+$0xFFFFFFB0] =	vst v37;
	(pc) =	sbr.rel @p0 .LBB2_55-.Ltmp28, $4  }
0x4c1: {  	v41 =	vbroadcast v34, $0x0;
	v34 =	vand.u32 $0x3D, v42;
	v54 =	vadd.f32 v49, v29;
	v29 =	vmovc v53;
	v48 =	vld.idx.msk [tilespmem:v48+s21+$0x0], $0xffff;
	[tilespmem:s23+$0xFFFFFFD0] =	vst v35  }
0x4c2: {  	s26 =	sadd.s32 $0x40, s26;
	v37 =	vbroadcast v34, $0x0;
	v34 =	vand.u32 $0x3E, v39;
	v49 =	vor.u32 v17, v40;
	v40 =	vmovc v30;
	v38 =	vmovc v50;
	v47 =	vld.idx.msk [tilespmem:v47+s21+$0x0], $0xffff  }
0x4c3: {  	v50 =	vor.u32 v16, v41;
	v30 =	vbroadcast v34, $0x0;
	v39 =	vmov v51;
	v34 =	vld [tilespmem:s26+$0x0];
	[tilespmem:s6+$0xFFFFFFE0] =	vst v54;
	s6 =	smov.u32 s23  }
0x4c4: {  	s28 =	sadd.s32 $0x3, s8;
	s8 =	sadd.s32 $0x4, s8;
	v51 =	vor.u32 v16, v37;
	v35 =	vmov v52;
	v42 =	vld [tilespmem:s26+$0xFFFFFFD0]  }
0x4c5: {  	_ = 	snop  }
0x4c6: {  	v52 =	vmov s28  }
0x4c7: {  	v54 =	vld [tilespmem:s26+$0xFFFFFFE0];
	v52 =	vand.u32 $0x3F, v52  }
0x4c8: {  	v55 =	vld [tilespmem:s26+$0xFFFFFFF0];
	v52 =	vbroadcast v52, $0x0  }
0x4c9: {  	v49 =	vld.idx.msk [tilespmem:v49+s21+$0x0], $0xffff  }
0x4ca: {  	v53 =	vor.u32 v16, v30;
	v50 =	vld.idx.msk [tilespmem:v50+s21+$0x0], $0xffff;
	v16 =	vor.u32 v16, v52  }
0x4cb: {  	v36 =	vadd.f32 v45, v36;
	v45 =	vld.idx.msk [tilespmem:v51+s21+$0x0], $0xffff;
	s8 =	sadd.s32 $0x40, s26  }
0x4cc: {  	v33 =	vadd.f32 v46, v33;
	v59 =	vld [tilespmem:s8+$0x0]  }
0x4cd: {  	v31 =	vor.u32 v17, v31;
	v32 =	vadd.f32 v48, v32;
	v60 =	vld [tilespmem:s8+$0xFFFFFFD0];
	[tilespmem:s23+$0x0] =	vst v36  }
0x4ce: {  	v57 =	vor.u32 v17, v44;
	v61 =	vld [tilespmem:s8+$0xFFFFFFE0];
	[tilespmem:s23+$0xFFFFFFA0] =	vst v33;
	v58 =	vadd.f32 v47, v34  }
0x4cf: {  	s10 =	sadd.s32 $0x80, s23;
	v40 =	vor.u32 v17, v40;
	[tilespmem:s6+$0xFFFFFFC0] =	vst v32;
	v38 =	vadd.f32 v38, v42;
	v16 =	vld.idx.msk [tilespmem:v16+s21+$0x0], $0xffff  }
0x4d0: {  	v43 =	vor.u32 v17, v43;
	v56 =	vld.idx.msk [tilespmem:v53+s21+$0x0], $0xffff;
	v39 =	vadd.f32 v39, v54;
	[tilespmem:s10+$0xFFFFFFF0] =	vst v58  }
0x4d1: {  	v62 =	vld [tilespmem:s8+$0xFFFFFFF0];
	v35 =	vadd.f32 v35, v55;
	v29 =	vadd.f32 v49, v29;
	v49 =	vor.u32 v17, v37;
	[tilespmem:s10+$0xFFFFFF90] =	vst v38  }
0x4d2: {  	v63 =	vor.u32 v17, v52;
	v31 =	vld.idx.msk [tilespmem:v31+s21+$0x0], $0xffff;
	[tilespmem:s10+$0xFFFFFFB0] =	vst v39  }
0x4d3: {  	v48 =	vor.u32 v17, v41;
	v52 =	vadd.f32 v45, v61;
	v36 =	vld.idx.msk [tilespmem:v57+s21+$0x0], $0xffff;
	[tilespmem:s10+$0xFFFFFFD0] =	vst v35  }
0x4d4: {  	s29 =	sadd.s32 $0x80, s10;
	v17 =	vor.u32 v17, v30;
	[tilespmem:s6+$0xFFFFFFE0] =	vst v29;
	v30 =	vld.idx.msk [tilespmem:v40+s21+$0x0], $0xffff;
	v16 =	vadd.f32 v16, v59  }
0x4d5: {  	v29 =	vadd.f32 v50, v60;
	v51 =	vld.idx.msk [tilespmem:v43+s21+$0x0], $0xffff;
	[tilespmem:s29+$0xFFFFFFB0] =	vst v52  }
0x4d6: {  	v35 =	vld.idx.msk [tilespmem:v49+s21+$0x0], $0xffff;
	[tilespmem:s29+$0xFFFFFFF0] =	vst v16;
	v16 =	vadd.f32 v56, v62  }
0x4d7: {  	[tilespmem:s29+$0xFFFFFF90] =	vst v29;
	v31 =	vadd.f32 v31, v34;
	v29 =	vld.idx.msk [tilespmem:v63+s21+$0x0], $0xffff  }
0x4d8: {  	v53 =	vld.idx.msk [tilespmem:v48+s21+$0x0], $0xffff;
	v36 =	vadd.f32 v36, v42;
	[tilespmem:s29+$0xFFFFFFD0] =	vst v16  }
0x4d9: {  	[tilespmem:s10+$0x0] =	vst v31;
	v30 =	vadd.f32 v30, v55;
	v17 =	vld.idx.msk [tilespmem:v17+s21+$0x0], $0xffff  }
0x4da: {  	[tilespmem:s10+$0xFFFFFFA0] =	vst v36;
	v16 =	vadd.f32 v51, v54  }
0x4db: {  	[tilespmem:s10+$0xFFFFFFE0] =	vst v30;
	v31 =	vadd.f32 v35, v61  }
0x4dc: {  	v30 =	vor.u32 v18, v21;
	[tilespmem:s10+$0xFFFFFFC0] =	vst v16;
	v16 =	vadd.f32 v29, v59  }
0x4dd: {  	[tilespmem:s29+$0xFFFFFFC0] =	vst v31;
	v29 =	vadd.f32 v53, v60  }
0x4de: {  	[tilespmem:s29+$0x0] =	vst v16;
	v17 =	vadd.f32 v17, v62  }
0x4df: {  	v31 =	vor.u32 v18, v22;
	[tilespmem:s29+$0xFFFFFFA0] =	vst v29  }
0x4e0: {  	v29 =	vor.u32 v18, v24;
	[tilespmem:s29+$0xFFFFFFE0] =	vst v17  }
0x4e1: {  	v16 =	vor.u32 v18, v23;
	v17 =	vld.idx.msk [tilespmem:v30+s21+$0x0], $0xffff  }
0x4e2: {  	v32 =	vld [tilespmem:s25+$0x0]  }
0x4e3: {  	v57 =	vor.u32 v18, v20;
	v30 =	vld [tilespmem:s25+$0xFFFFFFD0]  }
0x4e4: {  	v60 =	vld.idx.msk [tilespmem:v31+s21+$0x0], $0xffff  }
0x4e5: {  	v58 =	vor.u32 v18, v15;
	v56 =	vld.idx.msk [tilespmem:v29+s21+$0x0], $0xffff  }
0x4e6: {  	v59 =	vor.u32 v18, v14;
	v55 =	vld.idx.msk [tilespmem:v16+s21+$0x0], $0xffff  }
0x4e7: {  	v21 =	vor.u32 v19, v21;
	v29 =	vld [tilespmem:s25+$0xFFFFFFE0]  }
0x4e8: {  	v61 =	vor.u32 v19, v24;
	v33 =	vld.idx.msk [tilespmem:v57+s21+$0x0], $0xffff  }
0x4e9: {  	v24 =	vbroadcast v25, $0x0;
	v16 =	vld [tilespmem:s25+$0xFFFFFFF0];
	v17 =	vadd.f32 v17, v30  }
0x4ea: {  	v23 =	vor.u32 v19, v23;
	v34 =	vld.idx.msk [tilespmem:v58+s21+$0x0], $0xffff;
	v25 =	vadd.f32 v56, v32  }
0x4eb: {  	v62 =	vor.u32 v18, v24;
	v31 =	vld.idx.msk [tilespmem:v59+s21+$0x0], $0xffff;
	[tilespmem:s24+$0xFFFFFF90] =	vst v17  }
0x4ec: {  	v63 =	vadd.f32 v55, v29;
	v35 =	vld.idx.msk [tilespmem:v21+s21+$0x0], $0xffff;
	[tilespmem:s24+$0xFFFFFFF0] =	vst v25  }
0x4ed: {  	s23 =	simm.s32 $0x6570;
	v37 =	vld.idx.msk [tilespmem:v61+s21+$0x0], $0xffff  }
0x4ee: {  	v17 =	vadd.f32 v60, v16;
	v21 =	vld [tilespmem:s23+$0x0];
	[tilespmem:s24+$0xFFFFFFB0] =	vst v63;
	v25 =	vbroadcast v26, $0x0  }
0x4ef: {  	v36 =	vld.idx.msk [tilespmem:v23+s21+$0x0], $0xffff;
	v23 =	vbroadcast v27, $0x0;
	v27 =	vor.u32 v19, v22  }
0x4f0: {  	v26 =	vld.idx.msk [tilespmem:v62+s21+$0x0], $0xffff;
	[tilespmem:s24+$0xFFFFFFD0] =	vst v17;
	v17 =	vbroadcast v28, $0x0;
	v38 =	vor.u32 v18, v25  }
0x4f1: {  	s8 =	simm.s32 $0xC;
	s6 =	simm.s32 $0x1A170;
	s25 =	simm.s32 $0xB;
	v22 =	vld [tilespmem:s23+$0xFFFFFFD0];
	v28 =	vor.u32 v18, v23  }
.LBB2_57:
0x4f2: {  	p0 =	slt.u32 s8, $0x3C;
	v39 =	vor.u32 v18, v17;
	v40 =	vmov s25;
	v41 =	vld [tilespmem:s23+$0xFFFFFFE0];
	v32 =	vadd.f32 v37, v32  }
0x4f3: {  	v42 =	vor.u32 v19, v24;
	v30 =	vadd.f32 v35, v30;
	v37 =	vand.u32 $0x3F, v40;
	v40 =	vld [tilespmem:s23+$0xFFFFFFF0]  }
0x4f4: {  	v35 =	vor.u32 v19, v20;
	v24 =	vbroadcast v37, $0x0;
	v37 =	vadd.f32 v36, v29;
	v27 =	vld.idx.msk [tilespmem:v27+s21+$0x0], $0xffff;
	[tilespmem:s24+$0x0] =	vst v32  }
0x4f5: {  	v20 =	vmov v25;
	v36 =	vor.u32 v19, v15;
	v38 =	vld.idx.msk [tilespmem:v38+s21+$0x0], $0xffff;
	v26 =	vadd.f32 v26, v21;
	[tilespmem:s24+$0xFFFFFFA0] =	vst v30  }
0x4f6: {  	v15 =	vmov v23;
	s24 =	sadd.s32 $0x80, s24;
	v28 =	vld.idx.msk [tilespmem:v28+s21+$0x0], $0xffff;
	v43 =	vor.u32 v18, v24;
	v25 =	vadd.f32 v33, v22;
	[tilespmem:s6+$0xFFFFFFC0] =	vst v37  }
0x4f7: {  	v32 =	vmovc v21;
	v30 =	vmov v22;
	v39 =	vld.idx.msk [tilespmem:v39+s21+$0x0], $0xffff;
	v23 =	vadd.f32 v34, v41;
	[tilespmem:s24+$0xFFFFFFF0] =	vst v26;
	v29 =	vmov v41  }
0x4f8: {  	s10 =	sadd.s32 $0x1, s8;
	s25 =	sadd.s32 $0x2, s8;
	v21 =	vmov s8;
	[tilespmem:s24+$0xFFFFFF90] =	vst v25;
	v22 =	vadd.f32 v31, v40;
	v37 =	vld.idx.msk [tilespmem:v42+s21+$0x0], $0xffff  }
.Ltmp29:
0x4f9: {  	v21 =	vand.u32 $0x3C, v21;
	v26 =	vmov s10;
	v31 =	vmov s25;
	v35 =	vld.idx.msk [tilespmem:v35+s21+$0x0], $0xffff;
	[tilespmem:s24+$0xFFFFFFB0] =	vst v23;
	(pc) =	sbr.rel @p0 .LBB2_57-.Ltmp29, $4  }
0x4fa: {  	v25 =	vbroadcast v21, $0x0;
	v21 =	vand.u32 $0x3D, v26;
	v36 =	vld.idx.msk [tilespmem:v36+s21+$0x0], $0xffff;
	[tilespmem:s24+$0xFFFFFFD0] =	vst v22;
	v22 =	vadd.f32 v27, v16;
	v16 =	vmovc v40  }
0x4fb: {  	s23 =	sadd.s32 $0x40, s23;
	v23 =	vbroadcast v21, $0x0;
	v21 =	vand.u32 $0x3E, v31;
	v27 =	vor.u32 v19, v14;
	v33 =	vmovc v38;
	v14 =	vmovc v17;
	v26 =	vld.idx.msk [tilespmem:v43+s21+$0x0], $0xffff  }
0x4fc: {  	v38 =	vor.u32 v18, v25;
	v17 =	vbroadcast v21, $0x0;
	v34 =	vmov v28;
	v21 =	vld [tilespmem:s23+$0x0];
	[tilespmem:s6+$0xFFFFFFE0] =	vst v22;
	s6 =	smov.u32 s24  }
0x4fd: {  	s25 =	sadd.s32 $0x3, s8;
	s8 =	sadd.s32 $0x4, s8;
	v28 =	vor.u32 v18, v23;
	v31 =	vmov v39;
	v22 =	vld [tilespmem:s23+$0xFFFFFFD0]  }
0x4fe: {  	_ =	sdelay $0x1  }
0x4ff: {  	v41 =	vld [tilespmem:s23+$0xFFFFFFE0]  }
0x500: {  	v39 =	vmov s25;
	v42 =	vld [tilespmem:s23+$0xFFFFFFF0]  }
0x501: {  	v27 =	vld.idx.msk [tilespmem:v27+s21+$0x0], $0xffff;
	v39 =	vand.u32 $0x3F, v39  }
0x502: {  	v38 =	vld.idx.msk [tilespmem:v38+s21+$0x0], $0xffff;
	v39 =	vbroadcast v39, $0x0  }
0x503: {  	v40 =	vor.u32 v18, v17;
	v32 =	vadd.f32 v37, v32;
	v28 =	vld.idx.msk [tilespmem:v28+s21+$0x0], $0xffff;
	s8 =	sadd.s32 $0x40, s23  }
0x504: {  	v30 =	vadd.f32 v35, v30;
	v48 =	vld [tilespmem:s8+$0x0];
	v46 =	vor.u32 v18, v39  }
0x505: {  	v24 =	vor.u32 v19, v24;
	v29 =	vadd.f32 v36, v29;
	v50 =	vld [tilespmem:s8+$0xFFFFFFD0];
	[tilespmem:s24+$0x0] =	vst v32  }
0x506: {  	v20 =	vor.u32 v19, v20;
	v52 =	vld [tilespmem:s8+$0xFFFFFFE0];
	[tilespmem:s24+$0xFFFFFFA0] =	vst v30;
	v26 =	vadd.f32 v26, v21  }
0x507: {  	s10 =	sadd.s32 $0x80, s24;
	v14 =	vor.u32 v19, v14;
	v53 =	vld [tilespmem:s8+$0xFFFFFFF0];
	[tilespmem:s6+$0xFFFFFFC0] =	vst v29;
	v49 =	vadd.f32 v33, v22  }
0x508: {  	v15 =	vor.u32 v19, v15;
	v47 =	vld.idx.msk [tilespmem:v40+s21+$0x0], $0xffff;
	v51 =	vadd.f32 v34, v41;
	[tilespmem:s10+$0xFFFFFFF0] =	vst v26  }
0x509: {  	v25 =	vor.u32 v19, v25;
	v31 =	vadd.f32 v31, v42;
	[tilespmem:s10+$0xFFFFFF90] =	vst v49;
	v18 =	vld.idx.msk [tilespmem:v46+s21+$0x0], $0xffff  }
0x50a: {  	v23 =	vor.u32 v19, v23;
	v16 =	vadd.f32 v27, v16;
	v24 =	vld.idx.msk [tilespmem:v24+s21+$0x0], $0xffff;
	[tilespmem:s10+$0xFFFFFFB0] =	vst v51  }
0x50b: {  	v56 =	vor.u32 v19, v17;
	v55 =	vadd.f32 v38, v50;
	v20 =	vld.idx.msk [tilespmem:v20+s21+$0x0], $0xffff;
	[tilespmem:s10+$0xFFFFFFD0] =	vst v31  }
0x50c: {  	s28 =	sadd.s32 $0x80, s10;
	v54 =	vor.u32 v19, v39;
	v57 =	vadd.f32 v28, v52;
	[tilespmem:s6+$0xFFFFFFE0] =	vst v16;
	v14 =	vld.idx.msk [tilespmem:v14+s21+$0x0], $0xffff  }
0x50d: {  	v15 =	vld.idx.msk [tilespmem:v15+s21+$0x0], $0xffff;
	[tilespmem:s28+$0xFFFFFF90] =	vst v55;
	v58 =	vadd.f32 v47, v53  }
0x50e: {  	[tilespmem:s28+$0xFFFFFFB0] =	vst v57;
	v60 =	vld.idx.msk [tilespmem:v25+s21+$0x0], $0xffff;
	v18 =	vadd.f32 v18, v48  }
0x50f: {  	v62 =	vld.idx.msk [tilespmem:v23+s21+$0x0], $0xffff;
	v59 =	vadd.f32 v24, v21;
	[tilespmem:s28+$0xFFFFFFD0] =	vst v58  }
0x510: {  	v61 =	vadd.f32 v20, v22;
	v16 =	vld.idx.msk [tilespmem:v56+s21+$0x0], $0xffff;
	[tilespmem:s28+$0xFFFFFFF0] =	vst v18  }
0x511: {  	[tilespmem:s10+$0x0] =	vst v59;
	v14 =	vadd.f32 v14, v42;
	v18 =	vld.idx.msk [tilespmem:v54+s21+$0x0], $0xffff  }
0x512: {  	v15 =	vadd.f32 v15, v41;
	[tilespmem:s10+$0xFFFFFFA0] =	vst v61  }
0x513: {  	[tilespmem:s10+$0xFFFFFFE0] =	vst v14;
	v14 =	vadd.f32 v60, v50  }
0x514: {  	v63 =	vadd.f32 v62, v52;
	[tilespmem:s10+$0xFFFFFFC0] =	vst v15  }
0x515: {  	[tilespmem:s28+$0xFFFFFFA0] =	vst v14;
	v14 =	vadd.f32 v16, v53  }
0x516: {  	[tilespmem:s28+$0xFFFFFFC0] =	vst v63;
	v15 =	vadd.f32 v18, v48  }
0x517: {  	s8 =	sadd.s32 @!p1 $0xF00, s20;
	[tilespmem:s28+$0xFFFFFFE0] =	vst v14  }
0x518: {  	s20 =	simm.s32 @!p1 $0xB900;
	s6 =	sshra.s32 @!p1 s8, $0x2;
	s10 =	simm.s32 @!p1 $0x50;
	[tilespmem:s28+$0x0] =	vst v15  }
0x519: {  	[tilespmem:s20], [sflag:$0x2] =	stream.indirect.gather @!p1 [hbm4b:s3+s10], $0x40, s6, s10, $0xb8;
	[tilespmem:$0x1A900] =	vst v63  }
0x51a: {  	s23 =	simm.s32 @!p1 $0xCD00;
	s20 =	sadd.s32 @!p1 $0x50, s6  }
0x51b: {  	[tilespmem:s23], [sflag:$0x2] =	stream.indirect.gather @!p1 [hbm4b:s3+s10], $0x40, s20, s10, $0xb8;
	[tilespmem:$0x1A900] =	vst v63  }
0x51c: {  	s19 =	sadd.s32 $0x1, s19;
	s20 =	sadd.s32 @!p1 $0xA0, s6;
	s23 =	simm.s32 @!p1 $0xE100  }
0x51d: {  	[tilespmem:s23], [sflag:$0x2] =	stream.indirect.gather @!p1 [hbm4b:s3+s10], $0x40, s20, s10, $0xb8;
	[tilespmem:$0x1A900] =	vst v63  }
0x51e: {  	p0 =	sne.s32 s19, $0xA;
	s6 =	sadd.s32 @!p1 $0xF0, s6;
	s20 =	simm.s32 @!p1 $0xF500  }
0x51f: {  	[tilespmem:s20], [sflag:$0x2] =	stream.indirect.gather @!p1 [hbm4b:s3+s10], $0x40, s6, s10, $0xb8;
	[tilespmem:$0x1A900] =	vst v63  }
0x520: {  	s6 =	sadd.s32 @!p1 s4, s8;
	s8 =	simm.s32 @!p1 $0x0;
	s10 =	simm.s32 @!p1 $0x4100  }
0x521: {  	[tilespmem:s10], [sflag:$0x2] =	stream.linear.gather @!p1 [hbm4b:s6+s8], $0x2800, $0x38;
	[tilespmem:$0x1A900] =	vst v63  }
.Ltmp30:
0x522: {  	_ = 	snop;
	(pc) =	sbr.rel @p0 .LBB2_2-.Ltmp30, $4  }
.Ltmp31:
0x523: {  	s29 =	sadd.s32 s9, s22;
	(pc) =	sbr.rel @!p0 .LBB2_59-.Ltmp31, $4  }
0x524: {  	s6 =	sshrl.u32 s29, $0x3  }
0x525: {  	s6 =	sadd.s32 s5, s6  }
0x526: {  	[hbm4b:s6+s31] =	stream.strided.scatter [tilespmem:s15], [sflag:$0x4], $0x5000, s0, s31, $0x38;
	[tilespmem:$0x1A900] =	vst v63  }
0x527: {  	_ = 	snop  }
.LBB2_19:
.Ltmp32:
0x528: {  	(pc) =	sbr.rel .LBB2_28-.Ltmp32, $3  }
0x529: {  	_ =	sdelay $0x1  }
0x52a: {  	s6 =	simm.s32 $0x3  }
0x52b: {  	s25 =	simm.s32 $0x3930;
	s26 =	simm.s32 $0x14970;
	v25 =	vmov v20;
	p5 =	por $0x0, $0x0;
	v29 =	vmov v22;
	v26 =	vmov v21  }
.LBB2_29:
.Ltmp33:
0x52c: {  	(pc) =	sbr.rel .LBB2_38-.Ltmp33, $3  }
0x52d: {  	_ =	sdelay $0x1  }
0x52e: {  	s22 =	simm.s32 $0x3D30  }
0x52f: {  	s23 =	simm.s32 $0x15170;
	p2 =	por $0x0, $0x0;
	p3 =	por $0x0, $0x0  }
.LBB2_21:
.Ltmp34:
0x530: {  	(pc) =	sbr.rel .LBB2_28-.Ltmp34, $2  }
0x531: {  	_ =	sdelay $0x2  }
0x532: {  	v40 =	vmovc v22;
	s25 =	simm.s32 $0x3930;
	v53 =	vmov v20;
	v54 =	vmov v21;
	s26 =	simm.s32 $0x14970;
	p5 =	por $0x0, $0x0;
	v33 =	vmov v24  }
.LBB2_31:
.Ltmp35:
0x533: {  	_ = 	snop;
	(pc) =	sbr.rel .LBB2_38-.Ltmp35, $3  }
0x534: {  	_ =	sdelay $0x1  }
0x535: {  	v40 =	vmov v22;
	v49 =	vmov v20  }
0x536: {  	v50 =	vmovc v21;
	s22 =	simm.s32 $0x3D30;
	s23 =	simm.s32 $0x15170;
	v20 =	vmovc v42;
	p3 =	por $0x0, $0x0;
	v22 =	vmov v39;
	v21 =	vmov v41;
	v32 =	vmov v25  }
.LBB2_23:
.Ltmp36:
0x537: {  	(pc) =	sbr.rel .LBB2_28-.Ltmp36, $4  }
0x538: {  	_ = 	snop  }
0x539: {  	v40 =	vmovc v29;
	v53 =	vmov v25;
	v54 =	vmov v26;
	v45 =	vmov v24  }
0x53a: {  	v25 =	vmovc v49;
	v36 =	vmovc v18;
	v41 =	vmov v17;
	v38 =	vmov v19;
	v43 =	vmov v28  }
0x53b: {  	s26 =	simm.s32 $0x14970;
	s29 =	simm.s32 $0x14970;
	v44 =	vmovc v27;
	v37 =	vmovc v23;
	p5 =	por $0x0, $0x0;
	v29 =	vmov v51;
	v26 =	vmov v50;
	v39 =	vmov v30  }
.LBB2_33:
.Ltmp37:
0x53c: {  	(pc) =	sbr.rel .LBB2_38-.Ltmp37, $4  }
0x53d: {  	_ = 	snop  }
0x53e: {  	v46 =	vmov v25  }
0x53f: {  	v40 =	vmovc v39;
	v49 =	vmovc v42;
	v50 =	vmov v41;
	v34 =	vmov v23;
	v39 =	vmov v19  }
0x540: {  	s23 =	simm.s32 $0x15170;
	v37 =	vmovc v24;
	v41 =	vmovc v28;
	s28 =	simm.s32 $0x15170;
	v42 =	vmov v27;
	v36 =	vmov v26;
	v38 =	vmov v29  }
.LBB2_25:
.Ltmp38:
0x541: {  	(pc) =	sbr.rel .LBB2_28-.Ltmp38, $3  }
0x542: {  	_ =	sdelay $0x1  }
0x543: {  	v45 =	vmov v33;
	v40 =	vmov v51  }
0x544: {  	s28 =	simm.s32 $0x14970;
	v53 =	vmovc v49;
	v54 =	vmovc v50;
	v46 =	vmov v18;
	v48 =	vmov v19;
	s29 =	simm.s32 $0x149F0;
	v33 =	vmov v55  }
.LBB2_35:
.Ltmp39:
0x545: {  	(pc) =	sbr.rel .LBB2_38-.Ltmp39, $3  }
0x546: {  	_ =	sdelay $0x1  }
0x547: {  	v46 =	vmovc v32;
	v40 =	vmovc v22;
	v49 =	vmov v20;
	v50 =	vmov v21;
	v20 =	vmov v54  }
0x548: {  	s26 =	simm.s32 $0x15170;
	v45 =	vmovc v23;
	v22 =	vmovc v52;
	v47 =	vmov v24;
	s28 =	simm.s32 $0x151F0;
	v32 =	vmov v53;
	v21 =	vmov v51  }
.LBB2_60:
0x549: {  	_ =	sfence.sel $0x180000  }
0x54a: {  	[bflag:$0x0] =	sbarrier.arrive $0xFFFF  }
0x54b: {  	_ =	strace $0x90000047  }
0x54c: {  	s0 =	stileid.u32;
	[bflag:$0x2] =	sbarrier.arrive $0xFFFF  }
0x54d: {  	p0 =	sne.s32 s0, $0x0;
	s0 =	rddreg [dreg:$0x2]  }
0x54e: {  	s0 =	sadd.s32 @!p0 $0x100000, s0  }
0x54f: {  	[sflag:s0] =	ssyncadd.tile.s32 @!p0 $0x1;
	_ =	shalt  }
.Lfunc_end2:
_tile_overlayer_lowered:
.L_overlay_start_2:
0x550: {  	(tag) =	ssettag $0x2  }
0x551: {  	s0 =	rddreg [dreg:$0x0];
	s2 =	stileid.u32  }
0x552: {  	s1 =	rddreg [dreg:$0x1];
	p0 =	sne.s32 s2, $0x0  }
0x553: {  	s3 =	rddreg [dreg:$0x2];
	[bflag:$0x3] =	sbarrier.arrive $0xFFFF;
	s2 =	simm.s32 @!p0 $0x1C05  }
0x554: {  	[timem:s3], [sflag:s2] =	dma.local @!p0 [hbm:s0], s1  }
0x555: {  	s0 =	simm.s32 @!p0 $0x5  }
0x556: {  	_ =	swait.ge @!p0 [sflag:s0], s1  }
0x557: {  	s1 =	ssub.s32 @!p0 $0x0, s1;
	[sflag:s0] =	ssyncset.done @!p0 $0x0  }
0x558: {  	[sflag:s0] =	ssyncadd.s32 @!p0 s1  }
0x559: {  	[bflag:$0x3] =	sbarrier.arrive $0xFFFF  }
0x55a: {  	_ =	shalt  }

</sc_bundles>
